<compile_context>
chip_gen: v7x
topology: tpu7x:2x2x1
jax: 0.10.2.dev20260603
libtpu: 0.0.44.dev20260713+nightly
codegen_flags: <defaults>
</compile_context>

<pallas_src>
import jax
import jax.numpy as jnp
from jax import lax
from jax.experimental import pallas as pl
from jax.experimental.pallas import tpu as pltpu
from jax.experimental.pallas import tpu_sc as plsc

_N = 10000
_E = 160000
_IN, _H1, _H2, _OUT = 256, 1024, 512, 256

_NC, _NS = 2, 16
_FC = 128
_NP = 10112
_RPT = _NP // _NS

_RB = 1000
_dn = (((1,), (1,)), ((), ()))


def _sc_segsum(table_list, edges, zeros2d, zeros1d, with_count, B, BPT, S):
  C = len(table_list)
  D = 2
  L = S - D
  mesh = plsc.VectorSubcoreMesh(
      core_axis_name="c", subcore_axis_name="s",
      num_cores=_NC, num_subcores=_NS)

  out_type = [jax.ShapeDtypeStruct((_NP, _FC), jnp.float32) for _ in range(C)]
  if with_count:
    out_type.append(jax.ShapeDtypeStruct((_NP,), jnp.float32))
    out_type.append(jax.ShapeDtypeStruct((_NP,), jnp.float32))

  scratch = (
      [pltpu.VMEM((2, B), jnp.int32) for _ in range(S)]
      + [pltpu.VMEM((B, _FC), jnp.float32) for _ in range(S)]
      + [pltpu.VMEM((B,), jnp.float32)]
      + [pltpu.VMEM_SHARED((_NP, _FC), jnp.float32)]
  )
  if with_count:
    scratch.append(pltpu.VMEM_SHARED((_NP,), jnp.float32))
  scratch.extend([pltpu.SemaphoreType.DMA] * (2 * S))

  def body(*refs):
    tables = refs[:C]
    edges_hbm, zeros2d_hbm = refs[C], refs[C + 1]
    i = C + 2
    if with_count:
      zeros1d_hbm = refs[i]
      i += 1
    outs = refs[i:i + C]
    i += C
    if with_count:
      cnt_hbm = (refs[i], refs[i + 1])
      i += 2
    ebuf = refs[i:i + S]
    rows_v = refs[i + S:i + 2 * S]
    ones_v = refs[i + 2 * S]
    acc = refs[i + 2 * S + 1]
    i += 2 * S + 2
    if with_count:
      cntacc = refs[i]
      i += 1
    semg = refs[i:i + S]
    sems = refs[i + S:i + 2 * S]

    cid = lax.axis_index("c")
    sid = lax.axis_index("s")
    rbase = sid * _RPT

    if with_count:
      for l in range(B // 16):
        ones_v[pl.ds(l * 16, 16)] = jnp.ones((16,), jnp.float32)

    for c in range(C):
      @pl.when(cid == (c % _NC))
      def _(c=c):
        pltpu.sync_copy(zeros2d_hbm, acc.at[pl.ds(rbase, _RPT)])
        if with_count and c < _NC:
          @pl.when(sid == 0)
          def _():
            pltpu.sync_copy(zeros1d_hbm, cntacc)
        plsc.subcore_barrier()

        def fetch(m, q):
          pltpu.sync_copy(edges_hbm.at[sid, m], ebuf[q])
          pltpu.async_copy(tables[c].at[ebuf[q].at[0]], rows_v[q], semg[q])

        def wait_gather(q):
          pltpu.make_async_copy(tables[c].at[ebuf[q].at[0]], rows_v[q],
                                semg[q]).wait()

        def issue_scatter(m, q):
          pltpu.async_copy(rows_v[q], acc.at[ebuf[q].at[1]], sems[q],
                           add=True)
          if with_count and c < _NC:
            @pl.when(m % 2 == cid)
            def _():
              pltpu.async_copy(ones_v, cntacc.at[ebuf[q].at[1]], sems[q],
                               add=True)

        def wait_scatter(m, q):
          pltpu.make_async_copy(rows_v[q], acc.at[ebuf[q].at[1]],
                                sems[q]).wait()
          if with_count and c < _NC:
            @pl.when(m % 2 == cid)
            def _():
              pltpu.make_async_copy(ones_v, cntacc.at[ebuf[q].at[1]],
                                    sems[q]).wait()

        for d in range(D):
          fetch(d, d)

        def group(kS, carry):
          for j in range(S):
            m = S * kS + j

            @pl.when(m < BPT)
            def _(m=m, j=j):
              wait_gather(j)
              issue_scatter(m, j)

              @pl.when(m >= L)
              def _(m=m, j=j):
                wait_scatter(m - L, (j - L) % S)

              @pl.when(m + D < BPT)
              def _(m=m, j=j):
                fetch(m + D, (j + D) % S)
          return carry

        lax.fori_loop(0, (BPT + S - 1) // S, group, 0)
        for t in range(L):
          wait_scatter(BPT - L + t, (BPT - L + t) % S)

        plsc.subcore_barrier()
        pltpu.sync_copy(acc.at[pl.ds(rbase, _RPT)],
                        outs[c].at[pl.ds(rbase, _RPT)])
        if with_count and c < _NC:
          @pl.when(sid == 0)
          def _():
            pltpu.sync_copy(cntacc, cnt_hbm[c])
        plsc.subcore_barrier()

    return None

  k = pl.kernel(body, out_type=tuple(out_type), mesh=mesh,
                scratch_types=tuple(scratch))
  args = list(table_list) + [edges, zeros2d]
  if with_count:
    args.append(zeros1d)
  return k(*args)


def _tc_layer1(x, agg0, agg1, ca, cb, w1lT, b1l2, w1rT, w2lT, b2l2, w2rT):

  def body(x_ref, a0_ref, a1_ref, ca_ref, cb_ref, w1l_ref, b1l_ref,
           w1r_ref, w2l_ref, b2l_ref, w2r_ref, hl0, hl1, hl2, hl3, hr_ref):
    rcp = 1.0 / jnp.maximum(ca_ref[...] + cb_ref[...], 1.0)
    mean = jnp.concatenate([a0_ref[...], a1_ref[...]], axis=1) * rcp
    t = (lax.dot_general(mean, w1l_ref[...], _dn,
                         preferred_element_type=jnp.float32)
         + lax.dot_general(x_ref[...], w1r_ref[...], _dn,
                           preferred_element_type=jnp.float32)
         + b1l_ref[...])
    h = jnp.maximum(t, 0.0)
    hl = lax.dot_general(h, w2l_ref[...], _dn,
                         preferred_element_type=jnp.float32)
    hr = (lax.dot_general(h, w2r_ref[...], _dn,
                          preferred_element_type=jnp.float32)
          + b2l_ref[...])
    hl0[...] = hl[:, 0:128]
    hl1[...] = hl[:, 128:256]
    hl2[...] = hl[:, 256:384]
    hl3[...] = hl[:, 384:512]
    hr_ref[...] = hr

  row = lambda i: (i, 0)
  fixed = lambda i: (0, 0)
  return pl.pallas_call(
      body,
      grid=(_N // _RB,),
      in_specs=[
          pl.BlockSpec((_RB, _IN), row),
          pl.BlockSpec((_RB, _FC), row),
          pl.BlockSpec((_RB, _FC), row),
          pl.BlockSpec((_RB, 1), row),
          pl.BlockSpec((_RB, 1), row),
          pl.BlockSpec((_H1, _IN), fixed),
          pl.BlockSpec((1, _H1), fixed),
          pl.BlockSpec((_H1, _IN), fixed),
          pl.BlockSpec((_H2, _H1), fixed),
          pl.BlockSpec((1, _H2), fixed),
          pl.BlockSpec((_H2, _H1), fixed),
      ],
      out_specs=[
          pl.BlockSpec((_RB, _FC), row),
          pl.BlockSpec((_RB, _FC), row),
          pl.BlockSpec((_RB, _FC), row),
          pl.BlockSpec((_RB, _FC), row),
          pl.BlockSpec((_RB, _H2), row),
      ],
      out_shape=[
          jax.ShapeDtypeStruct((_N, _FC), jnp.float32),
          jax.ShapeDtypeStruct((_N, _FC), jnp.float32),
          jax.ShapeDtypeStruct((_N, _FC), jnp.float32),
          jax.ShapeDtypeStruct((_N, _FC), jnp.float32),
          jax.ShapeDtypeStruct((_N, _H2), jnp.float32),
      ],
  )(x, agg0, agg1, ca, cb, w1lT, b1l2, w1rT, w2lT, b2l2, w2rT)


def _tc_layer2(a0, a1, a2, a3, ca, cb, hr, wmuT, bmu2, wlvT, blv2):

  def body(a0_ref, a1_ref, a2_ref, a3_ref, ca_ref, cb_ref, hr_ref,
           wmu_ref, bmu_ref, wlv_ref, blv_ref, mu_ref, lv_ref):
    rcp = 1.0 / jnp.maximum(ca_ref[...] + cb_ref[...], 1.0)
    agg = jnp.concatenate(
        [a0_ref[...], a1_ref[...], a2_ref[...], a3_ref[...]], axis=1)
    h2 = agg * rcp + hr_ref[...]
    mu_ref[...] = (lax.dot_general(h2, wmu_ref[...], _dn,
                                   preferred_element_type=jnp.float32)
                   + bmu_ref[...])
    lv_ref[...] = (lax.dot_general(h2, wlv_ref[...], _dn,
                                   preferred_element_type=jnp.float32)
                   + blv_ref[...])

  row = lambda i: (i, 0)
  fixed = lambda i: (0, 0)
  return pl.pallas_call(
      body,
      grid=(_N // _RB,),
      in_specs=[
          pl.BlockSpec((_RB, _FC), row),
          pl.BlockSpec((_RB, _FC), row),
          pl.BlockSpec((_RB, _FC), row),
          pl.BlockSpec((_RB, _FC), row),
          pl.BlockSpec((_RB, 1), row),
          pl.BlockSpec((_RB, 1), row),
          pl.BlockSpec((_RB, _H2), row),
          pl.BlockSpec((_OUT, _H2), fixed),
          pl.BlockSpec((1, _OUT), fixed),
          pl.BlockSpec((_OUT, _H2), fixed),
          pl.BlockSpec((1, _OUT), fixed),
      ],
      out_specs=[
          pl.BlockSpec((_RB, _OUT), row),
          pl.BlockSpec((_RB, _OUT), row),
      ],
      out_shape=[
          jax.ShapeDtypeStruct((_N, _OUT), jnp.float32),
          jax.ShapeDtypeStruct((_N, _OUT), jnp.float32),
      ],
  )(a0, a1, a2, a3, ca, cb, hr, wmuT, bmu2, wlvT, blv2)


def _pad_edges(e, B, BPT):
  npad = _NS * BPT * B - _E
  src = jnp.concatenate(
      [e[0], (jnp.arange(npad, dtype=jnp.int32) * 16) % _N])
  dst = jnp.concatenate(
      [e[1], _N + (jnp.arange(npad, dtype=jnp.int32) % (_NP - _N))])
  return jnp.stack([src.reshape(_NS, BPT, B), dst.reshape(_NS, BPT, B)],
                   axis=2)


def kernel(x, edge_index, W1l, b1l, W1r, W2l, b2l, W2r, Wmu, bmu, Wlv, blv):
  f32 = jnp.float32
  edges1 = _pad_edges(edge_index, 112, 90)
  edges2 = _pad_edges(edge_index, 128, 80)
  x0 = x[:, :_FC]
  x1 = x[:, _FC:]
  zeros2d = jnp.zeros((_RPT, _FC), f32)
  zeros1d = jnp.zeros((_NP,), f32)

  agg10, agg11, cnt0, cnt1 = _sc_segsum(
      [x0, x1], edges1, zeros2d, zeros1d, True, 112, 90, 3)
  ca = cnt0.reshape(_NP, 1)
  cb = cnt1.reshape(_NP, 1)

  hl0, hl1, hl2, hl3, hr = _tc_layer1(
      x, agg10, agg11, ca, cb, W1l, b1l.reshape(1, -1), W1r,
      W2l, b2l.reshape(1, -1), W2r)

  a20, a21, a22, a23 = _sc_segsum(
      [hl0, hl1, hl2, hl3], edges2, zeros2d, zeros1d, False, 128, 80, 3)

  mu, lv = _tc_layer2(
      a20, a21, a22, a23, ca, cb, hr, Wmu, bmu.reshape(1, -1),
      Wlv, blv.reshape(1, -1))
  return (mu, lv)

# --- scband reference (transcript-rebuilt; emitter-appended) ---
"""Pipeline reference for scband-encoder-citation-network-82257213653408 (READ-ONLY COPY).

The authoritative reference and input builder live on the scoring server;
editing this copy changes nothing except your own understanding.
"""

import jax, jax.numpy as jnp
import numpy as np

N = 10000
E = 160000
IN, H1, H2, OUT = 256, 1024, 512, 256


def setup_inputs(seed: int = 0) -> dict:
    key = jax.random.key(seed)
    ks = jax.random.split(key, 12)
    x = jax.random.normal(ks[0], (N, IN), dtype=jnp.float32)
    edge_index = jax.random.randint(ks[1], (2, E), 0, N, dtype=jnp.int32)
    s = 0.05
    return {
        "x": x,
        "edge_index": edge_index,
        "W1l": jax.random.normal(ks[2], (H1, IN), dtype=jnp.float32) * s,
        "b1l": jnp.zeros((H1,), dtype=jnp.float32),
        "W1r": jax.random.normal(ks[3], (H1, IN), dtype=jnp.float32) * s,
        "W2l": jax.random.normal(ks[4], (H2, H1), dtype=jnp.float32) * s,
        "b2l": jnp.zeros((H2,), dtype=jnp.float32),
        "W2r": jax.random.normal(ks[5], (H2, H1), dtype=jnp.float32) * s,
        "Wmu": jax.random.normal(ks[6], (OUT, H2), dtype=jnp.float32) * s,
        "bmu": jnp.zeros((OUT,), dtype=jnp.float32),
        "Wlv": jax.random.normal(ks[7], (OUT, H2), dtype=jnp.float32) * s,
        "blv": jnp.zeros((OUT,), dtype=jnp.float32),
    }


def _sage_conv(x, src, dst, Wl, bl, Wr):
    # PyG SAGEConv (aggr='mean', root_weight=True):
    # out = lin_l(mean_{j in N(i)} x_j) + lin_r(x_i); only lin_l has bias.
    msg = x[src]
    summed = jax.ops.segment_sum(msg, dst, num_segments=N)
    cnt = jax.ops.segment_sum(jnp.ones((src.shape[0],), dtype=x.dtype), dst, num_segments=N)
    mean = summed / jnp.maximum(cnt, 1.0)[:, None]
    return mean @ Wl.T + bl + x @ Wr.T


def reference(x, edge_index, W1l, b1l, W1r, W2l, b2l, W2r, Wmu, bmu, Wlv, blv):
    # Encoder_Citation_Network.forward with default type='sage':
    # GraphSAGE(in, hid1, num_layers=2, out=hid2): SAGEConv(IN->H1) -> ReLU -> SAGEConv(H1->H2)
    # then mu = Linear(H2->OUT), logvar = Linear(H2->OUT)
    src = edge_index[0]
    dst = edge_index[1]
    h = _sage_conv(x, src, dst, W1l, b1l, W1r)
    h = jax.nn.relu(h)
    h = _sage_conv(h, src, dst, W2l, b2l, W2r)
    mu = h @ Wmu.T + bmu
    logvar = h @ Wlv.T + blv
    return (mu, logvar)

if __name__ == "__main__":
    import jax
    _d = setup_inputs()
    print(jax.jit(kernel)(*tuple(_d.values())))

</pallas_src>

<mosaic_0001>
#map = affine_map<(d0, d1) -> (0, 0)>
#map1 = affine_map<(d0, d1) -> (0, 0, 0, 0)>
module attributes {stable_mosaic.version = 14 : i64} {
  func.func @body(%arg0: i32, %arg1: i32, %arg2: memref<10000x128xf32, #tpu.memory_space<hbm>>, %arg3: memref<10000x128xf32, #tpu.memory_space<hbm>>, %arg4: memref<10000x128xf32, #tpu.memory_space<hbm>>, %arg5: memref<10000x128xf32, #tpu.memory_space<hbm>>, %arg6: memref<16x80x2x128xi32, #tpu.memory_space<hbm>>, %arg7: memref<632x128xf32, #tpu.memory_space<hbm>>, %arg8: memref<10112x128xf32, #tpu.memory_space<hbm>>, %arg9: memref<10112x128xf32, #tpu.memory_space<hbm>>, %arg10: memref<10112x128xf32, #tpu.memory_space<hbm>>, %arg11: memref<10112x128xf32, #tpu.memory_space<hbm>>, %arg12: memref<2x128xi32, #tpu.memory_space<vmem>>, %arg13: memref<2x128xi32, #tpu.memory_space<vmem>>, %arg14: memref<2x128xi32, #tpu.memory_space<vmem>>, %arg15: memref<128x128xf32, #tpu.memory_space<vmem>>, %arg16: memref<128x128xf32, #tpu.memory_space<vmem>>, %arg17: memref<128x128xf32, #tpu.memory_space<vmem>>, %arg18: memref<128xf32, #tpu.memory_space<vmem>>, %arg19: memref<10112x128xf32, #tpu.memory_space<vmem_shared>>, %arg20: memref<!tpu.dma_semaphore, #tpu.memory_space<semaphore_mem>>, %arg21: memref<!tpu.dma_semaphore, #tpu.memory_space<semaphore_mem>>, %arg22: memref<!tpu.dma_semaphore, #tpu.memory_space<semaphore_mem>>, %arg23: memref<!tpu.dma_semaphore, #tpu.memory_space<semaphore_mem>>, %arg24: memref<!tpu.dma_semaphore, #tpu.memory_space<semaphore_mem>>, %arg25: memref<!tpu.dma_semaphore, #tpu.memory_space<semaphore_mem>>) attributes {dimension_semantics = [#tpu.dimension_semantics<core_parallel>, #tpu.dimension_semantics<subcore_parallel>], iteration_bounds = array<i64: 2, 16>, scalar_prefetch = 0 : i64, scratch_operands = 14 : i64, tpu.core_type = #tpu.core_type<sc_vector_subcore>, window_params = [{transform_indices = #map}, {transform_indices = #map}, {transform_indices = #map}, {transform_indices = #map}, {transform_indices = #map1}, {transform_indices = #map}, {transform_indices = #map}, {transform_indices = #map}, {transform_indices = #map}, {transform_indices = #map}]} {
    %mul3A = arith.constant 632 : i32
    %mul3A_0 = arith.muli %arg1, %mul3A : i32
    %eq3A = arith.constant 0 : i32
    %eq3A_1 = arith.cmpi eq, %arg0, %eq3A : i32
    %convert_element_type3A = arith.extui %eq3A_1 : i1 to i32
    %cond3A = arith.constant 0 : i32
    %cond3A_2 = arith.cmpi ne, %convert_element_type3A, %cond3A : i32
    scf.if %cond3A_2 {
      "tpu.region"() ({
        %run_scoped3A_45 = tpu.sem_alloc : memref<!tpu.dma_semaphore, #tpu.memory_space<semaphore_mem>>
        %dma_start3A_46 = arith.constant 0 : i32
        %dma_start3A_47 = tpu.memref_slice %arg19[%mul3A_0, %dma_start3A_46] : memref<10112x128xf32, #tpu.memory_space<vmem_shared>> -> memref<632x128xf32, #tpu.memory_space<vmem_shared>>
        tpu.enqueue_dma source(%arg7 : memref<632x128xf32, #tpu.memory_space<hbm>>) target(%dma_start3A_47 : memref<632x128xf32, #tpu.memory_space<vmem_shared>>) target_semaphore(%run_scoped3A_45 : memref<!tpu.dma_semaphore, #tpu.memory_space<semaphore_mem>>)
        %dma_wait3A_48 = arith.constant 0 : i32
        %dma_wait3A_49 = tpu.memref_slice %arg19[%mul3A_0, %dma_wait3A_48] : memref<10112x128xf32, #tpu.memory_space<vmem_shared>> -> memref<632x128xf32, #tpu.memory_space<vmem_shared>>
        tpu.wait_dma2 semaphore(%run_scoped3A_45 : memref<!tpu.dma_semaphore, #tpu.memory_space<semaphore_mem>>) src(%arg7 : memref<632x128xf32, #tpu.memory_space<hbm>>) dst(%dma_wait3A_49 : memref<632x128xf32, #tpu.memory_space<vmem_shared>>)
        tpu.yield
      }) : () -> ()
      %barrier3A = arith.constant 0 : index
      tpu.barrier barrier_id(%barrier3A)
      %run_scoped3A = arith.constant 0 : i32
      "tpu.region"() ({
        %run_scoped3A_45 = tpu.sem_alloc : memref<!tpu.dma_semaphore, #tpu.memory_space<semaphore_mem>>
        %dma_start3A_46 = arith.constant 0 : i32
        %dma_start3A_47 = arith.constant 0 : i32
        %dma_start3A_48 = tpu.memref_slice %arg6[%arg1, %run_scoped3A, %dma_start3A_46, %dma_start3A_47] : memref<16x80x2x128xi32, #tpu.memory_space<hbm>> -> memref<1x1x2x128xi32, #tpu.memory_space<hbm>>
        %dma_start3A_49 = tpu.memref_squeeze %dma_start3A_48 : memref<1x1x2x128xi32, #tpu.memory_space<hbm>> -> memref<2x128xi32, #tpu.memory_space<hbm>>
        %dma_start3A_50 = arith.constant 0 : i32
        %dma_start3A_51 = arith.constant 0 : i32
        %dma_start3A_52 = tpu.memref_slice %arg6[%arg1, %run_scoped3A, %dma_start3A_50, %dma_start3A_51] : memref<16x80x2x128xi32, #tpu.memory_space<hbm>> -> memref<1x1x2x128xi32, #tpu.memory_space<hbm>>
        %dma_start3A_53 = tpu.memref_squeeze %dma_start3A_52 : memref<1x1x2x128xi32, #tpu.memory_space<hbm>> -> memref<2x128xi32, #tpu.memory_space<hbm>>
        tpu.enqueue_dma source(%dma_start3A_53 : memref<2x128xi32, #tpu.memory_space<hbm>>) target(%arg12 : memref<2x128xi32, #tpu.memory_space<vmem>>) target_semaphore(%run_scoped3A_45 : memref<!tpu.dma_semaphore, #tpu.memory_space<semaphore_mem>>)
        %dma_wait3A_54 = arith.constant 0 : i32
        %dma_wait3A_55 = arith.constant 0 : i32
        %dma_wait3A_56 = tpu.memref_slice %arg6[%arg1, %run_scoped3A, %dma_wait3A_54, %dma_wait3A_55] : memref<16x80x2x128xi32, #tpu.memory_space<hbm>> -> memref<1x1x2x128xi32, #tpu.memory_space<hbm>>
        %dma_wait3A_57 = tpu.memref_squeeze %dma_wait3A_56 : memref<1x1x2x128xi32, #tpu.memory_space<hbm>> -> memref<2x128xi32, #tpu.memory_space<hbm>>
        %dma_wait3A_58 = arith.constant 0 : i32
        %dma_wait3A_59 = arith.constant 0 : i32
        %dma_wait3A_60 = tpu.memref_slice %arg6[%arg1, %run_scoped3A, %dma_wait3A_58, %dma_wait3A_59] : memref<16x80x2x128xi32, #tpu.memory_space<hbm>> -> memref<1x1x2x128xi32, #tpu.memory_space<hbm>>
        %dma_wait3A_61 = tpu.memref_squeeze %dma_wait3A_60 : memref<1x1x2x128xi32, #tpu.memory_space<hbm>> -> memref<2x128xi32, #tpu.memory_space<hbm>>
        tpu.wait_dma2 semaphore(%run_scoped3A_45 : memref<!tpu.dma_semaphore, #tpu.memory_space<semaphore_mem>>) src(%dma_wait3A_61 : memref<2x128xi32, #tpu.memory_space<hbm>>) dst(%arg12 : memref<2x128xi32, #tpu.memory_space<vmem>>)
        tpu.yield
      }) : () -> ()
      %dma_start3A = arith.constant 0 : i32
      %dma_start3A_18 = arith.constant 0 : i32
      %dma_start3A_19 = tpu.memref_slice %arg12[%dma_start3A, %dma_start3A_18] : memref<2x128xi32, #tpu.memory_space<vmem>> -> memref<1x128xi32, #tpu.memory_space<vmem>>
      %dma_start3A_20 = tpu.memref_squeeze %dma_start3A_19 : memref<1x128xi32, #tpu.memory_space<vmem>> -> memref<128xi32, #tpu.memory_space<vmem>>
      %dma_start3A_21 = arith.constant 0 : i32
      %dma_start3A_22 = arith.constant 0 : i32
      %dma_start3A_23 = tpu.memref_slice %arg2[%dma_start3A_21, %dma_start3A_22] : memref<10000x128xf32, #tpu.memory_space<hbm>> -> memref<10000x128xf32, #tpu.memory_space<hbm>>
      tpu.enqueue_indirect_dma source(%dma_start3A_23 : memref<10000x128xf32, #tpu.memory_space<hbm>>) target(%arg15 : memref<128x128xf32, #tpu.memory_space<vmem>>) offsets(%dma_start3A_20 : memref<128xi32, #tpu.memory_space<vmem>>) semaphore(%arg20 : memref<!tpu.dma_semaphore, #tpu.memory_space<semaphore_mem>>)
      %run_scoped3A_24 = arith.constant 1 : i32
      "tpu.region"() ({
        %run_scoped3A_45 = tpu.sem_alloc : memref<!tpu.dma_semaphore, #tpu.memory_space<semaphore_mem>>
        %dma_start3A_46 = arith.constant 0 : i32
        %dma_start3A_47 = arith.constant 0 : i32
        %dma_start3A_48 = tpu.memref_slice %arg6[%arg1, %run_scoped3A_24, %dma_start3A_46, %dma_start3A_47] : memref<16x80x2x128xi32, #tpu.memory_space<hbm>> -> memref<1x1x2x128xi32, #tpu.memory_space<hbm>>
        %dma_start3A_49 = tpu.memref_squeeze %dma_start3A_48 : memref<1x1x2x128xi32, #tpu.memory_space<hbm>> -> memref<2x128xi32, #tpu.memory_space<hbm>>
        %dma_start3A_50 = arith.constant 0 : i32
        %dma_start3A_51 = arith.constant 0 : i32
        %dma_start3A_52 = tpu.memref_slice %arg6[%arg1, %run_scoped3A_24, %dma_start3A_50, %dma_start3A_51] : memref<16x80x2x128xi32, #tpu.memory_space<hbm>> -> memref<1x1x2x128xi32, #tpu.memory_space<hbm>>
        %dma_start3A_53 = tpu.memref_squeeze %dma_start3A_52 : memref<1x1x2x128xi32, #tpu.memory_space<hbm>> -> memref<2x128xi32, #tpu.memory_space<hbm>>
        tpu.enqueue_dma source(%dma_start3A_53 : memref<2x128xi32, #tpu.memory_space<hbm>>) target(%arg13 : memref<2x128xi32, #tpu.memory_space<vmem>>) target_semaphore(%run_scoped3A_45 : memref<!tpu.dma_semaphore, #tpu.memory_space<semaphore_mem>>)
        %dma_wait3A_54 = arith.constant 0 : i32
        %dma_wait3A_55 = arith.constant 0 : i32
        %dma_wait3A_56 = tpu.memref_slice %arg6[%arg1, %run_scoped3A_24, %dma_wait3A_54, %dma_wait3A_55] : memref<16x80x2x128xi32, #tpu.memory_space<hbm>> -> memref<1x1x2x128xi32, #tpu.memory_space<hbm>>
        %dma_wait3A_57 = tpu.memref_squeeze %dma_wait3A_56 : memref<1x1x2x128xi32, #tpu.memory_space<hbm>> -> memref<2x128xi32, #tpu.memory_space<hbm>>
        %dma_wait3A_58 = arith.constant 0 : i32
        %dma_wait3A_59 = arith.constant 0 : i32
        %dma_wait3A_60 = tpu.memref_slice %arg6[%arg1, %run_scoped3A_24, %dma_wait3A_58, %dma_wait3A_59] : memref<16x80x2x128xi32, #tpu.memory_space<hbm>> -> memref<1x1x2x128xi32, #tpu.memory_space<hbm>>
        %dma_wait3A_61 = tpu.memref_squeeze %dma_wait3A_60 : memref<1x1x2x128xi32, #tpu.memory_space<hbm>> -> memref<2x128xi32, #tpu.memory_space<hbm>>
        tpu.wait_dma2 semaphore(%run_scoped3A_45 : memref<!tpu.dma_semaphore, #tpu.memory_space<semaphore_mem>>) src(%dma_wait3A_61 : memref<2x128xi32, #tpu.memory_space<hbm>>) dst(%arg13 : memref<2x128xi32, #tpu.memory_space<vmem>>)
        tpu.yield
      }) : () -> ()
      %dma_start3A_25 = arith.constant 0 : i32
      %dma_start3A_26 = arith.constant 0 : i32
      %dma_start3A_27 = tpu.memref_slice %arg13[%dma_start3A_25, %dma_start3A_26] : memref<2x128xi32, #tpu.memory_space<vmem>> -> memref<1x128xi32, #tpu.memory_space<vmem>>
      %dma_start3A_28 = tpu.memref_squeeze %dma_start3A_27 : memref<1x128xi32, #tpu.memory_space<vmem>> -> memref<128xi32, #tpu.memory_space<vmem>>
      %dma_start3A_29 = arith.constant 0 : i32
      %dma_start3A_30 = arith.constant 0 : i32
      %dma_start3A_31 = tpu.memref_slice %arg2[%dma_start3A_29, %dma_start3A_30] : memref<10000x128xf32, #tpu.memory_space<hbm>> -> memref<10000x128xf32, #tpu.memory_space<hbm>>
      tpu.enqueue_indirect_dma source(%dma_start3A_31 : memref<10000x128xf32, #tpu.memory_space<hbm>>) target(%arg16 : memref<128x128xf32, #tpu.memory_space<vmem>>) offsets(%dma_start3A_28 : memref<128xi32, #tpu.memory_space<vmem>>) semaphore(%arg21 : memref<!tpu.dma_semaphore, #tpu.memory_space<semaphore_mem>>)
      %scan3A = arith.constant 0 : i32
      %scan3A_32 = arith.constant 0 : i32
      %scan3A_33 = arith.constant 27 : i32
      %scan3A_34 = arith.addi %scan3A_32, %scan3A_33 : i32
      %scan3A_35 = arith.constant 1 : i32
      scf.for %scan3A_45 = %scan3A_32 to %scan3A_34 step %scan3A_35  : i32 {
        %mul3A_46 = arith.constant 3 : i32
        %mul3A_47 = arith.muli %mul3A_46, %scan3A_45 : i32
        %add3A = arith.constant 0 : i32
        %add3A_48 = arith.addi %mul3A_47, %add3A : i32
        %lt3A = arith.constant 80 : i32
        %lt3A_49 = arith.cmpi slt, %add3A_48, %lt3A : i32
        %convert_element_type3A_50 = arith.extui %lt3A_49 : i1 to i32
        %cond3A_51 = arith.constant 0 : i32
        %cond3A_52 = arith.cmpi ne, %convert_element_type3A_50, %cond3A_51 : i32
        scf.if %cond3A_52 {
          %dma_wait3A_71 = arith.constant 0 : i32
          %dma_wait3A_72 = arith.constant 0 : i32
          %dma_wait3A_73 = tpu.memref_slice %arg12[%dma_wait3A_71, %dma_wait3A_72] : memref<2x128xi32, #tpu.memory_space<vmem>> -> memref<1x128xi32, #tpu.memory_space<vmem>>
          %dma_wait3A_74 = tpu.memref_squeeze %dma_wait3A_73 : memref<1x128xi32, #tpu.memory_space<vmem>> -> memref<128xi32, #tpu.memory_space<vmem>>
          %dma_wait3A_75 = arith.constant 0 : i32
          %dma_wait3A_76 = arith.constant 0 : i32
          %dma_wait3A_77 = tpu.memref_slice %arg2[%dma_wait3A_75, %dma_wait3A_76] : memref<10000x128xf32, #tpu.memory_space<hbm>> -> memref<10000x128xf32, #tpu.memory_space<hbm>>
          tpu.wait_indirect_dma semaphore(%arg20 : memref<!tpu.dma_semaphore, #tpu.memory_space<semaphore_mem>>) src(%dma_wait3A_77 : memref<10000x128xf32, #tpu.memory_space<hbm>>) dst(%arg15 : memref<128x128xf32, #tpu.memory_space<vmem>>)
          %dma_start3A_78 = arith.constant 1 : i32
          %dma_start3A_79 = arith.constant 0 : i32
          %dma_start3A_80 = tpu.memref_slice %arg12[%dma_start3A_78, %dma_start3A_79] : memref<2x128xi32, #tpu.memory_space<vmem>> -> memref<1x128xi32, #tpu.memory_space<vmem>>
          %dma_start3A_81 = tpu.memref_squeeze %dma_start3A_80 : memref<1x128xi32, #tpu.memory_space<vmem>> -> memref<128xi32, #tpu.memory_space<vmem>>
          %dma_start3A_82 = arith.constant 0 : i32
          %dma_start3A_83 = arith.constant 0 : i32
          %dma_start3A_84 = tpu.memref_slice %arg19[%dma_start3A_82, %dma_start3A_83] : memref<10112x128xf32, #tpu.memory_space<vmem_shared>> -> memref<10112x128xf32, #tpu.memory_space<vmem_shared>>
          tpu.enqueue_indirect_dma source(%arg15 : memref<128x128xf32, #tpu.memory_space<vmem>>) target(%dma_start3A_84 : memref<10112x128xf32, #tpu.memory_space<vmem_shared>>) offsets(%dma_start3A_81 : memref<128xi32, #tpu.memory_space<vmem>>) semaphore(%arg23 : memref<!tpu.dma_semaphore, #tpu.memory_space<semaphore_mem>>) {add = true}
          %ge3A = arith.constant 1 : i32
          %ge3A_85 = arith.cmpi sge, %add3A_48, %ge3A : i32
          %convert_element_type3A_86 = arith.extui %ge3A_85 : i1 to i32
          %cond3A_87 = arith.constant 0 : i32
          %cond3A_88 = arith.cmpi ne, %convert_element_type3A_86, %cond3A_87 : i32
          scf.if %cond3A_88 {
            %sub3A = arith.constant 1 : i32
            %sub3A_96 = arith.subi %add3A_48, %sub3A : i32
            %dma_wait3A_97 = arith.constant 1 : i32
            %dma_wait3A_98 = arith.constant 0 : i32
            %dma_wait3A_99 = tpu.memref_slice %arg14[%dma_wait3A_97, %dma_wait3A_98] : memref<2x128xi32, #tpu.memory_space<vmem>> -> memref<1x128xi32, #tpu.memory_space<vmem>>
            %dma_wait3A_100 = tpu.memref_squeeze %dma_wait3A_99 : memref<1x128xi32, #tpu.memory_space<vmem>> -> memref<128xi32, #tpu.memory_space<vmem>>
            %dma_wait3A_101 = arith.constant 0 : i32
            %dma_wait3A_102 = arith.constant 0 : i32
            %dma_wait3A_103 = tpu.memref_slice %arg19[%dma_wait3A_101, %dma_wait3A_102] : memref<10112x128xf32, #tpu.memory_space<vmem_shared>> -> memref<10112x128xf32, #tpu.memory_space<vmem_shared>>
            tpu.wait_indirect_dma semaphore(%arg25 : memref<!tpu.dma_semaphore, #tpu.memory_space<semaphore_mem>>) src(%arg17 : memref<128x128xf32, #tpu.memory_space<vmem>>) dst(%dma_wait3A_103 : memref<10112x128xf32, #tpu.memory_space<vmem_shared>>)
          } else {
          }
          %add3A_89 = arith.constant 2 : i32
          %add3A_90 = arith.addi %add3A_48, %add3A_89 : i32
          %lt3A_91 = arith.constant 80 : i32
          %lt3A_92 = arith.cmpi slt, %add3A_90, %lt3A_91 : i32
          %convert_element_type3A_93 = arith.extui %lt3A_92 : i1 to i32
          %cond3A_94 = arith.constant 0 : i32
          %cond3A_95 = arith.cmpi ne, %convert_element_type3A_93, %cond3A_94 : i32
          scf.if %cond3A_95 {
            %add3A_96 = arith.constant 2 : i32
            %add3A_97 = arith.addi %add3A_48, %add3A_96 : i32
            "tpu.region"() ({
              %run_scoped3A_105 = tpu.sem_alloc : memref<!tpu.dma_semaphore, #tpu.memory_space<semaphore_mem>>
              %dma_start3A_106 = arith.constant 0 : i32
              %dma_start3A_107 = arith.constant 0 : i32
              %dma_start3A_108 = tpu.memref_slice %arg6[%arg1, %add3A_97, %dma_start3A_106, %dma_start3A_107] : memref<16x80x2x128xi32, #tpu.memory_space<hbm>> -> memref<1x1x2x128xi32, #tpu.memory_space<hbm>>
              %dma_start3A_109 = tpu.memref_squeeze %dma_start3A_108 : memref<1x1x2x128xi32, #tpu.memory_space<hbm>> -> memref<2x128xi32, #tpu.memory_space<hbm>>
              %dma_start3A_110 = arith.constant 0 : i32
              %dma_start3A_111 = arith.constant 0 : i32
              %dma_start3A_112 = tpu.memref_slice %arg6[%arg1, %add3A_97, %dma_start3A_110, %dma_start3A_111] : memref<16x80x2x128xi32, #tpu.memory_space<hbm>> -> memref<1x1x2x128xi32, #tpu.memory_space<hbm>>
              %dma_start3A_113 = tpu.memref_squeeze %dma_start3A_112 : memref<1x1x2x128xi32, #tpu.memory_space<hbm>> -> memref<2x128xi32, #tpu.memory_space<hbm>>
              tpu.enqueue_dma source(%dma_start3A_113 : memref<2x128xi32, #tpu.memory_space<hbm>>) target(%arg14 : memref<2x128xi32, #tpu.memory_space<vmem>>) target_semaphore(%run_scoped3A_105 : memref<!tpu.dma_semaphore, #tpu.memory_space<semaphore_mem>>)
              %dma_wait3A_114 = arith.constant 0 : i32
              %dma_wait3A_115 = arith.constant 0 : i32
              %dma_wait3A_116 = tpu.memref_slice %arg6[%arg1, %add3A_97, %dma_wait3A_114, %dma_wait3A_115] : memref<16x80x2x128xi32, #tpu.memory_space<hbm>> -> memref<1x1x2x128xi32, #tpu.memory_space<hbm>>
              %dma_wait3A_117 = tpu.memref_squeeze %dma_wait3A_116 : memref<1x1x2x128xi32, #tpu.memory_space<hbm>> -> memref<2x128xi32, #tpu.memory_space<hbm>>
              %dma_wait3A_118 = arith.constant 0 : i32
              %dma_wait3A_119 = arith.constant 0 : i32
              %dma_wait3A_120 = tpu.memref_slice %arg6[%arg1, %add3A_97, %dma_wait3A_118, %dma_wait3A_119] : memref<16x80x2x128xi32, #tpu.memory_space<hbm>> -> memref<1x1x2x128xi32, #tpu.memory_space<hbm>>
              %dma_wait3A_121 = tpu.memref_squeeze %dma_wait3A_120 : memref<1x1x2x128xi32, #tpu.memory_space<hbm>> -> memref<2x128xi32, #tpu.memory_space<hbm>>
              tpu.wait_dma2 semaphore(%run_scoped3A_105 : memref<!tpu.dma_semaphore, #tpu.memory_space<semaphore_mem>>) src(%dma_wait3A_121 : memref<2x128xi32, #tpu.memory_space<hbm>>) dst(%arg14 : memref<2x128xi32, #tpu.memory_space<vmem>>)
              tpu.yield
            }) : () -> ()
            %dma_start3A_98 = arith.constant 0 : i32
            %dma_start3A_99 = arith.constant 0 : i32
            %dma_start3A_100 = tpu.memref_slice %arg14[%dma_start3A_98, %dma_start3A_99] : memref<2x128xi32, #tpu.memory_space<vmem>> -> memref<1x128xi32, #tpu.memory_space<vmem>>
            %dma_start3A_101 = tpu.memref_squeeze %dma_start3A_100 : memref<1x128xi32, #tpu.memory_space<vmem>> -> memref<128xi32, #tpu.memory_space<vmem>>
            %dma_start3A_102 = arith.constant 0 : i32
            %dma_start3A_103 = arith.constant 0 : i32
            %dma_start3A_104 = tpu.memref_slice %arg2[%dma_start3A_102, %dma_start3A_103] : memref<10000x128xf32, #tpu.memory_space<hbm>> -> memref<10000x128xf32, #tpu.memory_space<hbm>>
            tpu.enqueue_indirect_dma source(%dma_start3A_104 : memref<10000x128xf32, #tpu.memory_space<hbm>>) target(%arg17 : memref<128x128xf32, #tpu.memory_space<vmem>>) offsets(%dma_start3A_101 : memref<128xi32, #tpu.memory_space<vmem>>) semaphore(%arg22 : memref<!tpu.dma_semaphore, #tpu.memory_space<semaphore_mem>>)
          } else {
          }
        } else {
        }
        %mul3A_53 = arith.constant 3 : i32
        %mul3A_54 = arith.muli %mul3A_53, %scan3A_45 : i32
        %add3A_55 = arith.constant 1 : i32
        %add3A_56 = arith.addi %mul3A_54, %add3A_55 : i32
        %lt3A_57 = arith.constant 80 : i32
        %lt3A_58 = arith.cmpi slt, %add3A_56, %lt3A_57 : i32
        %convert_element_type3A_59 = arith.extui %lt3A_58 : i1 to i32
        %cond3A_60 = arith.constant 0 : i32
        %cond3A_61 = arith.cmpi ne, %convert_element_type3A_59, %cond3A_60 : i32
        scf.if %cond3A_61 {
          %dma_wait3A_71 = arith.constant 0 : i32
          %dma_wait3A_72 = arith.constant 0 : i32
          %dma_wait3A_73 = tpu.memref_slice %arg13[%dma_wait3A_71, %dma_wait3A_72] : memref<2x128xi32, #tpu.memory_space<vmem>> -> memref<1x128xi32, #tpu.memory_space<vmem>>
          %dma_wait3A_74 = tpu.memref_squeeze %dma_wait3A_73 : memref<1x128xi32, #tpu.memory_space<vmem>> -> memref<128xi32, #tpu.memory_space<vmem>>
          %dma_wait3A_75 = arith.constant 0 : i32
          %dma_wait3A_76 = arith.constant 0 : i32
          %dma_wait3A_77 = tpu.memref_slice %arg2[%dma_wait3A_75, %dma_wait3A_76] : memref<10000x128xf32, #tpu.memory_space<hbm>> -> memref<10000x128xf32, #tpu.memory_space<hbm>>
          tpu.wait_indirect_dma semaphore(%arg21 : memref<!tpu.dma_semaphore, #tpu.memory_space<semaphore_mem>>) src(%dma_wait3A_77 : memref<10000x128xf32, #tpu.memory_space<hbm>>) dst(%arg16 : memref<128x128xf32, #tpu.memory_space<vmem>>)
          %dma_start3A_78 = arith.constant 1 : i32
          %dma_start3A_79 = arith.constant 0 : i32
          %dma_start3A_80 = tpu.memref_slice %arg13[%dma_start3A_78, %dma_start3A_79] : memref<2x128xi32, #tpu.memory_space<vmem>> -> memref<1x128xi32, #tpu.memory_space<vmem>>
          %dma_start3A_81 = tpu.memref_squeeze %dma_start3A_80 : memref<1x128xi32, #tpu.memory_space<vmem>> -> memref<128xi32, #tpu.memory_space<vmem>>
          %dma_start3A_82 = arith.constant 0 : i32
          %dma_start3A_83 = arith.constant 0 : i32
          %dma_start3A_84 = tpu.memref_slice %arg19[%dma_start3A_82, %dma_start3A_83] : memref<10112x128xf32, #tpu.memory_space<vmem_shared>> -> memref<10112x128xf32, #tpu.memory_space<vmem_shared>>
          tpu.enqueue_indirect_dma source(%arg16 : memref<128x128xf32, #tpu.memory_space<vmem>>) target(%dma_start3A_84 : memref<10112x128xf32, #tpu.memory_space<vmem_shared>>) offsets(%dma_start3A_81 : memref<128xi32, #tpu.memory_space<vmem>>) semaphore(%arg24 : memref<!tpu.dma_semaphore, #tpu.memory_space<semaphore_mem>>) {add = true}
          %ge3A = arith.constant 1 : i32
          %ge3A_85 = arith.cmpi sge, %add3A_56, %ge3A : i32
          %convert_element_type3A_86 = arith.extui %ge3A_85 : i1 to i32
          %cond3A_87 = arith.constant 0 : i32
          %cond3A_88 = arith.cmpi ne, %convert_element_type3A_86, %cond3A_87 : i32
          scf.if %cond3A_88 {
            %sub3A = arith.constant 1 : i32
            %sub3A_96 = arith.subi %add3A_56, %sub3A : i32
            %dma_wait3A_97 = arith.constant 1 : i32
            %dma_wait3A_98 = arith.constant 0 : i32
            %dma_wait3A_99 = tpu.memref_slice %arg12[%dma_wait3A_97, %dma_wait3A_98] : memref<2x128xi32, #tpu.memory_space<vmem>> -> memref<1x128xi32, #tpu.memory_space<vmem>>
            %dma_wait3A_100 = tpu.memref_squeeze %dma_wait3A_99 : memref<1x128xi32, #tpu.memory_space<vmem>> -> memref<128xi32, #tpu.memory_space<vmem>>
            %dma_wait3A_101 = arith.constant 0 : i32
            %dma_wait3A_102 = arith.constant 0 : i32
            %dma_wait3A_103 = tpu.memref_slice %arg19[%dma_wait3A_101, %dma_wait3A_102] : memref<10112x128xf32, #tpu.memory_space<vmem_shared>> -> memref<10112x128xf32, #tpu.memory_space<vmem_shared>>
            tpu.wait_indirect_dma semaphore(%arg23 : memref<!tpu.dma_semaphore, #tpu.memory_space<semaphore_mem>>) src(%arg15 : memref<128x128xf32, #tpu.memory_space<vmem>>) dst(%dma_wait3A_103 : memref<10112x128xf32, #tpu.memory_space<vmem_shared>>)
          } else {
          }
          %add3A_89 = arith.constant 2 : i32
          %add3A_90 = arith.addi %add3A_56, %add3A_89 : i32
          %lt3A_91 = arith.constant 80 : i32
          %lt3A_92 = arith.cmpi slt, %add3A_90, %lt3A_91 : i32
          %convert_element_type3A_93 = arith.extui %lt3A_92 : i1 to i32
          %cond3A_94 = arith.constant 0 : i32
          %cond3A_95 = arith.cmpi ne, %convert_element_type3A_93, %cond3A_94 : i32
          scf.if %cond3A_95 {
            %add3A_96 = arith.constant 2 : i32
            %add3A_97 = arith.addi %add3A_56, %add3A_96 : i32
            "tpu.region"() ({
              %run_scoped3A_105 = tpu.sem_alloc : memref<!tpu.dma_semaphore, #tpu.memory_space<semaphore_mem>>
              %dma_start3A_106 = arith.constant 0 : i32
              %dma_start3A_107 = arith.constant 0 : i32
              %dma_start3A_108 = tpu.memref_slice %arg6[%arg1, %add3A_97, %dma_start3A_106, %dma_start3A_107] : memref<16x80x2x128xi32, #tpu.memory_space<hbm>> -> memref<1x1x2x128xi32, #tpu.memory_space<hbm>>
              %dma_start3A_109 = tpu.memref_squeeze %dma_start3A_108 : memref<1x1x2x128xi32, #tpu.memory_space<hbm>> -> memref<2x128xi32, #tpu.memory_space<hbm>>
              %dma_start3A_110 = arith.constant 0 : i32
              %dma_start3A_111 = arith.constant 0 : i32
              %dma_start3A_112 = tpu.memref_slice %arg6[%arg1, %add3A_97, %dma_start3A_110, %dma_start3A_111] : memref<16x80x2x128xi32, #tpu.memory_space<hbm>> -> memref<1x1x2x128xi32, #tpu.memory_space<hbm>>
              %dma_start3A_113 = tpu.memref_squeeze %dma_start3A_112 : memref<1x1x2x128xi32, #tpu.memory_space<hbm>> -> memref<2x128xi32, #tpu.memory_space<hbm>>
              tpu.enqueue_dma source(%dma_start3A_113 : memref<2x128xi32, #tpu.memory_space<hbm>>) target(%arg12 : memref<2x128xi32, #tpu.memory_space<vmem>>) target_semaphore(%run_scoped3A_105 : memref<!tpu.dma_semaphore, #tpu.memory_space<semaphore_mem>>)
              %dma_wait3A_114 = arith.constant 0 : i32
              %dma_wait3A_115 = arith.constant 0 : i32
              %dma_wait3A_116 = tpu.memref_slice %arg6[%arg1, %add3A_97, %dma_wait3A_114, %dma_wait3A_115] : memref<16x80x2x128xi32, #tpu.memory_space<hbm>> -> memref<1x1x2x128xi32, #tpu.memory_space<hbm>>
              %dma_wait3A_117 = tpu.memref_squeeze %dma_wait3A_116 : memref<1x1x2x128xi32, #tpu.memory_space<hbm>> -> memref<2x128xi32, #tpu.memory_space<hbm>>
              %dma_wait3A_118 = arith.constant 0 : i32
              %dma_wait3A_119 = arith.constant 0 : i32
              %dma_wait3A_120 = tpu.memref_slice %arg6[%arg1, %add3A_97, %dma_wait3A_118, %dma_wait3A_119] : memref<16x80x2x128xi32, #tpu.memory_space<hbm>> -> memref<1x1x2x128xi32, #tpu.memory_space<hbm>>
              %dma_wait3A_121 = tpu.memref_squeeze %dma_wait3A_120 : memref<1x1x2x128xi32, #tpu.memory_space<hbm>> -> memref<2x128xi32, #tpu.memory_space<hbm>>
              tpu.wait_dma2 semaphore(%run_scoped3A_105 : memref<!tpu.dma_semaphore, #tpu.memory_space<semaphore_mem>>) src(%dma_wait3A_121 : memref<2x128xi32, #tpu.memory_space<hbm>>) dst(%arg12 : memref<2x128xi32, #tpu.memory_space<vmem>>)
              tpu.yield
            }) : () -> ()
            %dma_start3A_98 = arith.constant 0 : i32
            %dma_start3A_99 = arith.constant 0 : i32
            %dma_start3A_100 = tpu.memref_slice %arg12[%dma_start3A_98, %dma_start3A_99] : memref<2x128xi32, #tpu.memory_space<vmem>> -> memref<1x128xi32, #tpu.memory_space<vmem>>
            %dma_start3A_101 = tpu.memref_squeeze %dma_start3A_100 : memref<1x128xi32, #tpu.memory_space<vmem>> -> memref<128xi32, #tpu.memory_space<vmem>>
            %dma_start3A_102 = arith.constant 0 : i32
            %dma_start3A_103 = arith.constant 0 : i32
            %dma_start3A_104 = tpu.memref_slice %arg2[%dma_start3A_102, %dma_start3A_103] : memref<10000x128xf32, #tpu.memory_space<hbm>> -> memref<10000x128xf32, #tpu.memory_space<hbm>>
            tpu.enqueue_indirect_dma source(%dma_start3A_104 : memref<10000x128xf32, #tpu.memory_space<hbm>>) target(%arg15 : memref<128x128xf32, #tpu.memory_space<vmem>>) offsets(%dma_start3A_101 : memref<128xi32, #tpu.memory_space<vmem>>) semaphore(%arg20 : memref<!tpu.dma_semaphore, #tpu.memory_space<semaphore_mem>>)
          } else {
          }
        } else {
        }
        %mul3A_62 = arith.constant 3 : i32
        %mul3A_63 = arith.muli %mul3A_62, %scan3A_45 : i32
        %add3A_64 = arith.constant 2 : i32
        %add3A_65 = arith.addi %mul3A_63, %add3A_64 : i32
        %lt3A_66 = arith.constant 80 : i32
        %lt3A_67 = arith.cmpi slt, %add3A_65, %lt3A_66 : i32
        %convert_element_type3A_68 = arith.extui %lt3A_67 : i1 to i32
        %cond3A_69 = arith.constant 0 : i32
        %cond3A_70 = arith.cmpi ne, %convert_element_type3A_68, %cond3A_69 : i32
        scf.if %cond3A_70 {
          %dma_wait3A_71 = arith.constant 0 : i32
          %dma_wait3A_72 = arith.constant 0 : i32
          %dma_wait3A_73 = tpu.memref_slice %arg14[%dma_wait3A_71, %dma_wait3A_72] : memref<2x128xi32, #tpu.memory_space<vmem>> -> memref<1x128xi32, #tpu.memory_space<vmem>>
          %dma_wait3A_74 = tpu.memref_squeeze %dma_wait3A_73 : memref<1x128xi32, #tpu.memory_space<vmem>> -> memref<128xi32, #tpu.memory_space<vmem>>
          %dma_wait3A_75 = arith.constant 0 : i32
          %dma_wait3A_76 = arith.constant 0 : i32
          %dma_wait3A_77 = tpu.memref_slice %arg2[%dma_wait3A_75, %dma_wait3A_76] : memref<10000x128xf32, #tpu.memory_space<hbm>> -> memref<10000x128xf32, #tpu.memory_space<hbm>>
          tpu.wait_indirect_dma semaphore(%arg22 : memref<!tpu.dma_semaphore, #tpu.memory_space<semaphore_mem>>) src(%dma_wait3A_77 : memref<10000x128xf32, #tpu.memory_space<hbm>>) dst(%arg17 : memref<128x128xf32, #tpu.memory_space<vmem>>)
          %dma_start3A_78 = arith.constant 1 : i32
          %dma_start3A_79 = arith.constant 0 : i32
          %dma_start3A_80 = tpu.memref_slice %arg14[%dma_start3A_78, %dma_start3A_79] : memref<2x128xi32, #tpu.memory_space<vmem>> -> memref<1x128xi32, #tpu.memory_space<vmem>>
          %dma_start3A_81 = tpu.memref_squeeze %dma_start3A_80 : memref<1x128xi32, #tpu.memory_space<vmem>> -> memref<128xi32, #tpu.memory_space<vmem>>
          %dma_start3A_82 = arith.constant 0 : i32
          %dma_start3A_83 = arith.constant 0 : i32
          %dma_start3A_84 = tpu.memref_slice %arg19[%dma_start3A_82, %dma_start3A_83] : memref<10112x128xf32, #tpu.memory_space<vmem_shared>> -> memref<10112x128xf32, #tpu.memory_space<vmem_shared>>
          tpu.enqueue_indirect_dma source(%arg17 : memref<128x128xf32, #tpu.memory_space<vmem>>) target(%dma_start3A_84 : memref<10112x128xf32, #tpu.memory_space<vmem_shared>>) offsets(%dma_start3A_81 : memref<128xi32, #tpu.memory_space<vmem>>) semaphore(%arg25 : memref<!tpu.dma_semaphore, #tpu.memory_space<semaphore_mem>>) {add = true}
          %ge3A = arith.constant 1 : i32
          %ge3A_85 = arith.cmpi sge, %add3A_65, %ge3A : i32
          %convert_element_type3A_86 = arith.extui %ge3A_85 : i1 to i32
          %cond3A_87 = arith.constant 0 : i32
          %cond3A_88 = arith.cmpi ne, %convert_element_type3A_86, %cond3A_87 : i32
          scf.if %cond3A_88 {
            %sub3A = arith.constant 1 : i32
            %sub3A_96 = arith.subi %add3A_65, %sub3A : i32
            %dma_wait3A_97 = arith.constant 1 : i32
            %dma_wait3A_98 = arith.constant 0 : i32
            %dma_wait3A_99 = tpu.memref_slice %arg13[%dma_wait3A_97, %dma_wait3A_98] : memref<2x128xi32, #tpu.memory_space<vmem>> -> memref<1x128xi32, #tpu.memory_space<vmem>>
            %dma_wait3A_100 = tpu.memref_squeeze %dma_wait3A_99 : memref<1x128xi32, #tpu.memory_space<vmem>> -> memref<128xi32, #tpu.memory_space<vmem>>
            %dma_wait3A_101 = arith.constant 0 : i32
            %dma_wait3A_102 = arith.constant 0 : i32
            %dma_wait3A_103 = tpu.memref_slice %arg19[%dma_wait3A_101, %dma_wait3A_102] : memref<10112x128xf32, #tpu.memory_space<vmem_shared>> -> memref<10112x128xf32, #tpu.memory_space<vmem_shared>>
            tpu.wait_indirect_dma semaphore(%arg24 : memref<!tpu.dma_semaphore, #tpu.memory_space<semaphore_mem>>) src(%arg16 : memref<128x128xf32, #tpu.memory_space<vmem>>) dst(%dma_wait3A_103 : memref<10112x128xf32, #tpu.memory_space<vmem_shared>>)
          } else {
          }
          %add3A_89 = arith.constant 2 : i32
          %add3A_90 = arith.addi %add3A_65, %add3A_89 : i32
          %lt3A_91 = arith.constant 80 : i32
          %lt3A_92 = arith.cmpi slt, %add3A_90, %lt3A_91 : i32
          %convert_element_type3A_93 = arith.extui %lt3A_92 : i1 to i32
          %cond3A_94 = arith.constant 0 : i32
          %cond3A_95 = arith.cmpi ne, %convert_element_type3A_93, %cond3A_94 : i32
          scf.if %cond3A_95 {
            %add3A_96 = arith.constant 2 : i32
            %add3A_97 = arith.addi %add3A_65, %add3A_96 : i32
            "tpu.region"() ({
              %run_scoped3A_105 = tpu.sem_alloc : memref<!tpu.dma_semaphore, #tpu.memory_space<semaphore_mem>>
              %dma_start3A_106 = arith.constant 0 : i32
              %dma_start3A_107 = arith.constant 0 : i32
              %dma_start3A_108 = tpu.memref_slice %arg6[%arg1, %add3A_97, %dma_start3A_106, %dma_start3A_107] : memref<16x80x2x128xi32, #tpu.memory_space<hbm>> -> memref<1x1x2x128xi32, #tpu.memory_space<hbm>>
              %dma_start3A_109 = tpu.memref_squeeze %dma_start3A_108 : memref<1x1x2x128xi32, #tpu.memory_space<hbm>> -> memref<2x128xi32, #tpu.memory_space<hbm>>
              %dma_start3A_110 = arith.constant 0 : i32
              %dma_start3A_111 = arith.constant 0 : i32
              %dma_start3A_112 = tpu.memref_slice %arg6[%arg1, %add3A_97, %dma_start3A_110, %dma_start3A_111] : memref<16x80x2x128xi32, #tpu.memory_space<hbm>> -> memref<1x1x2x128xi32, #tpu.memory_space<hbm>>
              %dma_start3A_113 = tpu.memref_squeeze %dma_start3A_112 : memref<1x1x2x128xi32, #tpu.memory_space<hbm>> -> memref<2x128xi32, #tpu.memory_space<hbm>>
              tpu.enqueue_dma source(%dma_start3A_113 : memref<2x128xi32, #tpu.memory_space<hbm>>) target(%arg13 : memref<2x128xi32, #tpu.memory_space<vmem>>) target_semaphore(%run_scoped3A_105 : memref<!tpu.dma_semaphore, #tpu.memory_space<semaphore_mem>>)
              %dma_wait3A_114 = arith.constant 0 : i32
              %dma_wait3A_115 = arith.constant 0 : i32
              %dma_wait3A_116 = tpu.memref_slice %arg6[%arg1, %add3A_97, %dma_wait3A_114, %dma_wait3A_115] : memref<16x80x2x128xi32, #tpu.memory_space<hbm>> -> memref<1x1x2x128xi32, #tpu.memory_space<hbm>>
              %dma_wait3A_117 = tpu.memref_squeeze %dma_wait3A_116 : memref<1x1x2x128xi32, #tpu.memory_space<hbm>> -> memref<2x128xi32, #tpu.memory_space<hbm>>
              %dma_wait3A_118 = arith.constant 0 : i32
              %dma_wait3A_119 = arith.constant 0 : i32
              %dma_wait3A_120 = tpu.memref_slice %arg6[%arg1, %add3A_97, %dma_wait3A_118, %dma_wait3A_119] : memref<16x80x2x128xi32, #tpu.memory_space<hbm>> -> memref<1x1x2x128xi32, #tpu.memory_space<hbm>>
              %dma_wait3A_121 = tpu.memref_squeeze %dma_wait3A_120 : memref<1x1x2x128xi32, #tpu.memory_space<hbm>> -> memref<2x128xi32, #tpu.memory_space<hbm>>
              tpu.wait_dma2 semaphore(%run_scoped3A_105 : memref<!tpu.dma_semaphore, #tpu.memory_space<semaphore_mem>>) src(%dma_wait3A_121 : memref<2x128xi32, #tpu.memory_space<hbm>>) dst(%arg13 : memref<2x128xi32, #tpu.memory_space<vmem>>)
              tpu.yield
            }) : () -> ()
            %dma_start3A_98 = arith.constant 0 : i32
            %dma_start3A_99 = arith.constant 0 : i32
            %dma_start3A_100 = tpu.memref_slice %arg13[%dma_start3A_98, %dma_start3A_99] : memref<2x128xi32, #tpu.memory_space<vmem>> -> memref<1x128xi32, #tpu.memory_space<vmem>>
            %dma_start3A_101 = tpu.memref_squeeze %dma_start3A_100 : memref<1x128xi32, #tpu.memory_space<vmem>> -> memref<128xi32, #tpu.memory_space<vmem>>
            %dma_start3A_102 = arith.constant 0 : i32
            %dma_start3A_103 = arith.constant 0 : i32
            %dma_start3A_104 = tpu.memref_slice %arg2[%dma_start3A_102, %dma_start3A_103] : memref<10000x128xf32, #tpu.memory_space<hbm>> -> memref<10000x128xf32, #tpu.memory_space<hbm>>
            tpu.enqueue_indirect_dma source(%dma_start3A_104 : memref<10000x128xf32, #tpu.memory_space<hbm>>) target(%arg16 : memref<128x128xf32, #tpu.memory_space<vmem>>) offsets(%dma_start3A_101 : memref<128xi32, #tpu.memory_space<vmem>>) semaphore(%arg21 : memref<!tpu.dma_semaphore, #tpu.memory_space<semaphore_mem>>)
          } else {
          }
        } else {
        }
      }
      %scan3A_36 = arith.constant 27 : i32
      %dma_wait3A = arith.constant 1 : i32
      %dma_wait3A_37 = arith.constant 0 : i32
      %dma_wait3A_38 = tpu.memref_slice %arg13[%dma_wait3A, %dma_wait3A_37] : memref<2x128xi32, #tpu.memory_space<vmem>> -> memref<1x128xi32, #tpu.memory_space<vmem>>
      %dma_wait3A_39 = tpu.memref_squeeze %dma_wait3A_38 : memref<1x128xi32, #tpu.memory_space<vmem>> -> memref<128xi32, #tpu.memory_space<vmem>>
      %dma_wait3A_40 = arith.constant 0 : i32
      %dma_wait3A_41 = arith.constant 0 : i32
      %dma_wait3A_42 = tpu.memref_slice %arg19[%dma_wait3A_40, %dma_wait3A_41] : memref<10112x128xf32, #tpu.memory_space<vmem_shared>> -> memref<10112x128xf32, #tpu.memory_space<vmem_shared>>
      tpu.wait_indirect_dma semaphore(%arg24 : memref<!tpu.dma_semaphore, #tpu.memory_space<semaphore_mem>>) src(%arg16 : memref<128x128xf32, #tpu.memory_space<vmem>>) dst(%dma_wait3A_42 : memref<10112x128xf32, #tpu.memory_space<vmem_shared>>)
      %barrier3A_43 = arith.constant 0 : index
      tpu.barrier barrier_id(%barrier3A_43)
      "tpu.region"() ({
        %run_scoped3A_45 = tpu.sem_alloc : memref<!tpu.dma_semaphore, #tpu.memory_space<semaphore_mem>>
        %dma_start3A_46 = arith.constant 0 : i32
        %dma_start3A_47 = tpu.memref_slice %arg8[%mul3A_0, %dma_start3A_46] : memref<10112x128xf32, #tpu.memory_space<hbm>> -> memref<632x128xf32, #tpu.memory_space<hbm>>
        %dma_start3A_48 = arith.constant 0 : i32
        %dma_start3A_49 = tpu.memref_slice %arg19[%mul3A_0, %dma_start3A_48] : memref<10112x128xf32, #tpu.memory_space<vmem_shared>> -> memref<632x128xf32, #tpu.memory_space<vmem_shared>>
        tpu.enqueue_dma source(%dma_start3A_49 : memref<632x128xf32, #tpu.memory_space<vmem_shared>>) target(%dma_start3A_47 : memref<632x128xf32, #tpu.memory_space<hbm>>) target_semaphore(%run_scoped3A_45 : memref<!tpu.dma_semaphore, #tpu.memory_space<semaphore_mem>>)
        %dma_wait3A_50 = arith.constant 0 : i32
        %dma_wait3A_51 = tpu.memref_slice %arg8[%mul3A_0, %dma_wait3A_50] : memref<10112x128xf32, #tpu.memory_space<hbm>> -> memref<632x128xf32, #tpu.memory_space<hbm>>
        %dma_wait3A_52 = arith.constant 0 : i32
        %dma_wait3A_53 = tpu.memref_slice %arg19[%mul3A_0, %dma_wait3A_52] : memref<10112x128xf32, #tpu.memory_space<vmem_shared>> -> memref<632x128xf32, #tpu.memory_space<vmem_shared>>
        tpu.wait_dma2 semaphore(%run_scoped3A_45 : memref<!tpu.dma_semaphore, #tpu.memory_space<semaphore_mem>>) src(%dma_wait3A_53 : memref<632x128xf32, #tpu.memory_space<vmem_shared>>) dst(%dma_wait3A_51 : memref<632x128xf32, #tpu.memory_space<hbm>>)
        tpu.yield
      }) : () -> ()
      %barrier3A_44 = arith.constant 0 : index
      tpu.barrier barrier_id(%barrier3A_44)
    } else {
    }
    %eq3A_3 = arith.constant 1 : i32
    %eq3A_4 = arith.cmpi eq, %arg0, %eq3A_3 : i32
    %convert_element_type3A_5 = arith.extui %eq3A_4 : i1 to i32
    %cond3A_6 = arith.constant 0 : i32
    %cond3A_7 = arith.cmpi ne, %convert_element_type3A_5, %cond3A_6 : i32
    scf.if %cond3A_7 {
      "tpu.region"() ({
        %run_scoped3A_45 = tpu.sem_alloc : memref<!tpu.dma_semaphore, #tpu.memory_space<semaphore_mem>>
        %dma_start3A_46 = arith.constant 0 : i32
        %dma_start3A_47 = tpu.memref_slice %arg19[%mul3A_0, %dma_start3A_46] : memref<10112x128xf32, #tpu.memory_space<vmem_shared>> -> memref<632x128xf32, #tpu.memory_space<vmem_shared>>
        tpu.enqueue_dma source(%arg7 : memref<632x128xf32, #tpu.memory_space<hbm>>) target(%dma_start3A_47 : memref<632x128xf32, #tpu.memory_space<vmem_shared>>) target_semaphore(%run_scoped3A_45 : memref<!tpu.dma_semaphore, #tpu.memory_space<semaphore_mem>>)
        %dma_wait3A_48 = arith.constant 0 : i32
        %dma_wait3A_49 = tpu.memref_slice %arg19[%mul3A_0, %dma_wait3A_48] : memref<10112x128xf32, #tpu.memory_space<vmem_shared>> -> memref<632x128xf32, #tpu.memory_space<vmem_shared>>
        tpu.wait_dma2 semaphore(%run_scoped3A_45 : memref<!tpu.dma_semaphore, #tpu.memory_space<semaphore_mem>>) src(%arg7 : memref<632x128xf32, #tpu.memory_space<hbm>>) dst(%dma_wait3A_49 : memref<632x128xf32, #tpu.memory_space<vmem_shared>>)
        tpu.yield
      }) : () -> ()
      %barrier3A = arith.constant 0 : index
      tpu.barrier barrier_id(%barrier3A)
      %run_scoped3A = arith.constant 0 : i32
      "tpu.region"() ({
        %run_scoped3A_45 = tpu.sem_alloc : memref<!tpu.dma_semaphore, #tpu.memory_space<semaphore_mem>>
        %dma_start3A_46 = arith.constant 0 : i32
        %dma_start3A_47 = arith.constant 0 : i32
        %dma_start3A_48 = tpu.memref_slice %arg6[%arg1, %run_scoped3A, %dma_start3A_46, %dma_start3A_47] : memref<16x80x2x128xi32, #tpu.memory_space<hbm>> -> memref<1x1x2x128xi32, #tpu.memory_space<hbm>>
        %dma_start3A_49 = tpu.memref_squeeze %dma_start3A_48 : memref<1x1x2x128xi32, #tpu.memory_space<hbm>> -> memref<2x128xi32, #tpu.memory_space<hbm>>
        %dma_start3A_50 = arith.constant 0 : i32
        %dma_start3A_51 = arith.constant 0 : i32
        %dma_start3A_52 = tpu.memref_slice %arg6[%arg1, %run_scoped3A, %dma_start3A_50, %dma_start3A_51] : memref<16x80x2x128xi32, #tpu.memory_space<hbm>> -> memref<1x1x2x128xi32, #tpu.memory_space<hbm>>
        %dma_start3A_53 = tpu.memref_squeeze %dma_start3A_52 : memref<1x1x2x128xi32, #tpu.memory_space<hbm>> -> memref<2x128xi32, #tpu.memory_space<hbm>>
        tpu.enqueue_dma source(%dma_start3A_53 : memref<2x128xi32, #tpu.memory_space<hbm>>) target(%arg12 : memref<2x128xi32, #tpu.memory_space<vmem>>) target_semaphore(%run_scoped3A_45 : memref<!tpu.dma_semaphore, #tpu.memory_space<semaphore_mem>>)
        %dma_wait3A_54 = arith.constant 0 : i32
        %dma_wait3A_55 = arith.constant 0 : i32
        %dma_wait3A_56 = tpu.memref_slice %arg6[%arg1, %run_scoped3A, %dma_wait3A_54, %dma_wait3A_55] : memref<16x80x2x128xi32, #tpu.memory_space<hbm>> -> memref<1x1x2x128xi32, #tpu.memory_space<hbm>>
        %dma_wait3A_57 = tpu.memref_squeeze %dma_wait3A_56 : memref<1x1x2x128xi32, #tpu.memory_space<hbm>> -> memref<2x128xi32, #tpu.memory_space<hbm>>
        %dma_wait3A_58 = arith.constant 0 : i32
        %dma_wait3A_59 = arith.constant 0 : i32
        %dma_wait3A_60 = tpu.memref_slice %arg6[%arg1, %run_scoped3A, %dma_wait3A_58, %dma_wait3A_59] : memref<16x80x2x128xi32, #tpu.memory_space<hbm>> -> memref<1x1x2x128xi32, #tpu.memory_space<hbm>>
        %dma_wait3A_61 = tpu.memref_squeeze %dma_wait3A_60 : memref<1x1x2x128xi32, #tpu.memory_space<hbm>> -> memref<2x128xi32, #tpu.memory_space<hbm>>
        tpu.wait_dma2 semaphore(%run_scoped3A_45 : memref<!tpu.dma_semaphore, #tpu.memory_space<semaphore_mem>>) src(%dma_wait3A_61 : memref<2x128xi32, #tpu.memory_space<hbm>>) dst(%arg12 : memref<2x128xi32, #tpu.memory_space<vmem>>)
        tpu.yield
      }) : () -> ()
      %dma_start3A = arith.constant 0 : i32
      %dma_start3A_18 = arith.constant 0 : i32
      %dma_start3A_19 = tpu.memref_slice %arg12[%dma_start3A, %dma_start3A_18] : memref<2x128xi32, #tpu.memory_space<vmem>> -> memref<1x128xi32, #tpu.memory_space<vmem>>
      %dma_start3A_20 = tpu.memref_squeeze %dma_start3A_19 : memref<1x128xi32, #tpu.memory_space<vmem>> -> memref<128xi32, #tpu.memory_space<vmem>>
      %dma_start3A_21 = arith.constant 0 : i32
      %dma_start3A_22 = arith.constant 0 : i32
      %dma_start3A_23 = tpu.memref_slice %arg3[%dma_start3A_21, %dma_start3A_22] : memref<10000x128xf32, #tpu.memory_space<hbm>> -> memref<10000x128xf32, #tpu.memory_space<hbm>>
      tpu.enqueue_indirect_dma source(%dma_start3A_23 : memref<10000x128xf32, #tpu.memory_space<hbm>>) target(%arg15 : memref<128x128xf32, #tpu.memory_space<vmem>>) offsets(%dma_start3A_20 : memref<128xi32, #tpu.memory_space<vmem>>) semaphore(%arg20 : memref<!tpu.dma_semaphore, #tpu.memory_space<semaphore_mem>>)
      %run_scoped3A_24 = arith.constant 1 : i32
      "tpu.region"() ({
        %run_scoped3A_45 = tpu.sem_alloc : memref<!tpu.dma_semaphore, #tpu.memory_space<semaphore_mem>>
        %dma_start3A_46 = arith.constant 0 : i32
        %dma_start3A_47 = arith.constant 0 : i32
        %dma_start3A_48 = tpu.memref_slice %arg6[%arg1, %run_scoped3A_24, %dma_start3A_46, %dma_start3A_47] : memref<16x80x2x128xi32, #tpu.memory_space<hbm>> -> memref<1x1x2x128xi32, #tpu.memory_space<hbm>>
        %dma_start3A_49 = tpu.memref_squeeze %dma_start3A_48 : memref<1x1x2x128xi32, #tpu.memory_space<hbm>> -> memref<2x128xi32, #tpu.memory_space<hbm>>
        %dma_start3A_50 = arith.constant 0 : i32
        %dma_start3A_51 = arith.constant 0 : i32
        %dma_start3A_52 = tpu.memref_slice %arg6[%arg1, %run_scoped3A_24, %dma_start3A_50, %dma_start3A_51] : memref<16x80x2x128xi32, #tpu.memory_space<hbm>> -> memref<1x1x2x128xi32, #tpu.memory_space<hbm>>
        %dma_start3A_53 = tpu.memref_squeeze %dma_start3A_52 : memref<1x1x2x128xi32, #tpu.memory_space<hbm>> -> memref<2x128xi32, #tpu.memory_space<hbm>>
        tpu.enqueue_dma source(%dma_start3A_53 : memref<2x128xi32, #tpu.memory_space<hbm>>) target(%arg13 : memref<2x128xi32, #tpu.memory_space<vmem>>) target_semaphore(%run_scoped3A_45 : memref<!tpu.dma_semaphore, #tpu.memory_space<semaphore_mem>>)
        %dma_wait3A_54 = arith.constant 0 : i32
        %dma_wait3A_55 = arith.constant 0 : i32
        %dma_wait3A_56 = tpu.memref_slice %arg6[%arg1, %run_scoped3A_24, %dma_wait3A_54, %dma_wait3A_55] : memref<16x80x2x128xi32, #tpu.memory_space<hbm>> -> memref<1x1x2x128xi32, #tpu.memory_space<hbm>>
        %dma_wait3A_57 = tpu.memref_squeeze %dma_wait3A_56 : memref<1x1x2x128xi32, #tpu.memory_space<hbm>> -> memref<2x128xi32, #tpu.memory_space<hbm>>
        %dma_wait3A_58 = arith.constant 0 : i32
        %dma_wait3A_59 = arith.constant 0 : i32
        %dma_wait3A_60 = tpu.memref_slice %arg6[%arg1, %run_scoped3A_24, %dma_wait3A_58, %dma_wait3A_59] : memref<16x80x2x128xi32, #tpu.memory_space<hbm>> -> memref<1x1x2x128xi32, #tpu.memory_space<hbm>>
        %dma_wait3A_61 = tpu.memref_squeeze %dma_wait3A_60 : memref<1x1x2x128xi32, #tpu.memory_space<hbm>> -> memref<2x128xi32, #tpu.memory_space<hbm>>
        tpu.wait_dma2 semaphore(%run_scoped3A_45 : memref<!tpu.dma_semaphore, #tpu.memory_space<semaphore_mem>>) src(%dma_wait3A_61 : memref<2x128xi32, #tpu.memory_space<hbm>>) dst(%arg13 : memref<2x128xi32, #tpu.memory_space<vmem>>)
        tpu.yield
      }) : () -> ()
      %dma_start3A_25 = arith.constant 0 : i32
      %dma_start3A_26 = arith.constant 0 : i32
      %dma_start3A_27 = tpu.memref_slice %arg13[%dma_start3A_25, %dma_start3A_26] : memref<2x128xi32, #tpu.memory_space<vmem>> -> memref<1x128xi32, #tpu.memory_space<vmem>>
      %dma_start3A_28 = tpu.memref_squeeze %dma_start3A_27 : memref<1x128xi32, #tpu.memory_space<vmem>> -> memref<128xi32, #tpu.memory_space<vmem>>
      %dma_start3A_29 = arith.constant 0 : i32
      %dma_start3A_30 = arith.constant 0 : i32
      %dma_start3A_31 = tpu.memref_slice %arg3[%dma_start3A_29, %dma_start3A_30] : memref<10000x128xf32, #tpu.memory_space<hbm>> -> memref<10000x128xf32, #tpu.memory_space<hbm>>
      tpu.enqueue_indirect_dma source(%dma_start3A_31 : memref<10000x128xf32, #tpu.memory_space<hbm>>) target(%arg16 : memref<128x128xf32, #tpu.memory_space<vmem>>) offsets(%dma_start3A_28 : memref<128xi32, #tpu.memory_space<vmem>>) semaphore(%arg21 : memref<!tpu.dma_semaphore, #tpu.memory_space<semaphore_mem>>)
      %scan3A = arith.constant 0 : i32
      %scan3A_32 = arith.constant 0 : i32
      %scan3A_33 = arith.constant 27 : i32
      %scan3A_34 = arith.addi %scan3A_32, %scan3A_33 : i32
      %scan3A_35 = arith.constant 1 : i32
      scf.for %scan3A_45 = %scan3A_32 to %scan3A_34 step %scan3A_35  : i32 {
        %mul3A_46 = arith.constant 3 : i32
        %mul3A_47 = arith.muli %mul3A_46, %scan3A_45 : i32
        %add3A = arith.constant 0 : i32
        %add3A_48 = arith.addi %mul3A_47, %add3A : i32
        %lt3A = arith.constant 80 : i32
        %lt3A_49 = arith.cmpi slt, %add3A_48, %lt3A : i32
        %convert_element_type3A_50 = arith.extui %lt3A_49 : i1 to i32
        %cond3A_51 = arith.constant 0 : i32
        %cond3A_52 = arith.cmpi ne, %convert_element_type3A_50, %cond3A_51 : i32
        scf.if %cond3A_52 {
          %dma_wait3A_71 = arith.constant 0 : i32
          %dma_wait3A_72 = arith.constant 0 : i32
          %dma_wait3A_73 = tpu.memref_slice %arg12[%dma_wait3A_71, %dma_wait3A_72] : memref<2x128xi32, #tpu.memory_space<vmem>> -> memref<1x128xi32, #tpu.memory_space<vmem>>
          %dma_wait3A_74 = tpu.memref_squeeze %dma_wait3A_73 : memref<1x128xi32, #tpu.memory_space<vmem>> -> memref<128xi32, #tpu.memory_space<vmem>>
          %dma_wait3A_75 = arith.constant 0 : i32
          %dma_wait3A_76 = arith.constant 0 : i32
          %dma_wait3A_77 = tpu.memref_slice %arg3[%dma_wait3A_75, %dma_wait3A_76] : memref<10000x128xf32, #tpu.memory_space<hbm>> -> memref<10000x128xf32, #tpu.memory_space<hbm>>
          tpu.wait_indirect_dma semaphore(%arg20 : memref<!tpu.dma_semaphore, #tpu.memory_space<semaphore_mem>>) src(%dma_wait3A_77 : memref<10000x128xf32, #tpu.memory_space<hbm>>) dst(%arg15 : memref<128x128xf32, #tpu.memory_space<vmem>>)
          %dma_start3A_78 = arith.constant 1 : i32
          %dma_start3A_79 = arith.constant 0 : i32
          %dma_start3A_80 = tpu.memref_slice %arg12[%dma_start3A_78, %dma_start3A_79] : memref<2x128xi32, #tpu.memory_space<vmem>> -> memref<1x128xi32, #tpu.memory_space<vmem>>
          %dma_start3A_81 = tpu.memref_squeeze %dma_start3A_80 : memref<1x128xi32, #tpu.memory_space<vmem>> -> memref<128xi32, #tpu.memory_space<vmem>>
          %dma_start3A_82 = arith.constant 0 : i32
          %dma_start3A_83 = arith.constant 0 : i32
          %dma_start3A_84 = tpu.memref_slice %arg19[%dma_start3A_82, %dma_start3A_83] : memref<10112x128xf32, #tpu.memory_space<vmem_shared>> -> memref<10112x128xf32, #tpu.memory_space<vmem_shared>>
          tpu.enqueue_indirect_dma source(%arg15 : memref<128x128xf32, #tpu.memory_space<vmem>>) target(%dma_start3A_84 : memref<10112x128xf32, #tpu.memory_space<vmem_shared>>) offsets(%dma_start3A_81 : memref<128xi32, #tpu.memory_space<vmem>>) semaphore(%arg23 : memref<!tpu.dma_semaphore, #tpu.memory_space<semaphore_mem>>) {add = true}
          %ge3A = arith.constant 1 : i32
          %ge3A_85 = arith.cmpi sge, %add3A_48, %ge3A : i32
          %convert_element_type3A_86 = arith.extui %ge3A_85 : i1 to i32
          %cond3A_87 = arith.constant 0 : i32
          %cond3A_88 = arith.cmpi ne, %convert_element_type3A_86, %cond3A_87 : i32
          scf.if %cond3A_88 {
            %sub3A = arith.constant 1 : i32
            %sub3A_96 = arith.subi %add3A_48, %sub3A : i32
            %dma_wait3A_97 = arith.constant 1 : i32
            %dma_wait3A_98 = arith.constant 0 : i32
            %dma_wait3A_99 = tpu.memref_slice %arg14[%dma_wait3A_97, %dma_wait3A_98] : memref<2x128xi32, #tpu.memory_space<vmem>> -> memref<1x128xi32, #tpu.memory_space<vmem>>
            %dma_wait3A_100 = tpu.memref_squeeze %dma_wait3A_99 : memref<1x128xi32, #tpu.memory_space<vmem>> -> memref<128xi32, #tpu.memory_space<vmem>>
            %dma_wait3A_101 = arith.constant 0 : i32
            %dma_wait3A_102 = arith.constant 0 : i32
            %dma_wait3A_103 = tpu.memref_slice %arg19[%dma_wait3A_101, %dma_wait3A_102] : memref<10112x128xf32, #tpu.memory_space<vmem_shared>> -> memref<10112x128xf32, #tpu.memory_space<vmem_shared>>
            tpu.wait_indirect_dma semaphore(%arg25 : memref<!tpu.dma_semaphore, #tpu.memory_space<semaphore_mem>>) src(%arg17 : memref<128x128xf32, #tpu.memory_space<vmem>>) dst(%dma_wait3A_103 : memref<10112x128xf32, #tpu.memory_space<vmem_shared>>)
          } else {
          }
          %add3A_89 = arith.constant 2 : i32
          %add3A_90 = arith.addi %add3A_48, %add3A_89 : i32
          %lt3A_91 = arith.constant 80 : i32
          %lt3A_92 = arith.cmpi slt, %add3A_90, %lt3A_91 : i32
          %convert_element_type3A_93 = arith.extui %lt3A_92 : i1 to i32
          %cond3A_94 = arith.constant 0 : i32
          %cond3A_95 = arith.cmpi ne, %convert_element_type3A_93, %cond3A_94 : i32
          scf.if %cond3A_95 {
            %add3A_96 = arith.constant 2 : i32
            %add3A_97 = arith.addi %add3A_48, %add3A_96 : i32
            "tpu.region"() ({
              %run_scoped3A_105 = tpu.sem_alloc : memref<!tpu.dma_semaphore, #tpu.memory_space<semaphore_mem>>
              %dma_start3A_106 = arith.constant 0 : i32
              %dma_start3A_107 = arith.constant 0 : i32
              %dma_start3A_108 = tpu.memref_slice %arg6[%arg1, %add3A_97, %dma_start3A_106, %dma_start3A_107] : memref<16x80x2x128xi32, #tpu.memory_space<hbm>> -> memref<1x1x2x128xi32, #tpu.memory_space<hbm>>
              %dma_start3A_109 = tpu.memref_squeeze %dma_start3A_108 : memref<1x1x2x128xi32, #tpu.memory_space<hbm>> -> memref<2x128xi32, #tpu.memory_space<hbm>>
              %dma_start3A_110 = arith.constant 0 : i32
              %dma_start3A_111 = arith.constant 0 : i32
              %dma_start3A_112 = tpu.memref_slice %arg6[%arg1, %add3A_97, %dma_start3A_110, %dma_start3A_111] : memref<16x80x2x128xi32, #tpu.memory_space<hbm>> -> memref<1x1x2x128xi32, #tpu.memory_space<hbm>>
              %dma_start3A_113 = tpu.memref_squeeze %dma_start3A_112 : memref<1x1x2x128xi32, #tpu.memory_space<hbm>> -> memref<2x128xi32, #tpu.memory_space<hbm>>
              tpu.enqueue_dma source(%dma_start3A_113 : memref<2x128xi32, #tpu.memory_space<hbm>>) target(%arg14 : memref<2x128xi32, #tpu.memory_space<vmem>>) target_semaphore(%run_scoped3A_105 : memref<!tpu.dma_semaphore, #tpu.memory_space<semaphore_mem>>)
              %dma_wait3A_114 = arith.constant 0 : i32
              %dma_wait3A_115 = arith.constant 0 : i32
              %dma_wait3A_116 = tpu.memref_slice %arg6[%arg1, %add3A_97, %dma_wait3A_114, %dma_wait3A_115] : memref<16x80x2x128xi32, #tpu.memory_space<hbm>> -> memref<1x1x2x128xi32, #tpu.memory_space<hbm>>
              %dma_wait3A_117 = tpu.memref_squeeze %dma_wait3A_116 : memref<1x1x2x128xi32, #tpu.memory_space<hbm>> -> memref<2x128xi32, #tpu.memory_space<hbm>>
              %dma_wait3A_118 = arith.constant 0 : i32
              %dma_wait3A_119 = arith.constant 0 : i32
              %dma_wait3A_120 = tpu.memref_slice %arg6[%arg1, %add3A_97, %dma_wait3A_118, %dma_wait3A_119] : memref<16x80x2x128xi32, #tpu.memory_space<hbm>> -> memref<1x1x2x128xi32, #tpu.memory_space<hbm>>
              %dma_wait3A_121 = tpu.memref_squeeze %dma_wait3A_120 : memref<1x1x2x128xi32, #tpu.memory_space<hbm>> -> memref<2x128xi32, #tpu.memory_space<hbm>>
              tpu.wait_dma2 semaphore(%run_scoped3A_105 : memref<!tpu.dma_semaphore, #tpu.memory_space<semaphore_mem>>) src(%dma_wait3A_121 : memref<2x128xi32, #tpu.memory_space<hbm>>) dst(%arg14 : memref<2x128xi32, #tpu.memory_space<vmem>>)
              tpu.yield
            }) : () -> ()
            %dma_start3A_98 = arith.constant 0 : i32
            %dma_start3A_99 = arith.constant 0 : i32
            %dma_start3A_100 = tpu.memref_slice %arg14[%dma_start3A_98, %dma_start3A_99] : memref<2x128xi32, #tpu.memory_space<vmem>> -> memref<1x128xi32, #tpu.memory_space<vmem>>
            %dma_start3A_101 = tpu.memref_squeeze %dma_start3A_100 : memref<1x128xi32, #tpu.memory_space<vmem>> -> memref<128xi32, #tpu.memory_space<vmem>>
            %dma_start3A_102 = arith.constant 0 : i32
            %dma_start3A_103 = arith.constant 0 : i32
            %dma_start3A_104 = tpu.memref_slice %arg3[%dma_start3A_102, %dma_start3A_103] : memref<10000x128xf32, #tpu.memory_space<hbm>> -> memref<10000x128xf32, #tpu.memory_space<hbm>>
            tpu.enqueue_indirect_dma source(%dma_start3A_104 : memref<10000x128xf32, #tpu.memory_space<hbm>>) target(%arg17 : memref<128x128xf32, #tpu.memory_space<vmem>>) offsets(%dma_start3A_101 : memref<128xi32, #tpu.memory_space<vmem>>) semaphore(%arg22 : memref<!tpu.dma_semaphore, #tpu.memory_space<semaphore_mem>>)
          } else {
          }
        } else {
        }
        %mul3A_53 = arith.constant 3 : i32
        %mul3A_54 = arith.muli %mul3A_53, %scan3A_45 : i32
        %add3A_55 = arith.constant 1 : i32
        %add3A_56 = arith.addi %mul3A_54, %add3A_55 : i32
        %lt3A_57 = arith.constant 80 : i32
        %lt3A_58 = arith.cmpi slt, %add3A_56, %lt3A_57 : i32
        %convert_element_type3A_59 = arith.extui %lt3A_58 : i1 to i32
        %cond3A_60 = arith.constant 0 : i32
        %cond3A_61 = arith.cmpi ne, %convert_element_type3A_59, %cond3A_60 : i32
        scf.if %cond3A_61 {
          %dma_wait3A_71 = arith.constant 0 : i32
          %dma_wait3A_72 = arith.constant 0 : i32
          %dma_wait3A_73 = tpu.memref_slice %arg13[%dma_wait3A_71, %dma_wait3A_72] : memref<2x128xi32, #tpu.memory_space<vmem>> -> memref<1x128xi32, #tpu.memory_space<vmem>>
          %dma_wait3A_74 = tpu.memref_squeeze %dma_wait3A_73 : memref<1x128xi32, #tpu.memory_space<vmem>> -> memref<128xi32, #tpu.memory_space<vmem>>
          %dma_wait3A_75 = arith.constant 0 : i32
          %dma_wait3A_76 = arith.constant 0 : i32
          %dma_wait3A_77 = tpu.memref_slice %arg3[%dma_wait3A_75, %dma_wait3A_76] : memref<10000x128xf32, #tpu.memory_space<hbm>> -> memref<10000x128xf32, #tpu.memory_space<hbm>>
          tpu.wait_indirect_dma semaphore(%arg21 : memref<!tpu.dma_semaphore, #tpu.memory_space<semaphore_mem>>) src(%dma_wait3A_77 : memref<10000x128xf32, #tpu.memory_space<hbm>>) dst(%arg16 : memref<128x128xf32, #tpu.memory_space<vmem>>)
          %dma_start3A_78 = arith.constant 1 : i32
          %dma_start3A_79 = arith.constant 0 : i32
          %dma_start3A_80 = tpu.memref_slice %arg13[%dma_start3A_78, %dma_start3A_79] : memref<2x128xi32, #tpu.memory_space<vmem>> -> memref<1x128xi32, #tpu.memory_space<vmem>>
          %dma_start3A_81 = tpu.memref_squeeze %dma_start3A_80 : memref<1x128xi32, #tpu.memory_space<vmem>> -> memref<128xi32, #tpu.memory_space<vmem>>
          %dma_start3A_82 = arith.constant 0 : i32
          %dma_start3A_83 = arith.constant 0 : i32
          %dma_start3A_84 = tpu.memref_slice %arg19[%dma_start3A_82, %dma_start3A_83] : memref<10112x128xf32, #tpu.memory_space<vmem_shared>> -> memref<10112x128xf32, #tpu.memory_space<vmem_shared>>
          tpu.enqueue_indirect_dma source(%arg16 : memref<128x128xf32, #tpu.memory_space<vmem>>) target(%dma_start3A_84 : memref<10112x128xf32, #tpu.memory_space<vmem_shared>>) offsets(%dma_start3A_81 : memref<128xi32, #tpu.memory_space<vmem>>) semaphore(%arg24 : memref<!tpu.dma_semaphore, #tpu.memory_space<semaphore_mem>>) {add = true}
          %ge3A = arith.constant 1 : i32
          %ge3A_85 = arith.cmpi sge, %add3A_56, %ge3A : i32
          %convert_element_type3A_86 = arith.extui %ge3A_85 : i1 to i32
          %cond3A_87 = arith.constant 0 : i32
          %cond3A_88 = arith.cmpi ne, %convert_element_type3A_86, %cond3A_87 : i32
          scf.if %cond3A_88 {
            %sub3A = arith.constant 1 : i32
            %sub3A_96 = arith.subi %add3A_56, %sub3A : i32
            %dma_wait3A_97 = arith.constant 1 : i32
            %dma_wait3A_98 = arith.constant 0 : i32
            %dma_wait3A_99 = tpu.memref_slice %arg12[%dma_wait3A_97, %dma_wait3A_98] : memref<2x128xi32, #tpu.memory_space<vmem>> -> memref<1x128xi32, #tpu.memory_space<vmem>>
            %dma_wait3A_100 = tpu.memref_squeeze %dma_wait3A_99 : memref<1x128xi32, #tpu.memory_space<vmem>> -> memref<128xi32, #tpu.memory_space<vmem>>
            %dma_wait3A_101 = arith.constant 0 : i32
            %dma_wait3A_102 = arith.constant 0 : i32
            %dma_wait3A_103 = tpu.memref_slice %arg19[%dma_wait3A_101, %dma_wait3A_102] : memref<10112x128xf32, #tpu.memory_space<vmem_shared>> -> memref<10112x128xf32, #tpu.memory_space<vmem_shared>>
            tpu.wait_indirect_dma semaphore(%arg23 : memref<!tpu.dma_semaphore, #tpu.memory_space<semaphore_mem>>) src(%arg15 : memref<128x128xf32, #tpu.memory_space<vmem>>) dst(%dma_wait3A_103 : memref<10112x128xf32, #tpu.memory_space<vmem_shared>>)
          } else {
          }
          %add3A_89 = arith.constant 2 : i32
          %add3A_90 = arith.addi %add3A_56, %add3A_89 : i32
          %lt3A_91 = arith.constant 80 : i32
          %lt3A_92 = arith.cmpi slt, %add3A_90, %lt3A_91 : i32
          %convert_element_type3A_93 = arith.extui %lt3A_92 : i1 to i32
          %cond3A_94 = arith.constant 0 : i32
          %cond3A_95 = arith.cmpi ne, %convert_element_type3A_93, %cond3A_94 : i32
          scf.if %cond3A_95 {
            %add3A_96 = arith.constant 2 : i32
            %add3A_97 = arith.addi %add3A_56, %add3A_96 : i32
            "tpu.region"() ({
              %run_scoped3A_105 = tpu.sem_alloc : memref<!tpu.dma_semaphore, #tpu.memory_space<semaphore_mem>>
              %dma_start3A_106 = arith.constant 0 : i32
              %dma_start3A_107 = arith.constant 0 : i32
              %dma_start3A_108 = tpu.memref_slice %arg6[%arg1, %add3A_97, %dma_start3A_106, %dma_start3A_107] : memref<16x80x2x128xi32, #tpu.memory_space<hbm>> -> memref<1x1x2x128xi32, #tpu.memory_space<hbm>>
              %dma_start3A_109 = tpu.memref_squeeze %dma_start3A_108 : memref<1x1x2x128xi32, #tpu.memory_space<hbm>> -> memref<2x128xi32, #tpu.memory_space<hbm>>
              %dma_start3A_110 = arith.constant 0 : i32
              %dma_start3A_111 = arith.constant 0 : i32
              %dma_start3A_112 = tpu.memref_slice %arg6[%arg1, %add3A_97, %dma_start3A_110, %dma_start3A_111] : memref<16x80x2x128xi32, #tpu.memory_space<hbm>> -> memref<1x1x2x128xi32, #tpu.memory_space<hbm>>
              %dma_start3A_113 = tpu.memref_squeeze %dma_start3A_112 : memref<1x1x2x128xi32, #tpu.memory_space<hbm>> -> memref<2x128xi32, #tpu.memory_space<hbm>>
              tpu.enqueue_dma source(%dma_start3A_113 : memref<2x128xi32, #tpu.memory_space<hbm>>) target(%arg12 : memref<2x128xi32, #tpu.memory_space<vmem>>) target_semaphore(%run_scoped3A_105 : memref<!tpu.dma_semaphore, #tpu.memory_space<semaphore_mem>>)
              %dma_wait3A_114 = arith.constant 0 : i32
              %dma_wait3A_115 = arith.constant 0 : i32
              %dma_wait3A_116 = tpu.memref_slice %arg6[%arg1, %add3A_97, %dma_wait3A_114, %dma_wait3A_115] : memref<16x80x2x128xi32, #tpu.memory_space<hbm>> -> memref<1x1x2x128xi32, #tpu.memory_space<hbm>>
              %dma_wait3A_117 = tpu.memref_squeeze %dma_wait3A_116 : memref<1x1x2x128xi32, #tpu.memory_space<hbm>> -> memref<2x128xi32, #tpu.memory_space<hbm>>
              %dma_wait3A_118 = arith.constant 0 : i32
              %dma_wait3A_119 = arith.constant 0 : i32
              %dma_wait3A_120 = tpu.memref_slice %arg6[%arg1, %add3A_97, %dma_wait3A_118, %dma_wait3A_119] : memref<16x80x2x128xi32, #tpu.memory_space<hbm>> -> memref<1x1x2x128xi32, #tpu.memory_space<hbm>>
              %dma_wait3A_121 = tpu.memref_squeeze %dma_wait3A_120 : memref<1x1x2x128xi32, #tpu.memory_space<hbm>> -> memref<2x128xi32, #tpu.memory_space<hbm>>
              tpu.wait_dma2 semaphore(%run_scoped3A_105 : memref<!tpu.dma_semaphore, #tpu.memory_space<semaphore_mem>>) src(%dma_wait3A_121 : memref<2x128xi32, #tpu.memory_space<hbm>>) dst(%arg12 : memref<2x128xi32, #tpu.memory_space<vmem>>)
              tpu.yield
            }) : () -> ()
            %dma_start3A_98 = arith.constant 0 : i32
            %dma_start3A_99 = arith.constant 0 : i32
            %dma_start3A_100 = tpu.memref_slice %arg12[%dma_start3A_98, %dma_start3A_99] : memref<2x128xi32, #tpu.memory_space<vmem>> -> memref<1x128xi32, #tpu.memory_space<vmem>>
            %dma_start3A_101 = tpu.memref_squeeze %dma_start3A_100 : memref<1x128xi32, #tpu.memory_space<vmem>> -> memref<128xi32, #tpu.memory_space<vmem>>
            %dma_start3A_102 = arith.constant 0 : i32
            %dma_start3A_103 = arith.constant 0 : i32
            %dma_start3A_104 = tpu.memref_slice %arg3[%dma_start3A_102, %dma_start3A_103] : memref<10000x128xf32, #tpu.memory_space<hbm>> -> memref<10000x128xf32, #tpu.memory_space<hbm>>
            tpu.enqueue_indirect_dma source(%dma_start3A_104 : memref<10000x128xf32, #tpu.memory_space<hbm>>) target(%arg15 : memref<128x128xf32, #tpu.memory_space<vmem>>) offsets(%dma_start3A_101 : memref<128xi32, #tpu.memory_space<vmem>>) semaphore(%arg20 : memref<!tpu.dma_semaphore, #tpu.memory_space<semaphore_mem>>)
          } else {
          }
        } else {
        }
        %mul3A_62 = arith.constant 3 : i32
        %mul3A_63 = arith.muli %mul3A_62, %scan3A_45 : i32
        %add3A_64 = arith.constant 2 : i32
        %add3A_65 = arith.addi %mul3A_63, %add3A_64 : i32
        %lt3A_66 = arith.constant 80 : i32
        %lt3A_67 = arith.cmpi slt, %add3A_65, %lt3A_66 : i32
        %convert_element_type3A_68 = arith.extui %lt3A_67 : i1 to i32
        %cond3A_69 = arith.constant 0 : i32
        %cond3A_70 = arith.cmpi ne, %convert_element_type3A_68, %cond3A_69 : i32
        scf.if %cond3A_70 {
          %dma_wait3A_71 = arith.constant 0 : i32
          %dma_wait3A_72 = arith.constant 0 : i32
          %dma_wait3A_73 = tpu.memref_slice %arg14[%dma_wait3A_71, %dma_wait3A_72] : memref<2x128xi32, #tpu.memory_space<vmem>> -> memref<1x128xi32, #tpu.memory_space<vmem>>
          %dma_wait3A_74 = tpu.memref_squeeze %dma_wait3A_73 : memref<1x128xi32, #tpu.memory_space<vmem>> -> memref<128xi32, #tpu.memory_space<vmem>>
          %dma_wait3A_75 = arith.constant 0 : i32
          %dma_wait3A_76 = arith.constant 0 : i32
          %dma_wait3A_77 = tpu.memref_slice %arg3[%dma_wait3A_75, %dma_wait3A_76] : memref<10000x128xf32, #tpu.memory_space<hbm>> -> memref<10000x128xf32, #tpu.memory_space<hbm>>
          tpu.wait_indirect_dma semaphore(%arg22 : memref<!tpu.dma_semaphore, #tpu.memory_space<semaphore_mem>>) src(%dma_wait3A_77 : memref<10000x128xf32, #tpu.memory_space<hbm>>) dst(%arg17 : memref<128x128xf32, #tpu.memory_space<vmem>>)
          %dma_start3A_78 = arith.constant 1 : i32
          %dma_start3A_79 = arith.constant 0 : i32
          %dma_start3A_80 = tpu.memref_slice %arg14[%dma_start3A_78, %dma_start3A_79] : memref<2x128xi32, #tpu.memory_space<vmem>> -> memref<1x128xi32, #tpu.memory_space<vmem>>
          %dma_start3A_81 = tpu.memref_squeeze %dma_start3A_80 : memref<1x128xi32, #tpu.memory_space<vmem>> -> memref<128xi32, #tpu.memory_space<vmem>>
          %dma_start3A_82 = arith.constant 0 : i32
          %dma_start3A_83 = arith.constant 0 : i32
          %dma_start3A_84 = tpu.memref_slice %arg19[%dma_start3A_82, %dma_start3A_83] : memref<10112x128xf32, #tpu.memory_space<vmem_shared>> -> memref<10112x128xf32, #tpu.memory_space<vmem_shared>>
          tpu.enqueue_indirect_dma source(%arg17 : memref<128x128xf32, #tpu.memory_space<vmem>>) target(%dma_start3A_84 : memref<10112x128xf32, #tpu.memory_space<vmem_shared>>) offsets(%dma_start3A_81 : memref<128xi32, #tpu.memory_space<vmem>>) semaphore(%arg25 : memref<!tpu.dma_semaphore, #tpu.memory_space<semaphore_mem>>) {add = true}
          %ge3A = arith.constant 1 : i32
          %ge3A_85 = arith.cmpi sge, %add3A_65, %ge3A : i32
          %convert_element_type3A_86 = arith.extui %ge3A_85 : i1 to i32
          %cond3A_87 = arith.constant 0 : i32
          %cond3A_88 = arith.cmpi ne, %convert_element_type3A_86, %cond3A_87 : i32
          scf.if %cond3A_88 {
            %sub3A = arith.constant 1 : i32
            %sub3A_96 = arith.subi %add3A_65, %sub3A : i32
            %dma_wait3A_97 = arith.constant 1 : i32
            %dma_wait3A_98 = arith.constant 0 : i32
            %dma_wait3A_99 = tpu.memref_slice %arg13[%dma_wait3A_97, %dma_wait3A_98] : memref<2x128xi32, #tpu.memory_space<vmem>> -> memref<1x128xi32, #tpu.memory_space<vmem>>
            %dma_wait3A_100 = tpu.memref_squeeze %dma_wait3A_99 : memref<1x128xi32, #tpu.memory_space<vmem>> -> memref<128xi32, #tpu.memory_space<vmem>>
            %dma_wait3A_101 = arith.constant 0 : i32
            %dma_wait3A_102 = arith.constant 0 : i32
            %dma_wait3A_103 = tpu.memref_slice %arg19[%dma_wait3A_101, %dma_wait3A_102] : memref<10112x128xf32, #tpu.memory_space<vmem_shared>> -> memref<10112x128xf32, #tpu.memory_space<vmem_shared>>
            tpu.wait_indirect_dma semaphore(%arg24 : memref<!tpu.dma_semaphore, #tpu.memory_space<semaphore_mem>>) src(%arg16 : memref<128x128xf32, #tpu.memory_space<vmem>>) dst(%dma_wait3A_103 : memref<10112x128xf32, #tpu.memory_space<vmem_shared>>)
          } else {
          }
          %add3A_89 = arith.constant 2 : i32
          %add3A_90 = arith.addi %add3A_65, %add3A_89 : i32
          %lt3A_91 = arith.constant 80 : i32
          %lt3A_92 = arith.cmpi slt, %add3A_90, %lt3A_91 : i32
          %convert_element_type3A_93 = arith.extui %lt3A_92 : i1 to i32
          %cond3A_94 = arith.constant 0 : i32
          %cond3A_95 = arith.cmpi ne, %convert_element_type3A_93, %cond3A_94 : i32
          scf.if %cond3A_95 {
            %add3A_96 = arith.constant 2 : i32
            %add3A_97 = arith.addi %add3A_65, %add3A_96 : i32
            "tpu.region"() ({
              %run_scoped3A_105 = tpu.sem_alloc : memref<!tpu.dma_semaphore, #tpu.memory_space<semaphore_mem>>
              %dma_start3A_106 = arith.constant 0 : i32
              %dma_start3A_107 = arith.constant 0 : i32
              %dma_start3A_108 = tpu.memref_slice %arg6[%arg1, %add3A_97, %dma_start3A_106, %dma_start3A_107] : memref<16x80x2x128xi32, #tpu.memory_space<hbm>> -> memref<1x1x2x128xi32, #tpu.memory_space<hbm>>
              %dma_start3A_109 = tpu.memref_squeeze %dma_start3A_108 : memref<1x1x2x128xi32, #tpu.memory_space<hbm>> -> memref<2x128xi32, #tpu.memory_space<hbm>>
              %dma_start3A_110 = arith.constant 0 : i32
              %dma_start3A_111 = arith.constant 0 : i32
              %dma_start3A_112 = tpu.memref_slice %arg6[%arg1, %add3A_97, %dma_start3A_110, %dma_start3A_111] : memref<16x80x2x128xi32, #tpu.memory_space<hbm>> -> memref<1x1x2x128xi32, #tpu.memory_space<hbm>>
              %dma_start3A_113 = tpu.memref_squeeze %dma_start3A_112 : memref<1x1x2x128xi32, #tpu.memory_space<hbm>> -> memref<2x128xi32, #tpu.memory_space<hbm>>
              tpu.enqueue_dma source(%dma_start3A_113 : memref<2x128xi32, #tpu.memory_space<hbm>>) target(%arg13 : memref<2x128xi32, #tpu.memory_space<vmem>>) target_semaphore(%run_scoped3A_105 : memref<!tpu.dma_semaphore, #tpu.memory_space<semaphore_mem>>)
              %dma_wait3A_114 = arith.constant 0 : i32
              %dma_wait3A_115 = arith.constant 0 : i32
              %dma_wait3A_116 = tpu.memref_slice %arg6[%arg1, %add3A_97, %dma_wait3A_114, %dma_wait3A_115] : memref<16x80x2x128xi32, #tpu.memory_space<hbm>> -> memref<1x1x2x128xi32, #tpu.memory_space<hbm>>
              %dma_wait3A_117 = tpu.memref_squeeze %dma_wait3A_116 : memref<1x1x2x128xi32, #tpu.memory_space<hbm>> -> memref<2x128xi32, #tpu.memory_space<hbm>>
              %dma_wait3A_118 = arith.constant 0 : i32
              %dma_wait3A_119 = arith.constant 0 : i32
              %dma_wait3A_120 = tpu.memref_slice %arg6[%arg1, %add3A_97, %dma_wait3A_118, %dma_wait3A_119] : memref<16x80x2x128xi32, #tpu.memory_space<hbm>> -> memref<1x1x2x128xi32, #tpu.memory_space<hbm>>
              %dma_wait3A_121 = tpu.memref_squeeze %dma_wait3A_120 : memref<1x1x2x128xi32, #tpu.memory_space<hbm>> -> memref<2x128xi32, #tpu.memory_space<hbm>>
              tpu.wait_dma2 semaphore(%run_scoped3A_105 : memref<!tpu.dma_semaphore, #tpu.memory_space<semaphore_mem>>) src(%dma_wait3A_121 : memref<2x128xi32, #tpu.memory_space<hbm>>) dst(%arg13 : memref<2x128xi32, #tpu.memory_space<vmem>>)
              tpu.yield
            }) : () -> ()
            %dma_start3A_98 = arith.constant 0 : i32
            %dma_start3A_99 = arith.constant 0 : i32
            %dma_start3A_100 = tpu.memref_slice %arg13[%dma_start3A_98, %dma_start3A_99] : memref<2x128xi32, #tpu.memory_space<vmem>> -> memref<1x128xi32, #tpu.memory_space<vmem>>
            %dma_start3A_101 = tpu.memref_squeeze %dma_start3A_100 : memref<1x128xi32, #tpu.memory_space<vmem>> -> memref<128xi32, #tpu.memory_space<vmem>>
            %dma_start3A_102 = arith.constant 0 : i32
            %dma_start3A_103 = arith.constant 0 : i32
            %dma_start3A_104 = tpu.memref_slice %arg3[%dma_start3A_102, %dma_start3A_103] : memref<10000x128xf32, #tpu.memory_space<hbm>> -> memref<10000x128xf32, #tpu.memory_space<hbm>>
            tpu.enqueue_indirect_dma source(%dma_start3A_104 : memref<10000x128xf32, #tpu.memory_space<hbm>>) target(%arg16 : memref<128x128xf32, #tpu.memory_space<vmem>>) offsets(%dma_start3A_101 : memref<128xi32, #tpu.memory_space<vmem>>) semaphore(%arg21 : memref<!tpu.dma_semaphore, #tpu.memory_space<semaphore_mem>>)
          } else {
          }
        } else {
        }
      }
      %scan3A_36 = arith.constant 27 : i32
      %dma_wait3A = arith.constant 1 : i32
      %dma_wait3A_37 = arith.constant 0 : i32
      %dma_wait3A_38 = tpu.memref_slice %arg13[%dma_wait3A, %dma_wait3A_37] : memref<2x128xi32, #tpu.memory_space<vmem>> -> memref<1x128xi32, #tpu.memory_space<vmem>>
      %dma_wait3A_39 = tpu.memref_squeeze %dma_wait3A_38 : memref<1x128xi32, #tpu.memory_space<vmem>> -> memref<128xi32, #tpu.memory_space<vmem>>
      %dma_wait3A_40 = arith.constant 0 : i32
      %dma_wait3A_41 = arith.constant 0 : i32
      %dma_wait3A_42 = tpu.memref_slice %arg19[%dma_wait3A_40, %dma_wait3A_41] : memref<10112x128xf32, #tpu.memory_space<vmem_shared>> -> memref<10112x128xf32, #tpu.memory_space<vmem_shared>>
      tpu.wait_indirect_dma semaphore(%arg24 : memref<!tpu.dma_semaphore, #tpu.memory_space<semaphore_mem>>) src(%arg16 : memref<128x128xf32, #tpu.memory_space<vmem>>) dst(%dma_wait3A_42 : memref<10112x128xf32, #tpu.memory_space<vmem_shared>>)
      %barrier3A_43 = arith.constant 0 : index
      tpu.barrier barrier_id(%barrier3A_43)
      "tpu.region"() ({
        %run_scoped3A_45 = tpu.sem_alloc : memref<!tpu.dma_semaphore, #tpu.memory_space<semaphore_mem>>
        %dma_start3A_46 = arith.constant 0 : i32
        %dma_start3A_47 = tpu.memref_slice %arg9[%mul3A_0, %dma_start3A_46] : memref<10112x128xf32, #tpu.memory_space<hbm>> -> memref<632x128xf32, #tpu.memory_space<hbm>>
        %dma_start3A_48 = arith.constant 0 : i32
        %dma_start3A_49 = tpu.memref_slice %arg19[%mul3A_0, %dma_start3A_48] : memref<10112x128xf32, #tpu.memory_space<vmem_shared>> -> memref<632x128xf32, #tpu.memory_space<vmem_shared>>
        tpu.enqueue_dma source(%dma_start3A_49 : memref<632x128xf32, #tpu.memory_space<vmem_shared>>) target(%dma_start3A_47 : memref<632x128xf32, #tpu.memory_space<hbm>>) target_semaphore(%run_scoped3A_45 : memref<!tpu.dma_semaphore, #tpu.memory_space<semaphore_mem>>)
        %dma_wait3A_50 = arith.constant 0 : i32
        %dma_wait3A_51 = tpu.memref_slice %arg9[%mul3A_0, %dma_wait3A_50] : memref<10112x128xf32, #tpu.memory_space<hbm>> -> memref<632x128xf32, #tpu.memory_space<hbm>>
        %dma_wait3A_52 = arith.constant 0 : i32
        %dma_wait3A_53 = tpu.memref_slice %arg19[%mul3A_0, %dma_wait3A_52] : memref<10112x128xf32, #tpu.memory_space<vmem_shared>> -> memref<632x128xf32, #tpu.memory_space<vmem_shared>>
        tpu.wait_dma2 semaphore(%run_scoped3A_45 : memref<!tpu.dma_semaphore, #tpu.memory_space<semaphore_mem>>) src(%dma_wait3A_53 : memref<632x128xf32, #tpu.memory_space<vmem_shared>>) dst(%dma_wait3A_51 : memref<632x128xf32, #tpu.memory_space<hbm>>)
        tpu.yield
      }) : () -> ()
      %barrier3A_44 = arith.constant 0 : index
      tpu.barrier barrier_id(%barrier3A_44)
    } else {
    }
    %eq3A_8 = arith.constant 0 : i32
    %eq3A_9 = arith.cmpi eq, %arg0, %eq3A_8 : i32
    %convert_element_type3A_10 = arith.extui %eq3A_9 : i1 to i32
    %cond3A_11 = arith.constant 0 : i32
    %cond3A_12 = arith.cmpi ne, %convert_element_type3A_10, %cond3A_11 : i32
    scf.if %cond3A_12 {
      "tpu.region"() ({
        %run_scoped3A_45 = tpu.sem_alloc : memref<!tpu.dma_semaphore, #tpu.memory_space<semaphore_mem>>
        %dma_start3A_46 = arith.constant 0 : i32
        %dma_start3A_47 = tpu.memref_slice %arg19[%mul3A_0, %dma_start3A_46] : memref<10112x128xf32, #tpu.memory_space<vmem_shared>> -> memref<632x128xf32, #tpu.memory_space<vmem_shared>>
        tpu.enqueue_dma source(%arg7 : memref<632x128xf32, #tpu.memory_space<hbm>>) target(%dma_start3A_47 : memref<632x128xf32, #tpu.memory_space<vmem_shared>>) target_semaphore(%run_scoped3A_45 : memref<!tpu.dma_semaphore, #tpu.memory_space<semaphore_mem>>)
        %dma_wait3A_48 = arith.constant 0 : i32
        %dma_wait3A_49 = tpu.memref_slice %arg19[%mul3A_0, %dma_wait3A_48] : memref<10112x128xf32, #tpu.memory_space<vmem_shared>> -> memref<632x128xf32, #tpu.memory_space<vmem_shared>>
        tpu.wait_dma2 semaphore(%run_scoped3A_45 : memref<!tpu.dma_semaphore, #tpu.memory_space<semaphore_mem>>) src(%arg7 : memref<632x128xf32, #tpu.memory_space<hbm>>) dst(%dma_wait3A_49 : memref<632x128xf32, #tpu.memory_space<vmem_shared>>)
        tpu.yield
      }) : () -> ()
      %barrier3A = arith.constant 0 : index
      tpu.barrier barrier_id(%barrier3A)
      %run_scoped3A = arith.constant 0 : i32
      "tpu.region"() ({
        %run_scoped3A_45 = tpu.sem_alloc : memref<!tpu.dma_semaphore, #tpu.memory_space<semaphore_mem>>
        %dma_start3A_46 = arith.constant 0 : i32
        %dma_start3A_47 = arith.constant 0 : i32
        %dma_start3A_48 = tpu.memref_slice %arg6[%arg1, %run_scoped3A, %dma_start3A_46, %dma_start3A_47] : memref<16x80x2x128xi32, #tpu.memory_space<hbm>> -> memref<1x1x2x128xi32, #tpu.memory_space<hbm>>
        %dma_start3A_49 = tpu.memref_squeeze %dma_start3A_48 : memref<1x1x2x128xi32, #tpu.memory_space<hbm>> -> memref<2x128xi32, #tpu.memory_space<hbm>>
        %dma_start3A_50 = arith.constant 0 : i32
        %dma_start3A_51 = arith.constant 0 : i32
        %dma_start3A_52 = tpu.memref_slice %arg6[%arg1, %run_scoped3A, %dma_start3A_50, %dma_start3A_51] : memref<16x80x2x128xi32, #tpu.memory_space<hbm>> -> memref<1x1x2x128xi32, #tpu.memory_space<hbm>>
        %dma_start3A_53 = tpu.memref_squeeze %dma_start3A_52 : memref<1x1x2x128xi32, #tpu.memory_space<hbm>> -> memref<2x128xi32, #tpu.memory_space<hbm>>
        tpu.enqueue_dma source(%dma_start3A_53 : memref<2x128xi32, #tpu.memory_space<hbm>>) target(%arg12 : memref<2x128xi32, #tpu.memory_space<vmem>>) target_semaphore(%run_scoped3A_45 : memref<!tpu.dma_semaphore, #tpu.memory_space<semaphore_mem>>)
        %dma_wait3A_54 = arith.constant 0 : i32
        %dma_wait3A_55 = arith.constant 0 : i32
        %dma_wait3A_56 = tpu.memref_slice %arg6[%arg1, %run_scoped3A, %dma_wait3A_54, %dma_wait3A_55] : memref<16x80x2x128xi32, #tpu.memory_space<hbm>> -> memref<1x1x2x128xi32, #tpu.memory_space<hbm>>
        %dma_wait3A_57 = tpu.memref_squeeze %dma_wait3A_56 : memref<1x1x2x128xi32, #tpu.memory_space<hbm>> -> memref<2x128xi32, #tpu.memory_space<hbm>>
        %dma_wait3A_58 = arith.constant 0 : i32
        %dma_wait3A_59 = arith.constant 0 : i32
        %dma_wait3A_60 = tpu.memref_slice %arg6[%arg1, %run_scoped3A, %dma_wait3A_58, %dma_wait3A_59] : memref<16x80x2x128xi32, #tpu.memory_space<hbm>> -> memref<1x1x2x128xi32, #tpu.memory_space<hbm>>
        %dma_wait3A_61 = tpu.memref_squeeze %dma_wait3A_60 : memref<1x1x2x128xi32, #tpu.memory_space<hbm>> -> memref<2x128xi32, #tpu.memory_space<hbm>>
        tpu.wait_dma2 semaphore(%run_scoped3A_45 : memref<!tpu.dma_semaphore, #tpu.memory_space<semaphore_mem>>) src(%dma_wait3A_61 : memref<2x128xi32, #tpu.memory_space<hbm>>) dst(%arg12 : memref<2x128xi32, #tpu.memory_space<vmem>>)
        tpu.yield
      }) : () -> ()
      %dma_start3A = arith.constant 0 : i32
      %dma_start3A_18 = arith.constant 0 : i32
      %dma_start3A_19 = tpu.memref_slice %arg12[%dma_start3A, %dma_start3A_18] : memref<2x128xi32, #tpu.memory_space<vmem>> -> memref<1x128xi32, #tpu.memory_space<vmem>>
      %dma_start3A_20 = tpu.memref_squeeze %dma_start3A_19 : memref<1x128xi32, #tpu.memory_space<vmem>> -> memref<128xi32, #tpu.memory_space<vmem>>
      %dma_start3A_21 = arith.constant 0 : i32
      %dma_start3A_22 = arith.constant 0 : i32
      %dma_start3A_23 = tpu.memref_slice %arg4[%dma_start3A_21, %dma_start3A_22] : memref<10000x128xf32, #tpu.memory_space<hbm>> -> memref<10000x128xf32, #tpu.memory_space<hbm>>
      tpu.enqueue_indirect_dma source(%dma_start3A_23 : memref<10000x128xf32, #tpu.memory_space<hbm>>) target(%arg15 : memref<128x128xf32, #tpu.memory_space<vmem>>) offsets(%dma_start3A_20 : memref<128xi32, #tpu.memory_space<vmem>>) semaphore(%arg20 : memref<!tpu.dma_semaphore, #tpu.memory_space<semaphore_mem>>)
      %run_scoped3A_24 = arith.constant 1 : i32
      "tpu.region"() ({
        %run_scoped3A_45 = tpu.sem_alloc : memref<!tpu.dma_semaphore, #tpu.memory_space<semaphore_mem>>
        %dma_start3A_46 = arith.constant 0 : i32
        %dma_start3A_47 = arith.constant 0 : i32
        %dma_start3A_48 = tpu.memref_slice %arg6[%arg1, %run_scoped3A_24, %dma_start3A_46, %dma_start3A_47] : memref<16x80x2x128xi32, #tpu.memory_space<hbm>> -> memref<1x1x2x128xi32, #tpu.memory_space<hbm>>
        %dma_start3A_49 = tpu.memref_squeeze %dma_start3A_48 : memref<1x1x2x128xi32, #tpu.memory_space<hbm>> -> memref<2x128xi32, #tpu.memory_space<hbm>>
        %dma_start3A_50 = arith.constant 0 : i32
        %dma_start3A_51 = arith.constant 0 : i32
        %dma_start3A_52 = tpu.memref_slice %arg6[%arg1, %run_scoped3A_24, %dma_start3A_50, %dma_start3A_51] : memref<16x80x2x128xi32, #tpu.memory_space<hbm>> -> memref<1x1x2x128xi32, #tpu.memory_space<hbm>>
        %dma_start3A_53 = tpu.memref_squeeze %dma_start3A_52 : memref<1x1x2x128xi32, #tpu.memory_space<hbm>> -> memref<2x128xi32, #tpu.memory_space<hbm>>
        tpu.enqueue_dma source(%dma_start3A_53 : memref<2x128xi32, #tpu.memory_space<hbm>>) target(%arg13 : memref<2x128xi32, #tpu.memory_space<vmem>>) target_semaphore(%run_scoped3A_45 : memref<!tpu.dma_semaphore, #tpu.memory_space<semaphore_mem>>)
        %dma_wait3A_54 = arith.constant 0 : i32
        %dma_wait3A_55 = arith.constant 0 : i32
        %dma_wait3A_56 = tpu.memref_slice %arg6[%arg1, %run_scoped3A_24, %dma_wait3A_54, %dma_wait3A_55] : memref<16x80x2x128xi32, #tpu.memory_space<hbm>> -> memref<1x1x2x128xi32, #tpu.memory_space<hbm>>
        %dma_wait3A_57 = tpu.memref_squeeze %dma_wait3A_56 : memref<1x1x2x128xi32, #tpu.memory_space<hbm>> -> memref<2x128xi32, #tpu.memory_space<hbm>>
        %dma_wait3A_58 = arith.constant 0 : i32
        %dma_wait3A_59 = arith.constant 0 : i32
        %dma_wait3A_60 = tpu.memref_slice %arg6[%arg1, %run_scoped3A_24, %dma_wait3A_58, %dma_wait3A_59] : memref<16x80x2x128xi32, #tpu.memory_space<hbm>> -> memref<1x1x2x128xi32, #tpu.memory_space<hbm>>
        %dma_wait3A_61 = tpu.memref_squeeze %dma_wait3A_60 : memref<1x1x2x128xi32, #tpu.memory_space<hbm>> -> memref<2x128xi32, #tpu.memory_space<hbm>>
        tpu.wait_dma2 semaphore(%run_scoped3A_45 : memref<!tpu.dma_semaphore, #tpu.memory_space<semaphore_mem>>) src(%dma_wait3A_61 : memref<2x128xi32, #tpu.memory_space<hbm>>) dst(%arg13 : memref<2x128xi32, #tpu.memory_space<vmem>>)
        tpu.yield
      }) : () -> ()
      %dma_start3A_25 = arith.constant 0 : i32
      %dma_start3A_26 = arith.constant 0 : i32
      %dma_start3A_27 = tpu.memref_slice %arg13[%dma_start3A_25, %dma_start3A_26] : memref<2x128xi32, #tpu.memory_space<vmem>> -> memref<1x128xi32, #tpu.memory_space<vmem>>
      %dma_start3A_28 = tpu.memref_squeeze %dma_start3A_27 : memref<1x128xi32, #tpu.memory_space<vmem>> -> memref<128xi32, #tpu.memory_space<vmem>>
      %dma_start3A_29 = arith.constant 0 : i32
      %dma_start3A_30 = arith.constant 0 : i32
      %dma_start3A_31 = tpu.memref_slice %arg4[%dma_start3A_29, %dma_start3A_30] : memref<10000x128xf32, #tpu.memory_space<hbm>> -> memref<10000x128xf32, #tpu.memory_space<hbm>>
      tpu.enqueue_indirect_dma source(%dma_start3A_31 : memref<10000x128xf32, #tpu.memory_space<hbm>>) target(%arg16 : memref<128x128xf32, #tpu.memory_space<vmem>>) offsets(%dma_start3A_28 : memref<128xi32, #tpu.memory_space<vmem>>) semaphore(%arg21 : memref<!tpu.dma_semaphore, #tpu.memory_space<semaphore_mem>>)
      %scan3A = arith.constant 0 : i32
      %scan3A_32 = arith.constant 0 : i32
      %scan3A_33 = arith.constant 27 : i32
      %scan3A_34 = arith.addi %scan3A_32, %scan3A_33 : i32
      %scan3A_35 = arith.constant 1 : i32
      scf.for %scan3A_45 = %scan3A_32 to %scan3A_34 step %scan3A_35  : i32 {
        %mul3A_46 = arith.constant 3 : i32
        %mul3A_47 = arith.muli %mul3A_46, %scan3A_45 : i32
        %add3A = arith.constant 0 : i32
        %add3A_48 = arith.addi %mul3A_47, %add3A : i32
        %lt3A = arith.constant 80 : i32
        %lt3A_49 = arith.cmpi slt, %add3A_48, %lt3A : i32
        %convert_element_type3A_50 = arith.extui %lt3A_49 : i1 to i32
        %cond3A_51 = arith.constant 0 : i32
        %cond3A_52 = arith.cmpi ne, %convert_element_type3A_50, %cond3A_51 : i32
        scf.if %cond3A_52 {
          %dma_wait3A_71 = arith.constant 0 : i32
          %dma_wait3A_72 = arith.constant 0 : i32
          %dma_wait3A_73 = tpu.memref_slice %arg12[%dma_wait3A_71, %dma_wait3A_72] : memref<2x128xi32, #tpu.memory_space<vmem>> -> memref<1x128xi32, #tpu.memory_space<vmem>>
          %dma_wait3A_74 = tpu.memref_squeeze %dma_wait3A_73 : memref<1x128xi32, #tpu.memory_space<vmem>> -> memref<128xi32, #tpu.memory_space<vmem>>
          %dma_wait3A_75 = arith.constant 0 : i32
          %dma_wait3A_76 = arith.constant 0 : i32
          %dma_wait3A_77 = tpu.memref_slice %arg4[%dma_wait3A_75, %dma_wait3A_76] : memref<10000x128xf32, #tpu.memory_space<hbm>> -> memref<10000x128xf32, #tpu.memory_space<hbm>>
          tpu.wait_indirect_dma semaphore(%arg20 : memref<!tpu.dma_semaphore, #tpu.memory_space<semaphore_mem>>) src(%dma_wait3A_77 : memref<10000x128xf32, #tpu.memory_space<hbm>>) dst(%arg15 : memref<128x128xf32, #tpu.memory_space<vmem>>)
          %dma_start3A_78 = arith.constant 1 : i32
          %dma_start3A_79 = arith.constant 0 : i32
          %dma_start3A_80 = tpu.memref_slice %arg12[%dma_start3A_78, %dma_start3A_79] : memref<2x128xi32, #tpu.memory_space<vmem>> -> memref<1x128xi32, #tpu.memory_space<vmem>>
          %dma_start3A_81 = tpu.memref_squeeze %dma_start3A_80 : memref<1x128xi32, #tpu.memory_space<vmem>> -> memref<128xi32, #tpu.memory_space<vmem>>
          %dma_start3A_82 = arith.constant 0 : i32
          %dma_start3A_83 = arith.constant 0 : i32
          %dma_start3A_84 = tpu.memref_slice %arg19[%dma_start3A_82, %dma_start3A_83] : memref<10112x128xf32, #tpu.memory_space<vmem_shared>> -> memref<10112x128xf32, #tpu.memory_space<vmem_shared>>
          tpu.enqueue_indirect_dma source(%arg15 : memref<128x128xf32, #tpu.memory_space<vmem>>) target(%dma_start3A_84 : memref<10112x128xf32, #tpu.memory_space<vmem_shared>>) offsets(%dma_start3A_81 : memref<128xi32, #tpu.memory_space<vmem>>) semaphore(%arg23 : memref<!tpu.dma_semaphore, #tpu.memory_space<semaphore_mem>>) {add = true}
          %ge3A = arith.constant 1 : i32
          %ge3A_85 = arith.cmpi sge, %add3A_48, %ge3A : i32
          %convert_element_type3A_86 = arith.extui %ge3A_85 : i1 to i32
          %cond3A_87 = arith.constant 0 : i32
          %cond3A_88 = arith.cmpi ne, %convert_element_type3A_86, %cond3A_87 : i32
          scf.if %cond3A_88 {
            %sub3A = arith.constant 1 : i32
            %sub3A_96 = arith.subi %add3A_48, %sub3A : i32
            %dma_wait3A_97 = arith.constant 1 : i32
            %dma_wait3A_98 = arith.constant 0 : i32
            %dma_wait3A_99 = tpu.memref_slice %arg14[%dma_wait3A_97, %dma_wait3A_98] : memref<2x128xi32, #tpu.memory_space<vmem>> -> memref<1x128xi32, #tpu.memory_space<vmem>>
            %dma_wait3A_100 = tpu.memref_squeeze %dma_wait3A_99 : memref<1x128xi32, #tpu.memory_space<vmem>> -> memref<128xi32, #tpu.memory_space<vmem>>
            %dma_wait3A_101 = arith.constant 0 : i32
            %dma_wait3A_102 = arith.constant 0 : i32
            %dma_wait3A_103 = tpu.memref_slice %arg19[%dma_wait3A_101, %dma_wait3A_102] : memref<10112x128xf32, #tpu.memory_space<vmem_shared>> -> memref<10112x128xf32, #tpu.memory_space<vmem_shared>>
            tpu.wait_indirect_dma semaphore(%arg25 : memref<!tpu.dma_semaphore, #tpu.memory_space<semaphore_mem>>) src(%arg17 : memref<128x128xf32, #tpu.memory_space<vmem>>) dst(%dma_wait3A_103 : memref<10112x128xf32, #tpu.memory_space<vmem_shared>>)
          } else {
          }
          %add3A_89 = arith.constant 2 : i32
          %add3A_90 = arith.addi %add3A_48, %add3A_89 : i32
          %lt3A_91 = arith.constant 80 : i32
          %lt3A_92 = arith.cmpi slt, %add3A_90, %lt3A_91 : i32
          %convert_element_type3A_93 = arith.extui %lt3A_92 : i1 to i32
          %cond3A_94 = arith.constant 0 : i32
          %cond3A_95 = arith.cmpi ne, %convert_element_type3A_93, %cond3A_94 : i32
          scf.if %cond3A_95 {
            %add3A_96 = arith.constant 2 : i32
            %add3A_97 = arith.addi %add3A_48, %add3A_96 : i32
            "tpu.region"() ({
              %run_scoped3A_105 = tpu.sem_alloc : memref<!tpu.dma_semaphore, #tpu.memory_space<semaphore_mem>>
              %dma_start3A_106 = arith.constant 0 : i32
              %dma_start3A_107 = arith.constant 0 : i32
              %dma_start3A_108 = tpu.memref_slice %arg6[%arg1, %add3A_97, %dma_start3A_106, %dma_start3A_107] : memref<16x80x2x128xi32, #tpu.memory_space<hbm>> -> memref<1x1x2x128xi32, #tpu.memory_space<hbm>>
              %dma_start3A_109 = tpu.memref_squeeze %dma_start3A_108 : memref<1x1x2x128xi32, #tpu.memory_space<hbm>> -> memref<2x128xi32, #tpu.memory_space<hbm>>
              %dma_start3A_110 = arith.constant 0 : i32
              %dma_start3A_111 = arith.constant 0 : i32
              %dma_start3A_112 = tpu.memref_slice %arg6[%arg1, %add3A_97, %dma_start3A_110, %dma_start3A_111] : memref<16x80x2x128xi32, #tpu.memory_space<hbm>> -> memref<1x1x2x128xi32, #tpu.memory_space<hbm>>
              %dma_start3A_113 = tpu.memref_squeeze %dma_start3A_112 : memref<1x1x2x128xi32, #tpu.memory_space<hbm>> -> memref<2x128xi32, #tpu.memory_space<hbm>>
              tpu.enqueue_dma source(%dma_start3A_113 : memref<2x128xi32, #tpu.memory_space<hbm>>) target(%arg14 : memref<2x128xi32, #tpu.memory_space<vmem>>) target_semaphore(%run_scoped3A_105 : memref<!tpu.dma_semaphore, #tpu.memory_space<semaphore_mem>>)
              %dma_wait3A_114 = arith.constant 0 : i32
              %dma_wait3A_115 = arith.constant 0 : i32
              %dma_wait3A_116 = tpu.memref_slice %arg6[%arg1, %add3A_97, %dma_wait3A_114, %dma_wait3A_115] : memref<16x80x2x128xi32, #tpu.memory_space<hbm>> -> memref<1x1x2x128xi32, #tpu.memory_space<hbm>>
              %dma_wait3A_117 = tpu.memref_squeeze %dma_wait3A_116 : memref<1x1x2x128xi32, #tpu.memory_space<hbm>> -> memref<2x128xi32, #tpu.memory_space<hbm>>
              %dma_wait3A_118 = arith.constant 0 : i32
              %dma_wait3A_119 = arith.constant 0 : i32
              %dma_wait3A_120 = tpu.memref_slice %arg6[%arg1, %add3A_97, %dma_wait3A_118, %dma_wait3A_119] : memref<16x80x2x128xi32, #tpu.memory_space<hbm>> -> memref<1x1x2x128xi32, #tpu.memory_space<hbm>>
              %dma_wait3A_121 = tpu.memref_squeeze %dma_wait3A_120 : memref<1x1x2x128xi32, #tpu.memory_space<hbm>> -> memref<2x128xi32, #tpu.memory_space<hbm>>
              tpu.wait_dma2 semaphore(%run_scoped3A_105 : memref<!tpu.dma_semaphore, #tpu.memory_space<semaphore_mem>>) src(%dma_wait3A_121 : memref<2x128xi32, #tpu.memory_space<hbm>>) dst(%arg14 : memref<2x128xi32, #tpu.memory_space<vmem>>)
              tpu.yield
            }) : () -> ()
            %dma_start3A_98 = arith.constant 0 : i32
            %dma_start3A_99 = arith.constant 0 : i32
            %dma_start3A_100 = tpu.memref_slice %arg14[%dma_start3A_98, %dma_start3A_99] : memref<2x128xi32, #tpu.memory_space<vmem>> -> memref<1x128xi32, #tpu.memory_space<vmem>>
            %dma_start3A_101 = tpu.memref_squeeze %dma_start3A_100 : memref<1x128xi32, #tpu.memory_space<vmem>> -> memref<128xi32, #tpu.memory_space<vmem>>
            %dma_start3A_102 = arith.constant 0 : i32
            %dma_start3A_103 = arith.constant 0 : i32
            %dma_start3A_104 = tpu.memref_slice %arg4[%dma_start3A_102, %dma_start3A_103] : memref<10000x128xf32, #tpu.memory_space<hbm>> -> memref<10000x128xf32, #tpu.memory_space<hbm>>
            tpu.enqueue_indirect_dma source(%dma_start3A_104 : memref<10000x128xf32, #tpu.memory_space<hbm>>) target(%arg17 : memref<128x128xf32, #tpu.memory_space<vmem>>) offsets(%dma_start3A_101 : memref<128xi32, #tpu.memory_space<vmem>>) semaphore(%arg22 : memref<!tpu.dma_semaphore, #tpu.memory_space<semaphore_mem>>)
          } else {
          }
        } else {
        }
        %mul3A_53 = arith.constant 3 : i32
        %mul3A_54 = arith.muli %mul3A_53, %scan3A_45 : i32
        %add3A_55 = arith.constant 1 : i32
        %add3A_56 = arith.addi %mul3A_54, %add3A_55 : i32
        %lt3A_57 = arith.constant 80 : i32
        %lt3A_58 = arith.cmpi slt, %add3A_56, %lt3A_57 : i32
        %convert_element_type3A_59 = arith.extui %lt3A_58 : i1 to i32
        %cond3A_60 = arith.constant 0 : i32
        %cond3A_61 = arith.cmpi ne, %convert_element_type3A_59, %cond3A_60 : i32
        scf.if %cond3A_61 {
          %dma_wait3A_71 = arith.constant 0 : i32
          %dma_wait3A_72 = arith.constant 0 : i32
          %dma_wait3A_73 = tpu.memref_slice %arg13[%dma_wait3A_71, %dma_wait3A_72] : memref<2x128xi32, #tpu.memory_space<vmem>> -> memref<1x128xi32, #tpu.memory_space<vmem>>
          %dma_wait3A_74 = tpu.memref_squeeze %dma_wait3A_73 : memref<1x128xi32, #tpu.memory_space<vmem>> -> memref<128xi32, #tpu.memory_space<vmem>>
          %dma_wait3A_75 = arith.constant 0 : i32
          %dma_wait3A_76 = arith.constant 0 : i32
          %dma_wait3A_77 = tpu.memref_slice %arg4[%dma_wait3A_75, %dma_wait3A_76] : memref<10000x128xf32, #tpu.memory_space<hbm>> -> memref<10000x128xf32, #tpu.memory_space<hbm>>
          tpu.wait_indirect_dma semaphore(%arg21 : memref<!tpu.dma_semaphore, #tpu.memory_space<semaphore_mem>>) src(%dma_wait3A_77 : memref<10000x128xf32, #tpu.memory_space<hbm>>) dst(%arg16 : memref<128x128xf32, #tpu.memory_space<vmem>>)
          %dma_start3A_78 = arith.constant 1 : i32
          %dma_start3A_79 = arith.constant 0 : i32
          %dma_start3A_80 = tpu.memref_slice %arg13[%dma_start3A_78, %dma_start3A_79] : memref<2x128xi32, #tpu.memory_space<vmem>> -> memref<1x128xi32, #tpu.memory_space<vmem>>
          %dma_start3A_81 = tpu.memref_squeeze %dma_start3A_80 : memref<1x128xi32, #tpu.memory_space<vmem>> -> memref<128xi32, #tpu.memory_space<vmem>>
          %dma_start3A_82 = arith.constant 0 : i32
          %dma_start3A_83 = arith.constant 0 : i32
          %dma_start3A_84 = tpu.memref_slice %arg19[%dma_start3A_82, %dma_start3A_83] : memref<10112x128xf32, #tpu.memory_space<vmem_shared>> -> memref<10112x128xf32, #tpu.memory_space<vmem_shared>>
          tpu.enqueue_indirect_dma source(%arg16 : memref<128x128xf32, #tpu.memory_space<vmem>>) target(%dma_start3A_84 : memref<10112x128xf32, #tpu.memory_space<vmem_shared>>) offsets(%dma_start3A_81 : memref<128xi32, #tpu.memory_space<vmem>>) semaphore(%arg24 : memref<!tpu.dma_semaphore, #tpu.memory_space<semaphore_mem>>) {add = true}
          %ge3A = arith.constant 1 : i32
          %ge3A_85 = arith.cmpi sge, %add3A_56, %ge3A : i32
          %convert_element_type3A_86 = arith.extui %ge3A_85 : i1 to i32
          %cond3A_87 = arith.constant 0 : i32
          %cond3A_88 = arith.cmpi ne, %convert_element_type3A_86, %cond3A_87 : i32
          scf.if %cond3A_88 {
            %sub3A = arith.constant 1 : i32
            %sub3A_96 = arith.subi %add3A_56, %sub3A : i32
            %dma_wait3A_97 = arith.constant 1 : i32
            %dma_wait3A_98 = arith.constant 0 : i32
            %dma_wait3A_99 = tpu.memref_slice %arg12[%dma_wait3A_97, %dma_wait3A_98] : memref<2x128xi32, #tpu.memory_space<vmem>> -> memref<1x128xi32, #tpu.memory_space<vmem>>
            %dma_wait3A_100 = tpu.memref_squeeze %dma_wait3A_99 : memref<1x128xi32, #tpu.memory_space<vmem>> -> memref<128xi32, #tpu.memory_space<vmem>>
            %dma_wait3A_101 = arith.constant 0 : i32
            %dma_wait3A_102 = arith.constant 0 : i32
            %dma_wait3A_103 = tpu.memref_slice %arg19[%dma_wait3A_101, %dma_wait3A_102] : memref<10112x128xf32, #tpu.memory_space<vmem_shared>> -> memref<10112x128xf32, #tpu.memory_space<vmem_shared>>
            tpu.wait_indirect_dma semaphore(%arg23 : memref<!tpu.dma_semaphore, #tpu.memory_space<semaphore_mem>>) src(%arg15 : memref<128x128xf32, #tpu.memory_space<vmem>>) dst(%dma_wait3A_103 : memref<10112x128xf32, #tpu.memory_space<vmem_shared>>)
          } else {
          }
          %add3A_89 = arith.constant 2 : i32
          %add3A_90 = arith.addi %add3A_56, %add3A_89 : i32
          %lt3A_91 = arith.constant 80 : i32
          %lt3A_92 = arith.cmpi slt, %add3A_90, %lt3A_91 : i32
          %convert_element_type3A_93 = arith.extui %lt3A_92 : i1 to i32
          %cond3A_94 = arith.constant 0 : i32
          %cond3A_95 = arith.cmpi ne, %convert_element_type3A_93, %cond3A_94 : i32
          scf.if %cond3A_95 {
            %add3A_96 = arith.constant 2 : i32
            %add3A_97 = arith.addi %add3A_56, %add3A_96 : i32
            "tpu.region"() ({
              %run_scoped3A_105 = tpu.sem_alloc : memref<!tpu.dma_semaphore, #tpu.memory_space<semaphore_mem>>
              %dma_start3A_106 = arith.constant 0 : i32
              %dma_start3A_107 = arith.constant 0 : i32
              %dma_start3A_108 = tpu.memref_slice %arg6[%arg1, %add3A_97, %dma_start3A_106, %dma_start3A_107] : memref<16x80x2x128xi32, #tpu.memory_space<hbm>> -> memref<1x1x2x128xi32, #tpu.memory_space<hbm>>
              %dma_start3A_109 = tpu.memref_squeeze %dma_start3A_108 : memref<1x1x2x128xi32, #tpu.memory_space<hbm>> -> memref<2x128xi32, #tpu.memory_space<hbm>>
              %dma_start3A_110 = arith.constant 0 : i32
              %dma_start3A_111 = arith.constant 0 : i32
              %dma_start3A_112 = tpu.memref_slice %arg6[%arg1, %add3A_97, %dma_start3A_110, %dma_start3A_111] : memref<16x80x2x128xi32, #tpu.memory_space<hbm>> -> memref<1x1x2x128xi32, #tpu.memory_space<hbm>>
              %dma_start3A_113 = tpu.memref_squeeze %dma_start3A_112 : memref<1x1x2x128xi32, #tpu.memory_space<hbm>> -> memref<2x128xi32, #tpu.memory_space<hbm>>
              tpu.enqueue_dma source(%dma_start3A_113 : memref<2x128xi32, #tpu.memory_space<hbm>>) target(%arg12 : memref<2x128xi32, #tpu.memory_space<vmem>>) target_semaphore(%run_scoped3A_105 : memref<!tpu.dma_semaphore, #tpu.memory_space<semaphore_mem>>)
              %dma_wait3A_114 = arith.constant 0 : i32
              %dma_wait3A_115 = arith.constant 0 : i32
              %dma_wait3A_116 = tpu.memref_slice %arg6[%arg1, %add3A_97, %dma_wait3A_114, %dma_wait3A_115] : memref<16x80x2x128xi32, #tpu.memory_space<hbm>> -> memref<1x1x2x128xi32, #tpu.memory_space<hbm>>
              %dma_wait3A_117 = tpu.memref_squeeze %dma_wait3A_116 : memref<1x1x2x128xi32, #tpu.memory_space<hbm>> -> memref<2x128xi32, #tpu.memory_space<hbm>>
              %dma_wait3A_118 = arith.constant 0 : i32
              %dma_wait3A_119 = arith.constant 0 : i32
              %dma_wait3A_120 = tpu.memref_slice %arg6[%arg1, %add3A_97, %dma_wait3A_118, %dma_wait3A_119] : memref<16x80x2x128xi32, #tpu.memory_space<hbm>> -> memref<1x1x2x128xi32, #tpu.memory_space<hbm>>
              %dma_wait3A_121 = tpu.memref_squeeze %dma_wait3A_120 : memref<1x1x2x128xi32, #tpu.memory_space<hbm>> -> memref<2x128xi32, #tpu.memory_space<hbm>>
              tpu.wait_dma2 semaphore(%run_scoped3A_105 : memref<!tpu.dma_semaphore, #tpu.memory_space<semaphore_mem>>) src(%dma_wait3A_121 : memref<2x128xi32, #tpu.memory_space<hbm>>) dst(%arg12 : memref<2x128xi32, #tpu.memory_space<vmem>>)
              tpu.yield
            }) : () -> ()
            %dma_start3A_98 = arith.constant 0 : i32
            %dma_start3A_99 = arith.constant 0 : i32
            %dma_start3A_100 = tpu.memref_slice %arg12[%dma_start3A_98, %dma_start3A_99] : memref<2x128xi32, #tpu.memory_space<vmem>> -> memref<1x128xi32, #tpu.memory_space<vmem>>
            %dma_start3A_101 = tpu.memref_squeeze %dma_start3A_100 : memref<1x128xi32, #tpu.memory_space<vmem>> -> memref<128xi32, #tpu.memory_space<vmem>>
            %dma_start3A_102 = arith.constant 0 : i32
            %dma_start3A_103 = arith.constant 0 : i32
            %dma_start3A_104 = tpu.memref_slice %arg4[%dma_start3A_102, %dma_start3A_103] : memref<10000x128xf32, #tpu.memory_space<hbm>> -> memref<10000x128xf32, #tpu.memory_space<hbm>>
            tpu.enqueue_indirect_dma source(%dma_start3A_104 : memref<10000x128xf32, #tpu.memory_space<hbm>>) target(%arg15 : memref<128x128xf32, #tpu.memory_space<vmem>>) offsets(%dma_start3A_101 : memref<128xi32, #tpu.memory_space<vmem>>) semaphore(%arg20 : memref<!tpu.dma_semaphore, #tpu.memory_space<semaphore_mem>>)
          } else {
          }
        } else {
        }
        %mul3A_62 = arith.constant 3 : i32
        %mul3A_63 = arith.muli %mul3A_62, %scan3A_45 : i32
        %add3A_64 = arith.constant 2 : i32
        %add3A_65 = arith.addi %mul3A_63, %add3A_64 : i32
        %lt3A_66 = arith.constant 80 : i32
        %lt3A_67 = arith.cmpi slt, %add3A_65, %lt3A_66 : i32
        %convert_element_type3A_68 = arith.extui %lt3A_67 : i1 to i32
        %cond3A_69 = arith.constant 0 : i32
        %cond3A_70 = arith.cmpi ne, %convert_element_type3A_68, %cond3A_69 : i32
        scf.if %cond3A_70 {
          %dma_wait3A_71 = arith.constant 0 : i32
          %dma_wait3A_72 = arith.constant 0 : i32
          %dma_wait3A_73 = tpu.memref_slice %arg14[%dma_wait3A_71, %dma_wait3A_72] : memref<2x128xi32, #tpu.memory_space<vmem>> -> memref<1x128xi32, #tpu.memory_space<vmem>>
          %dma_wait3A_74 = tpu.memref_squeeze %dma_wait3A_73 : memref<1x128xi32, #tpu.memory_space<vmem>> -> memref<128xi32, #tpu.memory_space<vmem>>
          %dma_wait3A_75 = arith.constant 0 : i32
          %dma_wait3A_76 = arith.constant 0 : i32
          %dma_wait3A_77 = tpu.memref_slice %arg4[%dma_wait3A_75, %dma_wait3A_76] : memref<10000x128xf32, #tpu.memory_space<hbm>> -> memref<10000x128xf32, #tpu.memory_space<hbm>>
          tpu.wait_indirect_dma semaphore(%arg22 : memref<!tpu.dma_semaphore, #tpu.memory_space<semaphore_mem>>) src(%dma_wait3A_77 : memref<10000x128xf32, #tpu.memory_space<hbm>>) dst(%arg17 : memref<128x128xf32, #tpu.memory_space<vmem>>)
          %dma_start3A_78 = arith.constant 1 : i32
          %dma_start3A_79 = arith.constant 0 : i32
          %dma_start3A_80 = tpu.memref_slice %arg14[%dma_start3A_78, %dma_start3A_79] : memref<2x128xi32, #tpu.memory_space<vmem>> -> memref<1x128xi32, #tpu.memory_space<vmem>>
          %dma_start3A_81 = tpu.memref_squeeze %dma_start3A_80 : memref<1x128xi32, #tpu.memory_space<vmem>> -> memref<128xi32, #tpu.memory_space<vmem>>
          %dma_start3A_82 = arith.constant 0 : i32
          %dma_start3A_83 = arith.constant 0 : i32
          %dma_start3A_84 = tpu.memref_slice %arg19[%dma_start3A_82, %dma_start3A_83] : memref<10112x128xf32, #tpu.memory_space<vmem_shared>> -> memref<10112x128xf32, #tpu.memory_space<vmem_shared>>
          tpu.enqueue_indirect_dma source(%arg17 : memref<128x128xf32, #tpu.memory_space<vmem>>) target(%dma_start3A_84 : memref<10112x128xf32, #tpu.memory_space<vmem_shared>>) offsets(%dma_start3A_81 : memref<128xi32, #tpu.memory_space<vmem>>) semaphore(%arg25 : memref<!tpu.dma_semaphore, #tpu.memory_space<semaphore_mem>>) {add = true}
          %ge3A = arith.constant 1 : i32
          %ge3A_85 = arith.cmpi sge, %add3A_65, %ge3A : i32
          %convert_element_type3A_86 = arith.extui %ge3A_85 : i1 to i32
          %cond3A_87 = arith.constant 0 : i32
          %cond3A_88 = arith.cmpi ne, %convert_element_type3A_86, %cond3A_87 : i32
          scf.if %cond3A_88 {
            %sub3A = arith.constant 1 : i32
            %sub3A_96 = arith.subi %add3A_65, %sub3A : i32
            %dma_wait3A_97 = arith.constant 1 : i32
            %dma_wait3A_98 = arith.constant 0 : i32
            %dma_wait3A_99 = tpu.memref_slice %arg13[%dma_wait3A_97, %dma_wait3A_98] : memref<2x128xi32, #tpu.memory_space<vmem>> -> memref<1x128xi32, #tpu.memory_space<vmem>>
            %dma_wait3A_100 = tpu.memref_squeeze %dma_wait3A_99 : memref<1x128xi32, #tpu.memory_space<vmem>> -> memref<128xi32, #tpu.memory_space<vmem>>
            %dma_wait3A_101 = arith.constant 0 : i32
            %dma_wait3A_102 = arith.constant 0 : i32
            %dma_wait3A_103 = tpu.memref_slice %arg19[%dma_wait3A_101, %dma_wait3A_102] : memref<10112x128xf32, #tpu.memory_space<vmem_shared>> -> memref<10112x128xf32, #tpu.memory_space<vmem_shared>>
            tpu.wait_indirect_dma semaphore(%arg24 : memref<!tpu.dma_semaphore, #tpu.memory_space<semaphore_mem>>) src(%arg16 : memref<128x128xf32, #tpu.memory_space<vmem>>) dst(%dma_wait3A_103 : memref<10112x128xf32, #tpu.memory_space<vmem_shared>>)
          } else {
          }
          %add3A_89 = arith.constant 2 : i32
          %add3A_90 = arith.addi %add3A_65, %add3A_89 : i32
          %lt3A_91 = arith.constant 80 : i32
          %lt3A_92 = arith.cmpi slt, %add3A_90, %lt3A_91 : i32
          %convert_element_type3A_93 = arith.extui %lt3A_92 : i1 to i32
          %cond3A_94 = arith.constant 0 : i32
          %cond3A_95 = arith.cmpi ne, %convert_element_type3A_93, %cond3A_94 : i32
          scf.if %cond3A_95 {
            %add3A_96 = arith.constant 2 : i32
            %add3A_97 = arith.addi %add3A_65, %add3A_96 : i32
            "tpu.region"() ({
              %run_scoped3A_105 = tpu.sem_alloc : memref<!tpu.dma_semaphore, #tpu.memory_space<semaphore_mem>>
              %dma_start3A_106 = arith.constant 0 : i32
              %dma_start3A_107 = arith.constant 0 : i32
              %dma_start3A_108 = tpu.memref_slice %arg6[%arg1, %add3A_97, %dma_start3A_106, %dma_start3A_107] : memref<16x80x2x128xi32, #tpu.memory_space<hbm>> -> memref<1x1x2x128xi32, #tpu.memory_space<hbm>>
              %dma_start3A_109 = tpu.memref_squeeze %dma_start3A_108 : memref<1x1x2x128xi32, #tpu.memory_space<hbm>> -> memref<2x128xi32, #tpu.memory_space<hbm>>
              %dma_start3A_110 = arith.constant 0 : i32
              %dma_start3A_111 = arith.constant 0 : i32
              %dma_start3A_112 = tpu.memref_slice %arg6[%arg1, %add3A_97, %dma_start3A_110, %dma_start3A_111] : memref<16x80x2x128xi32, #tpu.memory_space<hbm>> -> memref<1x1x2x128xi32, #tpu.memory_space<hbm>>
              %dma_start3A_113 = tpu.memref_squeeze %dma_start3A_112 : memref<1x1x2x128xi32, #tpu.memory_space<hbm>> -> memref<2x128xi32, #tpu.memory_space<hbm>>
              tpu.enqueue_dma source(%dma_start3A_113 : memref<2x128xi32, #tpu.memory_space<hbm>>) target(%arg13 : memref<2x128xi32, #tpu.memory_space<vmem>>) target_semaphore(%run_scoped3A_105 : memref<!tpu.dma_semaphore, #tpu.memory_space<semaphore_mem>>)
              %dma_wait3A_114 = arith.constant 0 : i32
              %dma_wait3A_115 = arith.constant 0 : i32
              %dma_wait3A_116 = tpu.memref_slice %arg6[%arg1, %add3A_97, %dma_wait3A_114, %dma_wait3A_115] : memref<16x80x2x128xi32, #tpu.memory_space<hbm>> -> memref<1x1x2x128xi32, #tpu.memory_space<hbm>>
              %dma_wait3A_117 = tpu.memref_squeeze %dma_wait3A_116 : memref<1x1x2x128xi32, #tpu.memory_space<hbm>> -> memref<2x128xi32, #tpu.memory_space<hbm>>
              %dma_wait3A_118 = arith.constant 0 : i32
              %dma_wait3A_119 = arith.constant 0 : i32
              %dma_wait3A_120 = tpu.memref_slice %arg6[%arg1, %add3A_97, %dma_wait3A_118, %dma_wait3A_119] : memref<16x80x2x128xi32, #tpu.memory_space<hbm>> -> memref<1x1x2x128xi32, #tpu.memory_space<hbm>>
              %dma_wait3A_121 = tpu.memref_squeeze %dma_wait3A_120 : memref<1x1x2x128xi32, #tpu.memory_space<hbm>> -> memref<2x128xi32, #tpu.memory_space<hbm>>
              tpu.wait_dma2 semaphore(%run_scoped3A_105 : memref<!tpu.dma_semaphore, #tpu.memory_space<semaphore_mem>>) src(%dma_wait3A_121 : memref<2x128xi32, #tpu.memory_space<hbm>>) dst(%arg13 : memref<2x128xi32, #tpu.memory_space<vmem>>)
              tpu.yield
            }) : () -> ()
            %dma_start3A_98 = arith.constant 0 : i32
            %dma_start3A_99 = arith.constant 0 : i32
            %dma_start3A_100 = tpu.memref_slice %arg13[%dma_start3A_98, %dma_start3A_99] : memref<2x128xi32, #tpu.memory_space<vmem>> -> memref<1x128xi32, #tpu.memory_space<vmem>>
            %dma_start3A_101 = tpu.memref_squeeze %dma_start3A_100 : memref<1x128xi32, #tpu.memory_space<vmem>> -> memref<128xi32, #tpu.memory_space<vmem>>
            %dma_start3A_102 = arith.constant 0 : i32
            %dma_start3A_103 = arith.constant 0 : i32
            %dma_start3A_104 = tpu.memref_slice %arg4[%dma_start3A_102, %dma_start3A_103] : memref<10000x128xf32, #tpu.memory_space<hbm>> -> memref<10000x128xf32, #tpu.memory_space<hbm>>
            tpu.enqueue_indirect_dma source(%dma_start3A_104 : memref<10000x128xf32, #tpu.memory_space<hbm>>) target(%arg16 : memref<128x128xf32, #tpu.memory_space<vmem>>) offsets(%dma_start3A_101 : memref<128xi32, #tpu.memory_space<vmem>>) semaphore(%arg21 : memref<!tpu.dma_semaphore, #tpu.memory_space<semaphore_mem>>)
          } else {
          }
        } else {
        }
      }
      %scan3A_36 = arith.constant 27 : i32
      %dma_wait3A = arith.constant 1 : i32
      %dma_wait3A_37 = arith.constant 0 : i32
      %dma_wait3A_38 = tpu.memref_slice %arg13[%dma_wait3A, %dma_wait3A_37] : memref<2x128xi32, #tpu.memory_space<vmem>> -> memref<1x128xi32, #tpu.memory_space<vmem>>
      %dma_wait3A_39 = tpu.memref_squeeze %dma_wait3A_38 : memref<1x128xi32, #tpu.memory_space<vmem>> -> memref<128xi32, #tpu.memory_space<vmem>>
      %dma_wait3A_40 = arith.constant 0 : i32
      %dma_wait3A_41 = arith.constant 0 : i32
      %dma_wait3A_42 = tpu.memref_slice %arg19[%dma_wait3A_40, %dma_wait3A_41] : memref<10112x128xf32, #tpu.memory_space<vmem_shared>> -> memref<10112x128xf32, #tpu.memory_space<vmem_shared>>
      tpu.wait_indirect_dma semaphore(%arg24 : memref<!tpu.dma_semaphore, #tpu.memory_space<semaphore_mem>>) src(%arg16 : memref<128x128xf32, #tpu.memory_space<vmem>>) dst(%dma_wait3A_42 : memref<10112x128xf32, #tpu.memory_space<vmem_shared>>)
      %barrier3A_43 = arith.constant 0 : index
      tpu.barrier barrier_id(%barrier3A_43)
      "tpu.region"() ({
        %run_scoped3A_45 = tpu.sem_alloc : memref<!tpu.dma_semaphore, #tpu.memory_space<semaphore_mem>>
        %dma_start3A_46 = arith.constant 0 : i32
        %dma_start3A_47 = tpu.memref_slice %arg10[%mul3A_0, %dma_start3A_46] : memref<10112x128xf32, #tpu.memory_space<hbm>> -> memref<632x128xf32, #tpu.memory_space<hbm>>
        %dma_start3A_48 = arith.constant 0 : i32
        %dma_start3A_49 = tpu.memref_slice %arg19[%mul3A_0, %dma_start3A_48] : memref<10112x128xf32, #tpu.memory_space<vmem_shared>> -> memref<632x128xf32, #tpu.memory_space<vmem_shared>>
        tpu.enqueue_dma source(%dma_start3A_49 : memref<632x128xf32, #tpu.memory_space<vmem_shared>>) target(%dma_start3A_47 : memref<632x128xf32, #tpu.memory_space<hbm>>) target_semaphore(%run_scoped3A_45 : memref<!tpu.dma_semaphore, #tpu.memory_space<semaphore_mem>>)
        %dma_wait3A_50 = arith.constant 0 : i32
        %dma_wait3A_51 = tpu.memref_slice %arg10[%mul3A_0, %dma_wait3A_50] : memref<10112x128xf32, #tpu.memory_space<hbm>> -> memref<632x128xf32, #tpu.memory_space<hbm>>
        %dma_wait3A_52 = arith.constant 0 : i32
        %dma_wait3A_53 = tpu.memref_slice %arg19[%mul3A_0, %dma_wait3A_52] : memref<10112x128xf32, #tpu.memory_space<vmem_shared>> -> memref<632x128xf32, #tpu.memory_space<vmem_shared>>
        tpu.wait_dma2 semaphore(%run_scoped3A_45 : memref<!tpu.dma_semaphore, #tpu.memory_space<semaphore_mem>>) src(%dma_wait3A_53 : memref<632x128xf32, #tpu.memory_space<vmem_shared>>) dst(%dma_wait3A_51 : memref<632x128xf32, #tpu.memory_space<hbm>>)
        tpu.yield
      }) : () -> ()
      %barrier3A_44 = arith.constant 0 : index
      tpu.barrier barrier_id(%barrier3A_44)
    } else {
    }
    %eq3A_13 = arith.constant 1 : i32
    %eq3A_14 = arith.cmpi eq, %arg0, %eq3A_13 : i32
    %convert_element_type3A_15 = arith.extui %eq3A_14 : i1 to i32
    %cond3A_16 = arith.constant 0 : i32
    %cond3A_17 = arith.cmpi ne, %convert_element_type3A_15, %cond3A_16 : i32
    scf.if %cond3A_17 {
      "tpu.region"() ({
        %run_scoped3A_45 = tpu.sem_alloc : memref<!tpu.dma_semaphore, #tpu.memory_space<semaphore_mem>>
        %dma_start3A_46 = arith.constant 0 : i32
        %dma_start3A_47 = tpu.memref_slice %arg19[%mul3A_0, %dma_start3A_46] : memref<10112x128xf32, #tpu.memory_space<vmem_shared>> -> memref<632x128xf32, #tpu.memory_space<vmem_shared>>
        tpu.enqueue_dma source(%arg7 : memref<632x128xf32, #tpu.memory_space<hbm>>) target(%dma_start3A_47 : memref<632x128xf32, #tpu.memory_space<vmem_shared>>) target_semaphore(%run_scoped3A_45 : memref<!tpu.dma_semaphore, #tpu.memory_space<semaphore_mem>>)
        %dma_wait3A_48 = arith.constant 0 : i32
        %dma_wait3A_49 = tpu.memref_slice %arg19[%mul3A_0, %dma_wait3A_48] : memref<10112x128xf32, #tpu.memory_space<vmem_shared>> -> memref<632x128xf32, #tpu.memory_space<vmem_shared>>
        tpu.wait_dma2 semaphore(%run_scoped3A_45 : memref<!tpu.dma_semaphore, #tpu.memory_space<semaphore_mem>>) src(%arg7 : memref<632x128xf32, #tpu.memory_space<hbm>>) dst(%dma_wait3A_49 : memref<632x128xf32, #tpu.memory_space<vmem_shared>>)
        tpu.yield
      }) : () -> ()
      %barrier3A = arith.constant 0 : index
      tpu.barrier barrier_id(%barrier3A)
      %run_scoped3A = arith.constant 0 : i32
      "tpu.region"() ({
        %run_scoped3A_45 = tpu.sem_alloc : memref<!tpu.dma_semaphore, #tpu.memory_space<semaphore_mem>>
        %dma_start3A_46 = arith.constant 0 : i32
        %dma_start3A_47 = arith.constant 0 : i32
        %dma_start3A_48 = tpu.memref_slice %arg6[%arg1, %run_scoped3A, %dma_start3A_46, %dma_start3A_47] : memref<16x80x2x128xi32, #tpu.memory_space<hbm>> -> memref<1x1x2x128xi32, #tpu.memory_space<hbm>>
        %dma_start3A_49 = tpu.memref_squeeze %dma_start3A_48 : memref<1x1x2x128xi32, #tpu.memory_space<hbm>> -> memref<2x128xi32, #tpu.memory_space<hbm>>
        %dma_start3A_50 = arith.constant 0 : i32
        %dma_start3A_51 = arith.constant 0 : i32
        %dma_start3A_52 = tpu.memref_slice %arg6[%arg1, %run_scoped3A, %dma_start3A_50, %dma_start3A_51] : memref<16x80x2x128xi32, #tpu.memory_space<hbm>> -> memref<1x1x2x128xi32, #tpu.memory_space<hbm>>
        %dma_start3A_53 = tpu.memref_squeeze %dma_start3A_52 : memref<1x1x2x128xi32, #tpu.memory_space<hbm>> -> memref<2x128xi32, #tpu.memory_space<hbm>>
        tpu.enqueue_dma source(%dma_start3A_53 : memref<2x128xi32, #tpu.memory_space<hbm>>) target(%arg12 : memref<2x128xi32, #tpu.memory_space<vmem>>) target_semaphore(%run_scoped3A_45 : memref<!tpu.dma_semaphore, #tpu.memory_space<semaphore_mem>>)
        %dma_wait3A_54 = arith.constant 0 : i32
        %dma_wait3A_55 = arith.constant 0 : i32
        %dma_wait3A_56 = tpu.memref_slice %arg6[%arg1, %run_scoped3A, %dma_wait3A_54, %dma_wait3A_55] : memref<16x80x2x128xi32, #tpu.memory_space<hbm>> -> memref<1x1x2x128xi32, #tpu.memory_space<hbm>>
        %dma_wait3A_57 = tpu.memref_squeeze %dma_wait3A_56 : memref<1x1x2x128xi32, #tpu.memory_space<hbm>> -> memref<2x128xi32, #tpu.memory_space<hbm>>
        %dma_wait3A_58 = arith.constant 0 : i32
        %dma_wait3A_59 = arith.constant 0 : i32
        %dma_wait3A_60 = tpu.memref_slice %arg6[%arg1, %run_scoped3A, %dma_wait3A_58, %dma_wait3A_59] : memref<16x80x2x128xi32, #tpu.memory_space<hbm>> -> memref<1x1x2x128xi32, #tpu.memory_space<hbm>>
        %dma_wait3A_61 = tpu.memref_squeeze %dma_wait3A_60 : memref<1x1x2x128xi32, #tpu.memory_space<hbm>> -> memref<2x128xi32, #tpu.memory_space<hbm>>
        tpu.wait_dma2 semaphore(%run_scoped3A_45 : memref<!tpu.dma_semaphore, #tpu.memory_space<semaphore_mem>>) src(%dma_wait3A_61 : memref<2x128xi32, #tpu.memory_space<hbm>>) dst(%arg12 : memref<2x128xi32, #tpu.memory_space<vmem>>)
        tpu.yield
      }) : () -> ()
      %dma_start3A = arith.constant 0 : i32
      %dma_start3A_18 = arith.constant 0 : i32
      %dma_start3A_19 = tpu.memref_slice %arg12[%dma_start3A, %dma_start3A_18] : memref<2x128xi32, #tpu.memory_space<vmem>> -> memref<1x128xi32, #tpu.memory_space<vmem>>
      %dma_start3A_20 = tpu.memref_squeeze %dma_start3A_19 : memref<1x128xi32, #tpu.memory_space<vmem>> -> memref<128xi32, #tpu.memory_space<vmem>>
      %dma_start3A_21 = arith.constant 0 : i32
      %dma_start3A_22 = arith.constant 0 : i32
      %dma_start3A_23 = tpu.memref_slice %arg5[%dma_start3A_21, %dma_start3A_22] : memref<10000x128xf32, #tpu.memory_space<hbm>> -> memref<10000x128xf32, #tpu.memory_space<hbm>>
      tpu.enqueue_indirect_dma source(%dma_start3A_23 : memref<10000x128xf32, #tpu.memory_space<hbm>>) target(%arg15 : memref<128x128xf32, #tpu.memory_space<vmem>>) offsets(%dma_start3A_20 : memref<128xi32, #tpu.memory_space<vmem>>) semaphore(%arg20 : memref<!tpu.dma_semaphore, #tpu.memory_space<semaphore_mem>>)
      %run_scoped3A_24 = arith.constant 1 : i32
      "tpu.region"() ({
        %run_scoped3A_45 = tpu.sem_alloc : memref<!tpu.dma_semaphore, #tpu.memory_space<semaphore_mem>>
        %dma_start3A_46 = arith.constant 0 : i32
        %dma_start3A_47 = arith.constant 0 : i32
        %dma_start3A_48 = tpu.memref_slice %arg6[%arg1, %run_scoped3A_24, %dma_start3A_46, %dma_start3A_47] : memref<16x80x2x128xi32, #tpu.memory_space<hbm>> -> memref<1x1x2x128xi32, #tpu.memory_space<hbm>>
        %dma_start3A_49 = tpu.memref_squeeze %dma_start3A_48 : memref<1x1x2x128xi32, #tpu.memory_space<hbm>> -> memref<2x128xi32, #tpu.memory_space<hbm>>
        %dma_start3A_50 = arith.constant 0 : i32
        %dma_start3A_51 = arith.constant 0 : i32
        %dma_start3A_52 = tpu.memref_slice %arg6[%arg1, %run_scoped3A_24, %dma_start3A_50, %dma_start3A_51] : memref<16x80x2x128xi32, #tpu.memory_space<hbm>> -> memref<1x1x2x128xi32, #tpu.memory_space<hbm>>
        %dma_start3A_53 = tpu.memref_squeeze %dma_start3A_52 : memref<1x1x2x128xi32, #tpu.memory_space<hbm>> -> memref<2x128xi32, #tpu.memory_space<hbm>>
        tpu.enqueue_dma source(%dma_start3A_53 : memref<2x128xi32, #tpu.memory_space<hbm>>) target(%arg13 : memref<2x128xi32, #tpu.memory_space<vmem>>) target_semaphore(%run_scoped3A_45 : memref<!tpu.dma_semaphore, #tpu.memory_space<semaphore_mem>>)
        %dma_wait3A_54 = arith.constant 0 : i32
        %dma_wait3A_55 = arith.constant 0 : i32
        %dma_wait3A_56 = tpu.memref_slice %arg6[%arg1, %run_scoped3A_24, %dma_wait3A_54, %dma_wait3A_55] : memref<16x80x2x128xi32, #tpu.memory_space<hbm>> -> memref<1x1x2x128xi32, #tpu.memory_space<hbm>>
        %dma_wait3A_57 = tpu.memref_squeeze %dma_wait3A_56 : memref<1x1x2x128xi32, #tpu.memory_space<hbm>> -> memref<2x128xi32, #tpu.memory_space<hbm>>
        %dma_wait3A_58 = arith.constant 0 : i32
        %dma_wait3A_59 = arith.constant 0 : i32
        %dma_wait3A_60 = tpu.memref_slice %arg6[%arg1, %run_scoped3A_24, %dma_wait3A_58, %dma_wait3A_59] : memref<16x80x2x128xi32, #tpu.memory_space<hbm>> -> memref<1x1x2x128xi32, #tpu.memory_space<hbm>>
        %dma_wait3A_61 = tpu.memref_squeeze %dma_wait3A_60 : memref<1x1x2x128xi32, #tpu.memory_space<hbm>> -> memref<2x128xi32, #tpu.memory_space<hbm>>
        tpu.wait_dma2 semaphore(%run_scoped3A_45 : memref<!tpu.dma_semaphore, #tpu.memory_space<semaphore_mem>>) src(%dma_wait3A_61 : memref<2x128xi32, #tpu.memory_space<hbm>>) dst(%arg13 : memref<2x128xi32, #tpu.memory_space<vmem>>)
        tpu.yield
      }) : () -> ()
      %dma_start3A_25 = arith.constant 0 : i32
      %dma_start3A_26 = arith.constant 0 : i32
      %dma_start3A_27 = tpu.memref_slice %arg13[%dma_start3A_25, %dma_start3A_26] : memref<2x128xi32, #tpu.memory_space<vmem>> -> memref<1x128xi32, #tpu.memory_space<vmem>>
      %dma_start3A_28 = tpu.memref_squeeze %dma_start3A_27 : memref<1x128xi32, #tpu.memory_space<vmem>> -> memref<128xi32, #tpu.memory_space<vmem>>
      %dma_start3A_29 = arith.constant 0 : i32
      %dma_start3A_30 = arith.constant 0 : i32
      %dma_start3A_31 = tpu.memref_slice %arg5[%dma_start3A_29, %dma_start3A_30] : memref<10000x128xf32, #tpu.memory_space<hbm>> -> memref<10000x128xf32, #tpu.memory_space<hbm>>
      tpu.enqueue_indirect_dma source(%dma_start3A_31 : memref<10000x128xf32, #tpu.memory_space<hbm>>) target(%arg16 : memref<128x128xf32, #tpu.memory_space<vmem>>) offsets(%dma_start3A_28 : memref<128xi32, #tpu.memory_space<vmem>>) semaphore(%arg21 : memref<!tpu.dma_semaphore, #tpu.memory_space<semaphore_mem>>)
      %scan3A = arith.constant 0 : i32
      %scan3A_32 = arith.constant 0 : i32
      %scan3A_33 = arith.constant 27 : i32
      %scan3A_34 = arith.addi %scan3A_32, %scan3A_33 : i32
      %scan3A_35 = arith.constant 1 : i32
      scf.for %scan3A_45 = %scan3A_32 to %scan3A_34 step %scan3A_35  : i32 {
        %mul3A_46 = arith.constant 3 : i32
        %mul3A_47 = arith.muli %mul3A_46, %scan3A_45 : i32
        %add3A = arith.constant 0 : i32
        %add3A_48 = arith.addi %mul3A_47, %add3A : i32
        %lt3A = arith.constant 80 : i32
        %lt3A_49 = arith.cmpi slt, %add3A_48, %lt3A : i32
        %convert_element_type3A_50 = arith.extui %lt3A_49 : i1 to i32
        %cond3A_51 = arith.constant 0 : i32
        %cond3A_52 = arith.cmpi ne, %convert_element_type3A_50, %cond3A_51 : i32
        scf.if %cond3A_52 {
          %dma_wait3A_71 = arith.constant 0 : i32
          %dma_wait3A_72 = arith.constant 0 : i32
          %dma_wait3A_73 = tpu.memref_slice %arg12[%dma_wait3A_71, %dma_wait3A_72] : memref<2x128xi32, #tpu.memory_space<vmem>> -> memref<1x128xi32, #tpu.memory_space<vmem>>
          %dma_wait3A_74 = tpu.memref_squeeze %dma_wait3A_73 : memref<1x128xi32, #tpu.memory_space<vmem>> -> memref<128xi32, #tpu.memory_space<vmem>>
          %dma_wait3A_75 = arith.constant 0 : i32
          %dma_wait3A_76 = arith.constant 0 : i32
          %dma_wait3A_77 = tpu.memref_slice %arg5[%dma_wait3A_75, %dma_wait3A_76] : memref<10000x128xf32, #tpu.memory_space<hbm>> -> memref<10000x128xf32, #tpu.memory_space<hbm>>
          tpu.wait_indirect_dma semaphore(%arg20 : memref<!tpu.dma_semaphore, #tpu.memory_space<semaphore_mem>>) src(%dma_wait3A_77 : memref<10000x128xf32, #tpu.memory_space<hbm>>) dst(%arg15 : memref<128x128xf32, #tpu.memory_space<vmem>>)
          %dma_start3A_78 = arith.constant 1 : i32
          %dma_start3A_79 = arith.constant 0 : i32
          %dma_start3A_80 = tpu.memref_slice %arg12[%dma_start3A_78, %dma_start3A_79] : memref<2x128xi32, #tpu.memory_space<vmem>> -> memref<1x128xi32, #tpu.memory_space<vmem>>
          %dma_start3A_81 = tpu.memref_squeeze %dma_start3A_80 : memref<1x128xi32, #tpu.memory_space<vmem>> -> memref<128xi32, #tpu.memory_space<vmem>>
          %dma_start3A_82 = arith.constant 0 : i32
          %dma_start3A_83 = arith.constant 0 : i32
          %dma_start3A_84 = tpu.memref_slice %arg19[%dma_start3A_82, %dma_start3A_83] : memref<10112x128xf32, #tpu.memory_space<vmem_shared>> -> memref<10112x128xf32, #tpu.memory_space<vmem_shared>>
          tpu.enqueue_indirect_dma source(%arg15 : memref<128x128xf32, #tpu.memory_space<vmem>>) target(%dma_start3A_84 : memref<10112x128xf32, #tpu.memory_space<vmem_shared>>) offsets(%dma_start3A_81 : memref<128xi32, #tpu.memory_space<vmem>>) semaphore(%arg23 : memref<!tpu.dma_semaphore, #tpu.memory_space<semaphore_mem>>) {add = true}
          %ge3A = arith.constant 1 : i32
          %ge3A_85 = arith.cmpi sge, %add3A_48, %ge3A : i32
          %convert_element_type3A_86 = arith.extui %ge3A_85 : i1 to i32
          %cond3A_87 = arith.constant 0 : i32
          %cond3A_88 = arith.cmpi ne, %convert_element_type3A_86, %cond3A_87 : i32
          scf.if %cond3A_88 {
            %sub3A = arith.constant 1 : i32
            %sub3A_96 = arith.subi %add3A_48, %sub3A : i32
            %dma_wait3A_97 = arith.constant 1 : i32
            %dma_wait3A_98 = arith.constant 0 : i32
            %dma_wait3A_99 = tpu.memref_slice %arg14[%dma_wait3A_97, %dma_wait3A_98] : memref<2x128xi32, #tpu.memory_space<vmem>> -> memref<1x128xi32, #tpu.memory_space<vmem>>
            %dma_wait3A_100 = tpu.memref_squeeze %dma_wait3A_99 : memref<1x128xi32, #tpu.memory_space<vmem>> -> memref<128xi32, #tpu.memory_space<vmem>>
            %dma_wait3A_101 = arith.constant 0 : i32
            %dma_wait3A_102 = arith.constant 0 : i32
            %dma_wait3A_103 = tpu.memref_slice %arg19[%dma_wait3A_101, %dma_wait3A_102] : memref<10112x128xf32, #tpu.memory_space<vmem_shared>> -> memref<10112x128xf32, #tpu.memory_space<vmem_shared>>
            tpu.wait_indirect_dma semaphore(%arg25 : memref<!tpu.dma_semaphore, #tpu.memory_space<semaphore_mem>>) src(%arg17 : memref<128x128xf32, #tpu.memory_space<vmem>>) dst(%dma_wait3A_103 : memref<10112x128xf32, #tpu.memory_space<vmem_shared>>)
          } else {
          }
          %add3A_89 = arith.constant 2 : i32
          %add3A_90 = arith.addi %add3A_48, %add3A_89 : i32
          %lt3A_91 = arith.constant 80 : i32
          %lt3A_92 = arith.cmpi slt, %add3A_90, %lt3A_91 : i32
          %convert_element_type3A_93 = arith.extui %lt3A_92 : i1 to i32
          %cond3A_94 = arith.constant 0 : i32
          %cond3A_95 = arith.cmpi ne, %convert_element_type3A_93, %cond3A_94 : i32
          scf.if %cond3A_95 {
            %add3A_96 = arith.constant 2 : i32
            %add3A_97 = arith.addi %add3A_48, %add3A_96 : i32
            "tpu.region"() ({
              %run_scoped3A_105 = tpu.sem_alloc : memref<!tpu.dma_semaphore, #tpu.memory_space<semaphore_mem>>
              %dma_start3A_106 = arith.constant 0 : i32
              %dma_start3A_107 = arith.constant 0 : i32
              %dma_start3A_108 = tpu.memref_slice %arg6[%arg1, %add3A_97, %dma_start3A_106, %dma_start3A_107] : memref<16x80x2x128xi32, #tpu.memory_space<hbm>> -> memref<1x1x2x128xi32, #tpu.memory_space<hbm>>
              %dma_start3A_109 = tpu.memref_squeeze %dma_start3A_108 : memref<1x1x2x128xi32, #tpu.memory_space<hbm>> -> memref<2x128xi32, #tpu.memory_space<hbm>>
              %dma_start3A_110 = arith.constant 0 : i32
              %dma_start3A_111 = arith.constant 0 : i32
              %dma_start3A_112 = tpu.memref_slice %arg6[%arg1, %add3A_97, %dma_start3A_110, %dma_start3A_111] : memref<16x80x2x128xi32, #tpu.memory_space<hbm>> -> memref<1x1x2x128xi32, #tpu.memory_space<hbm>>
              %dma_start3A_113 = tpu.memref_squeeze %dma_start3A_112 : memref<1x1x2x128xi32, #tpu.memory_space<hbm>> -> memref<2x128xi32, #tpu.memory_space<hbm>>
              tpu.enqueue_dma source(%dma_start3A_113 : memref<2x128xi32, #tpu.memory_space<hbm>>) target(%arg14 : memref<2x128xi32, #tpu.memory_space<vmem>>) target_semaphore(%run_scoped3A_105 : memref<!tpu.dma_semaphore, #tpu.memory_space<semaphore_mem>>)
              %dma_wait3A_114 = arith.constant 0 : i32
              %dma_wait3A_115 = arith.constant 0 : i32
              %dma_wait3A_116 = tpu.memref_slice %arg6[%arg1, %add3A_97, %dma_wait3A_114, %dma_wait3A_115] : memref<16x80x2x128xi32, #tpu.memory_space<hbm>> -> memref<1x1x2x128xi32, #tpu.memory_space<hbm>>
              %dma_wait3A_117 = tpu.memref_squeeze %dma_wait3A_116 : memref<1x1x2x128xi32, #tpu.memory_space<hbm>> -> memref<2x128xi32, #tpu.memory_space<hbm>>
              %dma_wait3A_118 = arith.constant 0 : i32
              %dma_wait3A_119 = arith.constant 0 : i32
              %dma_wait3A_120 = tpu.memref_slice %arg6[%arg1, %add3A_97, %dma_wait3A_118, %dma_wait3A_119] : memref<16x80x2x128xi32, #tpu.memory_space<hbm>> -> memref<1x1x2x128xi32, #tpu.memory_space<hbm>>
              %dma_wait3A_121 = tpu.memref_squeeze %dma_wait3A_120 : memref<1x1x2x128xi32, #tpu.memory_space<hbm>> -> memref<2x128xi32, #tpu.memory_space<hbm>>
              tpu.wait_dma2 semaphore(%run_scoped3A_105 : memref<!tpu.dma_semaphore, #tpu.memory_space<semaphore_mem>>) src(%dma_wait3A_121 : memref<2x128xi32, #tpu.memory_space<hbm>>) dst(%arg14 : memref<2x128xi32, #tpu.memory_space<vmem>>)
              tpu.yield
            }) : () -> ()
            %dma_start3A_98 = arith.constant 0 : i32
            %dma_start3A_99 = arith.constant 0 : i32
            %dma_start3A_100 = tpu.memref_slice %arg14[%dma_start3A_98, %dma_start3A_99] : memref<2x128xi32, #tpu.memory_space<vmem>> -> memref<1x128xi32, #tpu.memory_space<vmem>>
            %dma_start3A_101 = tpu.memref_squeeze %dma_start3A_100 : memref<1x128xi32, #tpu.memory_space<vmem>> -> memref<128xi32, #tpu.memory_space<vmem>>
            %dma_start3A_102 = arith.constant 0 : i32
            %dma_start3A_103 = arith.constant 0 : i32
            %dma_start3A_104 = tpu.memref_slice %arg5[%dma_start3A_102, %dma_start3A_103] : memref<10000x128xf32, #tpu.memory_space<hbm>> -> memref<10000x128xf32, #tpu.memory_space<hbm>>
            tpu.enqueue_indirect_dma source(%dma_start3A_104 : memref<10000x128xf32, #tpu.memory_space<hbm>>) target(%arg17 : memref<128x128xf32, #tpu.memory_space<vmem>>) offsets(%dma_start3A_101 : memref<128xi32, #tpu.memory_space<vmem>>) semaphore(%arg22 : memref<!tpu.dma_semaphore, #tpu.memory_space<semaphore_mem>>)
          } else {
          }
        } else {
        }
        %mul3A_53 = arith.constant 3 : i32
        %mul3A_54 = arith.muli %mul3A_53, %scan3A_45 : i32
        %add3A_55 = arith.constant 1 : i32
        %add3A_56 = arith.addi %mul3A_54, %add3A_55 : i32
        %lt3A_57 = arith.constant 80 : i32
        %lt3A_58 = arith.cmpi slt, %add3A_56, %lt3A_57 : i32
        %convert_element_type3A_59 = arith.extui %lt3A_58 : i1 to i32
        %cond3A_60 = arith.constant 0 : i32
        %cond3A_61 = arith.cmpi ne, %convert_element_type3A_59, %cond3A_60 : i32
        scf.if %cond3A_61 {
          %dma_wait3A_71 = arith.constant 0 : i32
          %dma_wait3A_72 = arith.constant 0 : i32
          %dma_wait3A_73 = tpu.memref_slice %arg13[%dma_wait3A_71, %dma_wait3A_72] : memref<2x128xi32, #tpu.memory_space<vmem>> -> memref<1x128xi32, #tpu.memory_space<vmem>>
          %dma_wait3A_74 = tpu.memref_squeeze %dma_wait3A_73 : memref<1x128xi32, #tpu.memory_space<vmem>> -> memref<128xi32, #tpu.memory_space<vmem>>
          %dma_wait3A_75 = arith.constant 0 : i32
          %dma_wait3A_76 = arith.constant 0 : i32
          %dma_wait3A_77 = tpu.memref_slice %arg5[%dma_wait3A_75, %dma_wait3A_76] : memref<10000x128xf32, #tpu.memory_space<hbm>> -> memref<10000x128xf32, #tpu.memory_space<hbm>>
          tpu.wait_indirect_dma semaphore(%arg21 : memref<!tpu.dma_semaphore, #tpu.memory_space<semaphore_mem>>) src(%dma_wait3A_77 : memref<10000x128xf32, #tpu.memory_space<hbm>>) dst(%arg16 : memref<128x128xf32, #tpu.memory_space<vmem>>)
          %dma_start3A_78 = arith.constant 1 : i32
          %dma_start3A_79 = arith.constant 0 : i32
          %dma_start3A_80 = tpu.memref_slice %arg13[%dma_start3A_78, %dma_start3A_79] : memref<2x128xi32, #tpu.memory_space<vmem>> -> memref<1x128xi32, #tpu.memory_space<vmem>>
          %dma_start3A_81 = tpu.memref_squeeze %dma_start3A_80 : memref<1x128xi32, #tpu.memory_space<vmem>> -> memref<128xi32, #tpu.memory_space<vmem>>
          %dma_start3A_82 = arith.constant 0 : i32
          %dma_start3A_83 = arith.constant 0 : i32
          %dma_start3A_84 = tpu.memref_slice %arg19[%dma_start3A_82, %dma_start3A_83] : memref<10112x128xf32, #tpu.memory_space<vmem_shared>> -> memref<10112x128xf32, #tpu.memory_space<vmem_shared>>
          tpu.enqueue_indirect_dma source(%arg16 : memref<128x128xf32, #tpu.memory_space<vmem>>) target(%dma_start3A_84 : memref<10112x128xf32, #tpu.memory_space<vmem_shared>>) offsets(%dma_start3A_81 : memref<128xi32, #tpu.memory_space<vmem>>) semaphore(%arg24 : memref<!tpu.dma_semaphore, #tpu.memory_space<semaphore_mem>>) {add = true}
          %ge3A = arith.constant 1 : i32
          %ge3A_85 = arith.cmpi sge, %add3A_56, %ge3A : i32
          %convert_element_type3A_86 = arith.extui %ge3A_85 : i1 to i32
          %cond3A_87 = arith.constant 0 : i32
          %cond3A_88 = arith.cmpi ne, %convert_element_type3A_86, %cond3A_87 : i32
          scf.if %cond3A_88 {
            %sub3A = arith.constant 1 : i32
            %sub3A_96 = arith.subi %add3A_56, %sub3A : i32
            %dma_wait3A_97 = arith.constant 1 : i32
            %dma_wait3A_98 = arith.constant 0 : i32
            %dma_wait3A_99 = tpu.memref_slice %arg12[%dma_wait3A_97, %dma_wait3A_98] : memref<2x128xi32, #tpu.memory_space<vmem>> -> memref<1x128xi32, #tpu.memory_space<vmem>>
            %dma_wait3A_100 = tpu.memref_squeeze %dma_wait3A_99 : memref<1x128xi32, #tpu.memory_space<vmem>> -> memref<128xi32, #tpu.memory_space<vmem>>
            %dma_wait3A_101 = arith.constant 0 : i32
            %dma_wait3A_102 = arith.constant 0 : i32
            %dma_wait3A_103 = tpu.memref_slice %arg19[%dma_wait3A_101, %dma_wait3A_102] : memref<10112x128xf32, #tpu.memory_space<vmem_shared>> -> memref<10112x128xf32, #tpu.memory_space<vmem_shared>>
            tpu.wait_indirect_dma semaphore(%arg23 : memref<!tpu.dma_semaphore, #tpu.memory_space<semaphore_mem>>) src(%arg15 : memref<128x128xf32, #tpu.memory_space<vmem>>) dst(%dma_wait3A_103 : memref<10112x128xf32, #tpu.memory_space<vmem_shared>>)
          } else {
          }
          %add3A_89 = arith.constant 2 : i32
          %add3A_90 = arith.addi %add3A_56, %add3A_89 : i32
          %lt3A_91 = arith.constant 80 : i32
          %lt3A_92 = arith.cmpi slt, %add3A_90, %lt3A_91 : i32
          %convert_element_type3A_93 = arith.extui %lt3A_92 : i1 to i32
          %cond3A_94 = arith.constant 0 : i32
          %cond3A_95 = arith.cmpi ne, %convert_element_type3A_93, %cond3A_94 : i32
          scf.if %cond3A_95 {
            %add3A_96 = arith.constant 2 : i32
            %add3A_97 = arith.addi %add3A_56, %add3A_96 : i32
            "tpu.region"() ({
              %run_scoped3A_105 = tpu.sem_alloc : memref<!tpu.dma_semaphore, #tpu.memory_space<semaphore_mem>>
              %dma_start3A_106 = arith.constant 0 : i32
              %dma_start3A_107 = arith.constant 0 : i32
              %dma_start3A_108 = tpu.memref_slice %arg6[%arg1, %add3A_97, %dma_start3A_106, %dma_start3A_107] : memref<16x80x2x128xi32, #tpu.memory_space<hbm>> -> memref<1x1x2x128xi32, #tpu.memory_space<hbm>>
              %dma_start3A_109 = tpu.memref_squeeze %dma_start3A_108 : memref<1x1x2x128xi32, #tpu.memory_space<hbm>> -> memref<2x128xi32, #tpu.memory_space<hbm>>
              %dma_start3A_110 = arith.constant 0 : i32
              %dma_start3A_111 = arith.constant 0 : i32
              %dma_start3A_112 = tpu.memref_slice %arg6[%arg1, %add3A_97, %dma_start3A_110, %dma_start3A_111] : memref<16x80x2x128xi32, #tpu.memory_space<hbm>> -> memref<1x1x2x128xi32, #tpu.memory_space<hbm>>
              %dma_start3A_113 = tpu.memref_squeeze %dma_start3A_112 : memref<1x1x2x128xi32, #tpu.memory_space<hbm>> -> memref<2x128xi32, #tpu.memory_space<hbm>>
              tpu.enqueue_dma source(%dma_start3A_113 : memref<2x128xi32, #tpu.memory_space<hbm>>) target(%arg12 : memref<2x128xi32, #tpu.memory_space<vmem>>) target_semaphore(%run_scoped3A_105 : memref<!tpu.dma_semaphore, #tpu.memory_space<semaphore_mem>>)
              %dma_wait3A_114 = arith.constant 0 : i32
              %dma_wait3A_115 = arith.constant 0 : i32
              %dma_wait3A_116 = tpu.memref_slice %arg6[%arg1, %add3A_97, %dma_wait3A_114, %dma_wait3A_115] : memref<16x80x2x128xi32, #tpu.memory_space<hbm>> -> memref<1x1x2x128xi32, #tpu.memory_space<hbm>>
              %dma_wait3A_117 = tpu.memref_squeeze %dma_wait3A_116 : memref<1x1x2x128xi32, #tpu.memory_space<hbm>> -> memref<2x128xi32, #tpu.memory_space<hbm>>
              %dma_wait3A_118 = arith.constant 0 : i32
              %dma_wait3A_119 = arith.constant 0 : i32
              %dma_wait3A_120 = tpu.memref_slice %arg6[%arg1, %add3A_97, %dma_wait3A_118, %dma_wait3A_119] : memref<16x80x2x128xi32, #tpu.memory_space<hbm>> -> memref<1x1x2x128xi32, #tpu.memory_space<hbm>>
              %dma_wait3A_121 = tpu.memref_squeeze %dma_wait3A_120 : memref<1x1x2x128xi32, #tpu.memory_space<hbm>> -> memref<2x128xi32, #tpu.memory_space<hbm>>
              tpu.wait_dma2 semaphore(%run_scoped3A_105 : memref<!tpu.dma_semaphore, #tpu.memory_space<semaphore_mem>>) src(%dma_wait3A_121 : memref<2x128xi32, #tpu.memory_space<hbm>>) dst(%arg12 : memref<2x128xi32, #tpu.memory_space<vmem>>)
              tpu.yield
            }) : () -> ()
            %dma_start3A_98 = arith.constant 0 : i32
            %dma_start3A_99 = arith.constant 0 : i32
            %dma_start3A_100 = tpu.memref_slice %arg12[%dma_start3A_98, %dma_start3A_99] : memref<2x128xi32, #tpu.memory_space<vmem>> -> memref<1x128xi32, #tpu.memory_space<vmem>>
            %dma_start3A_101 = tpu.memref_squeeze %dma_start3A_100 : memref<1x128xi32, #tpu.memory_space<vmem>> -> memref<128xi32, #tpu.memory_space<vmem>>
            %dma_start3A_102 = arith.constant 0 : i32
            %dma_start3A_103 = arith.constant 0 : i32
            %dma_start3A_104 = tpu.memref_slice %arg5[%dma_start3A_102, %dma_start3A_103] : memref<10000x128xf32, #tpu.memory_space<hbm>> -> memref<10000x128xf32, #tpu.memory_space<hbm>>
            tpu.enqueue_indirect_dma source(%dma_start3A_104 : memref<10000x128xf32, #tpu.memory_space<hbm>>) target(%arg15 : memref<128x128xf32, #tpu.memory_space<vmem>>) offsets(%dma_start3A_101 : memref<128xi32, #tpu.memory_space<vmem>>) semaphore(%arg20 : memref<!tpu.dma_semaphore, #tpu.memory_space<semaphore_mem>>)
          } else {
          }
        } else {
        }
        %mul3A_62 = arith.constant 3 : i32
        %mul3A_63 = arith.muli %mul3A_62, %scan3A_45 : i32
        %add3A_64 = arith.constant 2 : i32
        %add3A_65 = arith.addi %mul3A_63, %add3A_64 : i32
        %lt3A_66 = arith.constant 80 : i32
        %lt3A_67 = arith.cmpi slt, %add3A_65, %lt3A_66 : i32
        %convert_element_type3A_68 = arith.extui %lt3A_67 : i1 to i32
        %cond3A_69 = arith.constant 0 : i32
        %cond3A_70 = arith.cmpi ne, %convert_element_type3A_68, %cond3A_69 : i32
        scf.if %cond3A_70 {
          %dma_wait3A_71 = arith.constant 0 : i32
          %dma_wait3A_72 = arith.constant 0 : i32
          %dma_wait3A_73 = tpu.memref_slice %arg14[%dma_wait3A_71, %dma_wait3A_72] : memref<2x128xi32, #tpu.memory_space<vmem>> -> memref<1x128xi32, #tpu.memory_space<vmem>>
          %dma_wait3A_74 = tpu.memref_squeeze %dma_wait3A_73 : memref<1x128xi32, #tpu.memory_space<vmem>> -> memref<128xi32, #tpu.memory_space<vmem>>
          %dma_wait3A_75 = arith.constant 0 : i32
          %dma_wait3A_76 = arith.constant 0 : i32
          %dma_wait3A_77 = tpu.memref_slice %arg5[%dma_wait3A_75, %dma_wait3A_76] : memref<10000x128xf32, #tpu.memory_space<hbm>> -> memref<10000x128xf32, #tpu.memory_space<hbm>>
          tpu.wait_indirect_dma semaphore(%arg22 : memref<!tpu.dma_semaphore, #tpu.memory_space<semaphore_mem>>) src(%dma_wait3A_77 : memref<10000x128xf32, #tpu.memory_space<hbm>>) dst(%arg17 : memref<128x128xf32, #tpu.memory_space<vmem>>)
          %dma_start3A_78 = arith.constant 1 : i32
          %dma_start3A_79 = arith.constant 0 : i32
          %dma_start3A_80 = tpu.memref_slice %arg14[%dma_start3A_78, %dma_start3A_79] : memref<2x128xi32, #tpu.memory_space<vmem>> -> memref<1x128xi32, #tpu.memory_space<vmem>>
          %dma_start3A_81 = tpu.memref_squeeze %dma_start3A_80 : memref<1x128xi32, #tpu.memory_space<vmem>> -> memref<128xi32, #tpu.memory_space<vmem>>
          %dma_start3A_82 = arith.constant 0 : i32
          %dma_start3A_83 = arith.constant 0 : i32
          %dma_start3A_84 = tpu.memref_slice %arg19[%dma_start3A_82, %dma_start3A_83] : memref<10112x128xf32, #tpu.memory_space<vmem_shared>> -> memref<10112x128xf32, #tpu.memory_space<vmem_shared>>
          tpu.enqueue_indirect_dma source(%arg17 : memref<128x128xf32, #tpu.memory_space<vmem>>) target(%dma_start3A_84 : memref<10112x128xf32, #tpu.memory_space<vmem_shared>>) offsets(%dma_start3A_81 : memref<128xi32, #tpu.memory_space<vmem>>) semaphore(%arg25 : memref<!tpu.dma_semaphore, #tpu.memory_space<semaphore_mem>>) {add = true}
          %ge3A = arith.constant 1 : i32
          %ge3A_85 = arith.cmpi sge, %add3A_65, %ge3A : i32
          %convert_element_type3A_86 = arith.extui %ge3A_85 : i1 to i32
          %cond3A_87 = arith.constant 0 : i32
          %cond3A_88 = arith.cmpi ne, %convert_element_type3A_86, %cond3A_87 : i32
          scf.if %cond3A_88 {
            %sub3A = arith.constant 1 : i32
            %sub3A_96 = arith.subi %add3A_65, %sub3A : i32
            %dma_wait3A_97 = arith.constant 1 : i32
            %dma_wait3A_98 = arith.constant 0 : i32
            %dma_wait3A_99 = tpu.memref_slice %arg13[%dma_wait3A_97, %dma_wait3A_98] : memref<2x128xi32, #tpu.memory_space<vmem>> -> memref<1x128xi32, #tpu.memory_space<vmem>>
            %dma_wait3A_100 = tpu.memref_squeeze %dma_wait3A_99 : memref<1x128xi32, #tpu.memory_space<vmem>> -> memref<128xi32, #tpu.memory_space<vmem>>
            %dma_wait3A_101 = arith.constant 0 : i32
            %dma_wait3A_102 = arith.constant 0 : i32
            %dma_wait3A_103 = tpu.memref_slice %arg19[%dma_wait3A_101, %dma_wait3A_102] : memref<10112x128xf32, #tpu.memory_space<vmem_shared>> -> memref<10112x128xf32, #tpu.memory_space<vmem_shared>>
            tpu.wait_indirect_dma semaphore(%arg24 : memref<!tpu.dma_semaphore, #tpu.memory_space<semaphore_mem>>) src(%arg16 : memref<128x128xf32, #tpu.memory_space<vmem>>) dst(%dma_wait3A_103 : memref<10112x128xf32, #tpu.memory_space<vmem_shared>>)
          } else {
          }
          %add3A_89 = arith.constant 2 : i32
          %add3A_90 = arith.addi %add3A_65, %add3A_89 : i32
          %lt3A_91 = arith.constant 80 : i32
          %lt3A_92 = arith.cmpi slt, %add3A_90, %lt3A_91 : i32
          %convert_element_type3A_93 = arith.extui %lt3A_92 : i1 to i32
          %cond3A_94 = arith.constant 0 : i32
          %cond3A_95 = arith.cmpi ne, %convert_element_type3A_93, %cond3A_94 : i32
          scf.if %cond3A_95 {
            %add3A_96 = arith.constant 2 : i32
            %add3A_97 = arith.addi %add3A_65, %add3A_96 : i32
            "tpu.region"() ({
              %run_scoped3A_105 = tpu.sem_alloc : memref<!tpu.dma_semaphore, #tpu.memory_space<semaphore_mem>>
              %dma_start3A_106 = arith.constant 0 : i32
              %dma_start3A_107 = arith.constant 0 : i32
              %dma_start3A_108 = tpu.memref_slice %arg6[%arg1, %add3A_97, %dma_start3A_106, %dma_start3A_107] : memref<16x80x2x128xi32, #tpu.memory_space<hbm>> -> memref<1x1x2x128xi32, #tpu.memory_space<hbm>>
              %dma_start3A_109 = tpu.memref_squeeze %dma_start3A_108 : memref<1x1x2x128xi32, #tpu.memory_space<hbm>> -> memref<2x128xi32, #tpu.memory_space<hbm>>
              %dma_start3A_110 = arith.constant 0 : i32
              %dma_start3A_111 = arith.constant 0 : i32
              %dma_start3A_112 = tpu.memref_slice %arg6[%arg1, %add3A_97, %dma_start3A_110, %dma_start3A_111] : memref<16x80x2x128xi32, #tpu.memory_space<hbm>> -> memref<1x1x2x128xi32, #tpu.memory_space<hbm>>
              %dma_start3A_113 = tpu.memref_squeeze %dma_start3A_112 : memref<1x1x2x128xi32, #tpu.memory_space<hbm>> -> memref<2x128xi32, #tpu.memory_space<hbm>>
              tpu.enqueue_dma source(%dma_start3A_113 : memref<2x128xi32, #tpu.memory_space<hbm>>) target(%arg13 : memref<2x128xi32, #tpu.memory_space<vmem>>) target_semaphore(%run_scoped3A_105 : memref<!tpu.dma_semaphore, #tpu.memory_space<semaphore_mem>>)
              %dma_wait3A_114 = arith.constant 0 : i32
              %dma_wait3A_115 = arith.constant 0 : i32
              %dma_wait3A_116 = tpu.memref_slice %arg6[%arg1, %add3A_97, %dma_wait3A_114, %dma_wait3A_115] : memref<16x80x2x128xi32, #tpu.memory_space<hbm>> -> memref<1x1x2x128xi32, #tpu.memory_space<hbm>>
              %dma_wait3A_117 = tpu.memref_squeeze %dma_wait3A_116 : memref<1x1x2x128xi32, #tpu.memory_space<hbm>> -> memref<2x128xi32, #tpu.memory_space<hbm>>
              %dma_wait3A_118 = arith.constant 0 : i32
              %dma_wait3A_119 = arith.constant 0 : i32
              %dma_wait3A_120 = tpu.memref_slice %arg6[%arg1, %add3A_97, %dma_wait3A_118, %dma_wait3A_119] : memref<16x80x2x128xi32, #tpu.memory_space<hbm>> -> memref<1x1x2x128xi32, #tpu.memory_space<hbm>>
              %dma_wait3A_121 = tpu.memref_squeeze %dma_wait3A_120 : memref<1x1x2x128xi32, #tpu.memory_space<hbm>> -> memref<2x128xi32, #tpu.memory_space<hbm>>
              tpu.wait_dma2 semaphore(%run_scoped3A_105 : memref<!tpu.dma_semaphore, #tpu.memory_space<semaphore_mem>>) src(%dma_wait3A_121 : memref<2x128xi32, #tpu.memory_space<hbm>>) dst(%arg13 : memref<2x128xi32, #tpu.memory_space<vmem>>)
              tpu.yield
            }) : () -> ()
            %dma_start3A_98 = arith.constant 0 : i32
            %dma_start3A_99 = arith.constant 0 : i32
            %dma_start3A_100 = tpu.memref_slice %arg13[%dma_start3A_98, %dma_start3A_99] : memref<2x128xi32, #tpu.memory_space<vmem>> -> memref<1x128xi32, #tpu.memory_space<vmem>>
            %dma_start3A_101 = tpu.memref_squeeze %dma_start3A_100 : memref<1x128xi32, #tpu.memory_space<vmem>> -> memref<128xi32, #tpu.memory_space<vmem>>
            %dma_start3A_102 = arith.constant 0 : i32
            %dma_start3A_103 = arith.constant 0 : i32
            %dma_start3A_104 = tpu.memref_slice %arg5[%dma_start3A_102, %dma_start3A_103] : memref<10000x128xf32, #tpu.memory_space<hbm>> -> memref<10000x128xf32, #tpu.memory_space<hbm>>
            tpu.enqueue_indirect_dma source(%dma_start3A_104 : memref<10000x128xf32, #tpu.memory_space<hbm>>) target(%arg16 : memref<128x128xf32, #tpu.memory_space<vmem>>) offsets(%dma_start3A_101 : memref<128xi32, #tpu.memory_space<vmem>>) semaphore(%arg21 : memref<!tpu.dma_semaphore, #tpu.memory_space<semaphore_mem>>)
          } else {
          }
        } else {
        }
      }
      %scan3A_36 = arith.constant 27 : i32
      %dma_wait3A = arith.constant 1 : i32
      %dma_wait3A_37 = arith.constant 0 : i32
      %dma_wait3A_38 = tpu.memref_slice %arg13[%dma_wait3A, %dma_wait3A_37] : memref<2x128xi32, #tpu.memory_space<vmem>> -> memref<1x128xi32, #tpu.memory_space<vmem>>
      %dma_wait3A_39 = tpu.memref_squeeze %dma_wait3A_38 : memref<1x128xi32, #tpu.memory_space<vmem>> -> memref<128xi32, #tpu.memory_space<vmem>>
      %dma_wait3A_40 = arith.constant 0 : i32
      %dma_wait3A_41 = arith.constant 0 : i32
      %dma_wait3A_42 = tpu.memref_slice %arg19[%dma_wait3A_40, %dma_wait3A_41] : memref<10112x128xf32, #tpu.memory_space<vmem_shared>> -> memref<10112x128xf32, #tpu.memory_space<vmem_shared>>
      tpu.wait_indirect_dma semaphore(%arg24 : memref<!tpu.dma_semaphore, #tpu.memory_space<semaphore_mem>>) src(%arg16 : memref<128x128xf32, #tpu.memory_space<vmem>>) dst(%dma_wait3A_42 : memref<10112x128xf32, #tpu.memory_space<vmem_shared>>)
      %barrier3A_43 = arith.constant 0 : index
      tpu.barrier barrier_id(%barrier3A_43)
      "tpu.region"() ({
        %run_scoped3A_45 = tpu.sem_alloc : memref<!tpu.dma_semaphore, #tpu.memory_space<semaphore_mem>>
        %dma_start3A_46 = arith.constant 0 : i32
        %dma_start3A_47 = tpu.memref_slice %arg11[%mul3A_0, %dma_start3A_46] : memref<10112x128xf32, #tpu.memory_space<hbm>> -> memref<632x128xf32, #tpu.memory_space<hbm>>
        %dma_start3A_48 = arith.constant 0 : i32
        %dma_start3A_49 = tpu.memref_slice %arg19[%mul3A_0, %dma_start3A_48] : memref<10112x128xf32, #tpu.memory_space<vmem_shared>> -> memref<632x128xf32, #tpu.memory_space<vmem_shared>>
        tpu.enqueue_dma source(%dma_start3A_49 : memref<632x128xf32, #tpu.memory_space<vmem_shared>>) target(%dma_start3A_47 : memref<632x128xf32, #tpu.memory_space<hbm>>) target_semaphore(%run_scoped3A_45 : memref<!tpu.dma_semaphore, #tpu.memory_space<semaphore_mem>>)
        %dma_wait3A_50 = arith.constant 0 : i32
        %dma_wait3A_51 = tpu.memref_slice %arg11[%mul3A_0, %dma_wait3A_50] : memref<10112x128xf32, #tpu.memory_space<hbm>> -> memref<632x128xf32, #tpu.memory_space<hbm>>
        %dma_wait3A_52 = arith.constant 0 : i32
        %dma_wait3A_53 = tpu.memref_slice %arg19[%mul3A_0, %dma_wait3A_52] : memref<10112x128xf32, #tpu.memory_space<vmem_shared>> -> memref<632x128xf32, #tpu.memory_space<vmem_shared>>
        tpu.wait_dma2 semaphore(%run_scoped3A_45 : memref<!tpu.dma_semaphore, #tpu.memory_space<semaphore_mem>>) src(%dma_wait3A_53 : memref<632x128xf32, #tpu.memory_space<vmem_shared>>) dst(%dma_wait3A_51 : memref<632x128xf32, #tpu.memory_space<hbm>>)
        tpu.yield
      }) : () -> ()
      %barrier3A_44 = arith.constant 0 : index
      tpu.barrier barrier_id(%barrier3A_44)
    } else {
    }
    return
  }
}

#map = affine_map<(d0, d1) -> (0, 0)>
#map1 = affine_map<(d0, d1) -> (0, 0, 0, 0)>
#map2 = affine_map<(d0, d1) -> (0)>
module attributes {stable_mosaic.version = 14 : i64} {
  func.func @body(%arg0: i32, %arg1: i32, %arg2: memref<10000x128xf32, #tpu.memory_space<hbm>>, %arg3: memref<10000x128xf32, #tpu.memory_space<hbm>>, %arg4: memref<16x90x2x112xi32, #tpu.memory_space<hbm>>, %arg5: memref<632x128xf32, #tpu.memory_space<hbm>>, %arg6: memref<10112xf32, #tpu.memory_space<hbm>>, %arg7: memref<10112x128xf32, #tpu.memory_space<hbm>>, %arg8: memref<10112x128xf32, #tpu.memory_space<hbm>>, %arg9: memref<10112xf32, #tpu.memory_space<hbm>>, %arg10: memref<10112xf32, #tpu.memory_space<hbm>>, %arg11: memref<2x112xi32, #tpu.memory_space<vmem>>, %arg12: memref<2x112xi32, #tpu.memory_space<vmem>>, %arg13: memref<2x112xi32, #tpu.memory_space<vmem>>, %arg14: memref<112x128xf32, #tpu.memory_space<vmem>>, %arg15: memref<112x128xf32, #tpu.memory_space<vmem>>, %arg16: memref<112x128xf32, #tpu.memory_space<vmem>>, %arg17: memref<112xf32, #tpu.memory_space<vmem>>, %arg18: memref<10112x128xf32, #tpu.memory_space<vmem_shared>>, %arg19: memref<10112xf32, #tpu.memory_space<vmem_shared>>, %arg20: memref<!tpu.dma_semaphore, #tpu.memory_space<semaphore_mem>>, %arg21: memref<!tpu.dma_semaphore, #tpu.memory_space<semaphore_mem>>, %arg22: memref<!tpu.dma_semaphore, #tpu.memory_space<semaphore_mem>>, %arg23: memref<!tpu.dma_semaphore, #tpu.memory_space<semaphore_mem>>, %arg24: memref<!tpu.dma_semaphore, #tpu.memory_space<semaphore_mem>>, %arg25: memref<!tpu.dma_semaphore, #tpu.memory_space<semaphore_mem>>) attributes {dimension_semantics = [#tpu.dimension_semantics<core_parallel>, #tpu.dimension_semantics<subcore_parallel>], iteration_bounds = array<i64: 2, 16>, scalar_prefetch = 0 : i64, scratch_operands = 15 : i64, tpu.core_type = #tpu.core_type<sc_vector_subcore>, window_params = [{transform_indices = #map}, {transform_indices = #map}, {transform_indices = #map1}, {transform_indices = #map}, {transform_indices = #map2}, {transform_indices = #map}, {transform_indices = #map}, {transform_indices = #map2}, {transform_indices = #map2}]} {
    %mul3A = arith.constant 632 : i32
    %mul3A_0 = arith.muli %arg1, %mul3A : i32
    %broadcast_in_dim3A = arith.constant 1.000000e+00 : f32
    %broadcast_in_dim3A_1 = vector.broadcast %broadcast_in_dim3A : f32 to vector<16xf32>
    %swap3A = arith.constant 0 : index
    %swap3A_2 = tpu.vector_load %arg17[%swap3A] {strides = array<i32>} : memref<112xf32, #tpu.memory_space<vmem>>, vector<16xf32>,
    %swap3A_3 = vector.shape_cast %swap3A_2 : vector<16xf32> to vector<16xf32>
    %swap3A_4 = vector.shape_cast %broadcast_in_dim3A_1 : vector<16xf32> to vector<16xf32>
    tpu.vector_store %arg17[%swap3A], %swap3A_4 {strides = array<i32>} : memref<112xf32, #tpu.memory_space<vmem>>, vector<16xf32>,
    %broadcast_in_dim3A_5 = arith.constant 1.000000e+00 : f32
    %broadcast_in_dim3A_6 = vector.broadcast %broadcast_in_dim3A_5 : f32 to vector<16xf32>
    %swap3A_7 = arith.constant 16 : index
    %swap3A_8 = tpu.vector_load %arg17[%swap3A_7] {strides = array<i32>} : memref<112xf32, #tpu.memory_space<vmem>>, vector<16xf32>,
    %swap3A_9 = vector.shape_cast %swap3A_8 : vector<16xf32> to vector<16xf32>
    %swap3A_10 = vector.shape_cast %broadcast_in_dim3A_6 : vector<16xf32> to vector<16xf32>
    tpu.vector_store %arg17[%swap3A_7], %swap3A_10 {strides = array<i32>} : memref<112xf32, #tpu.memory_space<vmem>>, vector<16xf32>,
    %broadcast_in_dim3A_11 = arith.constant 1.000000e+00 : f32
    %broadcast_in_dim3A_12 = vector.broadcast %broadcast_in_dim3A_11 : f32 to vector<16xf32>
    %swap3A_13 = arith.constant 32 : index
    %swap3A_14 = tpu.vector_load %arg17[%swap3A_13] {strides = array<i32>} : memref<112xf32, #tpu.memory_space<vmem>>, vector<16xf32>,
    %swap3A_15 = vector.shape_cast %swap3A_14 : vector<16xf32> to vector<16xf32>
    %swap3A_16 = vector.shape_cast %broadcast_in_dim3A_12 : vector<16xf32> to vector<16xf32>
    tpu.vector_store %arg17[%swap3A_13], %swap3A_16 {strides = array<i32>} : memref<112xf32, #tpu.memory_space<vmem>>, vector<16xf32>,
    %broadcast_in_dim3A_17 = arith.constant 1.000000e+00 : f32
    %broadcast_in_dim3A_18 = vector.broadcast %broadcast_in_dim3A_17 : f32 to vector<16xf32>
    %swap3A_19 = arith.constant 48 : index
    %swap3A_20 = tpu.vector_load %arg17[%swap3A_19] {strides = array<i32>} : memref<112xf32, #tpu.memory_space<vmem>>, vector<16xf32>,
    %swap3A_21 = vector.shape_cast %swap3A_20 : vector<16xf32> to vector<16xf32>
    %swap3A_22 = vector.shape_cast %broadcast_in_dim3A_18 : vector<16xf32> to vector<16xf32>
    tpu.vector_store %arg17[%swap3A_19], %swap3A_22 {strides = array<i32>} : memref<112xf32, #tpu.memory_space<vmem>>, vector<16xf32>,
    %broadcast_in_dim3A_23 = arith.constant 1.000000e+00 : f32
    %broadcast_in_dim3A_24 = vector.broadcast %broadcast_in_dim3A_23 : f32 to vector<16xf32>
    %swap3A_25 = arith.constant 64 : index
    %swap3A_26 = tpu.vector_load %arg17[%swap3A_25] {strides = array<i32>} : memref<112xf32, #tpu.memory_space<vmem>>, vector<16xf32>,
    %swap3A_27 = vector.shape_cast %swap3A_26 : vector<16xf32> to vector<16xf32>
    %swap3A_28 = vector.shape_cast %broadcast_in_dim3A_24 : vector<16xf32> to vector<16xf32>
    tpu.vector_store %arg17[%swap3A_25], %swap3A_28 {strides = array<i32>} : memref<112xf32, #tpu.memory_space<vmem>>, vector<16xf32>,
    %broadcast_in_dim3A_29 = arith.constant 1.000000e+00 : f32
    %broadcast_in_dim3A_30 = vector.broadcast %broadcast_in_dim3A_29 : f32 to vector<16xf32>
    %swap3A_31 = arith.constant 80 : index
    %swap3A_32 = tpu.vector_load %arg17[%swap3A_31] {strides = array<i32>} : memref<112xf32, #tpu.memory_space<vmem>>, vector<16xf32>,
    %swap3A_33 = vector.shape_cast %swap3A_32 : vector<16xf32> to vector<16xf32>
    %swap3A_34 = vector.shape_cast %broadcast_in_dim3A_30 : vector<16xf32> to vector<16xf32>
    tpu.vector_store %arg17[%swap3A_31], %swap3A_34 {strides = array<i32>} : memref<112xf32, #tpu.memory_space<vmem>>, vector<16xf32>,
    %broadcast_in_dim3A_35 = arith.constant 1.000000e+00 : f32
    %broadcast_in_dim3A_36 = vector.broadcast %broadcast_in_dim3A_35 : f32 to vector<16xf32>
    %swap3A_37 = arith.constant 96 : index
    %swap3A_38 = tpu.vector_load %arg17[%swap3A_37] {strides = array<i32>} : memref<112xf32, #tpu.memory_space<vmem>>, vector<16xf32>,
    %swap3A_39 = vector.shape_cast %swap3A_38 : vector<16xf32> to vector<16xf32>
    %swap3A_40 = vector.shape_cast %broadcast_in_dim3A_36 : vector<16xf32> to vector<16xf32>
    tpu.vector_store %arg17[%swap3A_37], %swap3A_40 {strides = array<i32>} : memref<112xf32, #tpu.memory_space<vmem>>, vector<16xf32>,
    %eq3A = arith.constant 0 : i32
    %eq3A_41 = arith.cmpi eq, %arg0, %eq3A : i32
    %convert_element_type3A = arith.extui %eq3A_41 : i1 to i32
    %cond3A = arith.constant 0 : i32
    %cond3A_42 = arith.cmpi ne, %convert_element_type3A, %cond3A : i32
    scf.if %cond3A_42 {
      "tpu.region"() ({
        %run_scoped3A_90 = tpu.sem_alloc : memref<!tpu.dma_semaphore, #tpu.memory_space<semaphore_mem>>
        %dma_start3A_91 = arith.constant 0 : i32
        %dma_start3A_92 = tpu.memref_slice %arg18[%mul3A_0, %dma_start3A_91] : memref<10112x128xf32, #tpu.memory_space<vmem_shared>> -> memref<632x128xf32, #tpu.memory_space<vmem_shared>>
        tpu.enqueue_dma source(%arg5 : memref<632x128xf32, #tpu.memory_space<hbm>>) target(%dma_start3A_92 : memref<632x128xf32, #tpu.memory_space<vmem_shared>>) target_semaphore(%run_scoped3A_90 : memref<!tpu.dma_semaphore, #tpu.memory_space<semaphore_mem>>)
        %dma_wait3A_93 = arith.constant 0 : i32
        %dma_wait3A_94 = tpu.memref_slice %arg18[%mul3A_0, %dma_wait3A_93] : memref<10112x128xf32, #tpu.memory_space<vmem_shared>> -> memref<632x128xf32, #tpu.memory_space<vmem_shared>>
        tpu.wait_dma2 semaphore(%run_scoped3A_90 : memref<!tpu.dma_semaphore, #tpu.memory_space<semaphore_mem>>) src(%arg5 : memref<632x128xf32, #tpu.memory_space<hbm>>) dst(%dma_wait3A_94 : memref<632x128xf32, #tpu.memory_space<vmem_shared>>)
        tpu.yield
      }) : () -> ()
      %eq3A_48 = arith.constant 0 : i32
      %eq3A_49 = arith.cmpi eq, %arg1, %eq3A_48 : i32
      %convert_element_type3A_50 = arith.extui %eq3A_49 : i1 to i32
      %cond3A_51 = arith.constant 0 : i32
      %cond3A_52 = arith.cmpi ne, %convert_element_type3A_50, %cond3A_51 : i32
      scf.if %cond3A_52 {
        "tpu.region"() ({
          %run_scoped3A_90 = tpu.sem_alloc : memref<!tpu.dma_semaphore, #tpu.memory_space<semaphore_mem>>
          tpu.enqueue_dma source(%arg6 : memref<10112xf32, #tpu.memory_space<hbm>>) target(%arg19 : memref<10112xf32, #tpu.memory_space<vmem_shared>>) target_semaphore(%run_scoped3A_90 : memref<!tpu.dma_semaphore, #tpu.memory_space<semaphore_mem>>)
          tpu.wait_dma2 semaphore(%run_scoped3A_90 : memref<!tpu.dma_semaphore, #tpu.memory_space<semaphore_mem>>) src(%arg6 : memref<10112xf32, #tpu.memory_space<hbm>>) dst(%arg19 : memref<10112xf32, #tpu.memory_space<vmem_shared>>)
          tpu.yield
        }) : () -> ()
      } else {
      }
      %barrier3A = arith.constant 0 : index
      tpu.barrier barrier_id(%barrier3A)
      %run_scoped3A = arith.constant 0 : i32
      "tpu.region"() ({
        %run_scoped3A_90 = tpu.sem_alloc : memref<!tpu.dma_semaphore, #tpu.memory_space<semaphore_mem>>
        %dma_start3A_91 = arith.constant 0 : i32
        %dma_start3A_92 = arith.constant 0 : i32
        %dma_start3A_93 = tpu.memref_slice %arg4[%arg1, %run_scoped3A, %dma_start3A_91, %dma_start3A_92] : memref<16x90x2x112xi32, #tpu.memory_space<hbm>> -> memref<1x1x2x112xi32, #tpu.memory_space<hbm>>
        %dma_start3A_94 = tpu.memref_squeeze %dma_start3A_93 : memref<1x1x2x112xi32, #tpu.memory_space<hbm>> -> memref<2x112xi32, #tpu.memory_space<hbm>>
        %dma_start3A_95 = arith.constant 0 : i32
        %dma_start3A_96 = arith.constant 0 : i32
        %dma_start3A_97 = tpu.memref_slice %arg4[%arg1, %run_scoped3A, %dma_start3A_95, %dma_start3A_96] : memref<16x90x2x112xi32, #tpu.memory_space<hbm>> -> memref<1x1x2x112xi32, #tpu.memory_space<hbm>>
        %dma_start3A_98 = tpu.memref_squeeze %dma_start3A_97 : memref<1x1x2x112xi32, #tpu.memory_space<hbm>> -> memref<2x112xi32, #tpu.memory_space<hbm>>
        tpu.enqueue_dma source(%dma_start3A_98 : memref<2x112xi32, #tpu.memory_space<hbm>>) target(%arg11 : memref<2x112xi32, #tpu.memory_space<vmem>>) target_semaphore(%run_scoped3A_90 : memref<!tpu.dma_semaphore, #tpu.memory_space<semaphore_mem>>)
        %dma_wait3A_99 = arith.constant 0 : i32
        %dma_wait3A_100 = arith.constant 0 : i32
        %dma_wait3A_101 = tpu.memref_slice %arg4[%arg1, %run_scoped3A, %dma_wait3A_99, %dma_wait3A_100] : memref<16x90x2x112xi32, #tpu.memory_space<hbm>> -> memref<1x1x2x112xi32, #tpu.memory_space<hbm>>
        %dma_wait3A_102 = tpu.memref_squeeze %dma_wait3A_101 : memref<1x1x2x112xi32, #tpu.memory_space<hbm>> -> memref<2x112xi32, #tpu.memory_space<hbm>>
        %dma_wait3A_103 = arith.constant 0 : i32
        %dma_wait3A_104 = arith.constant 0 : i32
        %dma_wait3A_105 = tpu.memref_slice %arg4[%arg1, %run_scoped3A, %dma_wait3A_103, %dma_wait3A_104] : memref<16x90x2x112xi32, #tpu.memory_space<hbm>> -> memref<1x1x2x112xi32, #tpu.memory_space<hbm>>
        %dma_wait3A_106 = tpu.memref_squeeze %dma_wait3A_105 : memref<1x1x2x112xi32, #tpu.memory_space<hbm>> -> memref<2x112xi32, #tpu.memory_space<hbm>>
        tpu.wait_dma2 semaphore(%run_scoped3A_90 : memref<!tpu.dma_semaphore, #tpu.memory_space<semaphore_mem>>) src(%dma_wait3A_106 : memref<2x112xi32, #tpu.memory_space<hbm>>) dst(%arg11 : memref<2x112xi32, #tpu.memory_space<vmem>>)
        tpu.yield
      }) : () -> ()
      %dma_start3A = arith.constant 0 : i32
      %dma_start3A_53 = arith.constant 0 : i32
      %dma_start3A_54 = tpu.memref_slice %arg11[%dma_start3A, %dma_start3A_53] : memref<2x112xi32, #tpu.memory_space<vmem>> -> memref<1x112xi32, #tpu.memory_space<vmem>>
      %dma_start3A_55 = tpu.memref_squeeze %dma_start3A_54 : memref<1x112xi32, #tpu.memory_space<vmem>> -> memref<112xi32, #tpu.memory_space<vmem>>
      %dma_start3A_56 = arith.constant 0 : i32
      %dma_start3A_57 = arith.constant 0 : i32
      %dma_start3A_58 = tpu.memref_slice %arg2[%dma_start3A_56, %dma_start3A_57] : memref<10000x128xf32, #tpu.memory_space<hbm>> -> memref<10000x128xf32, #tpu.memory_space<hbm>>
      tpu.enqueue_indirect_dma source(%dma_start3A_58 : memref<10000x128xf32, #tpu.memory_space<hbm>>) target(%arg14 : memref<112x128xf32, #tpu.memory_space<vmem>>) offsets(%dma_start3A_55 : memref<112xi32, #tpu.memory_space<vmem>>) semaphore(%arg20 : memref<!tpu.dma_semaphore, #tpu.memory_space<semaphore_mem>>)
      %run_scoped3A_59 = arith.constant 1 : i32
      "tpu.region"() ({
        %run_scoped3A_90 = tpu.sem_alloc : memref<!tpu.dma_semaphore, #tpu.memory_space<semaphore_mem>>
        %dma_start3A_91 = arith.constant 0 : i32
        %dma_start3A_92 = arith.constant 0 : i32
        %dma_start3A_93 = tpu.memref_slice %arg4[%arg1, %run_scoped3A_59, %dma_start3A_91, %dma_start3A_92] : memref<16x90x2x112xi32, #tpu.memory_space<hbm>> -> memref<1x1x2x112xi32, #tpu.memory_space<hbm>>
        %dma_start3A_94 = tpu.memref_squeeze %dma_start3A_93 : memref<1x1x2x112xi32, #tpu.memory_space<hbm>> -> memref<2x112xi32, #tpu.memory_space<hbm>>
        %dma_start3A_95 = arith.constant 0 : i32
        %dma_start3A_96 = arith.constant 0 : i32
        %dma_start3A_97 = tpu.memref_slice %arg4[%arg1, %run_scoped3A_59, %dma_start3A_95, %dma_start3A_96] : memref<16x90x2x112xi32, #tpu.memory_space<hbm>> -> memref<1x1x2x112xi32, #tpu.memory_space<hbm>>
        %dma_start3A_98 = tpu.memref_squeeze %dma_start3A_97 : memref<1x1x2x112xi32, #tpu.memory_space<hbm>> -> memref<2x112xi32, #tpu.memory_space<hbm>>
        tpu.enqueue_dma source(%dma_start3A_98 : memref<2x112xi32, #tpu.memory_space<hbm>>) target(%arg12 : memref<2x112xi32, #tpu.memory_space<vmem>>) target_semaphore(%run_scoped3A_90 : memref<!tpu.dma_semaphore, #tpu.memory_space<semaphore_mem>>)
        %dma_wait3A_99 = arith.constant 0 : i32
        %dma_wait3A_100 = arith.constant 0 : i32
        %dma_wait3A_101 = tpu.memref_slice %arg4[%arg1, %run_scoped3A_59, %dma_wait3A_99, %dma_wait3A_100] : memref<16x90x2x112xi32, #tpu.memory_space<hbm>> -> memref<1x1x2x112xi32, #tpu.memory_space<hbm>>
        %dma_wait3A_102 = tpu.memref_squeeze %dma_wait3A_101 : memref<1x1x2x112xi32, #tpu.memory_space<hbm>> -> memref<2x112xi32, #tpu.memory_space<hbm>>
        %dma_wait3A_103 = arith.constant 0 : i32
        %dma_wait3A_104 = arith.constant 0 : i32
        %dma_wait3A_105 = tpu.memref_slice %arg4[%arg1, %run_scoped3A_59, %dma_wait3A_103, %dma_wait3A_104] : memref<16x90x2x112xi32, #tpu.memory_space<hbm>> -> memref<1x1x2x112xi32, #tpu.memory_space<hbm>>
        %dma_wait3A_106 = tpu.memref_squeeze %dma_wait3A_105 : memref<1x1x2x112xi32, #tpu.memory_space<hbm>> -> memref<2x112xi32, #tpu.memory_space<hbm>>
        tpu.wait_dma2 semaphore(%run_scoped3A_90 : memref<!tpu.dma_semaphore, #tpu.memory_space<semaphore_mem>>) src(%dma_wait3A_106 : memref<2x112xi32, #tpu.memory_space<hbm>>) dst(%arg12 : memref<2x112xi32, #tpu.memory_space<vmem>>)
        tpu.yield
      }) : () -> ()
      %dma_start3A_60 = arith.constant 0 : i32
      %dma_start3A_61 = arith.constant 0 : i32
      %dma_start3A_62 = tpu.memref_slice %arg12[%dma_start3A_60, %dma_start3A_61] : memref<2x112xi32, #tpu.memory_space<vmem>> -> memref<1x112xi32, #tpu.memory_space<vmem>>
      %dma_start3A_63 = tpu.memref_squeeze %dma_start3A_62 : memref<1x112xi32, #tpu.memory_space<vmem>> -> memref<112xi32, #tpu.memory_space<vmem>>
      %dma_start3A_64 = arith.constant 0 : i32
      %dma_start3A_65 = arith.constant 0 : i32
      %dma_start3A_66 = tpu.memref_slice %arg2[%dma_start3A_64, %dma_start3A_65] : memref<10000x128xf32, #tpu.memory_space<hbm>> -> memref<10000x128xf32, #tpu.memory_space<hbm>>
      tpu.enqueue_indirect_dma source(%dma_start3A_66 : memref<10000x128xf32, #tpu.memory_space<hbm>>) target(%arg15 : memref<112x128xf32, #tpu.memory_space<vmem>>) offsets(%dma_start3A_63 : memref<112xi32, #tpu.memory_space<vmem>>) semaphore(%arg21 : memref<!tpu.dma_semaphore, #tpu.memory_space<semaphore_mem>>)
      %scan3A = arith.constant 0 : i32
      %scan3A_67 = arith.constant 0 : i32
      %scan3A_68 = arith.constant 30 : i32
      %scan3A_69 = arith.addi %scan3A_67, %scan3A_68 : i32
      %scan3A_70 = arith.constant 1 : i32
      scf.for %scan3A_90 = %scan3A_67 to %scan3A_69 step %scan3A_70  : i32 {
        %mul3A_91 = arith.constant 3 : i32
        %mul3A_92 = arith.muli %mul3A_91, %scan3A_90 : i32
        %add3A = arith.constant 0 : i32
        %add3A_93 = arith.addi %mul3A_92, %add3A : i32
        %lt3A = arith.constant 90 : i32
        %lt3A_94 = arith.cmpi slt, %add3A_93, %lt3A : i32
        %convert_element_type3A_95 = arith.extui %lt3A_94 : i1 to i32
        %cond3A_96 = arith.constant 0 : i32
        %cond3A_97 = arith.cmpi ne, %convert_element_type3A_95, %cond3A_96 : i32
        scf.if %cond3A_97 {
          %dma_wait3A_116 = arith.constant 0 : i32
          %dma_wait3A_117 = arith.constant 0 : i32
          %dma_wait3A_118 = tpu.memref_slice %arg11[%dma_wait3A_116, %dma_wait3A_117] : memref<2x112xi32, #tpu.memory_space<vmem>> -> memref<1x112xi32, #tpu.memory_space<vmem>>
          %dma_wait3A_119 = tpu.memref_squeeze %dma_wait3A_118 : memref<1x112xi32, #tpu.memory_space<vmem>> -> memref<112xi32, #tpu.memory_space<vmem>>
          %dma_wait3A_120 = arith.constant 0 : i32
          %dma_wait3A_121 = arith.constant 0 : i32
          %dma_wait3A_122 = tpu.memref_slice %arg2[%dma_wait3A_120, %dma_wait3A_121] : memref<10000x128xf32, #tpu.memory_space<hbm>> -> memref<10000x128xf32, #tpu.memory_space<hbm>>
          tpu.wait_indirect_dma semaphore(%arg20 : memref<!tpu.dma_semaphore, #tpu.memory_space<semaphore_mem>>) src(%dma_wait3A_122 : memref<10000x128xf32, #tpu.memory_space<hbm>>) dst(%arg14 : memref<112x128xf32, #tpu.memory_space<vmem>>)
          %dma_start3A_123 = arith.constant 1 : i32
          %dma_start3A_124 = arith.constant 0 : i32
          %dma_start3A_125 = tpu.memref_slice %arg11[%dma_start3A_123, %dma_start3A_124] : memref<2x112xi32, #tpu.memory_space<vmem>> -> memref<1x112xi32, #tpu.memory_space<vmem>>
          %dma_start3A_126 = tpu.memref_squeeze %dma_start3A_125 : memref<1x112xi32, #tpu.memory_space<vmem>> -> memref<112xi32, #tpu.memory_space<vmem>>
          %dma_start3A_127 = arith.constant 0 : i32
          %dma_start3A_128 = arith.constant 0 : i32
          %dma_start3A_129 = tpu.memref_slice %arg18[%dma_start3A_127, %dma_start3A_128] : memref<10112x128xf32, #tpu.memory_space<vmem_shared>> -> memref<10112x128xf32, #tpu.memory_space<vmem_shared>>
          tpu.enqueue_indirect_dma source(%arg14 : memref<112x128xf32, #tpu.memory_space<vmem>>) target(%dma_start3A_129 : memref<10112x128xf32, #tpu.memory_space<vmem_shared>>) offsets(%dma_start3A_126 : memref<112xi32, #tpu.memory_space<vmem>>) semaphore(%arg23 : memref<!tpu.dma_semaphore, #tpu.memory_space<semaphore_mem>>) {add = true}
          %jit3A = arith.constant 2 : i32
          %eq3A_130 = arith.constant 0 : i32
          %eq3A_131 = arith.cmpi eq, %jit3A, %eq3A_130 : i32
          %jit3A_132 = arith.constant 1 : i32
          %select_n3A = arith.select %eq3A_131, %jit3A_132, %jit3A : i32
          %rem3A = arith.remsi %add3A_93, %select_n3A : i32
          %ne3A = arith.constant 0 : i32
          %ne3A_133 = arith.cmpi ne, %rem3A, %ne3A : i32
          %lt3A_134 = arith.constant 0 : i32
          %lt3A_135 = arith.cmpi slt, %rem3A, %lt3A_134 : i32
          %lt3A_136 = arith.constant 0 : i32
          %lt3A_137 = arith.cmpi slt, %select_n3A, %lt3A_136 : i32
          %ne3A_138 = arith.xori %lt3A_135, %lt3A_137 : i1
          %and3A = arith.andi %ne3A_138, %ne3A_133 : i1
          %add3A_139 = arith.addi %rem3A, %select_n3A : i32
          %select_n3A_140 = arith.select %and3A, %add3A_139, %rem3A : i32
          %eq3A_141 = arith.cmpi eq, %select_n3A_140, %arg0 : i32
          %convert_element_type3A_142 = arith.extui %eq3A_141 : i1 to i32
          %cond3A_143 = arith.constant 0 : i32
          %cond3A_144 = arith.cmpi ne, %convert_element_type3A_142, %cond3A_143 : i32
          scf.if %cond3A_144 {
            %dma_start3A_156 = arith.constant 1 : i32
            %dma_start3A_157 = arith.constant 0 : i32
            %dma_start3A_158 = tpu.memref_slice %arg11[%dma_start3A_156, %dma_start3A_157] : memref<2x112xi32, #tpu.memory_space<vmem>> -> memref<1x112xi32, #tpu.memory_space<vmem>>
            %dma_start3A_159 = tpu.memref_squeeze %dma_start3A_158 : memref<1x112xi32, #tpu.memory_space<vmem>> -> memref<112xi32, #tpu.memory_space<vmem>>
            %dma_start3A_160 = arith.constant 0 : i32
            %dma_start3A_161 = tpu.memref_slice %arg19[%dma_start3A_160] : memref<10112xf32, #tpu.memory_space<vmem_shared>> -> memref<10112xf32, #tpu.memory_space<vmem_shared>>
            tpu.enqueue_indirect_dma source(%arg17 : memref<112xf32, #tpu.memory_space<vmem>>) target(%dma_start3A_161 : memref<10112xf32, #tpu.memory_space<vmem_shared>>) offsets(%dma_start3A_159 : memref<112xi32, #tpu.memory_space<vmem>>) semaphore(%arg23 : memref<!tpu.dma_semaphore, #tpu.memory_space<semaphore_mem>>) {add = true}
          } else {
          }
          %ge3A = arith.constant 1 : i32
          %ge3A_145 = arith.cmpi sge, %add3A_93, %ge3A : i32
          %convert_element_type3A_146 = arith.extui %ge3A_145 : i1 to i32
          %cond3A_147 = arith.constant 0 : i32
          %cond3A_148 = arith.cmpi ne, %convert_element_type3A_146, %cond3A_147 : i32
          scf.if %cond3A_148 {
            %sub3A = arith.constant 1 : i32
            %sub3A_156 = arith.subi %add3A_93, %sub3A : i32
            %dma_wait3A_157 = arith.constant 1 : i32
            %dma_wait3A_158 = arith.constant 0 : i32
            %dma_wait3A_159 = tpu.memref_slice %arg13[%dma_wait3A_157, %dma_wait3A_158] : memref<2x112xi32, #tpu.memory_space<vmem>> -> memref<1x112xi32, #tpu.memory_space<vmem>>
            %dma_wait3A_160 = tpu.memref_squeeze %dma_wait3A_159 : memref<1x112xi32, #tpu.memory_space<vmem>> -> memref<112xi32, #tpu.memory_space<vmem>>
            %dma_wait3A_161 = arith.constant 0 : i32
            %dma_wait3A_162 = arith.constant 0 : i32
            %dma_wait3A_163 = tpu.memref_slice %arg18[%dma_wait3A_161, %dma_wait3A_162] : memref<10112x128xf32, #tpu.memory_space<vmem_shared>> -> memref<10112x128xf32, #tpu.memory_space<vmem_shared>>
            tpu.wait_indirect_dma semaphore(%arg25 : memref<!tpu.dma_semaphore, #tpu.memory_space<semaphore_mem>>) src(%arg16 : memref<112x128xf32, #tpu.memory_space<vmem>>) dst(%dma_wait3A_163 : memref<10112x128xf32, #tpu.memory_space<vmem_shared>>)
            %jit3A_164 = arith.constant 2 : i32
            %eq3A_165 = arith.constant 0 : i32
            %eq3A_166 = arith.cmpi eq, %jit3A_164, %eq3A_165 : i32
            %jit3A_167 = arith.constant 1 : i32
            %select_n3A_168 = arith.select %eq3A_166, %jit3A_167, %jit3A_164 : i32
            %rem3A_169 = arith.remsi %sub3A_156, %select_n3A_168 : i32
            %ne3A_170 = arith.constant 0 : i32
            %ne3A_171 = arith.cmpi ne, %rem3A_169, %ne3A_170 : i32
            %lt3A_172 = arith.constant 0 : i32
            %lt3A_173 = arith.cmpi slt, %rem3A_169, %lt3A_172 : i32
            %lt3A_174 = arith.constant 0 : i32
            %lt3A_175 = arith.cmpi slt, %select_n3A_168, %lt3A_174 : i32
            %ne3A_176 = arith.xori %lt3A_173, %lt3A_175 : i1
            %and3A_177 = arith.andi %ne3A_176, %ne3A_171 : i1
            %add3A_178 = arith.addi %rem3A_169, %select_n3A_168 : i32
            %select_n3A_179 = arith.select %and3A_177, %add3A_178, %rem3A_169 : i32
            %eq3A_180 = arith.cmpi eq, %select_n3A_179, %arg0 : i32
            %convert_element_type3A_181 = arith.extui %eq3A_180 : i1 to i32
            %cond3A_182 = arith.constant 0 : i32
            %cond3A_183 = arith.cmpi ne, %convert_element_type3A_181, %cond3A_182 : i32
            scf.if %cond3A_183 {
              %dma_wait3A_184 = arith.constant 1 : i32
              %dma_wait3A_185 = arith.constant 0 : i32
              %dma_wait3A_186 = tpu.memref_slice %arg13[%dma_wait3A_184, %dma_wait3A_185] : memref<2x112xi32, #tpu.memory_space<vmem>> -> memref<1x112xi32, #tpu.memory_space<vmem>>
              %dma_wait3A_187 = tpu.memref_squeeze %dma_wait3A_186 : memref<1x112xi32, #tpu.memory_space<vmem>> -> memref<112xi32, #tpu.memory_space<vmem>>
              %dma_wait3A_188 = arith.constant 0 : i32
              %dma_wait3A_189 = tpu.memref_slice %arg19[%dma_wait3A_188] : memref<10112xf32, #tpu.memory_space<vmem_shared>> -> memref<10112xf32, #tpu.memory_space<vmem_shared>>
              tpu.wait_indirect_dma semaphore(%arg25 : memref<!tpu.dma_semaphore, #tpu.memory_space<semaphore_mem>>) src(%arg17 : memref<112xf32, #tpu.memory_space<vmem>>) dst(%dma_wait3A_189 : memref<10112xf32, #tpu.memory_space<vmem_shared>>)
            } else {
            }
          } else {
          }
          %add3A_149 = arith.constant 2 : i32
          %add3A_150 = arith.addi %add3A_93, %add3A_149 : i32
          %lt3A_151 = arith.constant 90 : i32
          %lt3A_152 = arith.cmpi slt, %add3A_150, %lt3A_151 : i32
          %convert_element_type3A_153 = arith.extui %lt3A_152 : i1 to i32
          %cond3A_154 = arith.constant 0 : i32
          %cond3A_155 = arith.cmpi ne, %convert_element_type3A_153, %cond3A_154 : i32
          scf.if %cond3A_155 {
            %add3A_156 = arith.constant 2 : i32
            %add3A_157 = arith.addi %add3A_93, %add3A_156 : i32
            "tpu.region"() ({
              %run_scoped3A_165 = tpu.sem_alloc : memref<!tpu.dma_semaphore, #tpu.memory_space<semaphore_mem>>
              %dma_start3A_166 = arith.constant 0 : i32
              %dma_start3A_167 = arith.constant 0 : i32
              %dma_start3A_168 = tpu.memref_slice %arg4[%arg1, %add3A_157, %dma_start3A_166, %dma_start3A_167] : memref<16x90x2x112xi32, #tpu.memory_space<hbm>> -> memref<1x1x2x112xi32, #tpu.memory_space<hbm>>
              %dma_start3A_169 = tpu.memref_squeeze %dma_start3A_168 : memref<1x1x2x112xi32, #tpu.memory_space<hbm>> -> memref<2x112xi32, #tpu.memory_space<hbm>>
              %dma_start3A_170 = arith.constant 0 : i32
              %dma_start3A_171 = arith.constant 0 : i32
              %dma_start3A_172 = tpu.memref_slice %arg4[%arg1, %add3A_157, %dma_start3A_170, %dma_start3A_171] : memref<16x90x2x112xi32, #tpu.memory_space<hbm>> -> memref<1x1x2x112xi32, #tpu.memory_space<hbm>>
              %dma_start3A_173 = tpu.memref_squeeze %dma_start3A_172 : memref<1x1x2x112xi32, #tpu.memory_space<hbm>> -> memref<2x112xi32, #tpu.memory_space<hbm>>
              tpu.enqueue_dma source(%dma_start3A_173 : memref<2x112xi32, #tpu.memory_space<hbm>>) target(%arg13 : memref<2x112xi32, #tpu.memory_space<vmem>>) target_semaphore(%run_scoped3A_165 : memref<!tpu.dma_semaphore, #tpu.memory_space<semaphore_mem>>)
              %dma_wait3A_174 = arith.constant 0 : i32
              %dma_wait3A_175 = arith.constant 0 : i32
              %dma_wait3A_176 = tpu.memref_slice %arg4[%arg1, %add3A_157, %dma_wait3A_174, %dma_wait3A_175] : memref<16x90x2x112xi32, #tpu.memory_space<hbm>> -> memref<1x1x2x112xi32, #tpu.memory_space<hbm>>
              %dma_wait3A_177 = tpu.memref_squeeze %dma_wait3A_176 : memref<1x1x2x112xi32, #tpu.memory_space<hbm>> -> memref<2x112xi32, #tpu.memory_space<hbm>>
              %dma_wait3A_178 = arith.constant 0 : i32
              %dma_wait3A_179 = arith.constant 0 : i32
              %dma_wait3A_180 = tpu.memref_slice %arg4[%arg1, %add3A_157, %dma_wait3A_178, %dma_wait3A_179] : memref<16x90x2x112xi32, #tpu.memory_space<hbm>> -> memref<1x1x2x112xi32, #tpu.memory_space<hbm>>
              %dma_wait3A_181 = tpu.memref_squeeze %dma_wait3A_180 : memref<1x1x2x112xi32, #tpu.memory_space<hbm>> -> memref<2x112xi32, #tpu.memory_space<hbm>>
              tpu.wait_dma2 semaphore(%run_scoped3A_165 : memref<!tpu.dma_semaphore, #tpu.memory_space<semaphore_mem>>) src(%dma_wait3A_181 : memref<2x112xi32, #tpu.memory_space<hbm>>) dst(%arg13 : memref<2x112xi32, #tpu.memory_space<vmem>>)
              tpu.yield
            }) : () -> ()
            %dma_start3A_158 = arith.constant 0 : i32
            %dma_start3A_159 = arith.constant 0 : i32
            %dma_start3A_160 = tpu.memref_slice %arg13[%dma_start3A_158, %dma_start3A_159] : memref<2x112xi32, #tpu.memory_space<vmem>> -> memref<1x112xi32, #tpu.memory_space<vmem>>
            %dma_start3A_161 = tpu.memref_squeeze %dma_start3A_160 : memref<1x112xi32, #tpu.memory_space<vmem>> -> memref<112xi32, #tpu.memory_space<vmem>>
            %dma_start3A_162 = arith.constant 0 : i32
            %dma_start3A_163 = arith.constant 0 : i32
            %dma_start3A_164 = tpu.memref_slice %arg2[%dma_start3A_162, %dma_start3A_163] : memref<10000x128xf32, #tpu.memory_space<hbm>> -> memref<10000x128xf32, #tpu.memory_space<hbm>>
            tpu.enqueue_indirect_dma source(%dma_start3A_164 : memref<10000x128xf32, #tpu.memory_space<hbm>>) target(%arg16 : memref<112x128xf32, #tpu.memory_space<vmem>>) offsets(%dma_start3A_161 : memref<112xi32, #tpu.memory_space<vmem>>) semaphore(%arg22 : memref<!tpu.dma_semaphore, #tpu.memory_space<semaphore_mem>>)
          } else {
          }
        } else {
        }
        %mul3A_98 = arith.constant 3 : i32
        %mul3A_99 = arith.muli %mul3A_98, %scan3A_90 : i32
        %add3A_100 = arith.constant 1 : i32
        %add3A_101 = arith.addi %mul3A_99, %add3A_100 : i32
        %lt3A_102 = arith.constant 90 : i32
        %lt3A_103 = arith.cmpi slt, %add3A_101, %lt3A_102 : i32
        %convert_element_type3A_104 = arith.extui %lt3A_103 : i1 to i32
        %cond3A_105 = arith.constant 0 : i32
        %cond3A_106 = arith.cmpi ne, %convert_element_type3A_104, %cond3A_105 : i32
        scf.if %cond3A_106 {
          %dma_wait3A_116 = arith.constant 0 : i32
          %dma_wait3A_117 = arith.constant 0 : i32
          %dma_wait3A_118 = tpu.memref_slice %arg12[%dma_wait3A_116, %dma_wait3A_117] : memref<2x112xi32, #tpu.memory_space<vmem>> -> memref<1x112xi32, #tpu.memory_space<vmem>>
          %dma_wait3A_119 = tpu.memref_squeeze %dma_wait3A_118 : memref<1x112xi32, #tpu.memory_space<vmem>> -> memref<112xi32, #tpu.memory_space<vmem>>
          %dma_wait3A_120 = arith.constant 0 : i32
          %dma_wait3A_121 = arith.constant 0 : i32
          %dma_wait3A_122 = tpu.memref_slice %arg2[%dma_wait3A_120, %dma_wait3A_121] : memref<10000x128xf32, #tpu.memory_space<hbm>> -> memref<10000x128xf32, #tpu.memory_space<hbm>>
          tpu.wait_indirect_dma semaphore(%arg21 : memref<!tpu.dma_semaphore, #tpu.memory_space<semaphore_mem>>) src(%dma_wait3A_122 : memref<10000x128xf32, #tpu.memory_space<hbm>>) dst(%arg15 : memref<112x128xf32, #tpu.memory_space<vmem>>)
          %dma_start3A_123 = arith.constant 1 : i32
          %dma_start3A_124 = arith.constant 0 : i32
          %dma_start3A_125 = tpu.memref_slice %arg12[%dma_start3A_123, %dma_start3A_124] : memref<2x112xi32, #tpu.memory_space<vmem>> -> memref<1x112xi32, #tpu.memory_space<vmem>>
          %dma_start3A_126 = tpu.memref_squeeze %dma_start3A_125 : memref<1x112xi32, #tpu.memory_space<vmem>> -> memref<112xi32, #tpu.memory_space<vmem>>
          %dma_start3A_127 = arith.constant 0 : i32
          %dma_start3A_128 = arith.constant 0 : i32
          %dma_start3A_129 = tpu.memref_slice %arg18[%dma_start3A_127, %dma_start3A_128] : memref<10112x128xf32, #tpu.memory_space<vmem_shared>> -> memref<10112x128xf32, #tpu.memory_space<vmem_shared>>
          tpu.enqueue_indirect_dma source(%arg15 : memref<112x128xf32, #tpu.memory_space<vmem>>) target(%dma_start3A_129 : memref<10112x128xf32, #tpu.memory_space<vmem_shared>>) offsets(%dma_start3A_126 : memref<112xi32, #tpu.memory_space<vmem>>) semaphore(%arg24 : memref<!tpu.dma_semaphore, #tpu.memory_space<semaphore_mem>>) {add = true}
          %jit3A = arith.constant 2 : i32
          %eq3A_130 = arith.constant 0 : i32
          %eq3A_131 = arith.cmpi eq, %jit3A, %eq3A_130 : i32
          %jit3A_132 = arith.constant 1 : i32
          %select_n3A = arith.select %eq3A_131, %jit3A_132, %jit3A : i32
          %rem3A = arith.remsi %add3A_101, %select_n3A : i32
          %ne3A = arith.constant 0 : i32
          %ne3A_133 = arith.cmpi ne, %rem3A, %ne3A : i32
          %lt3A_134 = arith.constant 0 : i32
          %lt3A_135 = arith.cmpi slt, %rem3A, %lt3A_134 : i32
          %lt3A_136 = arith.constant 0 : i32
          %lt3A_137 = arith.cmpi slt, %select_n3A, %lt3A_136 : i32
          %ne3A_138 = arith.xori %lt3A_135, %lt3A_137 : i1
          %and3A = arith.andi %ne3A_138, %ne3A_133 : i1
          %add3A_139 = arith.addi %rem3A, %select_n3A : i32
          %select_n3A_140 = arith.select %and3A, %add3A_139, %rem3A : i32
          %eq3A_141 = arith.cmpi eq, %select_n3A_140, %arg0 : i32
          %convert_element_type3A_142 = arith.extui %eq3A_141 : i1 to i32
          %cond3A_143 = arith.constant 0 : i32
          %cond3A_144 = arith.cmpi ne, %convert_element_type3A_142, %cond3A_143 : i32
          scf.if %cond3A_144 {
            %dma_start3A_156 = arith.constant 1 : i32
            %dma_start3A_157 = arith.constant 0 : i32
            %dma_start3A_158 = tpu.memref_slice %arg12[%dma_start3A_156, %dma_start3A_157] : memref<2x112xi32, #tpu.memory_space<vmem>> -> memref<1x112xi32, #tpu.memory_space<vmem>>
            %dma_start3A_159 = tpu.memref_squeeze %dma_start3A_158 : memref<1x112xi32, #tpu.memory_space<vmem>> -> memref<112xi32, #tpu.memory_space<vmem>>
            %dma_start3A_160 = arith.constant 0 : i32
            %dma_start3A_161 = tpu.memref_slice %arg19[%dma_start3A_160] : memref<10112xf32, #tpu.memory_space<vmem_shared>> -> memref<10112xf32, #tpu.memory_space<vmem_shared>>
            tpu.enqueue_indirect_dma source(%arg17 : memref<112xf32, #tpu.memory_space<vmem>>) target(%dma_start3A_161 : memref<10112xf32, #tpu.memory_space<vmem_shared>>) offsets(%dma_start3A_159 : memref<112xi32, #tpu.memory_space<vmem>>) semaphore(%arg24 : memref<!tpu.dma_semaphore, #tpu.memory_space<semaphore_mem>>) {add = true}
          } else {
          }
          %ge3A = arith.constant 1 : i32
          %ge3A_145 = arith.cmpi sge, %add3A_101, %ge3A : i32
          %convert_element_type3A_146 = arith.extui %ge3A_145 : i1 to i32
          %cond3A_147 = arith.constant 0 : i32
          %cond3A_148 = arith.cmpi ne, %convert_element_type3A_146, %cond3A_147 : i32
          scf.if %cond3A_148 {
            %sub3A = arith.constant 1 : i32
            %sub3A_156 = arith.subi %add3A_101, %sub3A : i32
            %dma_wait3A_157 = arith.constant 1 : i32
            %dma_wait3A_158 = arith.constant 0 : i32
            %dma_wait3A_159 = tpu.memref_slice %arg11[%dma_wait3A_157, %dma_wait3A_158] : memref<2x112xi32, #tpu.memory_space<vmem>> -> memref<1x112xi32, #tpu.memory_space<vmem>>
            %dma_wait3A_160 = tpu.memref_squeeze %dma_wait3A_159 : memref<1x112xi32, #tpu.memory_space<vmem>> -> memref<112xi32, #tpu.memory_space<vmem>>
            %dma_wait3A_161 = arith.constant 0 : i32
            %dma_wait3A_162 = arith.constant 0 : i32
            %dma_wait3A_163 = tpu.memref_slice %arg18[%dma_wait3A_161, %dma_wait3A_162] : memref<10112x128xf32, #tpu.memory_space<vmem_shared>> -> memref<10112x128xf32, #tpu.memory_space<vmem_shared>>
            tpu.wait_indirect_dma semaphore(%arg23 : memref<!tpu.dma_semaphore, #tpu.memory_space<semaphore_mem>>) src(%arg14 : memref<112x128xf32, #tpu.memory_space<vmem>>) dst(%dma_wait3A_163 : memref<10112x128xf32, #tpu.memory_space<vmem_shared>>)
            %jit3A_164 = arith.constant 2 : i32
            %eq3A_165 = arith.constant 0 : i32
            %eq3A_166 = arith.cmpi eq, %jit3A_164, %eq3A_165 : i32
            %jit3A_167 = arith.constant 1 : i32
            %select_n3A_168 = arith.select %eq3A_166, %jit3A_167, %jit3A_164 : i32
            %rem3A_169 = arith.remsi %sub3A_156, %select_n3A_168 : i32
            %ne3A_170 = arith.constant 0 : i32
            %ne3A_171 = arith.cmpi ne, %rem3A_169, %ne3A_170 : i32
            %lt3A_172 = arith.constant 0 : i32
            %lt3A_173 = arith.cmpi slt, %rem3A_169, %lt3A_172 : i32
            %lt3A_174 = arith.constant 0 : i32
            %lt3A_175 = arith.cmpi slt, %select_n3A_168, %lt3A_174 : i32
            %ne3A_176 = arith.xori %lt3A_173, %lt3A_175 : i1
            %and3A_177 = arith.andi %ne3A_176, %ne3A_171 : i1
            %add3A_178 = arith.addi %rem3A_169, %select_n3A_168 : i32
            %select_n3A_179 = arith.select %and3A_177, %add3A_178, %rem3A_169 : i32
            %eq3A_180 = arith.cmpi eq, %select_n3A_179, %arg0 : i32
            %convert_element_type3A_181 = arith.extui %eq3A_180 : i1 to i32
            %cond3A_182 = arith.constant 0 : i32
            %cond3A_183 = arith.cmpi ne, %convert_element_type3A_181, %cond3A_182 : i32
            scf.if %cond3A_183 {
              %dma_wait3A_184 = arith.constant 1 : i32
              %dma_wait3A_185 = arith.constant 0 : i32
              %dma_wait3A_186 = tpu.memref_slice %arg11[%dma_wait3A_184, %dma_wait3A_185] : memref<2x112xi32, #tpu.memory_space<vmem>> -> memref<1x112xi32, #tpu.memory_space<vmem>>
              %dma_wait3A_187 = tpu.memref_squeeze %dma_wait3A_186 : memref<1x112xi32, #tpu.memory_space<vmem>> -> memref<112xi32, #tpu.memory_space<vmem>>
              %dma_wait3A_188 = arith.constant 0 : i32
              %dma_wait3A_189 = tpu.memref_slice %arg19[%dma_wait3A_188] : memref<10112xf32, #tpu.memory_space<vmem_shared>> -> memref<10112xf32, #tpu.memory_space<vmem_shared>>
              tpu.wait_indirect_dma semaphore(%arg23 : memref<!tpu.dma_semaphore, #tpu.memory_space<semaphore_mem>>) src(%arg17 : memref<112xf32, #tpu.memory_space<vmem>>) dst(%dma_wait3A_189 : memref<10112xf32, #tpu.memory_space<vmem_shared>>)
            } else {
            }
          } else {
          }
          %add3A_149 = arith.constant 2 : i32
          %add3A_150 = arith.addi %add3A_101, %add3A_149 : i32
          %lt3A_151 = arith.constant 90 : i32
          %lt3A_152 = arith.cmpi slt, %add3A_150, %lt3A_151 : i32
          %convert_element_type3A_153 = arith.extui %lt3A_152 : i1 to i32
          %cond3A_154 = arith.constant 0 : i32
          %cond3A_155 = arith.cmpi ne, %convert_element_type3A_153, %cond3A_154 : i32
          scf.if %cond3A_155 {
            %add3A_156 = arith.constant 2 : i32
            %add3A_157 = arith.addi %add3A_101, %add3A_156 : i32
            "tpu.region"() ({
              %run_scoped3A_165 = tpu.sem_alloc : memref<!tpu.dma_semaphore, #tpu.memory_space<semaphore_mem>>
              %dma_start3A_166 = arith.constant 0 : i32
              %dma_start3A_167 = arith.constant 0 : i32
              %dma_start3A_168 = tpu.memref_slice %arg4[%arg1, %add3A_157, %dma_start3A_166, %dma_start3A_167] : memref<16x90x2x112xi32, #tpu.memory_space<hbm>> -> memref<1x1x2x112xi32, #tpu.memory_space<hbm>>
              %dma_start3A_169 = tpu.memref_squeeze %dma_start3A_168 : memref<1x1x2x112xi32, #tpu.memory_space<hbm>> -> memref<2x112xi32, #tpu.memory_space<hbm>>
              %dma_start3A_170 = arith.constant 0 : i32
              %dma_start3A_171 = arith.constant 0 : i32
              %dma_start3A_172 = tpu.memref_slice %arg4[%arg1, %add3A_157, %dma_start3A_170, %dma_start3A_171] : memref<16x90x2x112xi32, #tpu.memory_space<hbm>> -> memref<1x1x2x112xi32, #tpu.memory_space<hbm>>
              %dma_start3A_173 = tpu.memref_squeeze %dma_start3A_172 : memref<1x1x2x112xi32, #tpu.memory_space<hbm>> -> memref<2x112xi32, #tpu.memory_space<hbm>>
              tpu.enqueue_dma source(%dma_start3A_173 : memref<2x112xi32, #tpu.memory_space<hbm>>) target(%arg11 : memref<2x112xi32, #tpu.memory_space<vmem>>) target_semaphore(%run_scoped3A_165 : memref<!tpu.dma_semaphore, #tpu.memory_space<semaphore_mem>>)
              %dma_wait3A_174 = arith.constant 0 : i32
              %dma_wait3A_175 = arith.constant 0 : i32
              %dma_wait3A_176 = tpu.memref_slice %arg4[%arg1, %add3A_157, %dma_wait3A_174, %dma_wait3A_175] : memref<16x90x2x112xi32, #tpu.memory_space<hbm>> -> memref<1x1x2x112xi32, #tpu.memory_space<hbm>>
              %dma_wait3A_177 = tpu.memref_squeeze %dma_wait3A_176 : memref<1x1x2x112xi32, #tpu.memory_space<hbm>> -> memref<2x112xi32, #tpu.memory_space<hbm>>
              %dma_wait3A_178 = arith.constant 0 : i32
              %dma_wait3A_179 = arith.constant 0 : i32
              %dma_wait3A_180 = tpu.memref_slice %arg4[%arg1, %add3A_157, %dma_wait3A_178, %dma_wait3A_179] : memref<16x90x2x112xi32, #tpu.memory_space<hbm>> -> memref<1x1x2x112xi32, #tpu.memory_space<hbm>>
              %dma_wait3A_181 = tpu.memref_squeeze %dma_wait3A_180 : memref<1x1x2x112xi32, #tpu.memory_space<hbm>> -> memref<2x112xi32, #tpu.memory_space<hbm>>
              tpu.wait_dma2 semaphore(%run_scoped3A_165 : memref<!tpu.dma_semaphore, #tpu.memory_space<semaphore_mem>>) src(%dma_wait3A_181 : memref<2x112xi32, #tpu.memory_space<hbm>>) dst(%arg11 : memref<2x112xi32, #tpu.memory_space<vmem>>)
              tpu.yield
            }) : () -> ()
            %dma_start3A_158 = arith.constant 0 : i32
            %dma_start3A_159 = arith.constant 0 : i32
            %dma_start3A_160 = tpu.memref_slice %arg11[%dma_start3A_158, %dma_start3A_159] : memref<2x112xi32, #tpu.memory_space<vmem>> -> memref<1x112xi32, #tpu.memory_space<vmem>>
            %dma_start3A_161 = tpu.memref_squeeze %dma_start3A_160 : memref<1x112xi32, #tpu.memory_space<vmem>> -> memref<112xi32, #tpu.memory_space<vmem>>
            %dma_start3A_162 = arith.constant 0 : i32
            %dma_start3A_163 = arith.constant 0 : i32
            %dma_start3A_164 = tpu.memref_slice %arg2[%dma_start3A_162, %dma_start3A_163] : memref<10000x128xf32, #tpu.memory_space<hbm>> -> memref<10000x128xf32, #tpu.memory_space<hbm>>
            tpu.enqueue_indirect_dma source(%dma_start3A_164 : memref<10000x128xf32, #tpu.memory_space<hbm>>) target(%arg14 : memref<112x128xf32, #tpu.memory_space<vmem>>) offsets(%dma_start3A_161 : memref<112xi32, #tpu.memory_space<vmem>>) semaphore(%arg20 : memref<!tpu.dma_semaphore, #tpu.memory_space<semaphore_mem>>)
          } else {
          }
        } else {
        }
        %mul3A_107 = arith.constant 3 : i32
        %mul3A_108 = arith.muli %mul3A_107, %scan3A_90 : i32
        %add3A_109 = arith.constant 2 : i32
        %add3A_110 = arith.addi %mul3A_108, %add3A_109 : i32
        %lt3A_111 = arith.constant 90 : i32
        %lt3A_112 = arith.cmpi slt, %add3A_110, %lt3A_111 : i32
        %convert_element_type3A_113 = arith.extui %lt3A_112 : i1 to i32
        %cond3A_114 = arith.constant 0 : i32
        %cond3A_115 = arith.cmpi ne, %convert_element_type3A_113, %cond3A_114 : i32
        scf.if %cond3A_115 {
          %dma_wait3A_116 = arith.constant 0 : i32
          %dma_wait3A_117 = arith.constant 0 : i32
          %dma_wait3A_118 = tpu.memref_slice %arg13[%dma_wait3A_116, %dma_wait3A_117] : memref<2x112xi32, #tpu.memory_space<vmem>> -> memref<1x112xi32, #tpu.memory_space<vmem>>
          %dma_wait3A_119 = tpu.memref_squeeze %dma_wait3A_118 : memref<1x112xi32, #tpu.memory_space<vmem>> -> memref<112xi32, #tpu.memory_space<vmem>>
          %dma_wait3A_120 = arith.constant 0 : i32
          %dma_wait3A_121 = arith.constant 0 : i32
          %dma_wait3A_122 = tpu.memref_slice %arg2[%dma_wait3A_120, %dma_wait3A_121] : memref<10000x128xf32, #tpu.memory_space<hbm>> -> memref<10000x128xf32, #tpu.memory_space<hbm>>
          tpu.wait_indirect_dma semaphore(%arg22 : memref<!tpu.dma_semaphore, #tpu.memory_space<semaphore_mem>>) src(%dma_wait3A_122 : memref<10000x128xf32, #tpu.memory_space<hbm>>) dst(%arg16 : memref<112x128xf32, #tpu.memory_space<vmem>>)
          %dma_start3A_123 = arith.constant 1 : i32
          %dma_start3A_124 = arith.constant 0 : i32
          %dma_start3A_125 = tpu.memref_slice %arg13[%dma_start3A_123, %dma_start3A_124] : memref<2x112xi32, #tpu.memory_space<vmem>> -> memref<1x112xi32, #tpu.memory_space<vmem>>
          %dma_start3A_126 = tpu.memref_squeeze %dma_start3A_125 : memref<1x112xi32, #tpu.memory_space<vmem>> -> memref<112xi32, #tpu.memory_space<vmem>>
          %dma_start3A_127 = arith.constant 0 : i32
          %dma_start3A_128 = arith.constant 0 : i32
          %dma_start3A_129 = tpu.memref_slice %arg18[%dma_start3A_127, %dma_start3A_128] : memref<10112x128xf32, #tpu.memory_space<vmem_shared>> -> memref<10112x128xf32, #tpu.memory_space<vmem_shared>>
          tpu.enqueue_indirect_dma source(%arg16 : memref<112x128xf32, #tpu.memory_space<vmem>>) target(%dma_start3A_129 : memref<10112x128xf32, #tpu.memory_space<vmem_shared>>) offsets(%dma_start3A_126 : memref<112xi32, #tpu.memory_space<vmem>>) semaphore(%arg25 : memref<!tpu.dma_semaphore, #tpu.memory_space<semaphore_mem>>) {add = true}
          %jit3A = arith.constant 2 : i32
          %eq3A_130 = arith.constant 0 : i32
          %eq3A_131 = arith.cmpi eq, %jit3A, %eq3A_130 : i32
          %jit3A_132 = arith.constant 1 : i32
          %select_n3A = arith.select %eq3A_131, %jit3A_132, %jit3A : i32
          %rem3A = arith.remsi %add3A_110, %select_n3A : i32
          %ne3A = arith.constant 0 : i32
          %ne3A_133 = arith.cmpi ne, %rem3A, %ne3A : i32
          %lt3A_134 = arith.constant 0 : i32
          %lt3A_135 = arith.cmpi slt, %rem3A, %lt3A_134 : i32
          %lt3A_136 = arith.constant 0 : i32
          %lt3A_137 = arith.cmpi slt, %select_n3A, %lt3A_136 : i32
          %ne3A_138 = arith.xori %lt3A_135, %lt3A_137 : i1
          %and3A = arith.andi %ne3A_138, %ne3A_133 : i1
          %add3A_139 = arith.addi %rem3A, %select_n3A : i32
          %select_n3A_140 = arith.select %and3A, %add3A_139, %rem3A : i32
          %eq3A_141 = arith.cmpi eq, %select_n3A_140, %arg0 : i32
          %convert_element_type3A_142 = arith.extui %eq3A_141 : i1 to i32
          %cond3A_143 = arith.constant 0 : i32
          %cond3A_144 = arith.cmpi ne, %convert_element_type3A_142, %cond3A_143 : i32
          scf.if %cond3A_144 {
            %dma_start3A_156 = arith.constant 1 : i32
            %dma_start3A_157 = arith.constant 0 : i32
            %dma_start3A_158 = tpu.memref_slice %arg13[%dma_start3A_156, %dma_start3A_157] : memref<2x112xi32, #tpu.memory_space<vmem>> -> memref<1x112xi32, #tpu.memory_space<vmem>>
            %dma_start3A_159 = tpu.memref_squeeze %dma_start3A_158 : memref<1x112xi32, #tpu.memory_space<vmem>> -> memref<112xi32, #tpu.memory_space<vmem>>
            %dma_start3A_160 = arith.constant 0 : i32
            %dma_start3A_161 = tpu.memref_slice %arg19[%dma_start3A_160] : memref<10112xf32, #tpu.memory_space<vmem_shared>> -> memref<10112xf32, #tpu.memory_space<vmem_shared>>
            tpu.enqueue_indirect_dma source(%arg17 : memref<112xf32, #tpu.memory_space<vmem>>) target(%dma_start3A_161 : memref<10112xf32, #tpu.memory_space<vmem_shared>>) offsets(%dma_start3A_159 : memref<112xi32, #tpu.memory_space<vmem>>) semaphore(%arg25 : memref<!tpu.dma_semaphore, #tpu.memory_space<semaphore_mem>>) {add = true}
          } else {
          }
          %ge3A = arith.constant 1 : i32
          %ge3A_145 = arith.cmpi sge, %add3A_110, %ge3A : i32
          %convert_element_type3A_146 = arith.extui %ge3A_145 : i1 to i32
          %cond3A_147 = arith.constant 0 : i32
          %cond3A_148 = arith.cmpi ne, %convert_element_type3A_146, %cond3A_147 : i32
          scf.if %cond3A_148 {
            %sub3A = arith.constant 1 : i32
            %sub3A_156 = arith.subi %add3A_110, %sub3A : i32
            %dma_wait3A_157 = arith.constant 1 : i32
            %dma_wait3A_158 = arith.constant 0 : i32
            %dma_wait3A_159 = tpu.memref_slice %arg12[%dma_wait3A_157, %dma_wait3A_158] : memref<2x112xi32, #tpu.memory_space<vmem>> -> memref<1x112xi32, #tpu.memory_space<vmem>>
            %dma_wait3A_160 = tpu.memref_squeeze %dma_wait3A_159 : memref<1x112xi32, #tpu.memory_space<vmem>> -> memref<112xi32, #tpu.memory_space<vmem>>
            %dma_wait3A_161 = arith.constant 0 : i32
            %dma_wait3A_162 = arith.constant 0 : i32
            %dma_wait3A_163 = tpu.memref_slice %arg18[%dma_wait3A_161, %dma_wait3A_162] : memref<10112x128xf32, #tpu.memory_space<vmem_shared>> -> memref<10112x128xf32, #tpu.memory_space<vmem_shared>>
            tpu.wait_indirect_dma semaphore(%arg24 : memref<!tpu.dma_semaphore, #tpu.memory_space<semaphore_mem>>) src(%arg15 : memref<112x128xf32, #tpu.memory_space<vmem>>) dst(%dma_wait3A_163 : memref<10112x128xf32, #tpu.memory_space<vmem_shared>>)
            %jit3A_164 = arith.constant 2 : i32
            %eq3A_165 = arith.constant 0 : i32
            %eq3A_166 = arith.cmpi eq, %jit3A_164, %eq3A_165 : i32
            %jit3A_167 = arith.constant 1 : i32
            %select_n3A_168 = arith.select %eq3A_166, %jit3A_167, %jit3A_164 : i32
            %rem3A_169 = arith.remsi %sub3A_156, %select_n3A_168 : i32
            %ne3A_170 = arith.constant 0 : i32
            %ne3A_171 = arith.cmpi ne, %rem3A_169, %ne3A_170 : i32
            %lt3A_172 = arith.constant 0 : i32
            %lt3A_173 = arith.cmpi slt, %rem3A_169, %lt3A_172 : i32
            %lt3A_174 = arith.constant 0 : i32
            %lt3A_175 = arith.cmpi slt, %select_n3A_168, %lt3A_174 : i32
            %ne3A_176 = arith.xori %lt3A_173, %lt3A_175 : i1
            %and3A_177 = arith.andi %ne3A_176, %ne3A_171 : i1
            %add3A_178 = arith.addi %rem3A_169, %select_n3A_168 : i32
            %select_n3A_179 = arith.select %and3A_177, %add3A_178, %rem3A_169 : i32
            %eq3A_180 = arith.cmpi eq, %select_n3A_179, %arg0 : i32
            %convert_element_type3A_181 = arith.extui %eq3A_180 : i1 to i32
            %cond3A_182 = arith.constant 0 : i32
            %cond3A_183 = arith.cmpi ne, %convert_element_type3A_181, %cond3A_182 : i32
            scf.if %cond3A_183 {
              %dma_wait3A_184 = arith.constant 1 : i32
              %dma_wait3A_185 = arith.constant 0 : i32
              %dma_wait3A_186 = tpu.memref_slice %arg12[%dma_wait3A_184, %dma_wait3A_185] : memref<2x112xi32, #tpu.memory_space<vmem>> -> memref<1x112xi32, #tpu.memory_space<vmem>>
              %dma_wait3A_187 = tpu.memref_squeeze %dma_wait3A_186 : memref<1x112xi32, #tpu.memory_space<vmem>> -> memref<112xi32, #tpu.memory_space<vmem>>
              %dma_wait3A_188 = arith.constant 0 : i32
              %dma_wait3A_189 = tpu.memref_slice %arg19[%dma_wait3A_188] : memref<10112xf32, #tpu.memory_space<vmem_shared>> -> memref<10112xf32, #tpu.memory_space<vmem_shared>>
              tpu.wait_indirect_dma semaphore(%arg24 : memref<!tpu.dma_semaphore, #tpu.memory_space<semaphore_mem>>) src(%arg17 : memref<112xf32, #tpu.memory_space<vmem>>) dst(%dma_wait3A_189 : memref<10112xf32, #tpu.memory_space<vmem_shared>>)
            } else {
            }
          } else {
          }
          %add3A_149 = arith.constant 2 : i32
          %add3A_150 = arith.addi %add3A_110, %add3A_149 : i32
          %lt3A_151 = arith.constant 90 : i32
          %lt3A_152 = arith.cmpi slt, %add3A_150, %lt3A_151 : i32
          %convert_element_type3A_153 = arith.extui %lt3A_152 : i1 to i32
          %cond3A_154 = arith.constant 0 : i32
          %cond3A_155 = arith.cmpi ne, %convert_element_type3A_153, %cond3A_154 : i32
          scf.if %cond3A_155 {
            %add3A_156 = arith.constant 2 : i32
            %add3A_157 = arith.addi %add3A_110, %add3A_156 : i32
            "tpu.region"() ({
              %run_scoped3A_165 = tpu.sem_alloc : memref<!tpu.dma_semaphore, #tpu.memory_space<semaphore_mem>>
              %dma_start3A_166 = arith.constant 0 : i32
              %dma_start3A_167 = arith.constant 0 : i32
              %dma_start3A_168 = tpu.memref_slice %arg4[%arg1, %add3A_157, %dma_start3A_166, %dma_start3A_167] : memref<16x90x2x112xi32, #tpu.memory_space<hbm>> -> memref<1x1x2x112xi32, #tpu.memory_space<hbm>>
              %dma_start3A_169 = tpu.memref_squeeze %dma_start3A_168 : memref<1x1x2x112xi32, #tpu.memory_space<hbm>> -> memref<2x112xi32, #tpu.memory_space<hbm>>
              %dma_start3A_170 = arith.constant 0 : i32
              %dma_start3A_171 = arith.constant 0 : i32
              %dma_start3A_172 = tpu.memref_slice %arg4[%arg1, %add3A_157, %dma_start3A_170, %dma_start3A_171] : memref<16x90x2x112xi32, #tpu.memory_space<hbm>> -> memref<1x1x2x112xi32, #tpu.memory_space<hbm>>
              %dma_start3A_173 = tpu.memref_squeeze %dma_start3A_172 : memref<1x1x2x112xi32, #tpu.memory_space<hbm>> -> memref<2x112xi32, #tpu.memory_space<hbm>>
              tpu.enqueue_dma source(%dma_start3A_173 : memref<2x112xi32, #tpu.memory_space<hbm>>) target(%arg12 : memref<2x112xi32, #tpu.memory_space<vmem>>) target_semaphore(%run_scoped3A_165 : memref<!tpu.dma_semaphore, #tpu.memory_space<semaphore_mem>>)
              %dma_wait3A_174 = arith.constant 0 : i32
              %dma_wait3A_175 = arith.constant 0 : i32
              %dma_wait3A_176 = tpu.memref_slice %arg4[%arg1, %add3A_157, %dma_wait3A_174, %dma_wait3A_175] : memref<16x90x2x112xi32, #tpu.memory_space<hbm>> -> memref<1x1x2x112xi32, #tpu.memory_space<hbm>>
              %dma_wait3A_177 = tpu.memref_squeeze %dma_wait3A_176 : memref<1x1x2x112xi32, #tpu.memory_space<hbm>> -> memref<2x112xi32, #tpu.memory_space<hbm>>
              %dma_wait3A_178 = arith.constant 0 : i32
              %dma_wait3A_179 = arith.constant 0 : i32
              %dma_wait3A_180 = tpu.memref_slice %arg4[%arg1, %add3A_157, %dma_wait3A_178, %dma_wait3A_179] : memref<16x90x2x112xi32, #tpu.memory_space<hbm>> -> memref<1x1x2x112xi32, #tpu.memory_space<hbm>>
              %dma_wait3A_181 = tpu.memref_squeeze %dma_wait3A_180 : memref<1x1x2x112xi32, #tpu.memory_space<hbm>> -> memref<2x112xi32, #tpu.memory_space<hbm>>
              tpu.wait_dma2 semaphore(%run_scoped3A_165 : memref<!tpu.dma_semaphore, #tpu.memory_space<semaphore_mem>>) src(%dma_wait3A_181 : memref<2x112xi32, #tpu.memory_space<hbm>>) dst(%arg12 : memref<2x112xi32, #tpu.memory_space<vmem>>)
              tpu.yield
            }) : () -> ()
            %dma_start3A_158 = arith.constant 0 : i32
            %dma_start3A_159 = arith.constant 0 : i32
            %dma_start3A_160 = tpu.memref_slice %arg12[%dma_start3A_158, %dma_start3A_159] : memref<2x112xi32, #tpu.memory_space<vmem>> -> memref<1x112xi32, #tpu.memory_space<vmem>>
            %dma_start3A_161 = tpu.memref_squeeze %dma_start3A_160 : memref<1x112xi32, #tpu.memory_space<vmem>> -> memref<112xi32, #tpu.memory_space<vmem>>
            %dma_start3A_162 = arith.constant 0 : i32
            %dma_start3A_163 = arith.constant 0 : i32
            %dma_start3A_164 = tpu.memref_slice %arg2[%dma_start3A_162, %dma_start3A_163] : memref<10000x128xf32, #tpu.memory_space<hbm>> -> memref<10000x128xf32, #tpu.memory_space<hbm>>
            tpu.enqueue_indirect_dma source(%dma_start3A_164 : memref<10000x128xf32, #tpu.memory_space<hbm>>) target(%arg15 : memref<112x128xf32, #tpu.memory_space<vmem>>) offsets(%dma_start3A_161 : memref<112xi32, #tpu.memory_space<vmem>>) semaphore(%arg21 : memref<!tpu.dma_semaphore, #tpu.memory_space<semaphore_mem>>)
          } else {
          }
        } else {
        }
      }
      %scan3A_71 = arith.constant 30 : i32
      %dma_wait3A = arith.constant 1 : i32
      %dma_wait3A_72 = arith.constant 0 : i32
      %dma_wait3A_73 = tpu.memref_slice %arg13[%dma_wait3A, %dma_wait3A_72] : memref<2x112xi32, #tpu.memory_space<vmem>> -> memref<1x112xi32, #tpu.memory_space<vmem>>
      %dma_wait3A_74 = tpu.memref_squeeze %dma_wait3A_73 : memref<1x112xi32, #tpu.memory_space<vmem>> -> memref<112xi32, #tpu.memory_space<vmem>>
      %dma_wait3A_75 = arith.constant 0 : i32
      %dma_wait3A_76 = arith.constant 0 : i32
      %dma_wait3A_77 = tpu.memref_slice %arg18[%dma_wait3A_75, %dma_wait3A_76] : memref<10112x128xf32, #tpu.memory_space<vmem_shared>> -> memref<10112x128xf32, #tpu.memory_space<vmem_shared>>
      tpu.wait_indirect_dma semaphore(%arg25 : memref<!tpu.dma_semaphore, #tpu.memory_space<semaphore_mem>>) src(%arg16 : memref<112x128xf32, #tpu.memory_space<vmem>>) dst(%dma_wait3A_77 : memref<10112x128xf32, #tpu.memory_space<vmem_shared>>)
      %eq3A_78 = arith.constant 1 : i32
      %eq3A_79 = arith.cmpi eq, %arg0, %eq3A_78 : i32
      %convert_element_type3A_80 = arith.extui %eq3A_79 : i1 to i32
      %cond3A_81 = arith.constant 0 : i32
      %cond3A_82 = arith.cmpi ne, %convert_element_type3A_80, %cond3A_81 : i32
      scf.if %cond3A_82 {
        %dma_wait3A_90 = arith.constant 1 : i32
        %dma_wait3A_91 = arith.constant 0 : i32
        %dma_wait3A_92 = tpu.memref_slice %arg13[%dma_wait3A_90, %dma_wait3A_91] : memref<2x112xi32, #tpu.memory_space<vmem>> -> memref<1x112xi32, #tpu.memory_space<vmem>>
        %dma_wait3A_93 = tpu.memref_squeeze %dma_wait3A_92 : memref<1x112xi32, #tpu.memory_space<vmem>> -> memref<112xi32, #tpu.memory_space<vmem>>
        %dma_wait3A_94 = arith.constant 0 : i32
        %dma_wait3A_95 = tpu.memref_slice %arg19[%dma_wait3A_94] : memref<10112xf32, #tpu.memory_space<vmem_shared>> -> memref<10112xf32, #tpu.memory_space<vmem_shared>>
        tpu.wait_indirect_dma semaphore(%arg25 : memref<!tpu.dma_semaphore, #tpu.memory_space<semaphore_mem>>) src(%arg17 : memref<112xf32, #tpu.memory_space<vmem>>) dst(%dma_wait3A_95 : memref<10112xf32, #tpu.memory_space<vmem_shared>>)
      } else {
      }
      %barrier3A_83 = arith.constant 0 : index
      tpu.barrier barrier_id(%barrier3A_83)
      "tpu.region"() ({
        %run_scoped3A_90 = tpu.sem_alloc : memref<!tpu.dma_semaphore, #tpu.memory_space<semaphore_mem>>
        %dma_start3A_91 = arith.constant 0 : i32
        %dma_start3A_92 = tpu.memref_slice %arg7[%mul3A_0, %dma_start3A_91] : memref<10112x128xf32, #tpu.memory_space<hbm>> -> memref<632x128xf32, #tpu.memory_space<hbm>>
        %dma_start3A_93 = arith.constant 0 : i32
        %dma_start3A_94 = tpu.memref_slice %arg18[%mul3A_0, %dma_start3A_93] : memref<10112x128xf32, #tpu.memory_space<vmem_shared>> -> memref<632x128xf32, #tpu.memory_space<vmem_shared>>
        tpu.enqueue_dma source(%dma_start3A_94 : memref<632x128xf32, #tpu.memory_space<vmem_shared>>) target(%dma_start3A_92 : memref<632x128xf32, #tpu.memory_space<hbm>>) target_semaphore(%run_scoped3A_90 : memref<!tpu.dma_semaphore, #tpu.memory_space<semaphore_mem>>)
        %dma_wait3A_95 = arith.constant 0 : i32
        %dma_wait3A_96 = tpu.memref_slice %arg7[%mul3A_0, %dma_wait3A_95] : memref<10112x128xf32, #tpu.memory_space<hbm>> -> memref<632x128xf32, #tpu.memory_space<hbm>>
        %dma_wait3A_97 = arith.constant 0 : i32
        %dma_wait3A_98 = tpu.memref_slice %arg18[%mul3A_0, %dma_wait3A_97] : memref<10112x128xf32, #tpu.memory_space<vmem_shared>> -> memref<632x128xf32, #tpu.memory_space<vmem_shared>>
        tpu.wait_dma2 semaphore(%run_scoped3A_90 : memref<!tpu.dma_semaphore, #tpu.memory_space<semaphore_mem>>) src(%dma_wait3A_98 : memref<632x128xf32, #tpu.memory_space<vmem_shared>>) dst(%dma_wait3A_96 : memref<632x128xf32, #tpu.memory_space<hbm>>)
        tpu.yield
      }) : () -> ()
      %eq3A_84 = arith.constant 0 : i32
      %eq3A_85 = arith.cmpi eq, %arg1, %eq3A_84 : i32
      %convert_element_type3A_86 = arith.extui %eq3A_85 : i1 to i32
      %cond3A_87 = arith.constant 0 : i32
      %cond3A_88 = arith.cmpi ne, %convert_element_type3A_86, %cond3A_87 : i32
      scf.if %cond3A_88 {
        "tpu.region"() ({
          %run_scoped3A_90 = tpu.sem_alloc : memref<!tpu.dma_semaphore, #tpu.memory_space<semaphore_mem>>
          tpu.enqueue_dma source(%arg19 : memref<10112xf32, #tpu.memory_space<vmem_shared>>) target(%arg9 : memref<10112xf32, #tpu.memory_space<hbm>>) target_semaphore(%run_scoped3A_90 : memref<!tpu.dma_semaphore, #tpu.memory_space<semaphore_mem>>)
          tpu.wait_dma2 semaphore(%run_scoped3A_90 : memref<!tpu.dma_semaphore, #tpu.memory_space<semaphore_mem>>) src(%arg19 : memref<10112xf32, #tpu.memory_space<vmem_shared>>) dst(%arg9 : memref<10112xf32, #tpu.memory_space<hbm>>)
          tpu.yield
        }) : () -> ()
      } else {
      }
      %barrier3A_89 = arith.constant 0 : index
      tpu.barrier barrier_id(%barrier3A_89)
    } else {
    }
    %eq3A_43 = arith.constant 1 : i32
    %eq3A_44 = arith.cmpi eq, %arg0, %eq3A_43 : i32
    %convert_element_type3A_45 = arith.extui %eq3A_44 : i1 to i32
    %cond3A_46 = arith.constant 0 : i32
    %cond3A_47 = arith.cmpi ne, %convert_element_type3A_45, %cond3A_46 : i32
    scf.if %cond3A_47 {
      "tpu.region"() ({
        %run_scoped3A_90 = tpu.sem_alloc : memref<!tpu.dma_semaphore, #tpu.memory_space<semaphore_mem>>
        %dma_start3A_91 = arith.constant 0 : i32
        %dma_start3A_92 = tpu.memref_slice %arg18[%mul3A_0, %dma_start3A_91] : memref<10112x128xf32, #tpu.memory_space<vmem_shared>> -> memref<632x128xf32, #tpu.memory_space<vmem_shared>>
        tpu.enqueue_dma source(%arg5 : memref<632x128xf32, #tpu.memory_space<hbm>>) target(%dma_start3A_92 : memref<632x128xf32, #tpu.memory_space<vmem_shared>>) target_semaphore(%run_scoped3A_90 : memref<!tpu.dma_semaphore, #tpu.memory_space<semaphore_mem>>)
        %dma_wait3A_93 = arith.constant 0 : i32
        %dma_wait3A_94 = tpu.memref_slice %arg18[%mul3A_0, %dma_wait3A_93] : memref<10112x128xf32, #tpu.memory_space<vmem_shared>> -> memref<632x128xf32, #tpu.memory_space<vmem_shared>>
        tpu.wait_dma2 semaphore(%run_scoped3A_90 : memref<!tpu.dma_semaphore, #tpu.memory_space<semaphore_mem>>) src(%arg5 : memref<632x128xf32, #tpu.memory_space<hbm>>) dst(%dma_wait3A_94 : memref<632x128xf32, #tpu.memory_space<vmem_shared>>)
        tpu.yield
      }) : () -> ()
      %eq3A_48 = arith.constant 0 : i32
      %eq3A_49 = arith.cmpi eq, %arg1, %eq3A_48 : i32
      %convert_element_type3A_50 = arith.extui %eq3A_49 : i1 to i32
      %cond3A_51 = arith.constant 0 : i32
      %cond3A_52 = arith.cmpi ne, %convert_element_type3A_50, %cond3A_51 : i32
      scf.if %cond3A_52 {
        "tpu.region"() ({
          %run_scoped3A_90 = tpu.sem_alloc : memref<!tpu.dma_semaphore, #tpu.memory_space<semaphore_mem>>
          tpu.enqueue_dma source(%arg6 : memref<10112xf32, #tpu.memory_space<hbm>>) target(%arg19 : memref<10112xf32, #tpu.memory_space<vmem_shared>>) target_semaphore(%run_scoped3A_90 : memref<!tpu.dma_semaphore, #tpu.memory_space<semaphore_mem>>)
          tpu.wait_dma2 semaphore(%run_scoped3A_90 : memref<!tpu.dma_semaphore, #tpu.memory_space<semaphore_mem>>) src(%arg6 : memref<10112xf32, #tpu.memory_space<hbm>>) dst(%arg19 : memref<10112xf32, #tpu.memory_space<vmem_shared>>)
          tpu.yield
        }) : () -> ()
      } else {
      }
      %barrier3A = arith.constant 0 : index
      tpu.barrier barrier_id(%barrier3A)
      %run_scoped3A = arith.constant 0 : i32
      "tpu.region"() ({
        %run_scoped3A_90 = tpu.sem_alloc : memref<!tpu.dma_semaphore, #tpu.memory_space<semaphore_mem>>
        %dma_start3A_91 = arith.constant 0 : i32
        %dma_start3A_92 = arith.constant 0 : i32
        %dma_start3A_93 = tpu.memref_slice %arg4[%arg1, %run_scoped3A, %dma_start3A_91, %dma_start3A_92] : memref<16x90x2x112xi32, #tpu.memory_space<hbm>> -> memref<1x1x2x112xi32, #tpu.memory_space<hbm>>
        %dma_start3A_94 = tpu.memref_squeeze %dma_start3A_93 : memref<1x1x2x112xi32, #tpu.memory_space<hbm>> -> memref<2x112xi32, #tpu.memory_space<hbm>>
        %dma_start3A_95 = arith.constant 0 : i32
        %dma_start3A_96 = arith.constant 0 : i32
        %dma_start3A_97 = tpu.memref_slice %arg4[%arg1, %run_scoped3A, %dma_start3A_95, %dma_start3A_96] : memref<16x90x2x112xi32, #tpu.memory_space<hbm>> -> memref<1x1x2x112xi32, #tpu.memory_space<hbm>>
        %dma_start3A_98 = tpu.memref_squeeze %dma_start3A_97 : memref<1x1x2x112xi32, #tpu.memory_space<hbm>> -> memref<2x112xi32, #tpu.memory_space<hbm>>
        tpu.enqueue_dma source(%dma_start3A_98 : memref<2x112xi32, #tpu.memory_space<hbm>>) target(%arg11 : memref<2x112xi32, #tpu.memory_space<vmem>>) target_semaphore(%run_scoped3A_90 : memref<!tpu.dma_semaphore, #tpu.memory_space<semaphore_mem>>)
        %dma_wait3A_99 = arith.constant 0 : i32
        %dma_wait3A_100 = arith.constant 0 : i32
        %dma_wait3A_101 = tpu.memref_slice %arg4[%arg1, %run_scoped3A, %dma_wait3A_99, %dma_wait3A_100] : memref<16x90x2x112xi32, #tpu.memory_space<hbm>> -> memref<1x1x2x112xi32, #tpu.memory_space<hbm>>
        %dma_wait3A_102 = tpu.memref_squeeze %dma_wait3A_101 : memref<1x1x2x112xi32, #tpu.memory_space<hbm>> -> memref<2x112xi32, #tpu.memory_space<hbm>>
        %dma_wait3A_103 = arith.constant 0 : i32
        %dma_wait3A_104 = arith.constant 0 : i32
        %dma_wait3A_105 = tpu.memref_slice %arg4[%arg1, %run_scoped3A, %dma_wait3A_103, %dma_wait3A_104] : memref<16x90x2x112xi32, #tpu.memory_space<hbm>> -> memref<1x1x2x112xi32, #tpu.memory_space<hbm>>
        %dma_wait3A_106 = tpu.memref_squeeze %dma_wait3A_105 : memref<1x1x2x112xi32, #tpu.memory_space<hbm>> -> memref<2x112xi32, #tpu.memory_space<hbm>>
        tpu.wait_dma2 semaphore(%run_scoped3A_90 : memref<!tpu.dma_semaphore, #tpu.memory_space<semaphore_mem>>) src(%dma_wait3A_106 : memref<2x112xi32, #tpu.memory_space<hbm>>) dst(%arg11 : memref<2x112xi32, #tpu.memory_space<vmem>>)
        tpu.yield
      }) : () -> ()
      %dma_start3A = arith.constant 0 : i32
      %dma_start3A_53 = arith.constant 0 : i32
      %dma_start3A_54 = tpu.memref_slice %arg11[%dma_start3A, %dma_start3A_53] : memref<2x112xi32, #tpu.memory_space<vmem>> -> memref<1x112xi32, #tpu.memory_space<vmem>>
      %dma_start3A_55 = tpu.memref_squeeze %dma_start3A_54 : memref<1x112xi32, #tpu.memory_space<vmem>> -> memref<112xi32, #tpu.memory_space<vmem>>
      %dma_start3A_56 = arith.constant 0 : i32
      %dma_start3A_57 = arith.constant 0 : i32
      %dma_start3A_58 = tpu.memref_slice %arg3[%dma_start3A_56, %dma_start3A_57] : memref<10000x128xf32, #tpu.memory_space<hbm>> -> memref<10000x128xf32, #tpu.memory_space<hbm>>
      tpu.enqueue_indirect_dma source(%dma_start3A_58 : memref<10000x128xf32, #tpu.memory_space<hbm>>) target(%arg14 : memref<112x128xf32, #tpu.memory_space<vmem>>) offsets(%dma_start3A_55 : memref<112xi32, #tpu.memory_space<vmem>>) semaphore(%arg20 : memref<!tpu.dma_semaphore, #tpu.memory_space<semaphore_mem>>)
      %run_scoped3A_59 = arith.constant 1 : i32
      "tpu.region"() ({
        %run_scoped3A_90 = tpu.sem_alloc : memref<!tpu.dma_semaphore, #tpu.memory_space<semaphore_mem>>
        %dma_start3A_91 = arith.constant 0 : i32
        %dma_start3A_92 = arith.constant 0 : i32
        %dma_start3A_93 = tpu.memref_slice %arg4[%arg1, %run_scoped3A_59, %dma_start3A_91, %dma_start3A_92] : memref<16x90x2x112xi32, #tpu.memory_space<hbm>> -> memref<1x1x2x112xi32, #tpu.memory_space<hbm>>
        %dma_start3A_94 = tpu.memref_squeeze %dma_start3A_93 : memref<1x1x2x112xi32, #tpu.memory_space<hbm>> -> memref<2x112xi32, #tpu.memory_space<hbm>>
        %dma_start3A_95 = arith.constant 0 : i32
        %dma_start3A_96 = arith.constant 0 : i32
        %dma_start3A_97 = tpu.memref_slice %arg4[%arg1, %run_scoped3A_59, %dma_start3A_95, %dma_start3A_96] : memref<16x90x2x112xi32, #tpu.memory_space<hbm>> -> memref<1x1x2x112xi32, #tpu.memory_space<hbm>>
        %dma_start3A_98 = tpu.memref_squeeze %dma_start3A_97 : memref<1x1x2x112xi32, #tpu.memory_space<hbm>> -> memref<2x112xi32, #tpu.memory_space<hbm>>
        tpu.enqueue_dma source(%dma_start3A_98 : memref<2x112xi32, #tpu.memory_space<hbm>>) target(%arg12 : memref<2x112xi32, #tpu.memory_space<vmem>>) target_semaphore(%run_scoped3A_90 : memref<!tpu.dma_semaphore, #tpu.memory_space<semaphore_mem>>)
        %dma_wait3A_99 = arith.constant 0 : i32
        %dma_wait3A_100 = arith.constant 0 : i32
        %dma_wait3A_101 = tpu.memref_slice %arg4[%arg1, %run_scoped3A_59, %dma_wait3A_99, %dma_wait3A_100] : memref<16x90x2x112xi32, #tpu.memory_space<hbm>> -> memref<1x1x2x112xi32, #tpu.memory_space<hbm>>
        %dma_wait3A_102 = tpu.memref_squeeze %dma_wait3A_101 : memref<1x1x2x112xi32, #tpu.memory_space<hbm>> -> memref<2x112xi32, #tpu.memory_space<hbm>>
        %dma_wait3A_103 = arith.constant 0 : i32
        %dma_wait3A_104 = arith.constant 0 : i32
        %dma_wait3A_105 = tpu.memref_slice %arg4[%arg1, %run_scoped3A_59, %dma_wait3A_103, %dma_wait3A_104] : memref<16x90x2x112xi32, #tpu.memory_space<hbm>> -> memref<1x1x2x112xi32, #tpu.memory_space<hbm>>
        %dma_wait3A_106 = tpu.memref_squeeze %dma_wait3A_105 : memref<1x1x2x112xi32, #tpu.memory_space<hbm>> -> memref<2x112xi32, #tpu.memory_space<hbm>>
        tpu.wait_dma2 semaphore(%run_scoped3A_90 : memref<!tpu.dma_semaphore, #tpu.memory_space<semaphore_mem>>) src(%dma_wait3A_106 : memref<2x112xi32, #tpu.memory_space<hbm>>) dst(%arg12 : memref<2x112xi32, #tpu.memory_space<vmem>>)
        tpu.yield
      }) : () -> ()
      %dma_start3A_60 = arith.constant 0 : i32
      %dma_start3A_61 = arith.constant 0 : i32
      %dma_start3A_62 = tpu.memref_slice %arg12[%dma_start3A_60, %dma_start3A_61] : memref<2x112xi32, #tpu.memory_space<vmem>> -> memref<1x112xi32, #tpu.memory_space<vmem>>
      %dma_start3A_63 = tpu.memref_squeeze %dma_start3A_62 : memref<1x112xi32, #tpu.memory_space<vmem>> -> memref<112xi32, #tpu.memory_space<vmem>>
      %dma_start3A_64 = arith.constant 0 : i32
      %dma_start3A_65 = arith.constant 0 : i32
      %dma_start3A_66 = tpu.memref_slice %arg3[%dma_start3A_64, %dma_start3A_65] : memref<10000x128xf32, #tpu.memory_space<hbm>> -> memref<10000x128xf32, #tpu.memory_space<hbm>>
      tpu.enqueue_indirect_dma source(%dma_start3A_66 : memref<10000x128xf32, #tpu.memory_space<hbm>>) target(%arg15 : memref<112x128xf32, #tpu.memory_space<vmem>>) offsets(%dma_start3A_63 : memref<112xi32, #tpu.memory_space<vmem>>) semaphore(%arg21 : memref<!tpu.dma_semaphore, #tpu.memory_space<semaphore_mem>>)
      %scan3A = arith.constant 0 : i32
      %scan3A_67 = arith.constant 0 : i32
      %scan3A_68 = arith.constant 30 : i32
      %scan3A_69 = arith.addi %scan3A_67, %scan3A_68 : i32
      %scan3A_70 = arith.constant 1 : i32
      scf.for %scan3A_90 = %scan3A_67 to %scan3A_69 step %scan3A_70  : i32 {
        %mul3A_91 = arith.constant 3 : i32
        %mul3A_92 = arith.muli %mul3A_91, %scan3A_90 : i32
        %add3A = arith.constant 0 : i32
        %add3A_93 = arith.addi %mul3A_92, %add3A : i32
        %lt3A = arith.constant 90 : i32
        %lt3A_94 = arith.cmpi slt, %add3A_93, %lt3A : i32
        %convert_element_type3A_95 = arith.extui %lt3A_94 : i1 to i32
        %cond3A_96 = arith.constant 0 : i32
        %cond3A_97 = arith.cmpi ne, %convert_element_type3A_95, %cond3A_96 : i32
        scf.if %cond3A_97 {
          %dma_wait3A_116 = arith.constant 0 : i32
          %dma_wait3A_117 = arith.constant 0 : i32
          %dma_wait3A_118 = tpu.memref_slice %arg11[%dma_wait3A_116, %dma_wait3A_117] : memref<2x112xi32, #tpu.memory_space<vmem>> -> memref<1x112xi32, #tpu.memory_space<vmem>>
          %dma_wait3A_119 = tpu.memref_squeeze %dma_wait3A_118 : memref<1x112xi32, #tpu.memory_space<vmem>> -> memref<112xi32, #tpu.memory_space<vmem>>
          %dma_wait3A_120 = arith.constant 0 : i32
          %dma_wait3A_121 = arith.constant 0 : i32
          %dma_wait3A_122 = tpu.memref_slice %arg3[%dma_wait3A_120, %dma_wait3A_121] : memref<10000x128xf32, #tpu.memory_space<hbm>> -> memref<10000x128xf32, #tpu.memory_space<hbm>>
          tpu.wait_indirect_dma semaphore(%arg20 : memref<!tpu.dma_semaphore, #tpu.memory_space<semaphore_mem>>) src(%dma_wait3A_122 : memref<10000x128xf32, #tpu.memory_space<hbm>>) dst(%arg14 : memref<112x128xf32, #tpu.memory_space<vmem>>)
          %dma_start3A_123 = arith.constant 1 : i32
          %dma_start3A_124 = arith.constant 0 : i32
          %dma_start3A_125 = tpu.memref_slice %arg11[%dma_start3A_123, %dma_start3A_124] : memref<2x112xi32, #tpu.memory_space<vmem>> -> memref<1x112xi32, #tpu.memory_space<vmem>>
          %dma_start3A_126 = tpu.memref_squeeze %dma_start3A_125 : memref<1x112xi32, #tpu.memory_space<vmem>> -> memref<112xi32, #tpu.memory_space<vmem>>
          %dma_start3A_127 = arith.constant 0 : i32
          %dma_start3A_128 = arith.constant 0 : i32
          %dma_start3A_129 = tpu.memref_slice %arg18[%dma_start3A_127, %dma_start3A_128] : memref<10112x128xf32, #tpu.memory_space<vmem_shared>> -> memref<10112x128xf32, #tpu.memory_space<vmem_shared>>
          tpu.enqueue_indirect_dma source(%arg14 : memref<112x128xf32, #tpu.memory_space<vmem>>) target(%dma_start3A_129 : memref<10112x128xf32, #tpu.memory_space<vmem_shared>>) offsets(%dma_start3A_126 : memref<112xi32, #tpu.memory_space<vmem>>) semaphore(%arg23 : memref<!tpu.dma_semaphore, #tpu.memory_space<semaphore_mem>>) {add = true}
          %jit3A = arith.constant 2 : i32
          %eq3A_130 = arith.constant 0 : i32
          %eq3A_131 = arith.cmpi eq, %jit3A, %eq3A_130 : i32
          %jit3A_132 = arith.constant 1 : i32
          %select_n3A = arith.select %eq3A_131, %jit3A_132, %jit3A : i32
          %rem3A = arith.remsi %add3A_93, %select_n3A : i32
          %ne3A = arith.constant 0 : i32
          %ne3A_133 = arith.cmpi ne, %rem3A, %ne3A : i32
          %lt3A_134 = arith.constant 0 : i32
          %lt3A_135 = arith.cmpi slt, %rem3A, %lt3A_134 : i32
          %lt3A_136 = arith.constant 0 : i32
          %lt3A_137 = arith.cmpi slt, %select_n3A, %lt3A_136 : i32
          %ne3A_138 = arith.xori %lt3A_135, %lt3A_137 : i1
          %and3A = arith.andi %ne3A_138, %ne3A_133 : i1
          %add3A_139 = arith.addi %rem3A, %select_n3A : i32
          %select_n3A_140 = arith.select %and3A, %add3A_139, %rem3A : i32
          %eq3A_141 = arith.cmpi eq, %select_n3A_140, %arg0 : i32
          %convert_element_type3A_142 = arith.extui %eq3A_141 : i1 to i32
          %cond3A_143 = arith.constant 0 : i32
          %cond3A_144 = arith.cmpi ne, %convert_element_type3A_142, %cond3A_143 : i32
          scf.if %cond3A_144 {
            %dma_start3A_156 = arith.constant 1 : i32
            %dma_start3A_157 = arith.constant 0 : i32
            %dma_start3A_158 = tpu.memref_slice %arg11[%dma_start3A_156, %dma_start3A_157] : memref<2x112xi32, #tpu.memory_space<vmem>> -> memref<1x112xi32, #tpu.memory_space<vmem>>
            %dma_start3A_159 = tpu.memref_squeeze %dma_start3A_158 : memref<1x112xi32, #tpu.memory_space<vmem>> -> memref<112xi32, #tpu.memory_space<vmem>>
            %dma_start3A_160 = arith.constant 0 : i32
            %dma_start3A_161 = tpu.memref_slice %arg19[%dma_start3A_160] : memref<10112xf32, #tpu.memory_space<vmem_shared>> -> memref<10112xf32, #tpu.memory_space<vmem_shared>>
            tpu.enqueue_indirect_dma source(%arg17 : memref<112xf32, #tpu.memory_space<vmem>>) target(%dma_start3A_161 : memref<10112xf32, #tpu.memory_space<vmem_shared>>) offsets(%dma_start3A_159 : memref<112xi32, #tpu.memory_space<vmem>>) semaphore(%arg23 : memref<!tpu.dma_semaphore, #tpu.memory_space<semaphore_mem>>) {add = true}
          } else {
          }
          %ge3A = arith.constant 1 : i32
          %ge3A_145 = arith.cmpi sge, %add3A_93, %ge3A : i32
          %convert_element_type3A_146 = arith.extui %ge3A_145 : i1 to i32
          %cond3A_147 = arith.constant 0 : i32
          %cond3A_148 = arith.cmpi ne, %convert_element_type3A_146, %cond3A_147 : i32
          scf.if %cond3A_148 {
            %sub3A = arith.constant 1 : i32
            %sub3A_156 = arith.subi %add3A_93, %sub3A : i32
            %dma_wait3A_157 = arith.constant 1 : i32
            %dma_wait3A_158 = arith.constant 0 : i32
            %dma_wait3A_159 = tpu.memref_slice %arg13[%dma_wait3A_157, %dma_wait3A_158] : memref<2x112xi32, #tpu.memory_space<vmem>> -> memref<1x112xi32, #tpu.memory_space<vmem>>
            %dma_wait3A_160 = tpu.memref_squeeze %dma_wait3A_159 : memref<1x112xi32, #tpu.memory_space<vmem>> -> memref<112xi32, #tpu.memory_space<vmem>>
            %dma_wait3A_161 = arith.constant 0 : i32
            %dma_wait3A_162 = arith.constant 0 : i32
            %dma_wait3A_163 = tpu.memref_slice %arg18[%dma_wait3A_161, %dma_wait3A_162] : memref<10112x128xf32, #tpu.memory_space<vmem_shared>> -> memref<10112x128xf32, #tpu.memory_space<vmem_shared>>
            tpu.wait_indirect_dma semaphore(%arg25 : memref<!tpu.dma_semaphore, #tpu.memory_space<semaphore_mem>>) src(%arg16 : memref<112x128xf32, #tpu.memory_space<vmem>>) dst(%dma_wait3A_163 : memref<10112x128xf32, #tpu.memory_space<vmem_shared>>)
            %jit3A_164 = arith.constant 2 : i32
            %eq3A_165 = arith.constant 0 : i32
            %eq3A_166 = arith.cmpi eq, %jit3A_164, %eq3A_165 : i32
            %jit3A_167 = arith.constant 1 : i32
            %select_n3A_168 = arith.select %eq3A_166, %jit3A_167, %jit3A_164 : i32
            %rem3A_169 = arith.remsi %sub3A_156, %select_n3A_168 : i32
            %ne3A_170 = arith.constant 0 : i32
            %ne3A_171 = arith.cmpi ne, %rem3A_169, %ne3A_170 : i32
            %lt3A_172 = arith.constant 0 : i32
            %lt3A_173 = arith.cmpi slt, %rem3A_169, %lt3A_172 : i32
            %lt3A_174 = arith.constant 0 : i32
            %lt3A_175 = arith.cmpi slt, %select_n3A_168, %lt3A_174 : i32
            %ne3A_176 = arith.xori %lt3A_173, %lt3A_175 : i1
            %and3A_177 = arith.andi %ne3A_176, %ne3A_171 : i1
            %add3A_178 = arith.addi %rem3A_169, %select_n3A_168 : i32
            %select_n3A_179 = arith.select %and3A_177, %add3A_178, %rem3A_169 : i32
            %eq3A_180 = arith.cmpi eq, %select_n3A_179, %arg0 : i32
            %convert_element_type3A_181 = arith.extui %eq3A_180 : i1 to i32
            %cond3A_182 = arith.constant 0 : i32
            %cond3A_183 = arith.cmpi ne, %convert_element_type3A_181, %cond3A_182 : i32
            scf.if %cond3A_183 {
              %dma_wait3A_184 = arith.constant 1 : i32
              %dma_wait3A_185 = arith.constant 0 : i32
              %dma_wait3A_186 = tpu.memref_slice %arg13[%dma_wait3A_184, %dma_wait3A_185] : memref<2x112xi32, #tpu.memory_space<vmem>> -> memref<1x112xi32, #tpu.memory_space<vmem>>
              %dma_wait3A_187 = tpu.memref_squeeze %dma_wait3A_186 : memref<1x112xi32, #tpu.memory_space<vmem>> -> memref<112xi32, #tpu.memory_space<vmem>>
              %dma_wait3A_188 = arith.constant 0 : i32
              %dma_wait3A_189 = tpu.memref_slice %arg19[%dma_wait3A_188] : memref<10112xf32, #tpu.memory_space<vmem_shared>> -> memref<10112xf32, #tpu.memory_space<vmem_shared>>
              tpu.wait_indirect_dma semaphore(%arg25 : memref<!tpu.dma_semaphore, #tpu.memory_space<semaphore_mem>>) src(%arg17 : memref<112xf32, #tpu.memory_space<vmem>>) dst(%dma_wait3A_189 : memref<10112xf32, #tpu.memory_space<vmem_shared>>)
            } else {
            }
          } else {
          }
          %add3A_149 = arith.constant 2 : i32
          %add3A_150 = arith.addi %add3A_93, %add3A_149 : i32
          %lt3A_151 = arith.constant 90 : i32
          %lt3A_152 = arith.cmpi slt, %add3A_150, %lt3A_151 : i32
          %convert_element_type3A_153 = arith.extui %lt3A_152 : i1 to i32
          %cond3A_154 = arith.constant 0 : i32
          %cond3A_155 = arith.cmpi ne, %convert_element_type3A_153, %cond3A_154 : i32
          scf.if %cond3A_155 {
            %add3A_156 = arith.constant 2 : i32
            %add3A_157 = arith.addi %add3A_93, %add3A_156 : i32
            "tpu.region"() ({
              %run_scoped3A_165 = tpu.sem_alloc : memref<!tpu.dma_semaphore, #tpu.memory_space<semaphore_mem>>
              %dma_start3A_166 = arith.constant 0 : i32
              %dma_start3A_167 = arith.constant 0 : i32
              %dma_start3A_168 = tpu.memref_slice %arg4[%arg1, %add3A_157, %dma_start3A_166, %dma_start3A_167] : memref<16x90x2x112xi32, #tpu.memory_space<hbm>> -> memref<1x1x2x112xi32, #tpu.memory_space<hbm>>
              %dma_start3A_169 = tpu.memref_squeeze %dma_start3A_168 : memref<1x1x2x112xi32, #tpu.memory_space<hbm>> -> memref<2x112xi32, #tpu.memory_space<hbm>>
              %dma_start3A_170 = arith.constant 0 : i32
              %dma_start3A_171 = arith.constant 0 : i32
              %dma_start3A_172 = tpu.memref_slice %arg4[%arg1, %add3A_157, %dma_start3A_170, %dma_start3A_171] : memref<16x90x2x112xi32, #tpu.memory_space<hbm>> -> memref<1x1x2x112xi32, #tpu.memory_space<hbm>>
              %dma_start3A_173 = tpu.memref_squeeze %dma_start3A_172 : memref<1x1x2x112xi32, #tpu.memory_space<hbm>> -> memref<2x112xi32, #tpu.memory_space<hbm>>
              tpu.enqueue_dma source(%dma_start3A_173 : memref<2x112xi32, #tpu.memory_space<hbm>>) target(%arg13 : memref<2x112xi32, #tpu.memory_space<vmem>>) target_semaphore(%run_scoped3A_165 : memref<!tpu.dma_semaphore, #tpu.memory_space<semaphore_mem>>)
              %dma_wait3A_174 = arith.constant 0 : i32
              %dma_wait3A_175 = arith.constant 0 : i32
              %dma_wait3A_176 = tpu.memref_slice %arg4[%arg1, %add3A_157, %dma_wait3A_174, %dma_wait3A_175] : memref<16x90x2x112xi32, #tpu.memory_space<hbm>> -> memref<1x1x2x112xi32, #tpu.memory_space<hbm>>
              %dma_wait3A_177 = tpu.memref_squeeze %dma_wait3A_176 : memref<1x1x2x112xi32, #tpu.memory_space<hbm>> -> memref<2x112xi32, #tpu.memory_space<hbm>>
              %dma_wait3A_178 = arith.constant 0 : i32
              %dma_wait3A_179 = arith.constant 0 : i32
              %dma_wait3A_180 = tpu.memref_slice %arg4[%arg1, %add3A_157, %dma_wait3A_178, %dma_wait3A_179] : memref<16x90x2x112xi32, #tpu.memory_space<hbm>> -> memref<1x1x2x112xi32, #tpu.memory_space<hbm>>
              %dma_wait3A_181 = tpu.memref_squeeze %dma_wait3A_180 : memref<1x1x2x112xi32, #tpu.memory_space<hbm>> -> memref<2x112xi32, #tpu.memory_space<hbm>>
              tpu.wait_dma2 semaphore(%run_scoped3A_165 : memref<!tpu.dma_semaphore, #tpu.memory_space<semaphore_mem>>) src(%dma_wait3A_181 : memref<2x112xi32, #tpu.memory_space<hbm>>) dst(%arg13 : memref<2x112xi32, #tpu.memory_space<vmem>>)
              tpu.yield
            }) : () -> ()
            %dma_start3A_158 = arith.constant 0 : i32
            %dma_start3A_159 = arith.constant 0 : i32
            %dma_start3A_160 = tpu.memref_slice %arg13[%dma_start3A_158, %dma_start3A_159] : memref<2x112xi32, #tpu.memory_space<vmem>> -> memref<1x112xi32, #tpu.memory_space<vmem>>
            %dma_start3A_161 = tpu.memref_squeeze %dma_start3A_160 : memref<1x112xi32, #tpu.memory_space<vmem>> -> memref<112xi32, #tpu.memory_space<vmem>>
            %dma_start3A_162 = arith.constant 0 : i32
            %dma_start3A_163 = arith.constant 0 : i32
            %dma_start3A_164 = tpu.memref_slice %arg3[%dma_start3A_162, %dma_start3A_163] : memref<10000x128xf32, #tpu.memory_space<hbm>> -> memref<10000x128xf32, #tpu.memory_space<hbm>>
            tpu.enqueue_indirect_dma source(%dma_start3A_164 : memref<10000x128xf32, #tpu.memory_space<hbm>>) target(%arg16 : memref<112x128xf32, #tpu.memory_space<vmem>>) offsets(%dma_start3A_161 : memref<112xi32, #tpu.memory_space<vmem>>) semaphore(%arg22 : memref<!tpu.dma_semaphore, #tpu.memory_space<semaphore_mem>>)
          } else {
          }
        } else {
        }
        %mul3A_98 = arith.constant 3 : i32
        %mul3A_99 = arith.muli %mul3A_98, %scan3A_90 : i32
        %add3A_100 = arith.constant 1 : i32
        %add3A_101 = arith.addi %mul3A_99, %add3A_100 : i32
        %lt3A_102 = arith.constant 90 : i32
        %lt3A_103 = arith.cmpi slt, %add3A_101, %lt3A_102 : i32
        %convert_element_type3A_104 = arith.extui %lt3A_103 : i1 to i32
        %cond3A_105 = arith.constant 0 : i32
        %cond3A_106 = arith.cmpi ne, %convert_element_type3A_104, %cond3A_105 : i32
        scf.if %cond3A_106 {
          %dma_wait3A_116 = arith.constant 0 : i32
          %dma_wait3A_117 = arith.constant 0 : i32
          %dma_wait3A_118 = tpu.memref_slice %arg12[%dma_wait3A_116, %dma_wait3A_117] : memref<2x112xi32, #tpu.memory_space<vmem>> -> memref<1x112xi32, #tpu.memory_space<vmem>>
          %dma_wait3A_119 = tpu.memref_squeeze %dma_wait3A_118 : memref<1x112xi32, #tpu.memory_space<vmem>> -> memref<112xi32, #tpu.memory_space<vmem>>
          %dma_wait3A_120 = arith.constant 0 : i32
          %dma_wait3A_121 = arith.constant 0 : i32
          %dma_wait3A_122 = tpu.memref_slice %arg3[%dma_wait3A_120, %dma_wait3A_121] : memref<10000x128xf32, #tpu.memory_space<hbm>> -> memref<10000x128xf32, #tpu.memory_space<hbm>>
          tpu.wait_indirect_dma semaphore(%arg21 : memref<!tpu.dma_semaphore, #tpu.memory_space<semaphore_mem>>) src(%dma_wait3A_122 : memref<10000x128xf32, #tpu.memory_space<hbm>>) dst(%arg15 : memref<112x128xf32, #tpu.memory_space<vmem>>)
          %dma_start3A_123 = arith.constant 1 : i32
          %dma_start3A_124 = arith.constant 0 : i32
          %dma_start3A_125 = tpu.memref_slice %arg12[%dma_start3A_123, %dma_start3A_124] : memref<2x112xi32, #tpu.memory_space<vmem>> -> memref<1x112xi32, #tpu.memory_space<vmem>>
          %dma_start3A_126 = tpu.memref_squeeze %dma_start3A_125 : memref<1x112xi32, #tpu.memory_space<vmem>> -> memref<112xi32, #tpu.memory_space<vmem>>
          %dma_start3A_127 = arith.constant 0 : i32
          %dma_start3A_128 = arith.constant 0 : i32
          %dma_start3A_129 = tpu.memref_slice %arg18[%dma_start3A_127, %dma_start3A_128] : memref<10112x128xf32, #tpu.memory_space<vmem_shared>> -> memref<10112x128xf32, #tpu.memory_space<vmem_shared>>
          tpu.enqueue_indirect_dma source(%arg15 : memref<112x128xf32, #tpu.memory_space<vmem>>) target(%dma_start3A_129 : memref<10112x128xf32, #tpu.memory_space<vmem_shared>>) offsets(%dma_start3A_126 : memref<112xi32, #tpu.memory_space<vmem>>) semaphore(%arg24 : memref<!tpu.dma_semaphore, #tpu.memory_space<semaphore_mem>>) {add = true}
          %jit3A = arith.constant 2 : i32
          %eq3A_130 = arith.constant 0 : i32
          %eq3A_131 = arith.cmpi eq, %jit3A, %eq3A_130 : i32
          %jit3A_132 = arith.constant 1 : i32
          %select_n3A = arith.select %eq3A_131, %jit3A_132, %jit3A : i32
          %rem3A = arith.remsi %add3A_101, %select_n3A : i32
          %ne3A = arith.constant 0 : i32
          %ne3A_133 = arith.cmpi ne, %rem3A, %ne3A : i32
          %lt3A_134 = arith.constant 0 : i32
          %lt3A_135 = arith.cmpi slt, %rem3A, %lt3A_134 : i32
          %lt3A_136 = arith.constant 0 : i32
          %lt3A_137 = arith.cmpi slt, %select_n3A, %lt3A_136 : i32
          %ne3A_138 = arith.xori %lt3A_135, %lt3A_137 : i1
          %and3A = arith.andi %ne3A_138, %ne3A_133 : i1
          %add3A_139 = arith.addi %rem3A, %select_n3A : i32
          %select_n3A_140 = arith.select %and3A, %add3A_139, %rem3A : i32
          %eq3A_141 = arith.cmpi eq, %select_n3A_140, %arg0 : i32
          %convert_element_type3A_142 = arith.extui %eq3A_141 : i1 to i32
          %cond3A_143 = arith.constant 0 : i32
          %cond3A_144 = arith.cmpi ne, %convert_element_type3A_142, %cond3A_143 : i32
          scf.if %cond3A_144 {
            %dma_start3A_156 = arith.constant 1 : i32
            %dma_start3A_157 = arith.constant 0 : i32
            %dma_start3A_158 = tpu.memref_slice %arg12[%dma_start3A_156, %dma_start3A_157] : memref<2x112xi32, #tpu.memory_space<vmem>> -> memref<1x112xi32, #tpu.memory_space<vmem>>
            %dma_start3A_159 = tpu.memref_squeeze %dma_start3A_158 : memref<1x112xi32, #tpu.memory_space<vmem>> -> memref<112xi32, #tpu.memory_space<vmem>>
            %dma_start3A_160 = arith.constant 0 : i32
            %dma_start3A_161 = tpu.memref_slice %arg19[%dma_start3A_160] : memref<10112xf32, #tpu.memory_space<vmem_shared>> -> memref<10112xf32, #tpu.memory_space<vmem_shared>>
            tpu.enqueue_indirect_dma source(%arg17 : memref<112xf32, #tpu.memory_space<vmem>>) target(%dma_start3A_161 : memref<10112xf32, #tpu.memory_space<vmem_shared>>) offsets(%dma_start3A_159 : memref<112xi32, #tpu.memory_space<vmem>>) semaphore(%arg24 : memref<!tpu.dma_semaphore, #tpu.memory_space<semaphore_mem>>) {add = true}
          } else {
          }
          %ge3A = arith.constant 1 : i32
          %ge3A_145 = arith.cmpi sge, %add3A_101, %ge3A : i32
          %convert_element_type3A_146 = arith.extui %ge3A_145 : i1 to i32
          %cond3A_147 = arith.constant 0 : i32
          %cond3A_148 = arith.cmpi ne, %convert_element_type3A_146, %cond3A_147 : i32
          scf.if %cond3A_148 {
            %sub3A = arith.constant 1 : i32
            %sub3A_156 = arith.subi %add3A_101, %sub3A : i32
            %dma_wait3A_157 = arith.constant 1 : i32
            %dma_wait3A_158 = arith.constant 0 : i32
            %dma_wait3A_159 = tpu.memref_slice %arg11[%dma_wait3A_157, %dma_wait3A_158] : memref<2x112xi32, #tpu.memory_space<vmem>> -> memref<1x112xi32, #tpu.memory_space<vmem>>
            %dma_wait3A_160 = tpu.memref_squeeze %dma_wait3A_159 : memref<1x112xi32, #tpu.memory_space<vmem>> -> memref<112xi32, #tpu.memory_space<vmem>>
            %dma_wait3A_161 = arith.constant 0 : i32
            %dma_wait3A_162 = arith.constant 0 : i32
            %dma_wait3A_163 = tpu.memref_slice %arg18[%dma_wait3A_161, %dma_wait3A_162] : memref<10112x128xf32, #tpu.memory_space<vmem_shared>> -> memref<10112x128xf32, #tpu.memory_space<vmem_shared>>
            tpu.wait_indirect_dma semaphore(%arg23 : memref<!tpu.dma_semaphore, #tpu.memory_space<semaphore_mem>>) src(%arg14 : memref<112x128xf32, #tpu.memory_space<vmem>>) dst(%dma_wait3A_163 : memref<10112x128xf32, #tpu.memory_space<vmem_shared>>)
            %jit3A_164 = arith.constant 2 : i32
            %eq3A_165 = arith.constant 0 : i32
            %eq3A_166 = arith.cmpi eq, %jit3A_164, %eq3A_165 : i32
            %jit3A_167 = arith.constant 1 : i32
            %select_n3A_168 = arith.select %eq3A_166, %jit3A_167, %jit3A_164 : i32
            %rem3A_169 = arith.remsi %sub3A_156, %select_n3A_168 : i32
            %ne3A_170 = arith.constant 0 : i32
            %ne3A_171 = arith.cmpi ne, %rem3A_169, %ne3A_170 : i32
            %lt3A_172 = arith.constant 0 : i32
            %lt3A_173 = arith.cmpi slt, %rem3A_169, %lt3A_172 : i32
            %lt3A_174 = arith.constant 0 : i32
            %lt3A_175 = arith.cmpi slt, %select_n3A_168, %lt3A_174 : i32
            %ne3A_176 = arith.xori %lt3A_173, %lt3A_175 : i1
            %and3A_177 = arith.andi %ne3A_176, %ne3A_171 : i1
            %add3A_178 = arith.addi %rem3A_169, %select_n3A_168 : i32
            %select_n3A_179 = arith.select %and3A_177, %add3A_178, %rem3A_169 : i32
            %eq3A_180 = arith.cmpi eq, %select_n3A_179, %arg0 : i32
            %convert_element_type3A_181 = arith.extui %eq3A_180 : i1 to i32
            %cond3A_182 = arith.constant 0 : i32
            %cond3A_183 = arith.cmpi ne, %convert_element_type3A_181, %cond3A_182 : i32
            scf.if %cond3A_183 {
              %dma_wait3A_184 = arith.constant 1 : i32
              %dma_wait3A_185 = arith.constant 0 : i32
              %dma_wait3A_186 = tpu.memref_slice %arg11[%dma_wait3A_184, %dma_wait3A_185] : memref<2x112xi32, #tpu.memory_space<vmem>> -> memref<1x112xi32, #tpu.memory_space<vmem>>
              %dma_wait3A_187 = tpu.memref_squeeze %dma_wait3A_186 : memref<1x112xi32, #tpu.memory_space<vmem>> -> memref<112xi32, #tpu.memory_space<vmem>>
              %dma_wait3A_188 = arith.constant 0 : i32
              %dma_wait3A_189 = tpu.memref_slice %arg19[%dma_wait3A_188] : memref<10112xf32, #tpu.memory_space<vmem_shared>> -> memref<10112xf32, #tpu.memory_space<vmem_shared>>
              tpu.wait_indirect_dma semaphore(%arg23 : memref<!tpu.dma_semaphore, #tpu.memory_space<semaphore_mem>>) src(%arg17 : memref<112xf32, #tpu.memory_space<vmem>>) dst(%dma_wait3A_189 : memref<10112xf32, #tpu.memory_space<vmem_shared>>)
            } else {
            }
          } else {
          }
          %add3A_149 = arith.constant 2 : i32
          %add3A_150 = arith.addi %add3A_101, %add3A_149 : i32
          %lt3A_151 = arith.constant 90 : i32
          %lt3A_152 = arith.cmpi slt, %add3A_150, %lt3A_151 : i32
          %convert_element_type3A_153 = arith.extui %lt3A_152 : i1 to i32
          %cond3A_154 = arith.constant 0 : i32
          %cond3A_155 = arith.cmpi ne, %convert_element_type3A_153, %cond3A_154 : i32
          scf.if %cond3A_155 {
            %add3A_156 = arith.constant 2 : i32
            %add3A_157 = arith.addi %add3A_101, %add3A_156 : i32
            "tpu.region"() ({
              %run_scoped3A_165 = tpu.sem_alloc : memref<!tpu.dma_semaphore, #tpu.memory_space<semaphore_mem>>
              %dma_start3A_166 = arith.constant 0 : i32
              %dma_start3A_167 = arith.constant 0 : i32
              %dma_start3A_168 = tpu.memref_slice %arg4[%arg1, %add3A_157, %dma_start3A_166, %dma_start3A_167] : memref<16x90x2x112xi32, #tpu.memory_space<hbm>> -> memref<1x1x2x112xi32, #tpu.memory_space<hbm>>
              %dma_start3A_169 = tpu.memref_squeeze %dma_start3A_168 : memref<1x1x2x112xi32, #tpu.memory_space<hbm>> -> memref<2x112xi32, #tpu.memory_space<hbm>>
              %dma_start3A_170 = arith.constant 0 : i32
              %dma_start3A_171 = arith.constant 0 : i32
              %dma_start3A_172 = tpu.memref_slice %arg4[%arg1, %add3A_157, %dma_start3A_170, %dma_start3A_171] : memref<16x90x2x112xi32, #tpu.memory_space<hbm>> -> memref<1x1x2x112xi32, #tpu.memory_space<hbm>>
              %dma_start3A_173 = tpu.memref_squeeze %dma_start3A_172 : memref<1x1x2x112xi32, #tpu.memory_space<hbm>> -> memref<2x112xi32, #tpu.memory_space<hbm>>
              tpu.enqueue_dma source(%dma_start3A_173 : memref<2x112xi32, #tpu.memory_space<hbm>>) target(%arg11 : memref<2x112xi32, #tpu.memory_space<vmem>>) target_semaphore(%run_scoped3A_165 : memref<!tpu.dma_semaphore, #tpu.memory_space<semaphore_mem>>)
              %dma_wait3A_174 = arith.constant 0 : i32
              %dma_wait3A_175 = arith.constant 0 : i32
              %dma_wait3A_176 = tpu.memref_slice %arg4[%arg1, %add3A_157, %dma_wait3A_174, %dma_wait3A_175] : memref<16x90x2x112xi32, #tpu.memory_space<hbm>> -> memref<1x1x2x112xi32, #tpu.memory_space<hbm>>
              %dma_wait3A_177 = tpu.memref_squeeze %dma_wait3A_176 : memref<1x1x2x112xi32, #tpu.memory_space<hbm>> -> memref<2x112xi32, #tpu.memory_space<hbm>>
              %dma_wait3A_178 = arith.constant 0 : i32
              %dma_wait3A_179 = arith.constant 0 : i32
              %dma_wait3A_180 = tpu.memref_slice %arg4[%arg1, %add3A_157, %dma_wait3A_178, %dma_wait3A_179] : memref<16x90x2x112xi32, #tpu.memory_space<hbm>> -> memref<1x1x2x112xi32, #tpu.memory_space<hbm>>
              %dma_wait3A_181 = tpu.memref_squeeze %dma_wait3A_180 : memref<1x1x2x112xi32, #tpu.memory_space<hbm>> -> memref<2x112xi32, #tpu.memory_space<hbm>>
              tpu.wait_dma2 semaphore(%run_scoped3A_165 : memref<!tpu.dma_semaphore, #tpu.memory_space<semaphore_mem>>) src(%dma_wait3A_181 : memref<2x112xi32, #tpu.memory_space<hbm>>) dst(%arg11 : memref<2x112xi32, #tpu.memory_space<vmem>>)
              tpu.yield
            }) : () -> ()
            %dma_start3A_158 = arith.constant 0 : i32
            %dma_start3A_159 = arith.constant 0 : i32
            %dma_start3A_160 = tpu.memref_slice %arg11[%dma_start3A_158, %dma_start3A_159] : memref<2x112xi32, #tpu.memory_space<vmem>> -> memref<1x112xi32, #tpu.memory_space<vmem>>
            %dma_start3A_161 = tpu.memref_squeeze %dma_start3A_160 : memref<1x112xi32, #tpu.memory_space<vmem>> -> memref<112xi32, #tpu.memory_space<vmem>>
            %dma_start3A_162 = arith.constant 0 : i32
            %dma_start3A_163 = arith.constant 0 : i32
            %dma_start3A_164 = tpu.memref_slice %arg3[%dma_start3A_162, %dma_start3A_163] : memref<10000x128xf32, #tpu.memory_space<hbm>> -> memref<10000x128xf32, #tpu.memory_space<hbm>>
            tpu.enqueue_indirect_dma source(%dma_start3A_164 : memref<10000x128xf32, #tpu.memory_space<hbm>>) target(%arg14 : memref<112x128xf32, #tpu.memory_space<vmem>>) offsets(%dma_start3A_161 : memref<112xi32, #tpu.memory_space<vmem>>) semaphore(%arg20 : memref<!tpu.dma_semaphore, #tpu.memory_space<semaphore_mem>>)
          } else {
          }
        } else {
        }
        %mul3A_107 = arith.constant 3 : i32
        %mul3A_108 = arith.muli %mul3A_107, %scan3A_90 : i32
        %add3A_109 = arith.constant 2 : i32
        %add3A_110 = arith.addi %mul3A_108, %add3A_109 : i32
        %lt3A_111 = arith.constant 90 : i32
        %lt3A_112 = arith.cmpi slt, %add3A_110, %lt3A_111 : i32
        %convert_element_type3A_113 = arith.extui %lt3A_112 : i1 to i32
        %cond3A_114 = arith.constant 0 : i32
        %cond3A_115 = arith.cmpi ne, %convert_element_type3A_113, %cond3A_114 : i32
        scf.if %cond3A_115 {
          %dma_wait3A_116 = arith.constant 0 : i32
          %dma_wait3A_117 = arith.constant 0 : i32
          %dma_wait3A_118 = tpu.memref_slice %arg13[%dma_wait3A_116, %dma_wait3A_117] : memref<2x112xi32, #tpu.memory_space<vmem>> -> memref<1x112xi32, #tpu.memory_space<vmem>>
          %dma_wait3A_119 = tpu.memref_squeeze %dma_wait3A_118 : memref<1x112xi32, #tpu.memory_space<vmem>> -> memref<112xi32, #tpu.memory_space<vmem>>
          %dma_wait3A_120 = arith.constant 0 : i32
          %dma_wait3A_121 = arith.constant 0 : i32
          %dma_wait3A_122 = tpu.memref_slice %arg3[%dma_wait3A_120, %dma_wait3A_121] : memref<10000x128xf32, #tpu.memory_space<hbm>> -> memref<10000x128xf32, #tpu.memory_space<hbm>>
          tpu.wait_indirect_dma semaphore(%arg22 : memref<!tpu.dma_semaphore, #tpu.memory_space<semaphore_mem>>) src(%dma_wait3A_122 : memref<10000x128xf32, #tpu.memory_space<hbm>>) dst(%arg16 : memref<112x128xf32, #tpu.memory_space<vmem>>)
          %dma_start3A_123 = arith.constant 1 : i32
          %dma_start3A_124 = arith.constant 0 : i32
          %dma_start3A_125 = tpu.memref_slice %arg13[%dma_start3A_123, %dma_start3A_124] : memref<2x112xi32, #tpu.memory_space<vmem>> -> memref<1x112xi32, #tpu.memory_space<vmem>>
          %dma_start3A_126 = tpu.memref_squeeze %dma_start3A_125 : memref<1x112xi32, #tpu.memory_space<vmem>> -> memref<112xi32, #tpu.memory_space<vmem>>
          %dma_start3A_127 = arith.constant 0 : i32
          %dma_start3A_128 = arith.constant 0 : i32
          %dma_start3A_129 = tpu.memref_slice %arg18[%dma_start3A_127, %dma_start3A_128] : memref<10112x128xf32, #tpu.memory_space<vmem_shared>> -> memref<10112x128xf32, #tpu.memory_space<vmem_shared>>
          tpu.enqueue_indirect_dma source(%arg16 : memref<112x128xf32, #tpu.memory_space<vmem>>) target(%dma_start3A_129 : memref<10112x128xf32, #tpu.memory_space<vmem_shared>>) offsets(%dma_start3A_126 : memref<112xi32, #tpu.memory_space<vmem>>) semaphore(%arg25 : memref<!tpu.dma_semaphore, #tpu.memory_space<semaphore_mem>>) {add = true}
          %jit3A = arith.constant 2 : i32
          %eq3A_130 = arith.constant 0 : i32
          %eq3A_131 = arith.cmpi eq, %jit3A, %eq3A_130 : i32
          %jit3A_132 = arith.constant 1 : i32
          %select_n3A = arith.select %eq3A_131, %jit3A_132, %jit3A : i32
          %rem3A = arith.remsi %add3A_110, %select_n3A : i32
          %ne3A = arith.constant 0 : i32
          %ne3A_133 = arith.cmpi ne, %rem3A, %ne3A : i32
          %lt3A_134 = arith.constant 0 : i32
          %lt3A_135 = arith.cmpi slt, %rem3A, %lt3A_134 : i32
          %lt3A_136 = arith.constant 0 : i32
          %lt3A_137 = arith.cmpi slt, %select_n3A, %lt3A_136 : i32
          %ne3A_138 = arith.xori %lt3A_135, %lt3A_137 : i1
          %and3A = arith.andi %ne3A_138, %ne3A_133 : i1
          %add3A_139 = arith.addi %rem3A, %select_n3A : i32
          %select_n3A_140 = arith.select %and3A, %add3A_139, %rem3A : i32
          %eq3A_141 = arith.cmpi eq, %select_n3A_140, %arg0 : i32
          %convert_element_type3A_142 = arith.extui %eq3A_141 : i1 to i32
          %cond3A_143 = arith.constant 0 : i32
          %cond3A_144 = arith.cmpi ne, %convert_element_type3A_142, %cond3A_143 : i32
          scf.if %cond3A_144 {
            %dma_start3A_156 = arith.constant 1 : i32
            %dma_start3A_157 = arith.constant 0 : i32
            %dma_start3A_158 = tpu.memref_slice %arg13[%dma_start3A_156, %dma_start3A_157] : memref<2x112xi32, #tpu.memory_space<vmem>> -> memref<1x112xi32, #tpu.memory_space<vmem>>
            %dma_start3A_159 = tpu.memref_squeeze %dma_start3A_158 : memref<1x112xi32, #tpu.memory_space<vmem>> -> memref<112xi32, #tpu.memory_space<vmem>>
            %dma_start3A_160 = arith.constant 0 : i32
            %dma_start3A_161 = tpu.memref_slice %arg19[%dma_start3A_160] : memref<10112xf32, #tpu.memory_space<vmem_shared>> -> memref<10112xf32, #tpu.memory_space<vmem_shared>>
            tpu.enqueue_indirect_dma source(%arg17 : memref<112xf32, #tpu.memory_space<vmem>>) target(%dma_start3A_161 : memref<10112xf32, #tpu.memory_space<vmem_shared>>) offsets(%dma_start3A_159 : memref<112xi32, #tpu.memory_space<vmem>>) semaphore(%arg25 : memref<!tpu.dma_semaphore, #tpu.memory_space<semaphore_mem>>) {add = true}
          } else {
          }
          %ge3A = arith.constant 1 : i32
          %ge3A_145 = arith.cmpi sge, %add3A_110, %ge3A : i32
          %convert_element_type3A_146 = arith.extui %ge3A_145 : i1 to i32
          %cond3A_147 = arith.constant 0 : i32
          %cond3A_148 = arith.cmpi ne, %convert_element_type3A_146, %cond3A_147 : i32
          scf.if %cond3A_148 {
            %sub3A = arith.constant 1 : i32
            %sub3A_156 = arith.subi %add3A_110, %sub3A : i32
            %dma_wait3A_157 = arith.constant 1 : i32
            %dma_wait3A_158 = arith.constant 0 : i32
            %dma_wait3A_159 = tpu.memref_slice %arg12[%dma_wait3A_157, %dma_wait3A_158] : memref<2x112xi32, #tpu.memory_space<vmem>> -> memref<1x112xi32, #tpu.memory_space<vmem>>
            %dma_wait3A_160 = tpu.memref_squeeze %dma_wait3A_159 : memref<1x112xi32, #tpu.memory_space<vmem>> -> memref<112xi32, #tpu.memory_space<vmem>>
            %dma_wait3A_161 = arith.constant 0 : i32
            %dma_wait3A_162 = arith.constant 0 : i32
            %dma_wait3A_163 = tpu.memref_slice %arg18[%dma_wait3A_161, %dma_wait3A_162] : memref<10112x128xf32, #tpu.memory_space<vmem_shared>> -> memref<10112x128xf32, #tpu.memory_space<vmem_shared>>
            tpu.wait_indirect_dma semaphore(%arg24 : memref<!tpu.dma_semaphore, #tpu.memory_space<semaphore_mem>>) src(%arg15 : memref<112x128xf32, #tpu.memory_space<vmem>>) dst(%dma_wait3A_163 : memref<10112x128xf32, #tpu.memory_space<vmem_shared>>)
            %jit3A_164 = arith.constant 2 : i32
            %eq3A_165 = arith.constant 0 : i32
            %eq3A_166 = arith.cmpi eq, %jit3A_164, %eq3A_165 : i32
            %jit3A_167 = arith.constant 1 : i32
            %select_n3A_168 = arith.select %eq3A_166, %jit3A_167, %jit3A_164 : i32
            %rem3A_169 = arith.remsi %sub3A_156, %select_n3A_168 : i32
            %ne3A_170 = arith.constant 0 : i32
            %ne3A_171 = arith.cmpi ne, %rem3A_169, %ne3A_170 : i32
            %lt3A_172 = arith.constant 0 : i32
            %lt3A_173 = arith.cmpi slt, %rem3A_169, %lt3A_172 : i32
            %lt3A_174 = arith.constant 0 : i32
            %lt3A_175 = arith.cmpi slt, %select_n3A_168, %lt3A_174 : i32
            %ne3A_176 = arith.xori %lt3A_173, %lt3A_175 : i1
            %and3A_177 = arith.andi %ne3A_176, %ne3A_171 : i1
            %add3A_178 = arith.addi %rem3A_169, %select_n3A_168 : i32
            %select_n3A_179 = arith.select %and3A_177, %add3A_178, %rem3A_169 : i32
            %eq3A_180 = arith.cmpi eq, %select_n3A_179, %arg0 : i32
            %convert_element_type3A_181 = arith.extui %eq3A_180 : i1 to i32
            %cond3A_182 = arith.constant 0 : i32
            %cond3A_183 = arith.cmpi ne, %convert_element_type3A_181, %cond3A_182 : i32
            scf.if %cond3A_183 {
              %dma_wait3A_184 = arith.constant 1 : i32
              %dma_wait3A_185 = arith.constant 0 : i32
              %dma_wait3A_186 = tpu.memref_slice %arg12[%dma_wait3A_184, %dma_wait3A_185] : memref<2x112xi32, #tpu.memory_space<vmem>> -> memref<1x112xi32, #tpu.memory_space<vmem>>
              %dma_wait3A_187 = tpu.memref_squeeze %dma_wait3A_186 : memref<1x112xi32, #tpu.memory_space<vmem>> -> memref<112xi32, #tpu.memory_space<vmem>>
              %dma_wait3A_188 = arith.constant 0 : i32
              %dma_wait3A_189 = tpu.memref_slice %arg19[%dma_wait3A_188] : memref<10112xf32, #tpu.memory_space<vmem_shared>> -> memref<10112xf32, #tpu.memory_space<vmem_shared>>
              tpu.wait_indirect_dma semaphore(%arg24 : memref<!tpu.dma_semaphore, #tpu.memory_space<semaphore_mem>>) src(%arg17 : memref<112xf32, #tpu.memory_space<vmem>>) dst(%dma_wait3A_189 : memref<10112xf32, #tpu.memory_space<vmem_shared>>)
            } else {
            }
          } else {
          }
          %add3A_149 = arith.constant 2 : i32
          %add3A_150 = arith.addi %add3A_110, %add3A_149 : i32
          %lt3A_151 = arith.constant 90 : i32
          %lt3A_152 = arith.cmpi slt, %add3A_150, %lt3A_151 : i32
          %convert_element_type3A_153 = arith.extui %lt3A_152 : i1 to i32
          %cond3A_154 = arith.constant 0 : i32
          %cond3A_155 = arith.cmpi ne, %convert_element_type3A_153, %cond3A_154 : i32
          scf.if %cond3A_155 {
            %add3A_156 = arith.constant 2 : i32
            %add3A_157 = arith.addi %add3A_110, %add3A_156 : i32
            "tpu.region"() ({
              %run_scoped3A_165 = tpu.sem_alloc : memref<!tpu.dma_semaphore, #tpu.memory_space<semaphore_mem>>
              %dma_start3A_166 = arith.constant 0 : i32
              %dma_start3A_167 = arith.constant 0 : i32
              %dma_start3A_168 = tpu.memref_slice %arg4[%arg1, %add3A_157, %dma_start3A_166, %dma_start3A_167] : memref<16x90x2x112xi32, #tpu.memory_space<hbm>> -> memref<1x1x2x112xi32, #tpu.memory_space<hbm>>
              %dma_start3A_169 = tpu.memref_squeeze %dma_start3A_168 : memref<1x1x2x112xi32, #tpu.memory_space<hbm>> -> memref<2x112xi32, #tpu.memory_space<hbm>>
              %dma_start3A_170 = arith.constant 0 : i32
              %dma_start3A_171 = arith.constant 0 : i32
              %dma_start3A_172 = tpu.memref_slice %arg4[%arg1, %add3A_157, %dma_start3A_170, %dma_start3A_171] : memref<16x90x2x112xi32, #tpu.memory_space<hbm>> -> memref<1x1x2x112xi32, #tpu.memory_space<hbm>>
              %dma_start3A_173 = tpu.memref_squeeze %dma_start3A_172 : memref<1x1x2x112xi32, #tpu.memory_space<hbm>> -> memref<2x112xi32, #tpu.memory_space<hbm>>
              tpu.enqueue_dma source(%dma_start3A_173 : memref<2x112xi32, #tpu.memory_space<hbm>>) target(%arg12 : memref<2x112xi32, #tpu.memory_space<vmem>>) target_semaphore(%run_scoped3A_165 : memref<!tpu.dma_semaphore, #tpu.memory_space<semaphore_mem>>)
              %dma_wait3A_174 = arith.constant 0 : i32
              %dma_wait3A_175 = arith.constant 0 : i32
              %dma_wait3A_176 = tpu.memref_slice %arg4[%arg1, %add3A_157, %dma_wait3A_174, %dma_wait3A_175] : memref<16x90x2x112xi32, #tpu.memory_space<hbm>> -> memref<1x1x2x112xi32, #tpu.memory_space<hbm>>
              %dma_wait3A_177 = tpu.memref_squeeze %dma_wait3A_176 : memref<1x1x2x112xi32, #tpu.memory_space<hbm>> -> memref<2x112xi32, #tpu.memory_space<hbm>>
              %dma_wait3A_178 = arith.constant 0 : i32
              %dma_wait3A_179 = arith.constant 0 : i32
              %dma_wait3A_180 = tpu.memref_slice %arg4[%arg1, %add3A_157, %dma_wait3A_178, %dma_wait3A_179] : memref<16x90x2x112xi32, #tpu.memory_space<hbm>> -> memref<1x1x2x112xi32, #tpu.memory_space<hbm>>
              %dma_wait3A_181 = tpu.memref_squeeze %dma_wait3A_180 : memref<1x1x2x112xi32, #tpu.memory_space<hbm>> -> memref<2x112xi32, #tpu.memory_space<hbm>>
              tpu.wait_dma2 semaphore(%run_scoped3A_165 : memref<!tpu.dma_semaphore, #tpu.memory_space<semaphore_mem>>) src(%dma_wait3A_181 : memref<2x112xi32, #tpu.memory_space<hbm>>) dst(%arg12 : memref<2x112xi32, #tpu.memory_space<vmem>>)
              tpu.yield
            }) : () -> ()
            %dma_start3A_158 = arith.constant 0 : i32
            %dma_start3A_159 = arith.constant 0 : i32
            %dma_start3A_160 = tpu.memref_slice %arg12[%dma_start3A_158, %dma_start3A_159] : memref<2x112xi32, #tpu.memory_space<vmem>> -> memref<1x112xi32, #tpu.memory_space<vmem>>
            %dma_start3A_161 = tpu.memref_squeeze %dma_start3A_160 : memref<1x112xi32, #tpu.memory_space<vmem>> -> memref<112xi32, #tpu.memory_space<vmem>>
            %dma_start3A_162 = arith.constant 0 : i32
            %dma_start3A_163 = arith.constant 0 : i32
            %dma_start3A_164 = tpu.memref_slice %arg3[%dma_start3A_162, %dma_start3A_163] : memref<10000x128xf32, #tpu.memory_space<hbm>> -> memref<10000x128xf32, #tpu.memory_space<hbm>>
            tpu.enqueue_indirect_dma source(%dma_start3A_164 : memref<10000x128xf32, #tpu.memory_space<hbm>>) target(%arg15 : memref<112x128xf32, #tpu.memory_space<vmem>>) offsets(%dma_start3A_161 : memref<112xi32, #tpu.memory_space<vmem>>) semaphore(%arg21 : memref<!tpu.dma_semaphore, #tpu.memory_space<semaphore_mem>>)
          } else {
          }
        } else {
        }
      }
      %scan3A_71 = arith.constant 30 : i32
      %dma_wait3A = arith.constant 1 : i32
      %dma_wait3A_72 = arith.constant 0 : i32
      %dma_wait3A_73 = tpu.memref_slice %arg13[%dma_wait3A, %dma_wait3A_72] : memref<2x112xi32, #tpu.memory_space<vmem>> -> memref<1x112xi32, #tpu.memory_space<vmem>>
      %dma_wait3A_74 = tpu.memref_squeeze %dma_wait3A_73 : memref<1x112xi32, #tpu.memory_space<vmem>> -> memref<112xi32, #tpu.memory_space<vmem>>
      %dma_wait3A_75 = arith.constant 0 : i32
      %dma_wait3A_76 = arith.constant 0 : i32
      %dma_wait3A_77 = tpu.memref_slice %arg18[%dma_wait3A_75, %dma_wait3A_76] : memref<10112x128xf32, #tpu.memory_space<vmem_shared>> -> memref<10112x128xf32, #tpu.memory_space<vmem_shared>>
      tpu.wait_indirect_dma semaphore(%arg25 : memref<!tpu.dma_semaphore, #tpu.memory_space<semaphore_mem>>) src(%arg16 : memref<112x128xf32, #tpu.memory_space<vmem>>) dst(%dma_wait3A_77 : memref<10112x128xf32, #tpu.memory_space<vmem_shared>>)
      %eq3A_78 = arith.constant 1 : i32
      %eq3A_79 = arith.cmpi eq, %arg0, %eq3A_78 : i32
      %convert_element_type3A_80 = arith.extui %eq3A_79 : i1 to i32
      %cond3A_81 = arith.constant 0 : i32
      %cond3A_82 = arith.cmpi ne, %convert_element_type3A_80, %cond3A_81 : i32
      scf.if %cond3A_82 {
        %dma_wait3A_90 = arith.constant 1 : i32
        %dma_wait3A_91 = arith.constant 0 : i32
        %dma_wait3A_92 = tpu.memref_slice %arg13[%dma_wait3A_90, %dma_wait3A_91] : memref<2x112xi32, #tpu.memory_space<vmem>> -> memref<1x112xi32, #tpu.memory_space<vmem>>
        %dma_wait3A_93 = tpu.memref_squeeze %dma_wait3A_92 : memref<1x112xi32, #tpu.memory_space<vmem>> -> memref<112xi32, #tpu.memory_space<vmem>>
        %dma_wait3A_94 = arith.constant 0 : i32
        %dma_wait3A_95 = tpu.memref_slice %arg19[%dma_wait3A_94] : memref<10112xf32, #tpu.memory_space<vmem_shared>> -> memref<10112xf32, #tpu.memory_space<vmem_shared>>
        tpu.wait_indirect_dma semaphore(%arg25 : memref<!tpu.dma_semaphore, #tpu.memory_space<semaphore_mem>>) src(%arg17 : memref<112xf32, #tpu.memory_space<vmem>>) dst(%dma_wait3A_95 : memref<10112xf32, #tpu.memory_space<vmem_shared>>)
      } else {
      }
      %barrier3A_83 = arith.constant 0 : index
      tpu.barrier barrier_id(%barrier3A_83)
      "tpu.region"() ({
        %run_scoped3A_90 = tpu.sem_alloc : memref<!tpu.dma_semaphore, #tpu.memory_space<semaphore_mem>>
        %dma_start3A_91 = arith.constant 0 : i32
        %dma_start3A_92 = tpu.memref_slice %arg8[%mul3A_0, %dma_start3A_91] : memref<10112x128xf32, #tpu.memory_space<hbm>> -> memref<632x128xf32, #tpu.memory_space<hbm>>
        %dma_start3A_93 = arith.constant 0 : i32
        %dma_start3A_94 = tpu.memref_slice %arg18[%mul3A_0, %dma_start3A_93] : memref<10112x128xf32, #tpu.memory_space<vmem_shared>> -> memref<632x128xf32, #tpu.memory_space<vmem_shared>>
        tpu.enqueue_dma source(%dma_start3A_94 : memref<632x128xf32, #tpu.memory_space<vmem_shared>>) target(%dma_start3A_92 : memref<632x128xf32, #tpu.memory_space<hbm>>) target_semaphore(%run_scoped3A_90 : memref<!tpu.dma_semaphore, #tpu.memory_space<semaphore_mem>>)
        %dma_wait3A_95 = arith.constant 0 : i32
        %dma_wait3A_96 = tpu.memref_slice %arg8[%mul3A_0, %dma_wait3A_95] : memref<10112x128xf32, #tpu.memory_space<hbm>> -> memref<632x128xf32, #tpu.memory_space<hbm>>
        %dma_wait3A_97 = arith.constant 0 : i32
        %dma_wait3A_98 = tpu.memref_slice %arg18[%mul3A_0, %dma_wait3A_97] : memref<10112x128xf32, #tpu.memory_space<vmem_shared>> -> memref<632x128xf32, #tpu.memory_space<vmem_shared>>
        tpu.wait_dma2 semaphore(%run_scoped3A_90 : memref<!tpu.dma_semaphore, #tpu.memory_space<semaphore_mem>>) src(%dma_wait3A_98 : memref<632x128xf32, #tpu.memory_space<vmem_shared>>) dst(%dma_wait3A_96 : memref<632x128xf32, #tpu.memory_space<hbm>>)
        tpu.yield
      }) : () -> ()
      %eq3A_84 = arith.constant 0 : i32
      %eq3A_85 = arith.cmpi eq, %arg1, %eq3A_84 : i32
      %convert_element_type3A_86 = arith.extui %eq3A_85 : i1 to i32
      %cond3A_87 = arith.constant 0 : i32
      %cond3A_88 = arith.cmpi ne, %convert_element_type3A_86, %cond3A_87 : i32
      scf.if %cond3A_88 {
        "tpu.region"() ({
          %run_scoped3A_90 = tpu.sem_alloc : memref<!tpu.dma_semaphore, #tpu.memory_space<semaphore_mem>>
          tpu.enqueue_dma source(%arg19 : memref<10112xf32, #tpu.memory_space<vmem_shared>>) target(%arg10 : memref<10112xf32, #tpu.memory_space<hbm>>) target_semaphore(%run_scoped3A_90 : memref<!tpu.dma_semaphore, #tpu.memory_space<semaphore_mem>>)
          tpu.wait_dma2 semaphore(%run_scoped3A_90 : memref<!tpu.dma_semaphore, #tpu.memory_space<semaphore_mem>>) src(%arg19 : memref<10112xf32, #tpu.memory_space<vmem_shared>>) dst(%arg10 : memref<10112xf32, #tpu.memory_space<hbm>>)
          tpu.yield
        }) : () -> ()
      } else {
      }
      %barrier3A_89 = arith.constant 0 : index
      tpu.barrier barrier_id(%barrier3A_89)
    } else {
    }
    return
  }
}

module attributes {stable_mosaic.version = 14 : i64} {
  func.func @body(%arg0: i32, %arg1: memref<1000x256xf32, #tpu.memory_space<vmem>>, %arg2: memref<1000x128xf32, #tpu.memory_space<vmem>>, %arg3: memref<1000x128xf32, #tpu.memory_space<vmem>>, %arg4: memref<1000x1xf32, #tpu.memory_space<vmem>>, %arg5: memref<1000x1xf32, #tpu.memory_space<vmem>>, %arg6: memref<1024x256xf32, #tpu.memory_space<vmem>>, %arg7: memref<1x1024xf32, #tpu.memory_space<vmem>>, %arg8: memref<1024x256xf32, #tpu.memory_space<vmem>>, %arg9: memref<512x1024xf32, #tpu.memory_space<vmem>>, %arg10: memref<1x512xf32, #tpu.memory_space<vmem>>, %arg11: memref<512x1024xf32, #tpu.memory_space<vmem>>, %arg12: memref<1000x128xf32, #tpu.memory_space<vmem>>, %arg13: memref<1000x128xf32, #tpu.memory_space<vmem>>, %arg14: memref<1000x128xf32, #tpu.memory_space<vmem>>, %arg15: memref<1000x128xf32, #tpu.memory_space<vmem>>, %arg16: memref<1000x512xf32, #tpu.memory_space<vmem>>) attributes {dimension_semantics = [#tpu.dimension_semantics<arbitrary>], iteration_bounds = array<i64: 10>, scalar_prefetch = 0 : i64, scratch_operands = 0 : i64, tpu.core_type = #tpu.core_type<tc>, window_params = [{transform_indices = @transform_0, window_bounds = array<i64: 1000, 256>}, {transform_indices = @transform_1, window_bounds = array<i64: 1000, 128>}, {transform_indices = @transform_2, window_bounds = array<i64: 1000, 128>}, {transform_indices = @transform_3, window_bounds = array<i64: 1000, 1>}, {transform_indices = @transform_4, window_bounds = array<i64: 1000, 1>}, {pipeline_mode = #tpu.pipeline_mode<synchronous>, transform_indices = @transform_5, window_bounds = array<i64: 1024, 256>}, {pipeline_mode = #tpu.pipeline_mode<synchronous>, transform_indices = @transform_6, window_bounds = array<i64: 1, 1024>}, {pipeline_mode = #tpu.pipeline_mode<synchronous>, transform_indices = @transform_7, window_bounds = array<i64: 1024, 256>}, {pipeline_mode = #tpu.pipeline_mode<synchronous>, transform_indices = @transform_8, window_bounds = array<i64: 512, 1024>}, {pipeline_mode = #tpu.pipeline_mode<synchronous>, transform_indices = @transform_9, window_bounds = array<i64: 1, 512>}, {pipeline_mode = #tpu.pipeline_mode<synchronous>, transform_indices = @transform_10, window_bounds = array<i64: 512, 1024>}, {transform_indices = @transform_11, window_bounds = array<i64: 1000, 128>}, {transform_indices = @transform_12, window_bounds = array<i64: 1000, 128>}, {transform_indices = @transform_13, window_bounds = array<i64: 1000, 128>}, {transform_indices = @transform_14, window_bounds = array<i64: 1000, 128>}, {transform_indices = @transform_15, window_bounds = array<i64: 1000, 512>}]} {
    %get3A = arith.constant 0 : index
    %get3A_0 = arith.constant 0 : index
    %get3A_1 = vector.load %arg4[%get3A, %get3A_0] : memref<1000x1xf32, #tpu.memory_space<vmem>>, vector<1000x1xf32>
    %get3A_2 = arith.constant 0 : index
    %get3A_3 = arith.constant 0 : index
    %get3A_4 = vector.load %arg5[%get3A_2, %get3A_3] : memref<1000x1xf32, #tpu.memory_space<vmem>>, vector<1000x1xf32>
    %add3A = arith.addf %get3A_1, %get3A_4 : vector<1000x1xf32>
    %max3A = arith.constant 1.000000e+00 : f32
    %max3A_5 = vector.broadcast %max3A : f32 to vector<1000x1xf32>
    %max3A_6 = arith.maximumf %add3A, %max3A_5 : vector<1000x1xf32>
    %div3A = arith.constant 1.000000e+00 : f32
    %div3A_7 = vector.broadcast %div3A : f32 to vector<1000x1xf32>
    %div3A_8 = arith.divf %div3A_7, %max3A_6 : vector<1000x1xf32>
    %get3A_9 = arith.constant 0 : index
    %get3A_10 = arith.constant 0 : index
    %get3A_11 = vector.load %arg2[%get3A_9, %get3A_10] : memref<1000x128xf32, #tpu.memory_space<vmem>>, vector<1000x128xf32>
    %get3A_12 = arith.constant 0 : index
    %get3A_13 = arith.constant 0 : index
    %get3A_14 = vector.load %arg3[%get3A_12, %get3A_13] : memref<1000x128xf32, #tpu.memory_space<vmem>>, vector<1000x128xf32>
    %concatenate3A = tpu.concatenate %get3A_11, %get3A_14 in 1 : vector<1000x128xf32>, vector<1000x128xf32> -> vector<1000x256xf32>
    %mul3A = vector.broadcast %div3A_8 : vector<1000x1xf32> to vector<1000x256xf32>
    %mul3A_15 = arith.mulf %concatenate3A, %mul3A : vector<1000x256xf32>
    %get3A_16 = arith.constant 0 : index
    %get3A_17 = arith.constant 0 : index
    %get3A_18 = vector.load %arg6[%get3A_16, %get3A_17] : memref<1024x256xf32, #tpu.memory_space<vmem>>, vector<1024x256xf32>
    %dot_general3A = arith.constant dense<0.000000e+00> : vector<1000x1024xf32>
    %dot_general3A_19 = tpu.matmul %mul3A_15, %get3A_18, %dot_general3A {dimension_numbers = #tpu.dot_dimension_numbers<[1], [1], [0], [0], [0, 0, 1, 0], [], []>, transpose_lhs_hint = false} : vector<1000x256xf32>, vector<1024x256xf32>, vector<1000x1024xf32> -> vector<1000x1024xf32>
    %get3A_20 = arith.constant 0 : index
    %get3A_21 = arith.constant 0 : index
    %get3A_22 = vector.load %arg1[%get3A_20, %get3A_21] : memref<1000x256xf32, #tpu.memory_space<vmem>>, vector<1000x256xf32>
    %get3A_23 = arith.constant 0 : index
    %get3A_24 = arith.constant 0 : index
    %get3A_25 = vector.load %arg8[%get3A_23, %get3A_24] : memref<1024x256xf32, #tpu.memory_space<vmem>>, vector<1024x256xf32>
    %dot_general3A_26 = arith.constant dense<0.000000e+00> : vector<1000x1024xf32>
    %dot_general3A_27 = tpu.matmul %get3A_22, %get3A_25, %dot_general3A_26 {dimension_numbers = #tpu.dot_dimension_numbers<[1], [1], [0], [0], [0, 0, 1, 0], [], []>, transpose_lhs_hint = false} : vector<1000x256xf32>, vector<1024x256xf32>, vector<1000x1024xf32> -> vector<1000x1024xf32>
    %add3A_28 = arith.addf %dot_general3A_19, %dot_general3A_27 : vector<1000x1024xf32>
    %get3A_29 = arith.constant 0 : index
    %get3A_30 = arith.constant 0 : index
    %get3A_31 = vector.load %arg7[%get3A_29, %get3A_30] : memref<1x1024xf32, #tpu.memory_space<vmem>>, vector<1x1024xf32>
    %add3A_32 = vector.broadcast %get3A_31 : vector<1x1024xf32> to vector<1000x1024xf32>
    %add3A_33 = arith.addf %add3A_28, %add3A_32 : vector<1000x1024xf32>
    %max3A_34 = arith.constant 0.000000e+00 : f32
    %max3A_35 = vector.broadcast %max3A_34 : f32 to vector<1000x1024xf32>
    %max3A_36 = arith.maximumf %add3A_33, %max3A_35 : vector<1000x1024xf32>
    %get3A_37 = arith.constant 0 : index
    %get3A_38 = arith.constant 0 : index
    %get3A_39 = vector.load %arg9[%get3A_37, %get3A_38] : memref<512x1024xf32, #tpu.memory_space<vmem>>, vector<512x1024xf32>
    %dot_general3A_40 = arith.constant dense<0.000000e+00> : vector<1000x512xf32>
    %dot_general3A_41 = tpu.matmul %max3A_36, %get3A_39, %dot_general3A_40 {dimension_numbers = #tpu.dot_dimension_numbers<[1], [1], [0], [0], [0, 0, 1, 0], [], []>, transpose_lhs_hint = false} : vector<1000x1024xf32>, vector<512x1024xf32>, vector<1000x512xf32> -> vector<1000x512xf32>
    %get3A_42 = arith.constant 0 : index
    %get3A_43 = arith.constant 0 : index
    %get3A_44 = vector.load %arg11[%get3A_42, %get3A_43] : memref<512x1024xf32, #tpu.memory_space<vmem>>, vector<512x1024xf32>
    %dot_general3A_45 = arith.constant dense<0.000000e+00> : vector<1000x512xf32>
    %dot_general3A_46 = tpu.matmul %max3A_36, %get3A_44, %dot_general3A_45 {dimension_numbers = #tpu.dot_dimension_numbers<[1], [1], [0], [0], [0, 0, 1, 0], [], []>, transpose_lhs_hint = false} : vector<1000x1024xf32>, vector<512x1024xf32>, vector<1000x512xf32> -> vector<1000x512xf32>
    %get3A_47 = arith.constant 0 : index
    %get3A_48 = arith.constant 0 : index
    %get3A_49 = vector.load %arg10[%get3A_47, %get3A_48] : memref<1x512xf32, #tpu.memory_space<vmem>>, vector<1x512xf32>
    %add3A_50 = vector.broadcast %get3A_49 : vector<1x512xf32> to vector<1000x512xf32>
    %add3A_51 = arith.addf %dot_general3A_46, %add3A_50 : vector<1000x512xf32>
    %slice3A = vector.extract_strided_slice %dot_general3A_41 {offsets = [0, 0], sizes = [1000, 128], strides = [1, 1]} : vector<1000x512xf32> to vector<1000x128xf32>
    %swap3A = arith.constant 0 : index
    %swap3A_52 = arith.constant 0 : index
    %swap3A_53 = vector.load %arg12[%swap3A, %swap3A_52] : memref<1000x128xf32, #tpu.memory_space<vmem>>, vector<1000x128xf32>
    tpu.vector_store %arg12[%swap3A, %swap3A_52], %slice3A {strides = array<i32>} : memref<1000x128xf32, #tpu.memory_space<vmem>>, vector<1000x128xf32>,
    %slice3A_54 = vector.extract_strided_slice %dot_general3A_41 {offsets = [0, 128], sizes = [1000, 128], strides = [1, 1]} : vector<1000x512xf32> to vector<1000x128xf32>
    %swap3A_55 = arith.constant 0 : index
    %swap3A_56 = arith.constant 0 : index
    %swap3A_57 = vector.load %arg13[%swap3A_55, %swap3A_56] : memref<1000x128xf32, #tpu.memory_space<vmem>>, vector<1000x128xf32>
    tpu.vector_store %arg13[%swap3A_55, %swap3A_56], %slice3A_54 {strides = array<i32>} : memref<1000x128xf32, #tpu.memory_space<vmem>>, vector<1000x128xf32>,
    %slice3A_58 = vector.extract_strided_slice %dot_general3A_41 {offsets = [0, 256], sizes = [1000, 128], strides = [1, 1]} : vector<1000x512xf32> to vector<1000x128xf32>
    %swap3A_59 = arith.constant 0 : index
    %swap3A_60 = arith.constant 0 : index
    %swap3A_61 = vector.load %arg14[%swap3A_59, %swap3A_60] : memref<1000x128xf32, #tpu.memory_space<vmem>>, vector<1000x128xf32>
    tpu.vector_store %arg14[%swap3A_59, %swap3A_60], %slice3A_58 {strides = array<i32>} : memref<1000x128xf32, #tpu.memory_space<vmem>>, vector<1000x128xf32>,
    %slice3A_62 = vector.extract_strided_slice %dot_general3A_41 {offsets = [0, 384], sizes = [1000, 128], strides = [1, 1]} : vector<1000x512xf32> to vector<1000x128xf32>
    %swap3A_63 = arith.constant 0 : index
    %swap3A_64 = arith.constant 0 : index
    %swap3A_65 = vector.load %arg15[%swap3A_63, %swap3A_64] : memref<1000x128xf32, #tpu.memory_space<vmem>>, vector<1000x128xf32>
    tpu.vector_store %arg15[%swap3A_63, %swap3A_64], %slice3A_62 {strides = array<i32>} : memref<1000x128xf32, #tpu.memory_space<vmem>>, vector<1000x128xf32>,
    %swap3A_66 = arith.constant 0 : index
    %swap3A_67 = arith.constant 0 : index
    %swap3A_68 = vector.load %arg16[%swap3A_66, %swap3A_67] : memref<1000x512xf32, #tpu.memory_space<vmem>>, vector<1000x512xf32>
    tpu.vector_store %arg16[%swap3A_66, %swap3A_67], %add3A_51 {strides = array<i32>} : memref<1000x512xf32, #tpu.memory_space<vmem>>, vector<1000x512xf32>,
    return
  }
  func.func @transform_0(%arg0: i32) -> (i32, i32) {
    %c0_i32 = arith.constant 0 : i32
    %c0_i32_0 = arith.constant 0 : i32
    return %arg0, %c0_i32 : i32, i32
  }
  func.func @transform_1(%arg0: i32) -> (i32, i32) {
    %c0_i32 = arith.constant 0 : i32
    %c0_i32_0 = arith.constant 0 : i32
    return %arg0, %c0_i32 : i32, i32
  }
  func.func @transform_2(%arg0: i32) -> (i32, i32) {
    %c0_i32 = arith.constant 0 : i32
    %c0_i32_0 = arith.constant 0 : i32
    return %arg0, %c0_i32 : i32, i32
  }
  func.func @transform_3(%arg0: i32) -> (i32, i32) {
    %c0_i32 = arith.constant 0 : i32
    %c0_i32_0 = arith.constant 0 : i32
    return %arg0, %c0_i32 : i32, i32
  }
  func.func @transform_4(%arg0: i32) -> (i32, i32) {
    %c0_i32 = arith.constant 0 : i32
    %c0_i32_0 = arith.constant 0 : i32
    return %arg0, %c0_i32 : i32, i32
  }
  func.func @transform_5(%arg0: i32) -> (i32, i32) {
    %c0_i32 = arith.constant 0 : i32
    %c0_i32_0 = arith.constant 0 : i32
    %c0_i32_1 = arith.constant 0 : i32
    return %c0_i32, %c0_i32_0 : i32, i32
  }
  func.func @transform_6(%arg0: i32) -> (i32, i32) {
    %c0_i32 = arith.constant 0 : i32
    %c0_i32_0 = arith.constant 0 : i32
    %c0_i32_1 = arith.constant 0 : i32
    return %c0_i32, %c0_i32_0 : i32, i32
  }
  func.func @transform_7(%arg0: i32) -> (i32, i32) {
    %c0_i32 = arith.constant 0 : i32
    %c0_i32_0 = arith.constant 0 : i32
    %c0_i32_1 = arith.constant 0 : i32
    return %c0_i32, %c0_i32_0 : i32, i32
  }
  func.func @transform_8(%arg0: i32) -> (i32, i32) {
    %c0_i32 = arith.constant 0 : i32
    %c0_i32_0 = arith.constant 0 : i32
    %c0_i32_1 = arith.constant 0 : i32
    return %c0_i32, %c0_i32_0 : i32, i32
  }
  func.func @transform_9(%arg0: i32) -> (i32, i32) {
    %c0_i32 = arith.constant 0 : i32
    %c0_i32_0 = arith.constant 0 : i32
    %c0_i32_1 = arith.constant 0 : i32
    return %c0_i32, %c0_i32_0 : i32, i32
  }
  func.func @transform_10(%arg0: i32) -> (i32, i32) {
    %c0_i32 = arith.constant 0 : i32
    %c0_i32_0 = arith.constant 0 : i32
    %c0_i32_1 = arith.constant 0 : i32
    return %c0_i32, %c0_i32_0 : i32, i32
  }
  func.func @transform_11(%arg0: i32) -> (i32, i32) {
    %c0_i32 = arith.constant 0 : i32
    %c0_i32_0 = arith.constant 0 : i32
    return %arg0, %c0_i32 : i32, i32
  }
  func.func @transform_12(%arg0: i32) -> (i32, i32) {
    %c0_i32 = arith.constant 0 : i32
    %c0_i32_0 = arith.constant 0 : i32
    return %arg0, %c0_i32 : i32, i32
  }
  func.func @transform_13(%arg0: i32) -> (i32, i32) {
    %c0_i32 = arith.constant 0 : i32
    %c0_i32_0 = arith.constant 0 : i32
    return %arg0, %c0_i32 : i32, i32
  }
  func.func @transform_14(%arg0: i32) -> (i32, i32) {
    %c0_i32 = arith.constant 0 : i32
    %c0_i32_0 = arith.constant 0 : i32
    return %arg0, %c0_i32 : i32, i32
  }
  func.func @transform_15(%arg0: i32) -> (i32, i32) {
    %c0_i32 = arith.constant 0 : i32
    %c0_i32_0 = arith.constant 0 : i32
    return %arg0, %c0_i32 : i32, i32
  }
}

module attributes {stable_mosaic.version = 14 : i64} {
  func.func @body(%arg0: i32, %arg1: memref<1000x128xf32, #tpu.memory_space<vmem>>, %arg2: memref<1000x128xf32, #tpu.memory_space<vmem>>, %arg3: memref<1000x128xf32, #tpu.memory_space<vmem>>, %arg4: memref<1000x128xf32, #tpu.memory_space<vmem>>, %arg5: memref<1000x1xf32, #tpu.memory_space<vmem>>, %arg6: memref<1000x1xf32, #tpu.memory_space<vmem>>, %arg7: memref<1000x512xf32, #tpu.memory_space<vmem>>, %arg8: memref<256x512xf32, #tpu.memory_space<vmem>>, %arg9: memref<1x256xf32, #tpu.memory_space<vmem>>, %arg10: memref<256x512xf32, #tpu.memory_space<vmem>>, %arg11: memref<1x256xf32, #tpu.memory_space<vmem>>, %arg12: memref<1000x256xf32, #tpu.memory_space<vmem>>, %arg13: memref<1000x256xf32, #tpu.memory_space<vmem>>) attributes {dimension_semantics = [#tpu.dimension_semantics<arbitrary>], iteration_bounds = array<i64: 10>, scalar_prefetch = 0 : i64, scratch_operands = 0 : i64, tpu.core_type = #tpu.core_type<tc>, window_params = [{transform_indices = @transform_0, window_bounds = array<i64: 1000, 128>}, {transform_indices = @transform_1, window_bounds = array<i64: 1000, 128>}, {transform_indices = @transform_2, window_bounds = array<i64: 1000, 128>}, {transform_indices = @transform_3, window_bounds = array<i64: 1000, 128>}, {transform_indices = @transform_4, window_bounds = array<i64: 1000, 1>}, {transform_indices = @transform_5, window_bounds = array<i64: 1000, 1>}, {transform_indices = @transform_6, window_bounds = array<i64: 1000, 512>}, {pipeline_mode = #tpu.pipeline_mode<synchronous>, transform_indices = @transform_7, window_bounds = array<i64: 256, 512>}, {pipeline_mode = #tpu.pipeline_mode<synchronous>, transform_indices = @transform_8, window_bounds = array<i64: 1, 256>}, {pipeline_mode = #tpu.pipeline_mode<synchronous>, transform_indices = @transform_9, window_bounds = array<i64: 256, 512>}, {pipeline_mode = #tpu.pipeline_mode<synchronous>, transform_indices = @transform_10, window_bounds = array<i64: 1, 256>}, {transform_indices = @transform_11, window_bounds = array<i64: 1000, 256>}, {transform_indices = @transform_12, window_bounds = array<i64: 1000, 256>}]} {
    %get3A = arith.constant 0 : index
    %get3A_0 = arith.constant 0 : index
    %get3A_1 = vector.load %arg5[%get3A, %get3A_0] : memref<1000x1xf32, #tpu.memory_space<vmem>>, vector<1000x1xf32>
    %get3A_2 = arith.constant 0 : index
    %get3A_3 = arith.constant 0 : index
    %get3A_4 = vector.load %arg6[%get3A_2, %get3A_3] : memref<1000x1xf32, #tpu.memory_space<vmem>>, vector<1000x1xf32>
    %add3A = arith.addf %get3A_1, %get3A_4 : vector<1000x1xf32>
    %max3A = arith.constant 1.000000e+00 : f32
    %max3A_5 = vector.broadcast %max3A : f32 to vector<1000x1xf32>
    %max3A_6 = arith.maximumf %add3A, %max3A_5 : vector<1000x1xf32>
    %div3A = arith.constant 1.000000e+00 : f32
    %div3A_7 = vector.broadcast %div3A : f32 to vector<1000x1xf32>
    %div3A_8 = arith.divf %div3A_7, %max3A_6 : vector<1000x1xf32>
    %get3A_9 = arith.constant 0 : index
    %get3A_10 = arith.constant 0 : index
    %get3A_11 = vector.load %arg1[%get3A_9, %get3A_10] : memref<1000x128xf32, #tpu.memory_space<vmem>>, vector<1000x128xf32>
    %get3A_12 = arith.constant 0 : index
    %get3A_13 = arith.constant 0 : index
    %get3A_14 = vector.load %arg2[%get3A_12, %get3A_13] : memref<1000x128xf32, #tpu.memory_space<vmem>>, vector<1000x128xf32>
    %get3A_15 = arith.constant 0 : index
    %get3A_16 = arith.constant 0 : index
    %get3A_17 = vector.load %arg3[%get3A_15, %get3A_16] : memref<1000x128xf32, #tpu.memory_space<vmem>>, vector<1000x128xf32>
    %get3A_18 = arith.constant 0 : index
    %get3A_19 = arith.constant 0 : index
    %get3A_20 = vector.load %arg4[%get3A_18, %get3A_19] : memref<1000x128xf32, #tpu.memory_space<vmem>>, vector<1000x128xf32>
    %concatenate3A = tpu.concatenate %get3A_11, %get3A_14, %get3A_17, %get3A_20 in 1 : vector<1000x128xf32>, vector<1000x128xf32>, vector<1000x128xf32>, vector<1000x128xf32> -> vector<1000x512xf32>
    %mul3A = vector.broadcast %div3A_8 : vector<1000x1xf32> to vector<1000x512xf32>
    %mul3A_21 = arith.mulf %concatenate3A, %mul3A : vector<1000x512xf32>
    %get3A_22 = arith.constant 0 : index
    %get3A_23 = arith.constant 0 : index
    %get3A_24 = vector.load %arg7[%get3A_22, %get3A_23] : memref<1000x512xf32, #tpu.memory_space<vmem>>, vector<1000x512xf32>
    %add3A_25 = arith.addf %mul3A_21, %get3A_24 : vector<1000x512xf32>
    %get3A_26 = arith.constant 0 : index
    %get3A_27 = arith.constant 0 : index
    %get3A_28 = vector.load %arg8[%get3A_26, %get3A_27] : memref<256x512xf32, #tpu.memory_space<vmem>>, vector<256x512xf32>
    %dot_general3A = arith.constant dense<0.000000e+00> : vector<1000x256xf32>
    %dot_general3A_29 = tpu.matmul %add3A_25, %get3A_28, %dot_general3A {dimension_numbers = #tpu.dot_dimension_numbers<[1], [1], [0], [0], [0, 0, 1, 0], [], []>, transpose_lhs_hint = false} : vector<1000x512xf32>, vector<256x512xf32>, vector<1000x256xf32> -> vector<1000x256xf32>
    %get3A_30 = arith.constant 0 : index
    %get3A_31 = arith.constant 0 : index
    %get3A_32 = vector.load %arg9[%get3A_30, %get3A_31] : memref<1x256xf32, #tpu.memory_space<vmem>>, vector<1x256xf32>
    %add3A_33 = vector.broadcast %get3A_32 : vector<1x256xf32> to vector<1000x256xf32>
    %add3A_34 = arith.addf %dot_general3A_29, %add3A_33 : vector<1000x256xf32>
    %swap3A = arith.constant 0 : index
    %swap3A_35 = arith.constant 0 : index
    %swap3A_36 = vector.load %arg12[%swap3A, %swap3A_35] : memref<1000x256xf32, #tpu.memory_space<vmem>>, vector<1000x256xf32>
    tpu.vector_store %arg12[%swap3A, %swap3A_35], %add3A_34 {strides = array<i32>} : memref<1000x256xf32, #tpu.memory_space<vmem>>, vector<1000x256xf32>,
    %get3A_37 = arith.constant 0 : index
    %get3A_38 = arith.constant 0 : index
    %get3A_39 = vector.load %arg10[%get3A_37, %get3A_38] : memref<256x512xf32, #tpu.memory_space<vmem>>, vector<256x512xf32>
    %dot_general3A_40 = arith.constant dense<0.000000e+00> : vector<1000x256xf32>
    %dot_general3A_41 = tpu.matmul %add3A_25, %get3A_39, %dot_general3A_40 {dimension_numbers = #tpu.dot_dimension_numbers<[1], [1], [0], [0], [0, 0, 1, 0], [], []>, transpose_lhs_hint = false} : vector<1000x512xf32>, vector<256x512xf32>, vector<1000x256xf32> -> vector<1000x256xf32>
    %get3A_42 = arith.constant 0 : index
    %get3A_43 = arith.constant 0 : index
    %get3A_44 = vector.load %arg11[%get3A_42, %get3A_43] : memref<1x256xf32, #tpu.memory_space<vmem>>, vector<1x256xf32>
    %add3A_45 = vector.broadcast %get3A_44 : vector<1x256xf32> to vector<1000x256xf32>
    %add3A_46 = arith.addf %dot_general3A_41, %add3A_45 : vector<1000x256xf32>
    %swap3A_47 = arith.constant 0 : index
    %swap3A_48 = arith.constant 0 : index
    %swap3A_49 = vector.load %arg13[%swap3A_47, %swap3A_48] : memref<1000x256xf32, #tpu.memory_space<vmem>>, vector<1000x256xf32>
    tpu.vector_store %arg13[%swap3A_47, %swap3A_48], %add3A_46 {strides = array<i32>} : memref<1000x256xf32, #tpu.memory_space<vmem>>, vector<1000x256xf32>,
    return
  }
  func.func @transform_0(%arg0: i32) -> (i32, i32) {
    %c0_i32 = arith.constant 0 : i32
    %c0_i32_0 = arith.constant 0 : i32
    return %arg0, %c0_i32 : i32, i32
  }
  func.func @transform_1(%arg0: i32) -> (i32, i32) {
    %c0_i32 = arith.constant 0 : i32
    %c0_i32_0 = arith.constant 0 : i32
    return %arg0, %c0_i32 : i32, i32
  }
  func.func @transform_2(%arg0: i32) -> (i32, i32) {
    %c0_i32 = arith.constant 0 : i32
    %c0_i32_0 = arith.constant 0 : i32
    return %arg0, %c0_i32 : i32, i32
  }
  func.func @transform_3(%arg0: i32) -> (i32, i32) {
    %c0_i32 = arith.constant 0 : i32
    %c0_i32_0 = arith.constant 0 : i32
    return %arg0, %c0_i32 : i32, i32
  }
  func.func @transform_4(%arg0: i32) -> (i32, i32) {
    %c0_i32 = arith.constant 0 : i32
    %c0_i32_0 = arith.constant 0 : i32
    return %arg0, %c0_i32 : i32, i32
  }
  func.func @transform_5(%arg0: i32) -> (i32, i32) {
    %c0_i32 = arith.constant 0 : i32
    %c0_i32_0 = arith.constant 0 : i32
    return %arg0, %c0_i32 : i32, i32
  }
  func.func @transform_6(%arg0: i32) -> (i32, i32) {
    %c0_i32 = arith.constant 0 : i32
    %c0_i32_0 = arith.constant 0 : i32
    return %arg0, %c0_i32 : i32, i32
  }
  func.func @transform_7(%arg0: i32) -> (i32, i32) {
    %c0_i32 = arith.constant 0 : i32
    %c0_i32_0 = arith.constant 0 : i32
    %c0_i32_1 = arith.constant 0 : i32
    return %c0_i32, %c0_i32_0 : i32, i32
  }
  func.func @transform_8(%arg0: i32) -> (i32, i32) {
    %c0_i32 = arith.constant 0 : i32
    %c0_i32_0 = arith.constant 0 : i32
    %c0_i32_1 = arith.constant 0 : i32
    return %c0_i32, %c0_i32_0 : i32, i32
  }
  func.func @transform_9(%arg0: i32) -> (i32, i32) {
    %c0_i32 = arith.constant 0 : i32
    %c0_i32_0 = arith.constant 0 : i32
    %c0_i32_1 = arith.constant 0 : i32
    return %c0_i32, %c0_i32_0 : i32, i32
  }
  func.func @transform_10(%arg0: i32) -> (i32, i32) {
    %c0_i32 = arith.constant 0 : i32
    %c0_i32_0 = arith.constant 0 : i32
    %c0_i32_1 = arith.constant 0 : i32
    return %c0_i32, %c0_i32_0 : i32, i32
  }
  func.func @transform_11(%arg0: i32) -> (i32, i32) {
    %c0_i32 = arith.constant 0 : i32
    %c0_i32_0 = arith.constant 0 : i32
    return %arg0, %c0_i32 : i32, i32
  }
  func.func @transform_12(%arg0: i32) -> (i32, i32) {
    %c0_i32 = arith.constant 0 : i32
    %c0_i32_0 = arith.constant 0 : i32
    return %arg0, %c0_i32 : i32, i32
  }
}

</mosaic_0001>

<sc_bundles>
// kernel: kernel.6.cloned.1.call-start
scs
__scs_entry_jumppad:
0x0: {  	(pc) =	sbr.rel $0x88, $3  }
0x1: {  	(tag) =	ssettag $0x0;
	lr =	simm.s32 $0x1  }
0x2: {  	[smem:$0x3F95] =	sst lr;
	_ =	strace $0xD0000000  }
0x3: {  	_ = 	snop  }
0x4: {  	_ = 	snop  }
0x5: {  	_ = 	snop  }
0x6: {  	_ = 	snop  }
0x7: {  	_ = 	snop  }
__scs_overlays_trampoline_lowered:
0x8: {  	[smem:$0x3FA4] =	sst s0  }
0x9: {  	[smem:$0x3FA5] =	sst s1  }
0xa: {  	[smem:$0x3FA6] =	sst s2  }
0xb: {  	[smem:$0x3FA7] =	sst s3  }
0xc: {  	[smem:$0x3FA8] =	sst s4  }
0xd: {  	[smem:$0x3FA9] =	sst s5  }
0xe: {  	[smem:$0x3FAA] =	sst s6  }
0xf: {  	[smem:$0x3FAB] =	sst s7  }
0x10: {  	[smem:$0x3FAC] =	sst s8  }
0x11: {  	[smem:$0x3FAD] =	sst s9;
	s0 =	simm.s32 @!p0 $0x0  }
0x12: {  	s1 =	sld [smem:$0x3F93];
	s0 =	simm.s32 @p0 $0x1  }
0x13: {  	[smem:$0x3FAE] =	sst s0;
	s0 =	simm.s32 @!p1 $0x0  }
0x14: {  	s2 =	sld [smem:$0x3F92];
	s0 =	simm.s32 @p1 $0x1  }
0x15: {  	[smem:$0x3FAF] =	sst s0;
	s0 =	simm.s32 @!p2 $0x0  }
0x16: {  	s3 =	sld [smem:$0x3FDB];
	s0 =	simm.s32 @p2 $0x1  }
0x17: {  	s4 =	simm.s32 $0x1BF5;
	[smem:$0x3FB1] =	sst s0  }
0x18: {  	s0 =	sld [smem:$0x3F94];
	_ =	swait.ge [sflag:s4], $0x0  }
0x19: {  	s7 =	sld [smem:$0x3F95]  }
0x1a: {  	s8 =	sadd.s32 $0xFFFFE003, lr  }
0x1b: {  	s9 =	sadd.s32 $0xFFFFFEF7, lr;
	s5 =	simm.s32 $0xFFFFFFFF;
	p2 =	slt.u32 s8, $0xFFFFF086  }
0x1c: {  	p1 =	slt.u32 s9, $0xF7A;
	s5 =	simm.s32 @!p2 $0x0  }
0x1d: {  	s5 =	simm.s32 @p1 $0x1;
	p0 =	seq.s32 s7, s2  }
0x1e: {  	s7 =	smul.u32 @!p0 $0xF7A, s2;
	p2 =	seq.s32 @!p0 s5, $0x0  }
0x1f: {  	s9 =	smul.u32 $0xF7A, s1;
	s8 =	simm.s32 @!p0 $0x1BF5;
	p2 =	por !p2, p0  }
0x20: {  	[sflag:s8] =	ssyncset.s32 @!p0 $0xFFFFF086;
	s6 =	sadd.s32 @!p0 s3, s7;
	s7 =	simm.s32 @!p0 $0x108  }
0x21: {  	s3 =	sadd.s32 s3, s9;
	s6 =	sadd.s32 @!p0 $0x88, s6;
	s7 =	simm.s32 @p2 $0x1082  }
0x22: {  	[simem:s7], [sflag:s8] =	dma.local @!p0 [hbm:s6], $0xF7A  }
0x23: {  	s9 =	sor.u32 $0xD0000000, s2;
	s6 =	simm.s32 $0x108;
	_ =	swait.ge @!p0 [sflag:s8], $0x0  }
0x24: {  	s3 =	sadd.s32 $0x88, s3;
	s6 =	simm.s32 @!p1 $0x1082;
	[sflag:s4] =	ssyncset.s32 $0xFFFFF086  }
0x25: {  	[simem:s6], [sflag:s4] =	dma.local [hbm:s3], $0xF7A  }
0x26: {  	[smem:$0x3F95] =	sst s1;
	(tag) =	ssettag s2;
	_ =	strace s9  }
0x27: {  	s1 =	sld [smem:$0x3FA5]  }
0x28: {  	s2 =	sld [smem:$0x3FA6]  }
0x29: {  	s4 =	sld [smem:$0x3FA8]  }
0x2a: {  	p0 =	seq.s32 s5, $0x0;
	s5 =	sld [smem:$0x3FA9]  }
0x2b: {  	s6 =	sld [smem:$0x3FAA]  }
0x2c: {  	s7 =	sld [smem:$0x3FAB]  }
0x2d: {  	s3 =	simm.s32 $0x108;
	s8 =	sld [smem:$0x3FAC]  }
0x2e: {  	s3 =	simm.s32 @!p0 $0x1082;
	s9 =	sld [smem:$0x3FAD]  }
0x2f: {  	lr =	sadd.s32 s0, s3;
	s0 =	sld [smem:$0x3FA4]  }
0x30: {  	s3 =	sld [smem:$0x3FA7]  }
0x31: {  	[smem:$0x3FB0] =	sst s10  }
0x32: {  	s10 =	sld [smem:$0x3FAE];
	_ =	sdelay $0x3  }
0x33: {  	p0 =	seq.s32 s10, $0x1;
	s10 =	sld [smem:$0x3FB0];
	_ =	sdelay $0x3  }
0x34: {  	[smem:$0x3FB0] =	sst s10  }
0x35: {  	s10 =	sld [smem:$0x3FAF];
	_ =	sdelay $0x3  }
0x36: {  	p1 =	seq.s32 s10, $0x1;
	s10 =	sld [smem:$0x3FB0];
	_ =	sdelay $0x3  }
0x37: {  	[smem:$0x3FB0] =	sst s10  }
0x38: {  	s10 =	sld [smem:$0x3FB1]  }
0x39: {  	_ = 	snop;
	(pc) =	sbr.ind lr, $3  }
0x3a: {  	_ = 	snop  }
0x3b: {  	_ = 	snop  }
0x3c: {  	p2 =	seq.s32 s10, $0x1;
	s10 =	sld [smem:$0x3FB0]  }
0x3d: {  	_ =	shalt  }
0x3e: {  	_ =	shalt  }
0x3f: {  	_ =	shalt  }
0x40: {  	_ =	shalt  }
0x41: {  	_ =	shalt  }
0x42: {  	_ =	shalt  }
0x43: {  	_ =	shalt  }
0x44: {  	_ =	shalt  }
0x45: {  	_ =	shalt  }
0x46: {  	_ =	shalt  }
0x47: {  	_ =	shalt  }
0x48: {  	_ =	shalt  }
0x49: {  	_ =	shalt  }
0x4a: {  	_ =	shalt  }
0x4b: {  	_ =	shalt  }
0x4c: {  	_ =	shalt  }
0x4d: {  	_ =	shalt  }
0x4e: {  	_ =	shalt  }
0x4f: {  	_ =	shalt  }
0x50: {  	_ =	shalt  }
0x51: {  	_ =	shalt  }
0x52: {  	_ =	shalt  }
0x53: {  	_ =	shalt  }
0x54: {  	_ =	shalt  }
0x55: {  	_ =	shalt  }
0x56: {  	_ =	shalt  }
0x57: {  	_ =	shalt  }
0x58: {  	_ =	shalt  }
0x59: {  	_ =	shalt  }
0x5a: {  	_ =	shalt  }
0x5b: {  	_ =	shalt  }
0x5c: {  	_ =	shalt  }
0x5d: {  	_ =	shalt  }
0x5e: {  	_ =	shalt  }
0x5f: {  	_ =	shalt  }
0x60: {  	_ =	shalt  }
0x61: {  	_ =	shalt  }
0x62: {  	_ =	shalt  }
0x63: {  	_ =	shalt  }
0x64: {  	_ =	shalt  }
0x65: {  	_ =	shalt  }
0x66: {  	_ =	shalt  }
0x67: {  	_ =	shalt  }
0x68: {  	_ =	shalt  }
0x69: {  	_ =	shalt  }
0x6a: {  	_ =	shalt  }
0x6b: {  	_ =	shalt  }
0x6c: {  	_ =	shalt  }
0x6d: {  	_ =	shalt  }
0x6e: {  	_ =	shalt  }
0x6f: {  	_ =	shalt  }
0x70: {  	_ =	shalt  }
0x71: {  	_ =	shalt  }
0x72: {  	_ =	shalt  }
0x73: {  	_ =	shalt  }
0x74: {  	_ =	shalt  }
0x75: {  	_ =	shalt  }
0x76: {  	_ =	shalt  }
0x77: {  	_ =	shalt  }
0x78: {  	_ =	shalt  }
0x79: {  	_ =	shalt  }
0x7a: {  	_ =	shalt  }
0x7b: {  	_ =	shalt  }
0x7c: {  	_ =	shalt  }
0x7d: {  	_ =	shalt  }
0x7e: {  	_ =	shalt  }
0x7f: {  	_ =	shalt  }
0x80: {  	_ =	shalt  }
0x81: {  	_ =	shalt  }
0x82: {  	_ =	shalt  }
0x83: {  	_ =	shalt  }
0x84: {  	_ =	shalt  }
0x85: {  	_ =	shalt  }
0x86: {  	_ =	shalt  }
0x87: {  	_ =	shalt  }
.Lfunc_end0:
.L_simem_size_0:
called_computation_lowered:
.L_overlay_start_0:
0x88: {  	s2 =	sld [smem:$0x3FD9]  }
0x89: {  	s3 =	sld [smem:$0x3FFE];
	_ =	sdelay $0x1  }
0x8a: {  	s1 =	srdreg.scid  }
0x8b: {  	s0 =	sand.u32 $0x1, s1  }
0x8c: {  	s14 =	sshll.u32 s0, $0xA;
	s2 =	sadd.s32 s3, s2  }
0x8d: {  	s2 =	sadd.s32 s2, s14  }
0x8e: {  	[smem:$0x3FBC] =	sst s2  }
0x8f: {  	_ = 	snop  }
0x90: {  	s2 =	sld [smem:$0x3FD0];
	_ =	sdelay $0x2  }
0x91: {  	s15 =	simm.s32 $0xA;
	s4 =	simm.s32 $0x10  }
0x92: {  	[smem:s4], [sflag:s15] =	dma.local [hbm:s2], $0x1  }
0x93: {  	_ =	swait.eq [sflag:s15], $0x1  }
0x94: {  	[sflag:s15] =	ssyncset.done $0x0  }
0x95: {  	s16 =	sld [smem:$0x10];
	[sflag:s15] =	ssyncadd.s32 $0xFFFFFFFF  }
0x96: {  	s17 =	sld [smem:$0x11];
	(tm) =	ssettm $0x1  }
0x97: {  	s18 =	sld [smem:$0x3FFB];
	_ =	sdelay $0x3  }
0x98: {  	_ =	strace s18  }
0x99: {  	s4 =	sld [smem:$0x3FFC];
	_ =	sdelay $0x3  }
0x9a: {  	_ =	strace s4  }
0x9b: {  	s4 =	sld [smem:$0x3FFD];
	_ =	sdelay $0x3  }
0x9c: {  	_ =	strace s4  }
0x9d: {  	_ =	strace $0x8FFFFFFF  }
0x9e: {  	s19 =	sld [smem:$0x3FDB];
	_ =	sdelay $0x1  }
0x9f: {  	s5 =	simm.s32 $_scs_section_size  }
0xa0: {  	s6 =	simm.s32 $_size__tile_overlayer_lowered;
	s7 =	simm.s32 $_tile_overlayer_lowered  }
0xa1: {  	s22 =	simm.s32 $0x1BFF;
	s21 =	sshll.u32 s7, $0x1;
	s4 =	sadd.s32 s5, s19  }
0xa2: {  	s8 =	simm.s32 $0x0;
	s20 =	sshll.u32 s6, $0x1;
	s6 =	sadd.s32 s21, s4  }
0xa3: {  	[timem:s8], [sflag:s22] =	dma.local [hbm:s6], s20  }
0xa4: {  	_ =	swait.ge [sflag:s22], s20  }
0xa5: {  	s5 =	ssub.s32 $0x0, s20;
	[sflag:s22] =	ssyncset.done $0x0  }
0xa6: {  	[sflag:s22] =	ssyncadd.s32 s5;
	_ =	sdelay $0x1  }
0xa7: {  	s23 =	simm.s32 $0x1B8B  }
0xa8: {  	_ =	swait.ge [sflag:s23], $0x1  }
0xa9: {  	[sflag:s23] =	ssyncset.done $0x0  }
0xaa: {  	s25 =	simm.s32 $0x1B8E;
	s24 =	sld [smem:$0x3FFE];
	[sflag:s23] =	ssyncadd.s32 $0xFFFFFFFF  }
0xab: {  	s26 =	simm.s32 $execute0_lowered;
	[smem:$0x3FD2] =	sst s25  }
0xac: {  	s6 =	sshll.u32 s26, $0x1;
	_ =	strace $0x80000046;
	[dreg:$0x1] =	wrdreg $0xFFFFFFFF  }
0xad: {  	s28 =	simm.s32 $_size_execute0_lowered;
	s4 =	sadd.s32 s4, s6;
	[dreg:$0x0] =	wrdreg $0x0  }
0xae: {  	s6 =	sshll.u32 s28, $0x1;
	[dreg:$0x2] =	wrdreg s4  }
0xaf: {  	[dreg:$0x3] =	wrdreg s6  }
0xb0: {  	[dreg:$0x4] =	wrdreg $0xC0  }
0xb1: {  	_ =	task [dreg:s8], $0x5FFFF  }
0xb2: {  	[dreg:$0x1] =	wrdreg $0xFFFFFFFF  }
0xb3: {  	[dreg:$0x0] =	wrdreg $0x60  }
0xb4: {  	[dreg:$0x2] =	wrdreg s24  }
0xb5: {  	[dreg:$0x3] =	wrdreg s17  }
0xb6: {  	[dreg:$0x4] =	wrdreg s16  }
0xb7: {  	[dreg:$0x5] =	wrdreg $0xAB800  }
0xb8: {  	[dreg:$0x6] =	wrdreg $0x1E7800  }
0xb9: {  	[dreg:$0x7] =	wrdreg $0x9  }
0xba: {  	_ =	task.clear_ibuf [dreg:s8], $0x8FFFF;
	_ =	strace $0x90000046  }
0xbb: {  	s29 =	simm.s32 $0x9;
	_ =	strace $0x80000048  }
0xbc: {  	_ =	swait.ge [sflag:s29], $0x1  }
0xbd: {  	[sflag:s29] =	ssyncadd.s32 $0xFFFFFFFF  }
0xbe: {  	_ =	strace $0x90000048  }
0xbf: {  	_ =	sfence  }
0xc0: {  	s30 =	sld [smem:$0x0];
	_ =	sdelay $0x2  }
0xc1: {  	s31 =	sshll.u32 s1, $0xD;
	s1 =	sshrl.u32 s1, $0x2  }
0xc2: {  	s3 =	sand.u32 $0x4000, s31;
	s1 =	sadd.s32 s1, s30  }
0xc3: {  	s0 =	sor.u32 s3, s0;
	s1 =	sshll.u32 s1, $0x11  }
0xc4: {  	s0 =	sor.u32 s1, s0  }
0xc5: {  	s0 =	sadd.s32 $0x8F2B, s0  }
0xc6: {  	[sflag:s0] =	ssyncadd.remote.s32 $0x1  }
0xc7: {  	_ =	sfence.sel $0xFFFF  }
0xc8: {  	[dreg:$0x0] =	wrdreg $0xFFFFFFFF;
	(pc) =	sbr.abs _section_cstart, $3  }
0xc9: {  	[dreg:$0x1] =	wrdreg $0xFFFFFFFF  }
0xca: {  	_ =	task.clear_ibuf [dreg:s8], $0x2FFFF;
	_ =	strace $0x9FFFFFFF  }
0xcb: {  	(tm) =	ssettm $0x7FFFFFFF  }
tec
execute0_lowered:
.L_overlay_start_1:
0x0: {  	(tag) =	ssettag $0x1  }
0x1: {  	s0 =	rddreg [dreg:$0x0]  }
0x2: {  	s6 =	rddreg [dreg:$0x1]  }
0x3: {  	s7 =	rddreg [dreg:$0x2]  }
0x4: {  	s1 =	rddreg [dreg:$0x3]  }
0x5: {  	s2 =	rddreg [dreg:$0x4];
	s3 =	simm.s32 $0x0;
	s8 =	srdreg.scid  }
0x6: {  	s18 =	stileid.u32;
	s19 =	simm.s32 $0x7;
	s28 =	simm.s32 $0x200  }
0x7: {  	s29 =	simm.s32 $0x7300;
	s30 =	simm.s32 $0x2;
	s31 =	simm.s32 $0x180  }
0x8: {  	[smem:$0x7FF] =	sst s3;
	s4 =	sadd.s32 $0x2A600, s0;
	s5 =	sadd.s32 $0x3400, s0  }
0x9: {  	s9 =	sadd.s32 $0x51800, s0;
	s16 =	sadd.s32 $0x5D200, s0;
	s12 =	smul.u32 $0x5A00, s18  }
0xa: {  	s10 =	sadd.s32 $0x5CC00, s0;
	s8 =	sand.u32 $0x1, s8;
	s13 =	smul.u32 $0x4F000, s18  }
0xb: {  	s11 =	sadd.s32 $0x5FA00, s0;
	s0 =	sadd.s32 $0x60000, s0;
	s24 =	smul.u32 $0x2780, s18  }
0xc: {  	s14 =	smul.u32 $0xB40, s18;
	_ =	strace $0x80000047;
	[dreg:$0x7] =	wrdreg s10  }
0xd: {  	s26 =	sshll.u32 s18, $0x6;
	p1 =	sne.s32 s18, $0x0;
	[dreg:$0x8] =	wrdreg s11  }
0xe: {  	p2 =	seq.s32 s18, $0x0;
	s20 =	ssub.s32 $0x2, s8;
	[dreg:$0x9] =	wrdreg s0  }
0xf: {  	p0 =	seq.s32 s8, $0x1;
	s15 =	sor.u32 $0x1C07, s26;
	s26 =	simm.s32 $0x80  }
0x10: {  	s10 =	simm.s32 $0x280;
	[dreg:$0x6] =	wrdreg s16;
	s21 =	sshrl.u32 s20, $0x1  }
0x11: {  	s22 =	sshrl.u32 s12, $0x3;
	s23 =	sshrl.u32 s13, $0x2;
	s6 =	sadd.s32 s6, s24  }
0x12: {  	s25 =	sadd.s32 s7, s24;
	s17 =	sadd.s32 s14, s9;
	s24 =	simm.s32 $0x3B00  }
0x13: {  	s13 =	simm.s32 $0x5;
	[dreg:$0xf] =	wrdreg s15;
	s0 =	ssub.s32 s20, s21  }
0x14: {  	s11 =	sadd.s32 s9, s22;
	s12 =	sadd.s32 s23, s1;
	[dreg:$0xc] =	wrdreg s6  }
0x15: {  	[dreg:$0xd] =	wrdreg s25;
	s21 =	simm.s32 $0x70;
	s22 =	simm.s32 $0x300  }
.Ltmp0:
0x16: {  	[dreg:$0xa] =	wrdreg s11;
	s11 =	sadd.s32 $0x20, s11;
	(pc) =	sbr.rel .LBB2_1-.Ltmp0, $4  }
0x17: {  	s23 =	simm.s32 $0x100;
	s0 =	smax.u32 s0, $0x1;
	[dreg:$0xb] =	wrdreg s11  }
0x18: {  	s25 =	simm.s32 $0x1;
	s12 =	sshrl.u32 s12, $0x3;
	[dreg:$0xe] =	wrdreg s0  }
0x19: {  	s9 =	simm.s32 $0x3;
	s0 =	sshrl.u32 @!p1 s2, $0x3;
	[dreg:$0x10] =	wrdreg s12  }
0x1a: {  	v0 =	vimm.f32 $1.000000000e+00;
	s6 =	simm.s32 $0x0;
	[dreg:$0x11] =	wrdreg s0;
	s0 =	simm.s32 $0x4  }
.LBB2_10:
0x1b: {  	s11 =	sshrl.u32 s2, $0x3  }
0x1c: {  	[hbm:s7], [sflag:s15] =	dma.local [spmem:s11], $0x4F0  }
0x1d: {  	_ =	swait.ge [sflag:s19], $0x4F0  }
0x1e: {  	[sflag:s19] =	ssyncset.done $0x0  }
0x1f: {  	[sflag:s19] =	ssyncadd.s32 $0xFFFFFB10  }
.LBB2_11:
0x20: {  	s6 =	sadd.s32 $0x1, s6;
	s7 =	rddreg [dreg:$0xe]  }
0x21: {  	p3 =	sne.s32 s6, s7  }
.Ltmp1:
0x22: {  	_ = 	snop;
	(pc) =	sbr.rel @!p3 .LBB2_12-.Ltmp1, $2  }
0x23: {  	_ =	sdelay $0x1  }
0x24: {  	[bflag:$0x0] =	sbarrier.arrive $0xFFFF;
	_ =	sdelay $0x1  }
.LBB2_1:
0x25: {  	[tilespmem:$0xAB00] =	vst v0  }
0x26: {  	[tilespmem:$0xAB10] =	vst v0  }
0x27: {  	[tilespmem:$0xAB20] =	vst v0  }
0x28: {  	[tilespmem:$0xAB30] =	vst v0  }
0x29: {  	[tilespmem:$0xAB40] =	vst v0  }
0x2a: {  	[tilespmem:$0xAB50] =	vst v0  }
.Ltmp2:
0x2b: {  	[tilespmem:$0xAB60] =	vst v0;
	(pc) =	sbr.rel @!p0 .LBB2_2-.Ltmp2, $4  }
0x2c: {  	[spmem:s12], [sflag:s15] =	dma.local [hbm:s16], $0x2780  }
0x2d: {  	_ =	swait.ge [sflag:s19], $0x2780  }
0x2e: {  	[sflag:s19] =	ssyncset.done $0x0  }
0x2f: {  	[sflag:s19] =	ssyncadd.s32 $0xFFFFD880  }
0x30: {  	s7 =	rddreg [dreg:$0x7]  }
0x31: {  	s11 =	rddreg [dreg:$0x11]  }
0x32: {  	[spmem:s11], [sflag:s15] =	dma.local @!p1 [hbm:s7], $0x4F0  }
0x33: {  	s7 =	simm.s32 @!p1 $0x7  }
0x34: {  	_ =	swait.ge @!p1 [sflag:s7], $0x4F0  }
0x35: {  	[sflag:s7] =	ssyncset.done @!p1 $0x0  }
0x36: {  	[sflag:s7] =	ssyncadd.s32 @!p1 $0xFFFFFB10  }
0x37: {  	[bflag:$0x0] =	sbarrier.arrive $0xFFFF  }
0x38: {  	s7 =	simm.s32 $0x0;
	s18 =	rddreg [dreg:$0xa]  }
0x39: {  	[tilespmem:s7], [sflag:$0x7] =	stream.linear.gather [hbm4b:s18+s7], $0x100, $0x38;
	[tilespmem:$0x1E9F8] =	vst v63  }
0x3a: {  	_ =	swait.ge [sflag:s19], $0x100  }
0x3b: {  	[sflag:s19] =	ssyncset.done $0x0  }
0x3c: {  	[sflag:s19] =	ssyncadd.s32 $0xFFFFFF00  }
0x3d: {  	[tilespmem:s22], [sflag:$0x1] =	stream.indirect.gather [hbm4b:s5+s21], $0x80, s7, s21, $0xb8;
	[tilespmem:$0x1E9F8] =	vst v63  }
0x3e: {  	s20 =	rddreg [dreg:$0xb]  }
0x3f: {  	[tilespmem:s23], [sflag:$0x7] =	stream.linear.gather [hbm4b:s20+s7], $0x100, $0x38;
	[tilespmem:$0x1E9F8] =	vst v63  }
0x40: {  	_ =	swait.ge [sflag:s19], $0x100  }
0x41: {  	[sflag:s19] =	ssyncset.done $0x0  }
0x42: {  	s12 =	simm.s32 $0x0;
	[sflag:s19] =	ssyncadd.s32 $0xFFFFFF00  }
0x43: {  	[tilespmem:s24], [sflag:$0x2] =	stream.indirect.gather [hbm4b:s5+s21], $0x80, s23, s21, $0xb8;
	[tilespmem:$0x1E9F8] =	vst v63  }
.LBB2_7:
0x44: {  	_ =	swait.ge [sflag:s25], $0x3800  }
0x45: {  	s11 =	sand.u32 $0x1, s12;
	[sflag:s25] =	ssyncset.done $0x0  }
0x46: {  	p4 =	seq.s32 s7, $0x0;
	p3 =	sne.s32 s11, s8;
	[sflag:s25] =	ssyncadd.s32 $0xFFFFC800  }
0x47: {  	[spmem:s1] =	stream.indirect.scatter.add.f32 [tilespmem:s22], [sflag:$0x4], $0x80, s26, s21, $0xb8;
	[tilespmem:$0x1E9F8] =	vst v63  }
0x48: {  	s14 =	simm.s32 @!p3 $0x70;
	s15 =	simm.s32 @!p3 $0x80;
	s18 =	simm.s32 @!p3 $0xAB00  }
0x49: {  	[spmem:s2] =	stream.indirect.scatter.add.f32 @!p3 [tilespmem:s18], [sflag:$0x4], $0x1, s15, s14, $0xb8;
	[tilespmem:$0x1E9F8] =	vst v63  }
0x4a: {  	s15 =	simm.s32 @!p4 $0x6  }
0x4b: {  	p5 =	sne.s32 @!p4 s11, $0x0;
	_ =	swait.ge @!p4 [sflag:s15], $0x3800  }
0x4c: {  	p5 =	por p5, p4;
	[sflag:s15] =	ssyncset.done @!p4 $0x0  }
0x4d: {  	s20 =	simm.s32 @!p5 $0x6;
	[sflag:s15] =	ssyncadd.s32 @!p4 $0xFFFFC800  }
0x4e: {  	_ =	swait.ge @!p5 [sflag:s20], $0x70  }
0x4f: {  	s15 =	sadd.s32 s7, s17;
	[sflag:s20] =	ssyncset.done @!p5 $0x0  }
0x50: {  	s16 =	sadd.s32 $0x40, s15;
	[sflag:s20] =	ssyncadd.s32 @!p5 $0xFFFFFF90  }
0x51: {  	[tilespmem:s28], [sflag:$0x7] =	stream.linear.gather [hbm4b:s16+s3], $0x100, $0x38;
	[tilespmem:$0x1E9F8] =	vst v63  }
0x52: {  	_ =	swait.ge [sflag:s19], $0x100  }
0x53: {  	[sflag:s19] =	ssyncset.done $0x0  }
0x54: {  	[sflag:s19] =	ssyncadd.s32 $0xFFFFFF00  }
0x55: {  	[tilespmem:s29], [sflag:$0x3] =	stream.indirect.gather [hbm4b:s5+s21], $0x80, s28, s21, $0xb8;
	[tilespmem:$0x1E9F8] =	vst v63  }
0x56: {  	_ =	swait.ge [sflag:s30], $0x3800  }
0x57: {  	[sflag:s30] =	ssyncset.done $0x0  }
0x58: {  	p4 =	sne.s32 s11, $0x0;
	[sflag:s30] =	ssyncadd.s32 $0xFFFFC800  }
0x59: {  	[spmem:s1] =	stream.indirect.scatter.add.f32 [tilespmem:s24], [sflag:$0x5], $0x80, s31, s21, $0xb8;
	[tilespmem:$0x1E9F8] =	vst v63  }
0x5a: {  	s11 =	simm.s32 @!p4 $0x70;
	s20 =	simm.s32 @!p4 $0x180;
	s16 =	simm.s32 @!p4 $0xAB00  }
0x5b: {  	[spmem:s2] =	stream.indirect.scatter.add.f32 @!p4 [tilespmem:s16], [sflag:$0x5], $0x1, s20, s11, $0xb8;
	[tilespmem:$0x1E9F8] =	vst v63  }
0x5c: {  	_ =	swait.ge [sflag:s0], $0x3800  }
0x5d: {  	[sflag:s0] =	ssyncset.done $0x0  }
0x5e: {  	s11 =	simm.s32 @!p3 $0x4;
	[sflag:s0] =	ssyncadd.s32 $0xFFFFC800  }
0x5f: {  	p5 =	seq.s32 s7, $0xAE0;
	_ =	swait.ge @!p3 [sflag:s11], $0x70  }
0x60: {  	s16 =	sadd.s32 @!p5 s7, s17;
	[sflag:s11] =	ssyncset.done @!p3 $0x0  }
0x61: {  	[sflag:s11] =	ssyncadd.s32 @!p3 $0xFFFFFF90;
	s11 =	sadd.s32 @!p5 $0x60, s16;
	s16 =	simm.s32 @!p5 $0x0  }
0x62: {  	[tilespmem:s16], [sflag:$0x7] =	stream.linear.gather @!p5 [hbm4b:s11+s16], $0x100, $0x38;
	[tilespmem:$0x1E9F8] =	vst v63  }
0x63: {  	s11 =	simm.s32 @!p5 $0x7  }
0x64: {  	_ =	swait.ge @!p5 [sflag:s11], $0x100  }
0x65: {  	[sflag:s11] =	ssyncset.done @!p5 $0x0  }
0x66: {  	s20 =	simm.s32 @!p5 $0x300;
	[sflag:s11] =	ssyncadd.s32 @!p5 $0xFFFFFF00;
	s11 =	simm.s32 @!p5 $0x70  }
0x67: {  	[tilespmem:s20], [sflag:$0x1] =	stream.indirect.gather @!p5 [hbm4b:s5+s11], $0x80, s16, s11, $0xb8;
	[tilespmem:$0x1E9F8] =	vst v63  }
0x68: {  	_ =	swait.ge [sflag:s9], $0x3800  }
0x69: {  	[sflag:s9] =	ssyncset.done $0x0  }
0x6a: {  	[sflag:s9] =	ssyncadd.s32 $0xFFFFC800  }
0x6b: {  	[spmem:s1] =	stream.indirect.scatter.add.f32 [tilespmem:s29], [sflag:$0x6], $0x80, s10, s21, $0xb8;
	[tilespmem:$0x1E9F8] =	vst v63  }
0x6c: {  	s11 =	simm.s32 @!p3 $0x280  }
0x6d: {  	[spmem:s2] =	stream.indirect.scatter.add.f32 @!p3 [tilespmem:s18], [sflag:$0x6], $0x1, s11, s14, $0xb8;
	[tilespmem:$0x1E9F8] =	vst v63  }
0x6e: {  	_ =	swait.ge [sflag:s13], $0x3800  }
.Ltmp3:
0x6f: {  	[sflag:s13] =	ssyncset.done $0x0;
	(pc) =	sbr.rel @p5 .LBB2_9-.Ltmp3, $4  }
0x70: {  	s11 =	simm.s32 @!p4 $0x5;
	[sflag:s13] =	ssyncadd.s32 $0xFFFFC800  }
0x71: {  	_ =	swait.ge @!p4 [sflag:s11], $0x70  }
0x72: {  	[sflag:s11] =	ssyncset.done @!p4 $0x0  }
0x73: {  	[sflag:s11] =	ssyncadd.s32 @!p4 $0xFFFFFF90  }
0x74: {  	s11 =	sadd.s32 $0x80, s15  }
0x75: {  	[tilespmem:s23], [sflag:$0x7] =	stream.linear.gather [hbm4b:s11+s3], $0x100, $0x38;
	[tilespmem:$0x1E9F8] =	vst v63  }
.Ltmp4:
0x76: {  	_ = 	snop;
	(pc) =	sbr.rel .LBB2_7-.Ltmp4, $4  }
0x77: {  	_ =	swait.ge [sflag:s19], $0x100  }
0x78: {  	[sflag:s19] =	ssyncset.done $0x0  }
0x79: {  	s12 =	sadd.s32 $0x1, s12;
	s7 =	sadd.s32 $0x60, s7;
	[sflag:s19] =	ssyncadd.s32 $0xFFFFFF00  }
0x7a: {  	[tilespmem:s24], [sflag:$0x2] =	stream.indirect.gather [hbm4b:s5+s21], $0x80, s23, s21, $0xb8;
	[tilespmem:$0x1E9F8] =	vst v63  }
.LBB2_2:
0x7b: {  	s7 =	rddreg [dreg:$0x7]  }
0x7c: {  	s11 =	rddreg [dreg:$0x11]  }
0x7d: {  	[spmem:s11], [sflag:s15] =	dma.local @!p1 [hbm:s7], $0x4F0  }
0x7e: {  	s7 =	simm.s32 @!p1 $0x7  }
0x7f: {  	_ =	swait.ge @!p1 [sflag:s7], $0x4F0  }
0x80: {  	[sflag:s7] =	ssyncset.done @!p1 $0x0  }
0x81: {  	[sflag:s7] =	ssyncadd.s32 @!p1 $0xFFFFFB10  }
0x82: {  	[bflag:$0x0] =	sbarrier.arrive $0xFFFF  }
0x83: {  	s7 =	simm.s32 $0x0;
	s18 =	rddreg [dreg:$0xa]  }
0x84: {  	[tilespmem:s7], [sflag:$0x7] =	stream.linear.gather [hbm4b:s18+s7], $0x100, $0x38;
	[tilespmem:$0x1E9F8] =	vst v63  }
0x85: {  	_ =	swait.ge [sflag:s19], $0x100  }
0x86: {  	[sflag:s19] =	ssyncset.done $0x0  }
0x87: {  	[sflag:s19] =	ssyncadd.s32 $0xFFFFFF00  }
0x88: {  	[tilespmem:s22], [sflag:$0x1] =	stream.indirect.gather [hbm4b:s4+s21], $0x80, s7, s21, $0xb8;
	[tilespmem:$0x1E9F8] =	vst v63  }
0x89: {  	s20 =	rddreg [dreg:$0xb]  }
0x8a: {  	[tilespmem:s23], [sflag:$0x7] =	stream.linear.gather [hbm4b:s20+s7], $0x100, $0x38;
	[tilespmem:$0x1E9F8] =	vst v63  }
0x8b: {  	_ =	swait.ge [sflag:s19], $0x100  }
0x8c: {  	[sflag:s19] =	ssyncset.done $0x0  }
0x8d: {  	s12 =	simm.s32 $0x0;
	[sflag:s19] =	ssyncadd.s32 $0xFFFFFF00  }
0x8e: {  	[tilespmem:s24], [sflag:$0x2] =	stream.indirect.gather [hbm4b:s4+s21], $0x80, s23, s21, $0xb8;
	[tilespmem:$0x1E9F8] =	vst v63  }
.LBB2_3:
0x8f: {  	_ =	swait.ge [sflag:s25], $0x3800;
	s11 =	sand.u32 $0x1, s12  }
0x90: {  	[sflag:s25] =	ssyncset.done $0x0;
	p3 =	seq.s32 s11, $0x1  }
0x91: {  	[sflag:s25] =	ssyncadd.s32 $0xFFFFC800;
	s15 =	simm.s32 @p3 $0x6  }
0x92: {  	[spmem:s1] =	stream.indirect.scatter.add.f32 [tilespmem:s22], [sflag:$0x4], $0x80, s26, s21, $0xb8;
	[tilespmem:$0x1E9F8] =	vst v63  }
0x93: {  	_ =	swait.ge @p3 [sflag:s15], $0x3800  }
0x94: {  	[sflag:s15] =	ssyncset.done @p3 $0x0  }
0x95: {  	[sflag:s15] =	ssyncadd.s32 @p3 $0xFFFFC800  }
0x96: {  	_ =	swait.ge @p3 [sflag:s15], $0x70  }
0x97: {  	s20 =	simm.s32 @!p3 $0x80;
	s18 =	simm.s32 @!p3 $0xAB00;
	[sflag:s15] =	ssyncset.done @p3 $0x0  }
0x98: {  	p4 =	seq.s32 @!p3 s7, $0x0;
	[sflag:s15] =	ssyncadd.s32 @p3 $0xFFFFFF90;
	s15 =	simm.s32 @!p3 $0x70  }
0x99: {  	[spmem:s2] =	stream.indirect.scatter.add.f32 @!p3 [tilespmem:s18], [sflag:$0x4], $0x1, s20, s15, $0xb8;
	[tilespmem:$0x1E9F8] =	vst v63  }
0x9a: {  	p3 =	por p4, p3  }
0x9b: {  	s18 =	simm.s32 @!p3 $0x6  }
0x9c: {  	_ =	swait.ge @!p3 [sflag:s18], $0x3800  }
0x9d: {  	s15 =	sadd.s32 s7, s17;
	[sflag:s18] =	ssyncset.done @!p3 $0x0  }
0x9e: {  	s20 =	sadd.s32 $0x40, s15;
	[sflag:s18] =	ssyncadd.s32 @!p3 $0xFFFFC800  }
0x9f: {  	[tilespmem:s28], [sflag:$0x7] =	stream.linear.gather [hbm4b:s20+s3], $0x100, $0x38;
	[tilespmem:$0x1E9F8] =	vst v63  }
0xa0: {  	_ =	swait.ge [sflag:s19], $0x100  }
0xa1: {  	[sflag:s19] =	ssyncset.done $0x0  }
0xa2: {  	[sflag:s19] =	ssyncadd.s32 $0xFFFFFF00  }
0xa3: {  	[tilespmem:s29], [sflag:$0x3] =	stream.indirect.gather [hbm4b:s4+s21], $0x80, s28, s21, $0xb8;
	[tilespmem:$0x1E9F8] =	vst v63  }
0xa4: {  	_ =	swait.ge [sflag:s30], $0x3800  }
0xa5: {  	p4 =	seq.s32 s11, $0x0;
	[sflag:s30] =	ssyncset.done $0x0  }
0xa6: {  	s18 =	simm.s32 @p4 $0x4;
	[sflag:s30] =	ssyncadd.s32 $0xFFFFC800  }
0xa7: {  	[spmem:s1] =	stream.indirect.scatter.add.f32 [tilespmem:s24], [sflag:$0x5], $0x80, s31, s21, $0xb8;
	[tilespmem:$0x1E9F8] =	vst v63  }
0xa8: {  	_ =	swait.ge @p4 [sflag:s18], $0x3800  }
0xa9: {  	[sflag:s18] =	ssyncset.done @p4 $0x0  }
0xaa: {  	[sflag:s18] =	ssyncadd.s32 @p4 $0xFFFFC800  }
0xab: {  	_ =	swait.ge @p4 [sflag:s18], $0x70  }
0xac: {  	s14 =	simm.s32 @!p4 $0xAB00;
	[sflag:s18] =	ssyncset.done @p4 $0x0  }
0xad: {  	s20 =	simm.s32 @!p4 $0x180;
	[sflag:s18] =	ssyncadd.s32 @p4 $0xFFFFFF90;
	s18 =	simm.s32 @!p4 $0x70  }
0xae: {  	[spmem:s2] =	stream.indirect.scatter.add.f32 @!p4 [tilespmem:s14], [sflag:$0x5], $0x1, s20, s18, $0xb8;
	[tilespmem:$0x1E9F8] =	vst v63  }
0xaf: {  	s14 =	simm.s32 @!p4 $0x4  }
0xb0: {  	p3 =	seq.s32 s7, $0xAE0;
	_ =	swait.ge @!p4 [sflag:s14], $0x3800  }
0xb1: {  	s18 =	sadd.s32 @!p3 s7, s17;
	[sflag:s14] =	ssyncset.done @!p4 $0x0  }
0xb2: {  	[sflag:s14] =	ssyncadd.s32 @!p4 $0xFFFFC800;
	s14 =	sadd.s32 @!p3 $0x60, s18;
	s18 =	simm.s32 @!p3 $0x0  }
0xb3: {  	[tilespmem:s18], [sflag:$0x7] =	stream.linear.gather @!p3 [hbm4b:s14+s18], $0x100, $0x38;
	[tilespmem:$0x1E9F8] =	vst v63  }
0xb4: {  	s14 =	simm.s32 @!p3 $0x7  }
0xb5: {  	_ =	swait.ge @!p3 [sflag:s14], $0x100  }
0xb6: {  	[sflag:s14] =	ssyncset.done @!p3 $0x0  }
0xb7: {  	s20 =	simm.s32 @!p3 $0x300;
	[sflag:s14] =	ssyncadd.s32 @!p3 $0xFFFFFF00;
	s14 =	simm.s32 @!p3 $0x70  }
0xb8: {  	[tilespmem:s20], [sflag:$0x1] =	stream.indirect.gather @!p3 [hbm4b:s4+s14], $0x80, s18, s14, $0xb8;
	[tilespmem:$0x1E9F8] =	vst v63  }
0xb9: {  	_ =	swait.ge [sflag:s9], $0x3800  }
0xba: {  	p4 =	sne.s32 s11, $0x0;
	[sflag:s9] =	ssyncset.done $0x0  }
0xbb: {  	s11 =	simm.s32 @p4 $0x5;
	[sflag:s9] =	ssyncadd.s32 $0xFFFFC800  }
0xbc: {  	[spmem:s1] =	stream.indirect.scatter.add.f32 [tilespmem:s29], [sflag:$0x6], $0x80, s10, s21, $0xb8;
	[tilespmem:$0x1E9F8] =	vst v63  }
0xbd: {  	_ =	swait.ge @p4 [sflag:s11], $0x3800  }
0xbe: {  	[sflag:s11] =	ssyncset.done @p4 $0x0  }
0xbf: {  	[sflag:s11] =	ssyncadd.s32 @p4 $0xFFFFC800  }
0xc0: {  	_ =	swait.ge @p4 [sflag:s11], $0x70  }
0xc1: {  	s14 =	simm.s32 @!p4 $0x280;
	[sflag:s11] =	ssyncset.done @p4 $0x0  }
0xc2: {  	s18 =	simm.s32 @!p4 $0xAB00;
	[sflag:s11] =	ssyncadd.s32 @p4 $0xFFFFFF90;
	s11 =	simm.s32 @!p4 $0x70  }
0xc3: {  	[spmem:s2] =	stream.indirect.scatter.add.f32 @!p4 [tilespmem:s18], [sflag:$0x6], $0x1, s14, s11, $0xb8;
	[tilespmem:$0x1E9F8] =	vst v63  }
.Ltmp5:
0xc4: {  	_ = 	snop;
	(pc) =	sbr.rel @p3 .LBB2_5-.Ltmp5, $4  }
0xc5: {  	s11 =	simm.s32 @!p4 $0x5  }
0xc6: {  	_ =	swait.ge @!p4 [sflag:s11], $0x3800  }
0xc7: {  	[sflag:s11] =	ssyncset.done @!p4 $0x0  }
0xc8: {  	[sflag:s11] =	ssyncadd.s32 @!p4 $0xFFFFC800  }
0xc9: {  	s11 =	sadd.s32 $0x80, s15  }
0xca: {  	[tilespmem:s23], [sflag:$0x7] =	stream.linear.gather [hbm4b:s11+s3], $0x100, $0x38;
	[tilespmem:$0x1E9F8] =	vst v63  }
.Ltmp6:
0xcb: {  	_ = 	snop;
	(pc) =	sbr.rel .LBB2_3-.Ltmp6, $4  }
0xcc: {  	_ =	swait.ge [sflag:s19], $0x100  }
0xcd: {  	[sflag:s19] =	ssyncset.done $0x0  }
0xce: {  	s12 =	sadd.s32 $0x1, s12;
	s7 =	sadd.s32 $0x60, s7;
	[sflag:s19] =	ssyncadd.s32 $0xFFFFFF00  }
0xcf: {  	[tilespmem:s24], [sflag:$0x2] =	stream.indirect.gather [hbm4b:s4+s21], $0x80, s23, s21, $0xb8;
	[tilespmem:$0x1E9F8] =	vst v63  }
.LBB2_9:
0xd0: {  	s7 =	simm.s32 $0x6  }
0xd1: {  	_ =	swait.ge [sflag:s7], $0x3800  }
0xd2: {  	[sflag:s7] =	ssyncset.done $0x0  }
0xd3: {  	[sflag:s7] =	ssyncadd.s32 $0xFFFFC800  }
0xd4: {  	_ =	swait.ge [sflag:s7], $0x70  }
0xd5: {  	[sflag:s7] =	ssyncset.done $0x0  }
0xd6: {  	[sflag:s7] =	ssyncadd.s32 $0xFFFFFF90  }
0xd7: {  	[bflag:$0x0] =	sbarrier.arrive $0xFFFF  }
0xd8: {  	s20 =	rddreg [dreg:$0xd]  }
0xd9: {  	s15 =	rddreg [dreg:$0xf]  }
0xda: {  	s12 =	rddreg [dreg:$0x10]  }
0xdb: {  	[hbm:s20], [sflag:s15] =	dma.local [spmem:s12], $0x2780  }
.Ltmp7:
0xdc: {  	_ = 	snop;
	(pc) =	sbr.rel @p1 .LBB2_11-.Ltmp7, $4  }
.Ltmp8:
0xdd: {  	_ = 	snop;
	(pc) =	sbr.rel @!p1 .LBB2_10-.Ltmp8, $4  }
0xde: {  	_ =	swait.ge [sflag:s19], $0x2780  }
0xdf: {  	[sflag:s19] =	ssyncset.done $0x0;
	s7 =	rddreg [dreg:$0x9]  }
0xe0: {  	s16 =	rddreg [dreg:$0x6];
	[sflag:s19] =	ssyncadd.s32 $0xFFFFD880  }
0xe1: {  	_ = 	snop  }
.LBB2_5:
0xe2: {  	s7 =	simm.s32 $0x6  }
0xe3: {  	_ =	swait.ge [sflag:s7], $0x3800  }
0xe4: {  	[sflag:s7] =	ssyncset.done $0x0  }
0xe5: {  	[sflag:s7] =	ssyncadd.s32 $0xFFFFC800  }
0xe6: {  	[bflag:$0x0] =	sbarrier.arrive $0xFFFF  }
0xe7: {  	s20 =	rddreg [dreg:$0xc]  }
0xe8: {  	s15 =	rddreg [dreg:$0xf]  }
0xe9: {  	s12 =	rddreg [dreg:$0x10]  }
0xea: {  	[hbm:s20], [sflag:s15] =	dma.local [spmem:s12], $0x2780  }
.Ltmp9:
0xeb: {  	_ = 	snop;
	(pc) =	sbr.rel @!p2 .LBB2_11-.Ltmp9, $4  }
.Ltmp10:
0xec: {  	_ = 	snop;
	(pc) =	sbr.rel @p2 .LBB2_10-.Ltmp10, $4  }
0xed: {  	_ =	swait.ge [sflag:s19], $0x2780  }
0xee: {  	[sflag:s19] =	ssyncset.done $0x0  }
0xef: {  	s7 =	rddreg [dreg:$0x8];
	[sflag:s19] =	ssyncadd.s32 $0xFFFFD880  }
0xf0: {  	_ = 	snop  }
.LBB2_12:
0xf1: {  	_ =	sfence.sel $0x180000  }
0xf2: {  	[bflag:$0x0] =	sbarrier.arrive $0xFFFF  }
0xf3: {  	_ =	strace $0x90000047  }
0xf4: {  	[bflag:$0x2] =	sbarrier.arrive $0xFFFF  }
0xf5: {  	s0 =	rddreg [dreg:$0x5]  }
0xf6: {  	s0 =	sadd.s32 @!p1 $0x100000, s0  }
0xf7: {  	[sflag:s0] =	ssyncadd.tile.s32 @!p1 $0x1;
	_ =	shalt  }
.Lfunc_end2:
_tile_overlayer_lowered:
.L_overlay_start_2:
0xf8: {  	(tag) =	ssettag $0x2  }
0xf9: {  	s0 =	rddreg [dreg:$0x0];
	s2 =	stileid.u32  }
0xfa: {  	s1 =	rddreg [dreg:$0x1];
	p0 =	sne.s32 s2, $0x0  }
0xfb: {  	s3 =	rddreg [dreg:$0x2];
	[bflag:$0x3] =	sbarrier.arrive $0xFFFF;
	s2 =	simm.s32 @!p0 $0x1C07  }
0xfc: {  	[timem:s3], [sflag:s2] =	dma.local @!p0 [hbm:s0], s1  }
0xfd: {  	s0 =	simm.s32 @!p0 $0x7  }
0xfe: {  	_ =	swait.ge @!p0 [sflag:s0], s1  }
0xff: {  	s1 =	ssub.s32 @!p0 $0x0, s1;
	[sflag:s0] =	ssyncset.done @!p0 $0x0  }
0x100: {  	[sflag:s0] =	ssyncadd.s32 @!p0 s1  }
0x101: {  	[bflag:$0x3] =	sbarrier.arrive $0xFFFF  }
0x102: {  	_ =	shalt  }

// kernel: kernel.9.cloned.1.call-start
scs
__scs_entry_jumppad:
0x0: {  	(pc) =	sbr.rel $0x88, $3  }
0x1: {  	(tag) =	ssettag $0x0;
	lr =	simm.s32 $0x1  }
0x2: {  	[smem:$0x3F95] =	sst lr;
	_ =	strace $0xD0000000  }
0x3: {  	_ = 	snop  }
0x4: {  	_ = 	snop  }
0x5: {  	_ = 	snop  }
0x6: {  	_ = 	snop  }
0x7: {  	_ = 	snop  }
__scs_overlays_trampoline_lowered:
0x8: {  	[smem:$0x3FA4] =	sst s0  }
0x9: {  	[smem:$0x3FA5] =	sst s1  }
0xa: {  	[smem:$0x3FA6] =	sst s2  }
0xb: {  	[smem:$0x3FA7] =	sst s3  }
0xc: {  	[smem:$0x3FA8] =	sst s4  }
0xd: {  	[smem:$0x3FA9] =	sst s5  }
0xe: {  	[smem:$0x3FAA] =	sst s6  }
0xf: {  	[smem:$0x3FAB] =	sst s7  }
0x10: {  	[smem:$0x3FAC] =	sst s8  }
0x11: {  	[smem:$0x3FAD] =	sst s9;
	s0 =	simm.s32 @!p0 $0x0  }
0x12: {  	s1 =	sld [smem:$0x3F93];
	s0 =	simm.s32 @p0 $0x1  }
0x13: {  	[smem:$0x3FAE] =	sst s0;
	s0 =	simm.s32 @!p1 $0x0  }
0x14: {  	s2 =	sld [smem:$0x3F92];
	s0 =	simm.s32 @p1 $0x1  }
0x15: {  	[smem:$0x3FAF] =	sst s0;
	s0 =	simm.s32 @!p2 $0x0  }
0x16: {  	s3 =	sld [smem:$0x3FDB];
	s0 =	simm.s32 @p2 $0x1  }
0x17: {  	s4 =	simm.s32 $0x1BF5;
	[smem:$0x3FB1] =	sst s0  }
0x18: {  	s0 =	sld [smem:$0x3F94];
	_ =	swait.ge [sflag:s4], $0x0  }
0x19: {  	s7 =	sld [smem:$0x3F95]  }
0x1a: {  	s8 =	sadd.s32 $0xFFFFE003, lr  }
0x1b: {  	s9 =	sadd.s32 $0xFFFFFEF7, lr;
	s5 =	simm.s32 $0xFFFFFFFF;
	p2 =	slt.u32 s8, $0xFFFFF086  }
0x1c: {  	p1 =	slt.u32 s9, $0xF7A;
	s5 =	simm.s32 @!p2 $0x0  }
0x1d: {  	s5 =	simm.s32 @p1 $0x1;
	p0 =	seq.s32 s7, s2  }
0x1e: {  	s7 =	smul.u32 @!p0 $0xF7A, s2;
	p2 =	seq.s32 @!p0 s5, $0x0  }
0x1f: {  	s9 =	smul.u32 $0xF7A, s1;
	s8 =	simm.s32 @!p0 $0x1BF5;
	p2 =	por !p2, p0  }
0x20: {  	[sflag:s8] =	ssyncset.s32 @!p0 $0xFFFFF086;
	s6 =	sadd.s32 @!p0 s3, s7;
	s7 =	simm.s32 @!p0 $0x108  }
0x21: {  	s3 =	sadd.s32 s3, s9;
	s6 =	sadd.s32 @!p0 $0x88, s6;
	s7 =	simm.s32 @p2 $0x1082  }
0x22: {  	[simem:s7], [sflag:s8] =	dma.local @!p0 [hbm:s6], $0xF7A  }
0x23: {  	s9 =	sor.u32 $0xD0000000, s2;
	s6 =	simm.s32 $0x108;
	_ =	swait.ge @!p0 [sflag:s8], $0x0  }
0x24: {  	s3 =	sadd.s32 $0x88, s3;
	s6 =	simm.s32 @!p1 $0x1082;
	[sflag:s4] =	ssyncset.s32 $0xFFFFF086  }
0x25: {  	[simem:s6], [sflag:s4] =	dma.local [hbm:s3], $0xF7A  }
0x26: {  	[smem:$0x3F95] =	sst s1;
	(tag) =	ssettag s2;
	_ =	strace s9  }
0x27: {  	s1 =	sld [smem:$0x3FA5]  }
0x28: {  	s2 =	sld [smem:$0x3FA6]  }
0x29: {  	s4 =	sld [smem:$0x3FA8]  }
0x2a: {  	p0 =	seq.s32 s5, $0x0;
	s5 =	sld [smem:$0x3FA9]  }
0x2b: {  	s6 =	sld [smem:$0x3FAA]  }
0x2c: {  	s7 =	sld [smem:$0x3FAB]  }
0x2d: {  	s3 =	simm.s32 $0x108;
	s8 =	sld [smem:$0x3FAC]  }
0x2e: {  	s3 =	simm.s32 @!p0 $0x1082;
	s9 =	sld [smem:$0x3FAD]  }
0x2f: {  	lr =	sadd.s32 s0, s3;
	s0 =	sld [smem:$0x3FA4]  }
0x30: {  	s3 =	sld [smem:$0x3FA7]  }
0x31: {  	[smem:$0x3FB0] =	sst s10  }
0x32: {  	s10 =	sld [smem:$0x3FAE];
	_ =	sdelay $0x3  }
0x33: {  	p0 =	seq.s32 s10, $0x1;
	s10 =	sld [smem:$0x3FB0];
	_ =	sdelay $0x3  }
0x34: {  	[smem:$0x3FB0] =	sst s10  }
0x35: {  	s10 =	sld [smem:$0x3FAF];
	_ =	sdelay $0x3  }
0x36: {  	p1 =	seq.s32 s10, $0x1;
	s10 =	sld [smem:$0x3FB0];
	_ =	sdelay $0x3  }
0x37: {  	[smem:$0x3FB0] =	sst s10  }
0x38: {  	s10 =	sld [smem:$0x3FB1]  }
0x39: {  	_ = 	snop;
	(pc) =	sbr.ind lr, $3  }
0x3a: {  	_ = 	snop  }
0x3b: {  	_ = 	snop  }
0x3c: {  	p2 =	seq.s32 s10, $0x1;
	s10 =	sld [smem:$0x3FB0]  }
0x3d: {  	_ =	shalt  }
0x3e: {  	_ =	shalt  }
0x3f: {  	_ =	shalt  }
0x40: {  	_ =	shalt  }
0x41: {  	_ =	shalt  }
0x42: {  	_ =	shalt  }
0x43: {  	_ =	shalt  }
0x44: {  	_ =	shalt  }
0x45: {  	_ =	shalt  }
0x46: {  	_ =	shalt  }
0x47: {  	_ =	shalt  }
0x48: {  	_ =	shalt  }
0x49: {  	_ =	shalt  }
0x4a: {  	_ =	shalt  }
0x4b: {  	_ =	shalt  }
0x4c: {  	_ =	shalt  }
0x4d: {  	_ =	shalt  }
0x4e: {  	_ =	shalt  }
0x4f: {  	_ =	shalt  }
0x50: {  	_ =	shalt  }
0x51: {  	_ =	shalt  }
0x52: {  	_ =	shalt  }
0x53: {  	_ =	shalt  }
0x54: {  	_ =	shalt  }
0x55: {  	_ =	shalt  }
0x56: {  	_ =	shalt  }
0x57: {  	_ =	shalt  }
0x58: {  	_ =	shalt  }
0x59: {  	_ =	shalt  }
0x5a: {  	_ =	shalt  }
0x5b: {  	_ =	shalt  }
0x5c: {  	_ =	shalt  }
0x5d: {  	_ =	shalt  }
0x5e: {  	_ =	shalt  }
0x5f: {  	_ =	shalt  }
0x60: {  	_ =	shalt  }
0x61: {  	_ =	shalt  }
0x62: {  	_ =	shalt  }
0x63: {  	_ =	shalt  }
0x64: {  	_ =	shalt  }
0x65: {  	_ =	shalt  }
0x66: {  	_ =	shalt  }
0x67: {  	_ =	shalt  }
0x68: {  	_ =	shalt  }
0x69: {  	_ =	shalt  }
0x6a: {  	_ =	shalt  }
0x6b: {  	_ =	shalt  }
0x6c: {  	_ =	shalt  }
0x6d: {  	_ =	shalt  }
0x6e: {  	_ =	shalt  }
0x6f: {  	_ =	shalt  }
0x70: {  	_ =	shalt  }
0x71: {  	_ =	shalt  }
0x72: {  	_ =	shalt  }
0x73: {  	_ =	shalt  }
0x74: {  	_ =	shalt  }
0x75: {  	_ =	shalt  }
0x76: {  	_ =	shalt  }
0x77: {  	_ =	shalt  }
0x78: {  	_ =	shalt  }
0x79: {  	_ =	shalt  }
0x7a: {  	_ =	shalt  }
0x7b: {  	_ =	shalt  }
0x7c: {  	_ =	shalt  }
0x7d: {  	_ =	shalt  }
0x7e: {  	_ =	shalt  }
0x7f: {  	_ =	shalt  }
0x80: {  	_ =	shalt  }
0x81: {  	_ =	shalt  }
0x82: {  	_ =	shalt  }
0x83: {  	_ =	shalt  }
0x84: {  	_ =	shalt  }
0x85: {  	_ =	shalt  }
0x86: {  	_ =	shalt  }
0x87: {  	_ =	shalt  }
.Lfunc_end0:
.L_simem_size_0:
called_computation.1_lowered:
.L_overlay_start_0:
0x88: {  	s2 =	sld [smem:$0x3FD9]  }
0x89: {  	s3 =	sld [smem:$0x3FFE];
	_ =	sdelay $0x1  }
0x8a: {  	s1 =	srdreg.scid  }
0x8b: {  	s0 =	sand.u32 $0x1, s1  }
0x8c: {  	s14 =	sshll.u32 s0, $0xA;
	s2 =	sadd.s32 s3, s2  }
0x8d: {  	s2 =	sadd.s32 s2, s14  }
0x8e: {  	[smem:$0x3FBC] =	sst s2  }
0x8f: {  	_ = 	snop  }
0x90: {  	s2 =	sld [smem:$0x3FD0];
	_ =	sdelay $0x2  }
0x91: {  	s15 =	simm.s32 $0xA;
	s4 =	simm.s32 $0x10  }
0x92: {  	[smem:s4], [sflag:s15] =	dma.local [hbm:s2], $0x1  }
0x93: {  	_ =	swait.eq [sflag:s15], $0x1  }
0x94: {  	[sflag:s15] =	ssyncset.done $0x0  }
0x95: {  	s16 =	sld [smem:$0x10];
	[sflag:s15] =	ssyncadd.s32 $0xFFFFFFFF  }
0x96: {  	s17 =	sld [smem:$0x11];
	(tm) =	ssettm $0x1  }
0x97: {  	s18 =	sld [smem:$0x3FFB];
	_ =	sdelay $0x3  }
0x98: {  	_ =	strace s18  }
0x99: {  	s4 =	sld [smem:$0x3FFC];
	_ =	sdelay $0x3  }
0x9a: {  	_ =	strace s4  }
0x9b: {  	s4 =	sld [smem:$0x3FFD];
	_ =	sdelay $0x3  }
0x9c: {  	_ =	strace s4  }
0x9d: {  	_ =	strace $0x8FFFFFFF  }
0x9e: {  	s19 =	sld [smem:$0x3FDB];
	_ =	sdelay $0x1  }
0x9f: {  	s5 =	simm.s32 $_scs_section_size  }
0xa0: {  	s6 =	simm.s32 $_size__tile_overlayer_lowered;
	s7 =	simm.s32 $_tile_overlayer_lowered  }
0xa1: {  	s22 =	simm.s32 $0x1BFF;
	s21 =	sshll.u32 s7, $0x1;
	s4 =	sadd.s32 s5, s19  }
0xa2: {  	s8 =	simm.s32 $0x0;
	s20 =	sshll.u32 s6, $0x1;
	s6 =	sadd.s32 s21, s4  }
0xa3: {  	[timem:s8], [sflag:s22] =	dma.local [hbm:s6], s20  }
0xa4: {  	_ =	swait.ge [sflag:s22], s20  }
0xa5: {  	s5 =	ssub.s32 $0x0, s20;
	[sflag:s22] =	ssyncset.done $0x0  }
0xa6: {  	[sflag:s22] =	ssyncadd.s32 s5;
	_ =	sdelay $0x1  }
0xa7: {  	s23 =	simm.s32 $0x1B8B  }
0xa8: {  	_ =	swait.ge [sflag:s23], $0x1  }
0xa9: {  	[sflag:s23] =	ssyncset.done $0x0  }
0xaa: {  	s25 =	simm.s32 $0x1B8E;
	s24 =	sld [smem:$0x3FFE];
	[sflag:s23] =	ssyncadd.s32 $0xFFFFFFFF  }
0xab: {  	s26 =	simm.s32 $execute0_lowered;
	[smem:$0x3FD2] =	sst s25  }
0xac: {  	s6 =	sshll.u32 s26, $0x1;
	_ =	strace $0x80000049;
	[dreg:$0x1] =	wrdreg $0xFFFFFFFF  }
0xad: {  	s28 =	simm.s32 $_size_execute0_lowered;
	s4 =	sadd.s32 s4, s6;
	[dreg:$0x0] =	wrdreg $0x0  }
0xae: {  	s6 =	sshll.u32 s28, $0x1;
	[dreg:$0x2] =	wrdreg s4  }
0xaf: {  	[dreg:$0x3] =	wrdreg s6  }
0xb0: {  	[dreg:$0x4] =	wrdreg $0xC0  }
0xb1: {  	_ =	task [dreg:s8], $0x5FFFF  }
0xb2: {  	[dreg:$0x1] =	wrdreg $0xFFFFFFFF  }
0xb3: {  	[dreg:$0x0] =	wrdreg $0x60  }
0xb4: {  	[dreg:$0x2] =	wrdreg s24  }
0xb5: {  	[dreg:$0x3] =	wrdreg s17  }
0xb6: {  	[dreg:$0x4] =	wrdreg s16  }
0xb7: {  	[dreg:$0x5] =	wrdreg $0xC3000  }
0xb8: {  	[dreg:$0x6] =	wrdreg $0x9  }
0xb9: {  	_ =	task.clear_ibuf [dreg:s8], $0x7FFFF;
	_ =	strace $0x90000049  }
0xba: {  	s29 =	simm.s32 $0x9;
	_ =	strace $0x8000004B  }
0xbb: {  	_ =	swait.ge [sflag:s29], $0x1  }
0xbc: {  	[sflag:s29] =	ssyncadd.s32 $0xFFFFFFFF  }
0xbd: {  	_ =	strace $0x9000004B  }
0xbe: {  	_ =	sfence  }
0xbf: {  	s30 =	sld [smem:$0x0];
	_ =	sdelay $0x2  }
0xc0: {  	s31 =	sshll.u32 s1, $0xD;
	s1 =	sshrl.u32 s1, $0x2  }
0xc1: {  	s3 =	sand.u32 $0x4000, s31;
	s1 =	sadd.s32 s1, s30  }
0xc2: {  	s0 =	sor.u32 s3, s0;
	s1 =	sshll.u32 s1, $0x11  }
0xc3: {  	s0 =	sor.u32 s1, s0  }
0xc4: {  	s0 =	sadd.s32 $0x8F2B, s0  }
0xc5: {  	[sflag:s0] =	ssyncadd.remote.s32 $0x1  }
0xc6: {  	_ =	sfence.sel $0xFFFF  }
0xc7: {  	[dreg:$0x0] =	wrdreg $0xFFFFFFFF;
	(pc) =	sbr.abs _section_cstart, $3  }
0xc8: {  	[dreg:$0x1] =	wrdreg $0xFFFFFFFF  }
0xc9: {  	_ =	task.clear_ibuf [dreg:s8], $0x2FFFF;
	_ =	strace $0x9FFFFFFF  }
0xca: {  	(tm) =	ssettm $0x7FFFFFFF  }
0xcb: {  	_ =	shalt  }
tec
execute0_lowered:
.L_overlay_start_1:
0x0: {  	(tag) =	ssettag $0x1  }
0x1: {  	s0 =	rddreg [dreg:$0x0]  }
0x2: {  	s5 =	rddreg [dreg:$0x1]  }
0x3: {  	s8 =	rddreg [dreg:$0x2]  }
0x4: {  	s1 =	rddreg [dreg:$0x3];
	s2 =	simm.s32 $0x0  }
0x5: {  	s9 =	srdreg.scid;
	s17 =	stileid.u32;
	s28 =	simm.s32 $0x4300  }
0x6: {  	s30 =	simm.s32 $0x200;
	s31 =	simm.s32 $0x8300;
	[smem:$0x7FF] =	sst s2  }
0x7: {  	s29 =	simm.s32 $0x1;
	s3 =	sadd.s32 $0x12DC00, s0;
	s4 =	sadd.s32 $0x154E00, s0  }
0x8: {  	s6 =	sadd.s32 $0x17C000, s0;
	s7 =	sadd.s32 $0x6A600, s0;
	s10 =	sadd.s32 $0x60600, s0  }
0x9: {  	s9 =	sand.u32 $0x1, s9;
	s12 =	smul.u32 $0x5000, s17;
	s13 =	sadd.s32 $0x1A3200, s0  }
0xa: {  	s11 =	sadd.s32 $0x5D200, s0;
	s14 =	smul.u32 $0x4F000, s17;
	s0 =	sadd.s32 $0x1CAA00, s0  }
0xb: {  	s24 =	smul.u32 $0xA00, s17;
	_ =	strace $0x8000004A;
	[dreg:$0x5] =	wrdreg s11  }
0xc: {  	s26 =	sshll.u32 s17, $0x6;
	s16 =	ssub.s32 $0x2, s9;
	[dreg:$0x6] =	wrdreg s13  }
0xd: {  	[dreg:$0x7] =	wrdreg s0;
	p0 =	sne.s32 s9, $0x0;
	s9 =	simm.s32 $0x4  }
0xe: {  	s18 =	sshrl.u32 s16, $0x1;
	s20 =	sshrl.u32 s12, $0x3;
	s21 =	sshrl.u32 s14, $0x2  }
0xf: {  	s15 =	sor.u32 $0x200, s12;
	s19 =	ssub.s32 s16, s18;
	s11 =	sadd.s32 s10, s20  }
0x10: {  	s18 =	smul.u32 $0x2780, s17;
	s14 =	sadd.s32 s21, s1;
	s16 =	sor.u32 $0x300, s12  }
0x11: {  	s12 =	sor.u32 $0x400, s12;
	s22 =	sshrl.u32 s15, $0x3;
	s20 =	sor.u32 $0x1C07, s26  }
0x12: {  	s21 =	sadd.s32 s24, s10;
	s24 =	simm.s32 $0x80;
	s26 =	simm.s32 $0x100  }
0x13: {  	s15 =	simm.s32 $0x5;
	[dreg:$0x8] =	wrdreg s11;
	s11 =	sadd.s32 $0x20, s11  }
0x14: {  	s0 =	smax.u32 s19, $0x1;
	s23 =	sshrl.u32 s16, $0x3;
	s25 =	sshrl.u32 s12, $0x3  }
0x15: {  	s16 =	simm.s32 $0x6;
	s12 =	simm.s32 $0x0;
	[dreg:$0xa] =	wrdreg s11  }
0x16: {  	s8 =	sadd.s32 s8, s18;
	[dreg:$0x9] =	wrdreg s18;
	s5 =	sadd.s32 s5, s18  }
.Ltmp0:
0x17: {  	[dreg:$0xd] =	wrdreg s0;
	s0 =	sadd.s32 s10, s22;
	(pc) =	sbr.rel .LBB2_1-.Ltmp0, $4  }
0x18: {  	s18 =	sadd.s32 s10, s23;
	s19 =	sadd.s32 s10, s25;
	s22 =	sshrl.u32 s14, $0x3  }
0x19: {  	s23 =	simm.s32 $0x7;
	s25 =	simm.s32 $0x300;
	[dreg:$0xb] =	wrdreg s8  }
0x1a: {  	s10 =	simm.s32 $0x3;
	s14 =	simm.s32 $0x280;
	[dreg:$0xc] =	wrdreg s5  }
0x1b: {  	[dreg:$0xe] =	wrdreg s0;
	s0 =	simm.s32 $0x2;
	s5 =	simm.s32 $0x180  }
.LBB2_14:
0x1c: {  	s8 =	rddreg [dreg:$0x7]  }
.LBB2_15:
0x1d: {  	_ =	swait.ge [sflag:s15], $0x4000  }
0x1e: {  	[sflag:s15] =	ssyncset.done $0x0  }
0x1f: {  	s11 =	rddreg [dreg:$0x9];
	[sflag:s15] =	ssyncadd.s32 $0xFFFFC000  }
0x20: {  	s8 =	sadd.s32 s8, s11;
	[bflag:$0x0] =	sbarrier.arrive $0xFFFF  }
0x21: {  	[hbm:s8], [sflag:s20] =	dma.local [spmem:s22], $0x2780  }
0x22: {  	_ =	swait.ge [sflag:s23], $0x2780  }
0x23: {  	s12 =	sadd.s32 $0x1, s12;
	s17 =	rddreg [dreg:$0xd]  }
0x24: {  	p1 =	sne.s32 s12, s17  }
.Ltmp1:
0x25: {  	_ = 	snop;
	(pc) =	sbr.rel @!p1 .LBB2_16-.Ltmp1, $3  }
0x26: {  	[sflag:s23] =	ssyncset.done $0x0  }
0x27: {  	[sflag:s23] =	ssyncadd.s32 $0xFFFFD880  }
0x28: {  	[bflag:$0x0] =	sbarrier.arrive $0xFFFF;
	_ =	sdelay $0x1  }
.LBB2_1:
0x29: {  	s8 =	rddreg [dreg:$0x5]  }
0x2a: {  	[spmem:s22], [sflag:s20] =	dma.local [hbm:s8], $0x2780  }
0x2b: {  	_ =	swait.ge [sflag:s23], $0x2780  }
0x2c: {  	[sflag:s23] =	ssyncset.done $0x0  }
0x2d: {  	[sflag:s23] =	ssyncadd.s32 $0xFFFFD880  }
0x2e: {  	[bflag:$0x0] =	sbarrier.arrive $0xFFFF  }
.Ltmp2:
0x2f: {  	s17 =	rddreg [dreg:$0x8];
	(pc) =	sbr.rel @p0 .LBB2_5-.Ltmp2, $4  }
0x30: {  	[tilespmem:s2], [sflag:$0x7] =	stream.linear.gather [hbm4b:s17+s2], $0x100, $0x38;
	[tilespmem:$0x1FF00] =	vst v63  }
0x31: {  	_ =	swait.ge [sflag:s23], $0x100  }
0x32: {  	[sflag:s23] =	ssyncset.done $0x0  }
0x33: {  	[sflag:s23] =	ssyncadd.s32 $0xFFFFFF00  }
0x34: {  	[tilespmem:s25], [sflag:$0x1] =	stream.indirect.gather [hbm4b:s3+s24], $0x80, s2, s24, $0xb8;
	[tilespmem:$0x1FF00] =	vst v63  }
0x35: {  	s8 =	rddreg [dreg:$0xa]  }
0x36: {  	[tilespmem:s26], [sflag:$0x7] =	stream.linear.gather [hbm4b:s8+s2], $0x100, $0x38;
	[tilespmem:$0x1FF00] =	vst v63  }
0x37: {  	_ =	swait.ge [sflag:s23], $0x100  }
0x38: {  	[sflag:s23] =	ssyncset.done $0x0  }
0x39: {  	[sflag:s23] =	ssyncadd.s32 $0xFFFFFF00  }
0x3a: {  	[tilespmem:s28], [sflag:$0x2] =	stream.indirect.gather [hbm4b:s3+s24], $0x80, s26, s24, $0xb8;
	[tilespmem:$0x1FF00] =	vst v63  }
0x3b: {  	_ =	swait.ge [sflag:s29], $0x4000  }
0x3c: {  	[sflag:s29] =	ssyncset.done $0x0  }
0x3d: {  	[sflag:s29] =	ssyncadd.s32 $0xFFFFC000  }
0x3e: {  	[spmem:s1] =	stream.indirect.scatter.add.f32 [tilespmem:s25], [sflag:$0x4], $0x80, s24, s24, $0xb8;
	[tilespmem:$0x1FF00] =	vst v63  }
0x3f: {  	s17 =	rddreg [dreg:$0xe]  }
0x40: {  	[tilespmem:s30], [sflag:$0x7] =	stream.linear.gather [hbm4b:s17+s2], $0x100, $0x38;
	[tilespmem:$0x1FF00] =	vst v63  }
0x41: {  	_ =	swait.ge [sflag:s23], $0x100  }
0x42: {  	[sflag:s23] =	ssyncset.done $0x0  }
0x43: {  	[sflag:s23] =	ssyncadd.s32 $0xFFFFFF00  }
0x44: {  	[tilespmem:s31], [sflag:$0x3] =	stream.indirect.gather [hbm4b:s3+s24], $0x80, s30, s24, $0xb8;
	[tilespmem:$0x1FF00] =	vst v63  }
0x45: {  	_ =	swait.ge [sflag:s0], $0x4000  }
0x46: {  	[sflag:s0] =	ssyncset.done $0x0  }
0x47: {  	[sflag:s0] =	ssyncadd.s32 $0xFFFFC000  }
0x48: {  	[spmem:s1] =	stream.indirect.scatter.add.f32 [tilespmem:s28], [sflag:$0x5], $0x80, s5, s24, $0xb8;
	[tilespmem:$0x1FF00] =	vst v63  }
0x49: {  	_ =	swait.ge [sflag:s9], $0x4000  }
0x4a: {  	[sflag:s9] =	ssyncset.done $0x0  }
0x4b: {  	[sflag:s9] =	ssyncadd.s32 $0xFFFFC000  }
0x4c: {  	[tilespmem:s2], [sflag:$0x7] =	stream.linear.gather [hbm4b:s18+s2], $0x100, $0x38;
	[tilespmem:$0x1FF00] =	vst v63  }
0x4d: {  	_ =	swait.ge [sflag:s23], $0x100  }
0x4e: {  	[sflag:s23] =	ssyncset.done $0x0  }
0x4f: {  	[sflag:s23] =	ssyncadd.s32 $0xFFFFFF00  }
0x50: {  	[tilespmem:s25], [sflag:$0x1] =	stream.indirect.gather [hbm4b:s3+s24], $0x80, s2, s24, $0xb8;
	[tilespmem:$0x1FF00] =	vst v63  }
0x51: {  	_ =	swait.ge [sflag:s10], $0x4000  }
0x52: {  	[sflag:s10] =	ssyncset.done $0x0  }
0x53: {  	[sflag:s10] =	ssyncadd.s32 $0xFFFFC000  }
0x54: {  	[spmem:s1] =	stream.indirect.scatter.add.f32 [tilespmem:s31], [sflag:$0x6], $0x80, s14, s24, $0xb8;
	[tilespmem:$0x1FF00] =	vst v63  }
0x55: {  	_ =	swait.ge [sflag:s15], $0x4000  }
0x56: {  	[sflag:s15] =	ssyncset.done $0x0  }
0x57: {  	[sflag:s15] =	ssyncadd.s32 $0xFFFFC000  }
0x58: {  	[tilespmem:s26], [sflag:$0x7] =	stream.linear.gather [hbm4b:s19+s2], $0x100, $0x38;
	[tilespmem:$0x1FF00] =	vst v63  }
0x59: {  	_ =	swait.ge [sflag:s23], $0x100  }
0x5a: {  	[sflag:s23] =	ssyncset.done $0x0  }
0x5b: {  	s8 =	simm.s32 $0xFFFFF6A0;
	[sflag:s23] =	ssyncadd.s32 $0xFFFFFF00  }
0x5c: {  	[tilespmem:s28], [sflag:$0x2] =	stream.indirect.gather [hbm4b:s3+s24], $0x80, s26, s24, $0xb8;
	[tilespmem:$0x1FF00] =	vst v63  }
.LBB2_3:
0x5d: {  	_ =	swait.ge [sflag:s29], $0x4000  }
0x5e: {  	[sflag:s29] =	ssyncset.done $0x0  }
0x5f: {  	[sflag:s29] =	ssyncadd.s32 $0xFFFFC000  }
0x60: {  	[spmem:s1] =	stream.indirect.scatter.add.f32 [tilespmem:s25], [sflag:$0x4], $0x80, s24, s24, $0xb8;
	[tilespmem:$0x1FF00] =	vst v63  }
0x61: {  	p1 =	seq.s32 s8, $0x0;
	_ =	swait.ge [sflag:s16], $0x4000  }
0x62: {  	s13 =	sadd.s32 @!p1 s8, s21;
	s11 =	simm.s32 @!p1 $0x0;
	[sflag:s16] =	ssyncset.done $0x0  }
0x63: {  	s17 =	simm.s32 @!p1 $0x200;
	s13 =	sadd.s32 @!p1 $0xA00, s13;
	[sflag:s16] =	ssyncadd.s32 $0xFFFFC000  }
0x64: {  	[tilespmem:s17], [sflag:$0x7] =	stream.linear.gather @!p1 [hbm4b:s13+s11], $0x100, $0x38;
	[tilespmem:$0x1FF00] =	vst v63  }
0x65: {  	s11 =	simm.s32 @!p1 $0x7  }
0x66: {  	_ =	swait.ge @!p1 [sflag:s11], $0x100  }
0x67: {  	[sflag:s11] =	ssyncset.done @!p1 $0x0  }
0x68: {  	s13 =	simm.s32 @!p1 $0x8300;
	[sflag:s11] =	ssyncadd.s32 @!p1 $0xFFFFFF00;
	s11 =	simm.s32 @!p1 $0x80  }
0x69: {  	[tilespmem:s13], [sflag:$0x3] =	stream.indirect.gather @!p1 [hbm4b:s3+s11], $0x80, s17, s11, $0xb8;
	[tilespmem:$0x1FF00] =	vst v63  }
0x6a: {  	_ =	swait.ge [sflag:s0], $0x4000  }
0x6b: {  	[sflag:s0] =	ssyncset.done $0x0  }
.Ltmp3:
0x6c: {  	[sflag:s0] =	ssyncadd.s32 $0xFFFFC000;
	(pc) =	sbr.rel @p1 .LBB2_8-.Ltmp3, $4  }
0x6d: {  	[spmem:s1] =	stream.indirect.scatter.add.f32 [tilespmem:s28], [sflag:$0x5], $0x80, s5, s24, $0xb8;
	[tilespmem:$0x1FF00] =	vst v63  }
0x6e: {  	_ =	swait.ge [sflag:s9], $0x4000  }
0x6f: {  	[sflag:s9] =	ssyncset.done $0x0  }
0x70: {  	[sflag:s9] =	ssyncadd.s32 $0xFFFFC000  }
0x71: {  	s11 =	sadd.s32 s8, s21  }
0x72: {  	s13 =	sadd.s32 $0xA20, s11  }
0x73: {  	[tilespmem:s2], [sflag:$0x7] =	stream.linear.gather [hbm4b:s13+s2], $0x100, $0x38;
	[tilespmem:$0x1FF00] =	vst v63  }
0x74: {  	_ =	swait.ge [sflag:s23], $0x100  }
0x75: {  	[sflag:s23] =	ssyncset.done $0x0  }
0x76: {  	[sflag:s23] =	ssyncadd.s32 $0xFFFFFF00  }
0x77: {  	[tilespmem:s25], [sflag:$0x1] =	stream.indirect.gather [hbm4b:s3+s24], $0x80, s2, s24, $0xb8;
	[tilespmem:$0x1FF00] =	vst v63  }
0x78: {  	_ =	swait.ge [sflag:s10], $0x4000  }
0x79: {  	[sflag:s10] =	ssyncset.done $0x0  }
0x7a: {  	[sflag:s10] =	ssyncadd.s32 $0xFFFFC000  }
0x7b: {  	[spmem:s1] =	stream.indirect.scatter.add.f32 [tilespmem:s31], [sflag:$0x6], $0x80, s14, s24, $0xb8;
	[tilespmem:$0x1FF00] =	vst v63  }
0x7c: {  	_ =	swait.ge [sflag:s15], $0x4000  }
0x7d: {  	[sflag:s15] =	ssyncset.done $0x0  }
0x7e: {  	s11 =	sadd.s32 $0xA40, s11;
	[sflag:s15] =	ssyncadd.s32 $0xFFFFC000  }
0x7f: {  	[tilespmem:s26], [sflag:$0x7] =	stream.linear.gather [hbm4b:s11+s2], $0x100, $0x38;
	[tilespmem:$0x1FF00] =	vst v63  }
.Ltmp4:
0x80: {  	_ = 	snop;
	(pc) =	sbr.rel .LBB2_3-.Ltmp4, $4  }
0x81: {  	_ =	swait.ge [sflag:s23], $0x100  }
0x82: {  	[sflag:s23] =	ssyncset.done $0x0  }
0x83: {  	s8 =	sadd.s32 $0x60, s8;
	[sflag:s23] =	ssyncadd.s32 $0xFFFFFF00  }
0x84: {  	[tilespmem:s28], [sflag:$0x2] =	stream.indirect.gather [hbm4b:s3+s24], $0x80, s26, s24, $0xb8;
	[tilespmem:$0x1FF00] =	vst v63  }
.LBB2_5:
0x85: {  	[tilespmem:s25], [sflag:$0x1] =	stream.indirect.gather [hbm4b:s4+s24], $0x80, s2, s24, $0xb8;
	[tilespmem:$0x1FF00] =	vst v63  }
0x86: {  	s8 =	rddreg [dreg:$0xa]  }
0x87: {  	[tilespmem:s26], [sflag:$0x7] =	stream.linear.gather [hbm4b:s8+s2], $0x100, $0x38;
	[tilespmem:$0x1FF00] =	vst v63  }
0x88: {  	_ =	swait.ge [sflag:s23], $0x100  }
0x89: {  	[sflag:s23] =	ssyncset.done $0x0  }
0x8a: {  	[sflag:s23] =	ssyncadd.s32 $0xFFFFFF00  }
0x8b: {  	[tilespmem:s28], [sflag:$0x2] =	stream.indirect.gather [hbm4b:s4+s24], $0x80, s26, s24, $0xb8;
	[tilespmem:$0x1FF00] =	vst v63  }
0x8c: {  	_ =	swait.ge [sflag:s29], $0x4000  }
0x8d: {  	[sflag:s29] =	ssyncset.done $0x0  }
0x8e: {  	[sflag:s29] =	ssyncadd.s32 $0xFFFFC000  }
0x8f: {  	[spmem:s1] =	stream.indirect.scatter.add.f32 [tilespmem:s25], [sflag:$0x4], $0x80, s24, s24, $0xb8;
	[tilespmem:$0x1FF00] =	vst v63  }
0x90: {  	s17 =	rddreg [dreg:$0xe]  }
0x91: {  	[tilespmem:s30], [sflag:$0x7] =	stream.linear.gather [hbm4b:s17+s2], $0x100, $0x38;
	[tilespmem:$0x1FF00] =	vst v63  }
0x92: {  	_ =	swait.ge [sflag:s23], $0x100  }
0x93: {  	[sflag:s23] =	ssyncset.done $0x0  }
0x94: {  	[sflag:s23] =	ssyncadd.s32 $0xFFFFFF00  }
0x95: {  	[tilespmem:s31], [sflag:$0x3] =	stream.indirect.gather [hbm4b:s4+s24], $0x80, s30, s24, $0xb8;
	[tilespmem:$0x1FF00] =	vst v63  }
0x96: {  	_ =	swait.ge [sflag:s0], $0x4000  }
0x97: {  	[sflag:s0] =	ssyncset.done $0x0  }
0x98: {  	[sflag:s0] =	ssyncadd.s32 $0xFFFFC000  }
0x99: {  	[spmem:s1] =	stream.indirect.scatter.add.f32 [tilespmem:s28], [sflag:$0x5], $0x80, s5, s24, $0xb8;
	[tilespmem:$0x1FF00] =	vst v63  }
0x9a: {  	_ =	swait.ge [sflag:s9], $0x4000  }
0x9b: {  	[sflag:s9] =	ssyncset.done $0x0  }
0x9c: {  	[sflag:s9] =	ssyncadd.s32 $0xFFFFC000  }
0x9d: {  	[tilespmem:s2], [sflag:$0x7] =	stream.linear.gather [hbm4b:s18+s2], $0x100, $0x38;
	[tilespmem:$0x1FF00] =	vst v63  }
0x9e: {  	_ =	swait.ge [sflag:s23], $0x100  }
0x9f: {  	[sflag:s23] =	ssyncset.done $0x0  }
0xa0: {  	[sflag:s23] =	ssyncadd.s32 $0xFFFFFF00  }
0xa1: {  	[tilespmem:s25], [sflag:$0x1] =	stream.indirect.gather [hbm4b:s4+s24], $0x80, s2, s24, $0xb8;
	[tilespmem:$0x1FF00] =	vst v63  }
0xa2: {  	_ =	swait.ge [sflag:s10], $0x4000  }
0xa3: {  	[sflag:s10] =	ssyncset.done $0x0  }
0xa4: {  	[sflag:s10] =	ssyncadd.s32 $0xFFFFC000  }
0xa5: {  	[spmem:s1] =	stream.indirect.scatter.add.f32 [tilespmem:s31], [sflag:$0x6], $0x80, s14, s24, $0xb8;
	[tilespmem:$0x1FF00] =	vst v63  }
0xa6: {  	_ =	swait.ge [sflag:s15], $0x4000  }
0xa7: {  	[sflag:s15] =	ssyncset.done $0x0  }
0xa8: {  	[sflag:s15] =	ssyncadd.s32 $0xFFFFC000  }
0xa9: {  	[tilespmem:s26], [sflag:$0x7] =	stream.linear.gather [hbm4b:s19+s2], $0x100, $0x38;
	[tilespmem:$0x1FF00] =	vst v63  }
0xaa: {  	_ =	swait.ge [sflag:s23], $0x100  }
0xab: {  	[sflag:s23] =	ssyncset.done $0x0  }
0xac: {  	s8 =	simm.s32 $0xFFFFF6A0;
	[sflag:s23] =	ssyncadd.s32 $0xFFFFFF00  }
0xad: {  	[tilespmem:s28], [sflag:$0x2] =	stream.indirect.gather [hbm4b:s4+s24], $0x80, s26, s24, $0xb8;
	[tilespmem:$0x1FF00] =	vst v63  }
.LBB2_6:
0xae: {  	_ =	swait.ge [sflag:s29], $0x4000  }
0xaf: {  	[sflag:s29] =	ssyncset.done $0x0  }
0xb0: {  	[sflag:s29] =	ssyncadd.s32 $0xFFFFC000  }
0xb1: {  	[spmem:s1] =	stream.indirect.scatter.add.f32 [tilespmem:s25], [sflag:$0x4], $0x80, s24, s24, $0xb8;
	[tilespmem:$0x1FF00] =	vst v63  }
0xb2: {  	p1 =	seq.s32 s8, $0x0;
	_ =	swait.ge [sflag:s16], $0x4000  }
0xb3: {  	s11 =	sadd.s32 @!p1 s8, s21;
	s13 =	simm.s32 @!p1 $0x0;
	[sflag:s16] =	ssyncset.done $0x0  }
0xb4: {  	s17 =	simm.s32 @!p1 $0x200;
	s11 =	sadd.s32 @!p1 $0xA00, s11;
	[sflag:s16] =	ssyncadd.s32 $0xFFFFC000  }
0xb5: {  	[tilespmem:s17], [sflag:$0x7] =	stream.linear.gather @!p1 [hbm4b:s11+s13], $0x100, $0x38;
	[tilespmem:$0x1FF00] =	vst v63  }
0xb6: {  	s11 =	simm.s32 @!p1 $0x7  }
0xb7: {  	_ =	swait.ge @!p1 [sflag:s11], $0x100  }
0xb8: {  	[sflag:s11] =	ssyncset.done @!p1 $0x0  }
0xb9: {  	s13 =	simm.s32 @!p1 $0x8300;
	[sflag:s11] =	ssyncadd.s32 @!p1 $0xFFFFFF00;
	s11 =	simm.s32 @!p1 $0x80  }
0xba: {  	[tilespmem:s13], [sflag:$0x3] =	stream.indirect.gather @!p1 [hbm4b:s4+s11], $0x80, s17, s11, $0xb8;
	[tilespmem:$0x1FF00] =	vst v63  }
0xbb: {  	_ =	swait.ge [sflag:s0], $0x4000  }
0xbc: {  	[sflag:s0] =	ssyncset.done $0x0  }
.Ltmp5:
0xbd: {  	[sflag:s0] =	ssyncadd.s32 $0xFFFFC000;
	(pc) =	sbr.rel @p1 .LBB2_12-.Ltmp5, $4  }
0xbe: {  	[spmem:s1] =	stream.indirect.scatter.add.f32 [tilespmem:s28], [sflag:$0x5], $0x80, s5, s24, $0xb8;
	[tilespmem:$0x1FF00] =	vst v63  }
0xbf: {  	_ =	swait.ge [sflag:s9], $0x4000  }
0xc0: {  	[sflag:s9] =	ssyncset.done $0x0  }
0xc1: {  	[sflag:s9] =	ssyncadd.s32 $0xFFFFC000  }
0xc2: {  	s11 =	sadd.s32 s8, s21  }
0xc3: {  	s13 =	sadd.s32 $0xA20, s11  }
0xc4: {  	[tilespmem:s2], [sflag:$0x7] =	stream.linear.gather [hbm4b:s13+s2], $0x100, $0x38;
	[tilespmem:$0x1FF00] =	vst v63  }
0xc5: {  	_ =	swait.ge [sflag:s23], $0x100  }
0xc6: {  	[sflag:s23] =	ssyncset.done $0x0  }
0xc7: {  	[sflag:s23] =	ssyncadd.s32 $0xFFFFFF00  }
0xc8: {  	[tilespmem:s25], [sflag:$0x1] =	stream.indirect.gather [hbm4b:s4+s24], $0x80, s2, s24, $0xb8;
	[tilespmem:$0x1FF00] =	vst v63  }
0xc9: {  	_ =	swait.ge [sflag:s10], $0x4000  }
0xca: {  	[sflag:s10] =	ssyncset.done $0x0  }
0xcb: {  	[sflag:s10] =	ssyncadd.s32 $0xFFFFC000  }
0xcc: {  	[spmem:s1] =	stream.indirect.scatter.add.f32 [tilespmem:s31], [sflag:$0x6], $0x80, s14, s24, $0xb8;
	[tilespmem:$0x1FF00] =	vst v63  }
0xcd: {  	_ =	swait.ge [sflag:s15], $0x4000  }
0xce: {  	[sflag:s15] =	ssyncset.done $0x0  }
0xcf: {  	s11 =	sadd.s32 $0xA40, s11;
	[sflag:s15] =	ssyncadd.s32 $0xFFFFC000  }
0xd0: {  	[tilespmem:s26], [sflag:$0x7] =	stream.linear.gather [hbm4b:s11+s2], $0x100, $0x38;
	[tilespmem:$0x1FF00] =	vst v63  }
.Ltmp6:
0xd1: {  	_ = 	snop;
	(pc) =	sbr.rel .LBB2_6-.Ltmp6, $4  }
0xd2: {  	_ =	swait.ge [sflag:s23], $0x100  }
0xd3: {  	[sflag:s23] =	ssyncset.done $0x0  }
0xd4: {  	s8 =	sadd.s32 $0x60, s8;
	[sflag:s23] =	ssyncadd.s32 $0xFFFFFF00  }
0xd5: {  	[tilespmem:s28], [sflag:$0x2] =	stream.indirect.gather [hbm4b:s4+s24], $0x80, s26, s24, $0xb8;
	[tilespmem:$0x1FF00] =	vst v63  }
.LBB2_8:
0xd6: {  	_ =	swait.ge [sflag:s15], $0x4000  }
0xd7: {  	[sflag:s15] =	ssyncset.done $0x0  }
0xd8: {  	[sflag:s15] =	ssyncadd.s32 $0xFFFFC000  }
0xd9: {  	[bflag:$0x0] =	sbarrier.arrive $0xFFFF  }
0xda: {  	s8 =	rddreg [dreg:$0xc]  }
0xdb: {  	[hbm:s8], [sflag:s20] =	dma.local [spmem:s22], $0x2780  }
0xdc: {  	_ =	swait.ge [sflag:s23], $0x2780  }
0xdd: {  	[sflag:s23] =	ssyncset.done $0x0  }
0xde: {  	[sflag:s23] =	ssyncadd.s32 $0xFFFFD880  }
0xdf: {  	[bflag:$0x0] =	sbarrier.arrive $0xFFFF  }
0xe0: {  	s17 =	rddreg [dreg:$0x5]  }
0xe1: {  	[spmem:s22], [sflag:s20] =	dma.local [hbm:s17], $0x2780  }
0xe2: {  	_ =	swait.ge [sflag:s23], $0x2780  }
0xe3: {  	[sflag:s23] =	ssyncset.done $0x0  }
0xe4: {  	[sflag:s23] =	ssyncadd.s32 $0xFFFFD880  }
0xe5: {  	[bflag:$0x0] =	sbarrier.arrive $0xFFFF  }
0xe6: {  	s11 =	rddreg [dreg:$0x8]  }
0xe7: {  	[tilespmem:s2], [sflag:$0x7] =	stream.linear.gather [hbm4b:s11+s2], $0x100, $0x38;
	[tilespmem:$0x1FF00] =	vst v63  }
0xe8: {  	_ =	swait.ge [sflag:s23], $0x100  }
0xe9: {  	[sflag:s23] =	ssyncset.done $0x0  }
0xea: {  	[sflag:s23] =	ssyncadd.s32 $0xFFFFFF00  }
0xeb: {  	[tilespmem:s25], [sflag:$0x1] =	stream.indirect.gather [hbm4b:s6+s24], $0x80, s2, s24, $0xb8;
	[tilespmem:$0x1FF00] =	vst v63  }
0xec: {  	s13 =	rddreg [dreg:$0xa]  }
0xed: {  	[tilespmem:s26], [sflag:$0x7] =	stream.linear.gather [hbm4b:s13+s2], $0x100, $0x38;
	[tilespmem:$0x1FF00] =	vst v63  }
0xee: {  	_ =	swait.ge [sflag:s23], $0x100  }
0xef: {  	[sflag:s23] =	ssyncset.done $0x0  }
0xf0: {  	[sflag:s23] =	ssyncadd.s32 $0xFFFFFF00  }
0xf1: {  	[tilespmem:s28], [sflag:$0x2] =	stream.indirect.gather [hbm4b:s6+s24], $0x80, s26, s24, $0xb8;
	[tilespmem:$0x1FF00] =	vst v63  }
0xf2: {  	_ =	swait.ge [sflag:s29], $0x4000  }
0xf3: {  	[sflag:s29] =	ssyncset.done $0x0  }
0xf4: {  	[sflag:s29] =	ssyncadd.s32 $0xFFFFC000  }
0xf5: {  	[spmem:s1] =	stream.indirect.scatter.add.f32 [tilespmem:s25], [sflag:$0x4], $0x80, s24, s24, $0xb8;
	[tilespmem:$0x1FF00] =	vst v63  }
0xf6: {  	s17 =	rddreg [dreg:$0xe]  }
0xf7: {  	[tilespmem:s30], [sflag:$0x7] =	stream.linear.gather [hbm4b:s17+s2], $0x100, $0x38;
	[tilespmem:$0x1FF00] =	vst v63  }
0xf8: {  	_ =	swait.ge [sflag:s23], $0x100  }
0xf9: {  	[sflag:s23] =	ssyncset.done $0x0  }
0xfa: {  	[sflag:s23] =	ssyncadd.s32 $0xFFFFFF00  }
0xfb: {  	[tilespmem:s31], [sflag:$0x3] =	stream.indirect.gather [hbm4b:s6+s24], $0x80, s30, s24, $0xb8;
	[tilespmem:$0x1FF00] =	vst v63  }
0xfc: {  	_ =	swait.ge [sflag:s0], $0x4000  }
0xfd: {  	[sflag:s0] =	ssyncset.done $0x0  }
0xfe: {  	[sflag:s0] =	ssyncadd.s32 $0xFFFFC000  }
0xff: {  	[spmem:s1] =	stream.indirect.scatter.add.f32 [tilespmem:s28], [sflag:$0x5], $0x80, s5, s24, $0xb8;
	[tilespmem:$0x1FF00] =	vst v63  }
0x100: {  	_ =	swait.ge [sflag:s9], $0x4000  }
0x101: {  	[sflag:s9] =	ssyncset.done $0x0  }
0x102: {  	[sflag:s9] =	ssyncadd.s32 $0xFFFFC000  }
0x103: {  	[tilespmem:s2], [sflag:$0x7] =	stream.linear.gather [hbm4b:s18+s2], $0x100, $0x38;
	[tilespmem:$0x1FF00] =	vst v63  }
0x104: {  	_ =	swait.ge [sflag:s23], $0x100  }
0x105: {  	[sflag:s23] =	ssyncset.done $0x0  }
0x106: {  	[sflag:s23] =	ssyncadd.s32 $0xFFFFFF00  }
0x107: {  	[tilespmem:s25], [sflag:$0x1] =	stream.indirect.gather [hbm4b:s6+s24], $0x80, s2, s24, $0xb8;
	[tilespmem:$0x1FF00] =	vst v63  }
0x108: {  	_ =	swait.ge [sflag:s10], $0x4000  }
0x109: {  	[sflag:s10] =	ssyncset.done $0x0  }
0x10a: {  	[sflag:s10] =	ssyncadd.s32 $0xFFFFC000  }
0x10b: {  	[spmem:s1] =	stream.indirect.scatter.add.f32 [tilespmem:s31], [sflag:$0x6], $0x80, s14, s24, $0xb8;
	[tilespmem:$0x1FF00] =	vst v63  }
0x10c: {  	_ =	swait.ge [sflag:s15], $0x4000  }
0x10d: {  	[sflag:s15] =	ssyncset.done $0x0  }
0x10e: {  	[sflag:s15] =	ssyncadd.s32 $0xFFFFC000  }
0x10f: {  	[tilespmem:s26], [sflag:$0x7] =	stream.linear.gather [hbm4b:s19+s2], $0x100, $0x38;
	[tilespmem:$0x1FF00] =	vst v63  }
0x110: {  	_ =	swait.ge [sflag:s23], $0x100  }
0x111: {  	[sflag:s23] =	ssyncset.done $0x0  }
0x112: {  	s8 =	simm.s32 $0xFFFFF6A0;
	[sflag:s23] =	ssyncadd.s32 $0xFFFFFF00  }
0x113: {  	[tilespmem:s28], [sflag:$0x2] =	stream.indirect.gather [hbm4b:s6+s24], $0x80, s26, s24, $0xb8;
	[tilespmem:$0x1FF00] =	vst v63  }
.LBB2_9:
0x114: {  	_ =	swait.ge [sflag:s29], $0x4000  }
0x115: {  	[sflag:s29] =	ssyncset.done $0x0  }
0x116: {  	[sflag:s29] =	ssyncadd.s32 $0xFFFFC000  }
0x117: {  	[spmem:s1] =	stream.indirect.scatter.add.f32 [tilespmem:s25], [sflag:$0x4], $0x80, s24, s24, $0xb8;
	[tilespmem:$0x1FF00] =	vst v63  }
0x118: {  	p1 =	seq.s32 s8, $0x0;
	_ =	swait.ge [sflag:s16], $0x4000  }
0x119: {  	s11 =	sadd.s32 @!p1 s8, s21;
	s13 =	simm.s32 @!p1 $0x0;
	[sflag:s16] =	ssyncset.done $0x0  }
0x11a: {  	s17 =	simm.s32 @!p1 $0x200;
	s11 =	sadd.s32 @!p1 $0xA00, s11;
	[sflag:s16] =	ssyncadd.s32 $0xFFFFC000  }
0x11b: {  	[tilespmem:s17], [sflag:$0x7] =	stream.linear.gather @!p1 [hbm4b:s11+s13], $0x100, $0x38;
	[tilespmem:$0x1FF00] =	vst v63  }
0x11c: {  	s11 =	simm.s32 @!p1 $0x7  }
0x11d: {  	_ =	swait.ge @!p1 [sflag:s11], $0x100  }
0x11e: {  	[sflag:s11] =	ssyncset.done @!p1 $0x0  }
0x11f: {  	s13 =	simm.s32 @!p1 $0x8300;
	[sflag:s11] =	ssyncadd.s32 @!p1 $0xFFFFFF00;
	s11 =	simm.s32 @!p1 $0x80  }
0x120: {  	[tilespmem:s13], [sflag:$0x3] =	stream.indirect.gather @!p1 [hbm4b:s6+s11], $0x80, s17, s11, $0xb8;
	[tilespmem:$0x1FF00] =	vst v63  }
0x121: {  	_ =	swait.ge [sflag:s0], $0x4000  }
0x122: {  	[sflag:s0] =	ssyncset.done $0x0  }
.Ltmp7:
0x123: {  	[sflag:s0] =	ssyncadd.s32 $0xFFFFC000;
	(pc) =	sbr.rel @p1 .LBB2_10-.Ltmp7, $4  }
0x124: {  	[spmem:s1] =	stream.indirect.scatter.add.f32 [tilespmem:s28], [sflag:$0x5], $0x80, s5, s24, $0xb8;
	[tilespmem:$0x1FF00] =	vst v63  }
0x125: {  	_ =	swait.ge [sflag:s9], $0x4000  }
0x126: {  	[sflag:s9] =	ssyncset.done $0x0  }
0x127: {  	[sflag:s9] =	ssyncadd.s32 $0xFFFFC000  }
0x128: {  	s11 =	sadd.s32 s8, s21  }
0x129: {  	s13 =	sadd.s32 $0xA20, s11  }
0x12a: {  	[tilespmem:s2], [sflag:$0x7] =	stream.linear.gather [hbm4b:s13+s2], $0x100, $0x38;
	[tilespmem:$0x1FF00] =	vst v63  }
0x12b: {  	_ =	swait.ge [sflag:s23], $0x100  }
0x12c: {  	[sflag:s23] =	ssyncset.done $0x0  }
0x12d: {  	[sflag:s23] =	ssyncadd.s32 $0xFFFFFF00  }
0x12e: {  	[tilespmem:s25], [sflag:$0x1] =	stream.indirect.gather [hbm4b:s6+s24], $0x80, s2, s24, $0xb8;
	[tilespmem:$0x1FF00] =	vst v63  }
0x12f: {  	_ =	swait.ge [sflag:s10], $0x4000  }
0x130: {  	[sflag:s10] =	ssyncset.done $0x0  }
0x131: {  	[sflag:s10] =	ssyncadd.s32 $0xFFFFC000  }
0x132: {  	[spmem:s1] =	stream.indirect.scatter.add.f32 [tilespmem:s31], [sflag:$0x6], $0x80, s14, s24, $0xb8;
	[tilespmem:$0x1FF00] =	vst v63  }
0x133: {  	_ =	swait.ge [sflag:s15], $0x4000  }
0x134: {  	[sflag:s15] =	ssyncset.done $0x0  }
0x135: {  	s11 =	sadd.s32 $0xA40, s11;
	[sflag:s15] =	ssyncadd.s32 $0xFFFFC000  }
0x136: {  	[tilespmem:s26], [sflag:$0x7] =	stream.linear.gather [hbm4b:s11+s2], $0x100, $0x38;
	[tilespmem:$0x1FF00] =	vst v63  }
.Ltmp8:
0x137: {  	_ = 	snop;
	(pc) =	sbr.rel .LBB2_9-.Ltmp8, $4  }
0x138: {  	_ =	swait.ge [sflag:s23], $0x100  }
0x139: {  	[sflag:s23] =	ssyncset.done $0x0  }
0x13a: {  	s8 =	sadd.s32 $0x60, s8;
	[sflag:s23] =	ssyncadd.s32 $0xFFFFFF00  }
0x13b: {  	[tilespmem:s28], [sflag:$0x2] =	stream.indirect.gather [hbm4b:s6+s24], $0x80, s26, s24, $0xb8;
	[tilespmem:$0x1FF00] =	vst v63  }
.LBB2_12:
0x13c: {  	_ =	swait.ge [sflag:s15], $0x4000  }
0x13d: {  	[sflag:s15] =	ssyncset.done $0x0  }
0x13e: {  	[sflag:s15] =	ssyncadd.s32 $0xFFFFC000  }
0x13f: {  	[bflag:$0x0] =	sbarrier.arrive $0xFFFF  }
0x140: {  	s8 =	rddreg [dreg:$0xb]  }
0x141: {  	[hbm:s8], [sflag:s20] =	dma.local [spmem:s22], $0x2780  }
0x142: {  	_ =	swait.ge [sflag:s23], $0x2780  }
0x143: {  	[sflag:s23] =	ssyncset.done $0x0  }
0x144: {  	[sflag:s23] =	ssyncadd.s32 $0xFFFFD880  }
0x145: {  	[bflag:$0x0] =	sbarrier.arrive $0xFFFF  }
0x146: {  	s17 =	rddreg [dreg:$0x5]  }
0x147: {  	[spmem:s22], [sflag:s20] =	dma.local [hbm:s17], $0x2780  }
0x148: {  	_ =	swait.ge [sflag:s23], $0x2780  }
0x149: {  	[sflag:s23] =	ssyncset.done $0x0  }
0x14a: {  	[sflag:s23] =	ssyncadd.s32 $0xFFFFD880  }
0x14b: {  	[bflag:$0x0] =	sbarrier.arrive $0xFFFF  }
0x14c: {  	s11 =	rddreg [dreg:$0x8]  }
0x14d: {  	[tilespmem:s2], [sflag:$0x7] =	stream.linear.gather [hbm4b:s11+s2], $0x100, $0x38;
	[tilespmem:$0x1FF00] =	vst v63  }
0x14e: {  	_ =	swait.ge [sflag:s23], $0x100  }
0x14f: {  	[sflag:s23] =	ssyncset.done $0x0  }
0x150: {  	[sflag:s23] =	ssyncadd.s32 $0xFFFFFF00  }
0x151: {  	[tilespmem:s25], [sflag:$0x1] =	stream.indirect.gather [hbm4b:s7+s24], $0x80, s2, s24, $0xb8;
	[tilespmem:$0x1FF00] =	vst v63  }
0x152: {  	s13 =	rddreg [dreg:$0xa]  }
0x153: {  	[tilespmem:s26], [sflag:$0x7] =	stream.linear.gather [hbm4b:s13+s2], $0x100, $0x38;
	[tilespmem:$0x1FF00] =	vst v63  }
0x154: {  	_ =	swait.ge [sflag:s23], $0x100  }
0x155: {  	[sflag:s23] =	ssyncset.done $0x0  }
0x156: {  	[sflag:s23] =	ssyncadd.s32 $0xFFFFFF00  }
0x157: {  	[tilespmem:s28], [sflag:$0x2] =	stream.indirect.gather [hbm4b:s7+s24], $0x80, s26, s24, $0xb8;
	[tilespmem:$0x1FF00] =	vst v63  }
0x158: {  	_ =	swait.ge [sflag:s29], $0x4000  }
0x159: {  	[sflag:s29] =	ssyncset.done $0x0  }
0x15a: {  	[sflag:s29] =	ssyncadd.s32 $0xFFFFC000  }
0x15b: {  	[spmem:s1] =	stream.indirect.scatter.add.f32 [tilespmem:s25], [sflag:$0x4], $0x80, s24, s24, $0xb8;
	[tilespmem:$0x1FF00] =	vst v63  }
0x15c: {  	s17 =	rddreg [dreg:$0xe]  }
0x15d: {  	[tilespmem:s30], [sflag:$0x7] =	stream.linear.gather [hbm4b:s17+s2], $0x100, $0x38;
	[tilespmem:$0x1FF00] =	vst v63  }
0x15e: {  	_ =	swait.ge [sflag:s23], $0x100  }
0x15f: {  	[sflag:s23] =	ssyncset.done $0x0  }
0x160: {  	[sflag:s23] =	ssyncadd.s32 $0xFFFFFF00  }
0x161: {  	[tilespmem:s31], [sflag:$0x3] =	stream.indirect.gather [hbm4b:s7+s24], $0x80, s30, s24, $0xb8;
	[tilespmem:$0x1FF00] =	vst v63  }
0x162: {  	_ =	swait.ge [sflag:s0], $0x4000  }
0x163: {  	[sflag:s0] =	ssyncset.done $0x0  }
0x164: {  	[sflag:s0] =	ssyncadd.s32 $0xFFFFC000  }
0x165: {  	[spmem:s1] =	stream.indirect.scatter.add.f32 [tilespmem:s28], [sflag:$0x5], $0x80, s5, s24, $0xb8;
	[tilespmem:$0x1FF00] =	vst v63  }
0x166: {  	_ =	swait.ge [sflag:s9], $0x4000  }
0x167: {  	[sflag:s9] =	ssyncset.done $0x0  }
0x168: {  	[sflag:s9] =	ssyncadd.s32 $0xFFFFC000  }
0x169: {  	[tilespmem:s2], [sflag:$0x7] =	stream.linear.gather [hbm4b:s18+s2], $0x100, $0x38;
	[tilespmem:$0x1FF00] =	vst v63  }
0x16a: {  	_ =	swait.ge [sflag:s23], $0x100  }
0x16b: {  	[sflag:s23] =	ssyncset.done $0x0  }
0x16c: {  	[sflag:s23] =	ssyncadd.s32 $0xFFFFFF00  }
0x16d: {  	[tilespmem:s25], [sflag:$0x1] =	stream.indirect.gather [hbm4b:s7+s24], $0x80, s2, s24, $0xb8;
	[tilespmem:$0x1FF00] =	vst v63  }
0x16e: {  	_ =	swait.ge [sflag:s10], $0x4000  }
0x16f: {  	[sflag:s10] =	ssyncset.done $0x0  }
0x170: {  	[sflag:s10] =	ssyncadd.s32 $0xFFFFC000  }
0x171: {  	[spmem:s1] =	stream.indirect.scatter.add.f32 [tilespmem:s31], [sflag:$0x6], $0x80, s14, s24, $0xb8;
	[tilespmem:$0x1FF00] =	vst v63  }
0x172: {  	_ =	swait.ge [sflag:s15], $0x4000  }
0x173: {  	[sflag:s15] =	ssyncset.done $0x0  }
0x174: {  	[sflag:s15] =	ssyncadd.s32 $0xFFFFC000  }
0x175: {  	[tilespmem:s26], [sflag:$0x7] =	stream.linear.gather [hbm4b:s19+s2], $0x100, $0x38;
	[tilespmem:$0x1FF00] =	vst v63  }
0x176: {  	_ =	swait.ge [sflag:s23], $0x100  }
0x177: {  	[sflag:s23] =	ssyncset.done $0x0  }
0x178: {  	s8 =	simm.s32 $0xFFFFF6A0;
	[sflag:s23] =	ssyncadd.s32 $0xFFFFFF00  }
0x179: {  	[tilespmem:s28], [sflag:$0x2] =	stream.indirect.gather [hbm4b:s7+s24], $0x80, s26, s24, $0xb8;
	[tilespmem:$0x1FF00] =	vst v63  }
.LBB2_13:
0x17a: {  	_ =	swait.ge [sflag:s29], $0x4000  }
0x17b: {  	[sflag:s29] =	ssyncset.done $0x0  }
0x17c: {  	[sflag:s29] =	ssyncadd.s32 $0xFFFFC000  }
0x17d: {  	[spmem:s1] =	stream.indirect.scatter.add.f32 [tilespmem:s25], [sflag:$0x4], $0x80, s24, s24, $0xb8;
	[tilespmem:$0x1FF00] =	vst v63  }
0x17e: {  	p1 =	seq.s32 s8, $0x0;
	_ =	swait.ge [sflag:s16], $0x4000  }
0x17f: {  	s11 =	sadd.s32 @!p1 s8, s21;
	s13 =	simm.s32 @!p1 $0x0;
	[sflag:s16] =	ssyncset.done $0x0  }
0x180: {  	s17 =	simm.s32 @!p1 $0x200;
	s11 =	sadd.s32 @!p1 $0xA00, s11;
	[sflag:s16] =	ssyncadd.s32 $0xFFFFC000  }
0x181: {  	[tilespmem:s17], [sflag:$0x7] =	stream.linear.gather @!p1 [hbm4b:s11+s13], $0x100, $0x38;
	[tilespmem:$0x1FF00] =	vst v63  }
0x182: {  	s11 =	simm.s32 @!p1 $0x7  }
0x183: {  	_ =	swait.ge @!p1 [sflag:s11], $0x100  }
0x184: {  	[sflag:s11] =	ssyncset.done @!p1 $0x0  }
0x185: {  	s13 =	simm.s32 @!p1 $0x8300;
	[sflag:s11] =	ssyncadd.s32 @!p1 $0xFFFFFF00;
	s11 =	simm.s32 @!p1 $0x80  }
0x186: {  	[tilespmem:s13], [sflag:$0x3] =	stream.indirect.gather @!p1 [hbm4b:s7+s11], $0x80, s17, s11, $0xb8;
	[tilespmem:$0x1FF00] =	vst v63  }
0x187: {  	_ =	swait.ge [sflag:s0], $0x4000  }
0x188: {  	[sflag:s0] =	ssyncset.done $0x0  }
.Ltmp9:
0x189: {  	[sflag:s0] =	ssyncadd.s32 $0xFFFFC000;
	(pc) =	sbr.rel @p1 .LBB2_14-.Ltmp9, $4  }
0x18a: {  	[spmem:s1] =	stream.indirect.scatter.add.f32 [tilespmem:s28], [sflag:$0x5], $0x80, s5, s24, $0xb8;
	[tilespmem:$0x1FF00] =	vst v63  }
0x18b: {  	_ =	swait.ge [sflag:s9], $0x4000  }
0x18c: {  	[sflag:s9] =	ssyncset.done $0x0  }
0x18d: {  	[sflag:s9] =	ssyncadd.s32 $0xFFFFC000  }
0x18e: {  	s11 =	sadd.s32 s8, s21  }
0x18f: {  	s13 =	sadd.s32 $0xA20, s11  }
0x190: {  	[tilespmem:s2], [sflag:$0x7] =	stream.linear.gather [hbm4b:s13+s2], $0x100, $0x38;
	[tilespmem:$0x1FF00] =	vst v63  }
0x191: {  	_ =	swait.ge [sflag:s23], $0x100  }
0x192: {  	[sflag:s23] =	ssyncset.done $0x0  }
0x193: {  	[sflag:s23] =	ssyncadd.s32 $0xFFFFFF00  }
0x194: {  	[tilespmem:s25], [sflag:$0x1] =	stream.indirect.gather [hbm4b:s7+s24], $0x80, s2, s24, $0xb8;
	[tilespmem:$0x1FF00] =	vst v63  }
0x195: {  	_ =	swait.ge [sflag:s10], $0x4000  }
0x196: {  	[sflag:s10] =	ssyncset.done $0x0  }
0x197: {  	[sflag:s10] =	ssyncadd.s32 $0xFFFFC000  }
0x198: {  	[spmem:s1] =	stream.indirect.scatter.add.f32 [tilespmem:s31], [sflag:$0x6], $0x80, s14, s24, $0xb8;
	[tilespmem:$0x1FF00] =	vst v63  }
0x199: {  	_ =	swait.ge [sflag:s15], $0x4000  }
0x19a: {  	[sflag:s15] =	ssyncset.done $0x0  }
0x19b: {  	s11 =	sadd.s32 $0xA40, s11;
	[sflag:s15] =	ssyncadd.s32 $0xFFFFC000  }
0x19c: {  	[tilespmem:s26], [sflag:$0x7] =	stream.linear.gather [hbm4b:s11+s2], $0x100, $0x38;
	[tilespmem:$0x1FF00] =	vst v63  }
.Ltmp10:
0x19d: {  	_ = 	snop;
	(pc) =	sbr.rel .LBB2_13-.Ltmp10, $4  }
0x19e: {  	_ =	swait.ge [sflag:s23], $0x100  }
0x19f: {  	[sflag:s23] =	ssyncset.done $0x0  }
0x1a0: {  	s8 =	sadd.s32 $0x60, s8;
	[sflag:s23] =	ssyncadd.s32 $0xFFFFFF00  }
0x1a1: {  	[tilespmem:s28], [sflag:$0x2] =	stream.indirect.gather [hbm4b:s7+s24], $0x80, s26, s24, $0xb8;
	[tilespmem:$0x1FF00] =	vst v63  }
.LBB2_10:
.Ltmp11:
0x1a2: {  	(pc) =	sbr.rel .LBB2_15-.Ltmp11, $2  }
0x1a3: {  	_ =	sdelay $0x2  }
0x1a4: {  	s8 =	rddreg [dreg:$0x6]  }
.LBB2_16:
0x1a5: {  	_ =	sfence.sel $0x180000  }
0x1a6: {  	[bflag:$0x0] =	sbarrier.arrive $0xFFFF  }
0x1a7: {  	_ =	strace $0x9000004A  }
0x1a8: {  	s0 =	stileid.u32;
	[bflag:$0x2] =	sbarrier.arrive $0xFFFF  }
0x1a9: {  	p0 =	sne.s32 s0, $0x0;
	s0 =	rddreg [dreg:$0x4]  }
0x1aa: {  	s0 =	sadd.s32 @!p0 $0x100000, s0  }
0x1ab: {  	[sflag:s0] =	ssyncadd.tile.s32 @!p0 $0x1;
	_ =	shalt  }
.Lfunc_end2:
_tile_overlayer_lowered:
.L_overlay_start_2:
0x1ac: {  	(tag) =	ssettag $0x2  }
0x1ad: {  	s0 =	rddreg [dreg:$0x0];
	s2 =	stileid.u32  }
0x1ae: {  	s1 =	rddreg [dreg:$0x1];
	p0 =	sne.s32 s2, $0x0  }
0x1af: {  	s3 =	rddreg [dreg:$0x2];
	[bflag:$0x3] =	sbarrier.arrive $0xFFFF;
	s2 =	simm.s32 @!p0 $0x1C07  }
0x1b0: {  	[timem:s3], [sflag:s2] =	dma.local @!p0 [hbm:s0], s1  }
0x1b1: {  	s0 =	simm.s32 @!p0 $0x7  }
0x1b2: {  	_ =	swait.ge @!p0 [sflag:s0], s1  }
0x1b3: {  	s1 =	ssub.s32 @!p0 $0x0, s1;
	[sflag:s0] =	ssyncset.done @!p0 $0x0  }
0x1b4: {  	[sflag:s0] =	ssyncadd.s32 @!p0 s1  }
0x1b5: {  	[bflag:$0x3] =	sbarrier.arrive $0xFFFF  }
0x1b6: {  	_ =	shalt  }

</sc_bundles>
